<compile_context>
chip_gen: v7x
topology: tpu7x:2x2x1
jax: 0.10.2.dev20260603
libtpu: 0.0.44.dev20260713+nightly
codegen_flags: <defaults>
</compile_context>

<pallas_src>
import functools

import jax
import jax.numpy as jnp
from jax import lax
from jax.experimental import pallas as pl
from jax.experimental.pallas import tpu as pltpu
from jax.experimental.pallas import tpu_sc as plsc

NC = 2
NS = 16
LANES = 16
CHUNK = 32


def _mm3_body(x_ref, w1_ref, w2_ref, w4_ref, k_ref, q_ref, v_ref):
    x = x_ref[...]
    k_ref[...] = jnp.dot(x, w1_ref[...], preferred_element_type=jnp.float32)
    q_ref[...] = jnp.dot(x, w2_ref[...], preferred_element_type=jnp.float32)
    v_ref[...] = jnp.dot(x, w4_ref[...], preferred_element_type=jnp.float32)


def _wrep_body(x_ref, s_ref, o_ref):
    o_ref[...] = jnp.dot(x_ref[...], s_ref[...],
                         preferred_element_type=jnp.float32,
                         precision=lax.Precision.HIGHEST)


def _finish_body(x_ref, w3_ref, a0_ref, a1_ref, o_ref):
    h = jnp.dot(x_ref[...], w3_ref[...], preferred_element_type=jnp.float32)
    o_ref[...] = jnp.tanh(h + a0_ref[...] + a1_ref[...])


def _edge_sc(k, q, v, src, dst, w, zeros, cpw):
    n, d = k.shape
    rows_pt = n // NS
    epw = cpw * CHUNK
    ngrp = d // LANES
    C = CHUNK

    mesh = plsc.VectorSubcoreMesh(core_axis_name="c", subcore_axis_name="s")

    @functools.partial(
        pl.kernel,
        mesh=mesh,
        out_type=jax.ShapeDtypeStruct((NC, n, d), jnp.float32),
        scratch_types=[
            [pltpu.VMEM((C,), jnp.int32)] * 2,
            [pltpu.VMEM((C,), jnp.int32)] * 2,
            [pltpu.VMEM((C,), jnp.int32)] * 2,
            [pltpu.VMEM((C * LANES,), jnp.float32)] * 2,
            [pltpu.VMEM((C, d), jnp.float32)] * 2,
            [pltpu.VMEM((C, d), jnp.float32)] * 2,
            [pltpu.VMEM((C, d), jnp.float32)] * 2,
            [pltpu.VMEM((C, d), jnp.float32)] * 2,
            pltpu.VMEM((C * LANES,), jnp.float32),
            [pltpu.SemaphoreType.DMA] * 2,
            [pltpu.SemaphoreType.DMA] * 2,
            [pltpu.SemaphoreType.DMA] * 2,
            pltpu.VMEM_SHARED((n, d), jnp.float32),
        ],
    )
    def edge_kernel(k_hbm, q_hbm, v_hbm, src_hbm, dst_hbm, w_hbm, zero_hbm,
                    out_hbm, srcb, dstg, dsts, wb, kr, qr, vr, msg,
                    wcur, semi, semg, sems, agg_sh):
        cc = lax.axis_index("c")
        s = lax.axis_index("s")
        wid = s * NC + cc

        r0 = s * rows_pt
        pltpu.sync_copy(zero_hbm.at[pl.ds(r0, rows_pt)],
                        agg_sh.at[pl.ds(r0, rows_pt)])
        plsc.subcore_barrier()

        def idx_pairs(c, P):
            base = pl.multiple_of(wid * epw + c * C, C)
            base16 = pl.multiple_of((wid * epw + c * C) * LANES, C * LANES)
            return [(src_hbm.at[pl.ds(base, C)], srcb[P]),
                    (dst_hbm.at[pl.ds(base, C)], dstg[P]),
                    (w_hbm.at[pl.ds(base16, C * LANES)], wb[P])]

        def gather_pairs(P):
            return [(k_hbm.at[dstg[P]], kr[P]),
                    (q_hbm.at[srcb[P]], qr[P]),
                    (v_hbm.at[srcb[P]], vr[P])]

        def issue(pairs, sem):
            for a, b in pairs:
                pltpu.async_copy(a, b, sem)

        def drain(pairs, sem):
            for a, b in pairs:
                pltpu.make_async_copy(a, b, sem).wait()

        def compute(P):
            def row_body(i, carry2):
                wvec = wcur[pl.ds(i * LANES, LANES)]
                for g in range(ngrp):
                    sl = pl.ds(g * LANES, LANES)
                    t = kr[P][i, sl] + qr[P][i, sl]
                    gate = 1.0 / (1.0 + jnp.exp(-t))
                    msg[P][i, sl] = gate * vr[P][i, sl] * wvec
                return carry2

            lax.fori_loop(0, C, row_body, 0)

        def phase(c, P, *, wait_sc, issue_idx2, next_chunk):
            Q = 1 - P
            if next_chunk:
                drain(idx_pairs(c + 1, Q), semi[Q])
                issue(gather_pairs(Q), semg[Q])
            drain(gather_pairs(P), semg[P])
            if wait_sc:
                pltpu.make_async_copy(msg[P], agg_sh.at[dsts[P]],
                                      sems[P]).wait()
            for off in range(0, C, LANES):
                dsts[P][pl.ds(off, LANES)] = dstg[P][pl.ds(off, LANES)]
            for off in range(0, C * LANES, LANES):
                wcur[pl.ds(off, LANES)] = wb[P][pl.ds(off, LANES)]
            if issue_idx2:
                issue(idx_pairs(c + 2, P), semi[P])
            compute(P)
            pltpu.async_copy(msg[P], agg_sh.at[dsts[P]], sems[P], add=True)

        issue(idx_pairs(0, 0), semi[0])
        issue(idx_pairs(1, 1), semi[1])
        drain(idx_pairs(0, 0), semi[0])
        issue(gather_pairs(0), semg[0])
        phase(0, 0, wait_sc=False, issue_idx2=True, next_chunk=True)
        phase(1, 1, wait_sc=False, issue_idx2=True, next_chunk=True)

        def body(t, carry):
            phase(2 * t, 0, wait_sc=True, issue_idx2=True, next_chunk=True)
            phase(2 * t + 1, 1, wait_sc=True, issue_idx2=True,
                  next_chunk=True)
            return carry

        lax.fori_loop(1, cpw // 2 - 1, body, 0)
        phase(cpw - 2, 0, wait_sc=True, issue_idx2=False, next_chunk=True)
        phase(cpw - 1, 1, wait_sc=True, issue_idx2=False, next_chunk=False)
        for P in (0, 1):
            pltpu.make_async_copy(msg[P], agg_sh.at[dsts[P]], sems[P]).wait()

        plsc.subcore_barrier()
        pltpu.sync_copy(agg_sh.at[pl.ds(r0, rows_pt)],
                        out_hbm.at[cc, pl.ds(r0, rows_pt)])

    return edge_kernel(k, q, v, src, dst, w, zeros)


def kernel(x, edge_index, edge_weight, W1, W2, W3, W4):
    n, d = x.shape
    e = edge_weight.shape[0]
    nw = NC * NS
    cpw = -(-e // (nw * CHUNK))
    cpw += cpw % 2
    cpw = max(cpw, 4)
    e_pad = nw * cpw * CHUNK
    pad = e_pad - e

    spread = jnp.arange(pad, dtype=jnp.int32) % jnp.int32(n)
    src = jnp.concatenate([edge_index[0], spread])
    dst = jnp.concatenate([edge_index[1], spread])
    w = jnp.concatenate([edge_weight, jnp.zeros((pad,), jnp.float32)])
    nwrow = e_pad // 128
    sel = (jnp.arange(128, dtype=jnp.int32)[:, None]
           == jnp.arange(LANES * 128, dtype=jnp.int32)[None, :] // LANES
           ).astype(jnp.float32)
    w16 = pl.pallas_call(
        _wrep_body,
        grid=(1,),
        in_specs=[pl.BlockSpec((nwrow, 128), lambda i: (0, 0)),
                  pl.BlockSpec((128, LANES * 128), lambda i: (0, 0))],
        out_specs=pl.BlockSpec((nwrow, LANES * 128), lambda i: (0, 0)),
        out_shape=jax.ShapeDtypeStruct((nwrow, LANES * 128), jnp.float32),
    )(w.reshape(nwrow, 128), sel).reshape(-1)

    n_pad = -(-n // (NS * 8)) * (NS * 8)
    x_p = jnp.pad(x, ((0, n_pad - n), (0, 0)))
    zeros = jnp.zeros((n_pad, d), jnp.float32)

    blk = n_pad // 8 if (n_pad // 8) % 8 == 0 else NS * 8
    grid = n_pad // blk
    row_spec = pl.BlockSpec((blk, d), lambda i: (i, 0))
    w_spec = pl.BlockSpec((d, d), lambda i: (0, 0))

    k, q, v = pl.pallas_call(
        _mm3_body,
        grid=(grid,),
        in_specs=[row_spec, w_spec, w_spec, w_spec],
        out_specs=[row_spec, row_spec, row_spec],
        out_shape=[jax.ShapeDtypeStruct((n_pad, d), jnp.float32)] * 3,
    )(x_p, W1, W2, W4)

    agg = _edge_sc(k, q, v, src, dst, w16, zeros, cpw)

    out = pl.pallas_call(
        _finish_body,
        grid=(grid,),
        in_specs=[row_spec, w_spec, row_spec, row_spec],
        out_specs=row_spec,
        out_shape=jax.ShapeDtypeStruct((n_pad, d), jnp.float32),
    )(x_p, W3, agg[0], agg[1])
    return out[:n]

# --- scband reference (transcript-rebuilt; emitter-appended) ---
"""Pipeline reference for scband-gated-gcn-56770877718753 (READ-ONLY COPY).

The authoritative reference and input builder live on the scoring server;
editing this copy changes nothing except your own understanding.
"""

import jax, jax.numpy as jnp
import numpy as np

N = 10000
E = 320000
D = 128

def setup_inputs(seed: int = 0) -> dict:
    key = jax.random.key(seed)
    k1, k2, k3, k4, k5, k6, k7 = jax.random.split(key, 7)
    x = jax.random.normal(k1, (N, D), dtype=jnp.float32)
    edge_index = jax.random.randint(k2, (2, E), 0, N, dtype=jnp.int32)
    edge_weight = jax.random.uniform(k3, (E,), dtype=jnp.float32)
    scale = 1.0 / np.sqrt(D)
    W1 = jax.random.normal(k4, (D, D), dtype=jnp.float32) * scale
    W2 = jax.random.normal(k5, (D, D), dtype=jnp.float32) * scale
    W3 = jax.random.normal(k6, (D, D), dtype=jnp.float32) * scale
    W4 = jax.random.normal(k7, (D, D), dtype=jnp.float32) * scale
    return {"x": x, "edge_index": edge_index, "edge_weight": edge_weight,
            "W1": W1, "W2": W2, "W3": W3, "W4": W4}

def reference(x, edge_index, edge_weight, W1, W2, W3, W4):
    # Gated GCN message passing layer (core of GatedGCNContext's My_DoubleGatedGCN stack):
    # gate_ij = sigmoid(W1 x_i + W2 x_j); msg_ij = gate_ij * (W4 x_j) * w_ij
    # out_i = tanh(W3 x_i + sum_{j in N(i)} msg_ij)
    src = edge_index[0]
    dst = edge_index[1]
    k = x @ W1
    q = x @ W2
    v = x @ W4
    gate = jax.nn.sigmoid(k[dst] + q[src])          # gather by dst and src
    msg = gate * v[src] * edge_weight[:, None]      # per-edge gated message
    agg = jax.ops.segment_sum(msg, dst, num_segments=x.shape[0])  # scatter-add to dst
    out = jnp.tanh(x @ W3 + agg)
    return out

if __name__ == "__main__":
    import jax
    _d = setup_inputs()
    print(jax.jit(kernel)(*tuple(_d.values())))

</pallas_src>

<mosaic_0001>
#map = affine_map<(d0, d1) -> (0, 0)>
#map1 = affine_map<(d0, d1) -> (0)>
#map2 = affine_map<(d0, d1) -> (0, 0, 0)>
module attributes {stable_mosaic.version = 14 : i64} {
  func.func @edge_kernel(%arg0: i32, %arg1: i32, %arg2: memref<10112x128xf32, #tpu.memory_space<hbm>>, %arg3: memref<10112x128xf32, #tpu.memory_space<hbm>>, %arg4: memref<10112x128xf32, #tpu.memory_space<hbm>>, %arg5: memref<321536xi32, #tpu.memory_space<hbm>>, %arg6: memref<321536xi32, #tpu.memory_space<hbm>>, %arg7: memref<5144576xf32, #tpu.memory_space<hbm>>, %arg8: memref<10112x128xf32, #tpu.memory_space<hbm>>, %arg9: memref<2x10112x128xf32, #tpu.memory_space<hbm>>, %arg10: memref<32xi32, #tpu.memory_space<vmem>>, %arg11: memref<32xi32, #tpu.memory_space<vmem>>, %arg12: memref<32xi32, #tpu.memory_space<vmem>>, %arg13: memref<32xi32, #tpu.memory_space<vmem>>, %arg14: memref<32xi32, #tpu.memory_space<vmem>>, %arg15: memref<32xi32, #tpu.memory_space<vmem>>, %arg16: memref<512xf32, #tpu.memory_space<vmem>>, %arg17: memref<512xf32, #tpu.memory_space<vmem>>, %arg18: memref<32x128xf32, #tpu.memory_space<vmem>>, %arg19: memref<32x128xf32, #tpu.memory_space<vmem>>, %arg20: memref<32x128xf32, #tpu.memory_space<vmem>>, %arg21: memref<32x128xf32, #tpu.memory_space<vmem>>, %arg22: memref<32x128xf32, #tpu.memory_space<vmem>>, %arg23: memref<32x128xf32, #tpu.memory_space<vmem>>, %arg24: memref<32x128xf32, #tpu.memory_space<vmem>>, %arg25: memref<32x128xf32, #tpu.memory_space<vmem>>, %arg26: memref<512xf32, #tpu.memory_space<vmem>>, %arg27: memref<!tpu.dma_semaphore, #tpu.memory_space<semaphore_mem>>, %arg28: memref<!tpu.dma_semaphore, #tpu.memory_space<semaphore_mem>>, %arg29: memref<!tpu.dma_semaphore, #tpu.memory_space<semaphore_mem>>, %arg30: memref<!tpu.dma_semaphore, #tpu.memory_space<semaphore_mem>>, %arg31: memref<!tpu.dma_semaphore, #tpu.memory_space<semaphore_mem>>, %arg32: memref<!tpu.dma_semaphore, #tpu.memory_space<semaphore_mem>>, %arg33: memref<10112x128xf32, #tpu.memory_space<vmem_shared>>) attributes {dimension_semantics = [#tpu.dimension_semantics<core_parallel>, #tpu.dimension_semantics<subcore_parallel>], iteration_bounds = array<i64: 2, 16>, scalar_prefetch = 0 : i64, scratch_operands = 24 : i64, tpu.core_type = #tpu.core_type<sc_vector_subcore>, window_params = [{transform_indices = #map}, {transform_indices = #map}, {transform_indices = #map}, {transform_indices = #map1}, {transform_indices = #map1}, {transform_indices = #map1}, {transform_indices = #map}, {transform_indices = #map2}]} {
    %mul3A = arith.constant 2 : i32
    %mul3A_0 = arith.muli %arg1, %mul3A : i32
    %add3A = arith.addi %mul3A_0, %arg0 : i32
    %mul3A_1 = arith.constant 632 : i32
    %mul3A_2 = arith.muli %arg1, %mul3A_1 : i32
    "tpu.region"() ({
      %run_scoped3A = tpu.sem_alloc : memref<!tpu.dma_semaphore, #tpu.memory_space<semaphore_mem>>
      %dma_start3A_1220 = arith.constant 0 : i32
      %dma_start3A_1221 = tpu.memref_slice %arg33[%mul3A_2, %dma_start3A_1220] : memref<10112x128xf32, #tpu.memory_space<vmem_shared>> -> memref<632x128xf32, #tpu.memory_space<vmem_shared>>
      %dma_start3A_1222 = arith.constant 0 : i32
      %dma_start3A_1223 = tpu.memref_slice %arg8[%mul3A_2, %dma_start3A_1222] : memref<10112x128xf32, #tpu.memory_space<hbm>> -> memref<632x128xf32, #tpu.memory_space<hbm>>
      tpu.enqueue_dma source(%dma_start3A_1223 : memref<632x128xf32, #tpu.memory_space<hbm>>) target(%dma_start3A_1221 : memref<632x128xf32, #tpu.memory_space<vmem_shared>>) target_semaphore(%run_scoped3A : memref<!tpu.dma_semaphore, #tpu.memory_space<semaphore_mem>>)
      %dma_wait3A_1224 = arith.constant 0 : i32
      %dma_wait3A_1225 = tpu.memref_slice %arg33[%mul3A_2, %dma_wait3A_1224] : memref<10112x128xf32, #tpu.memory_space<vmem_shared>> -> memref<632x128xf32, #tpu.memory_space<vmem_shared>>
      %dma_wait3A_1226 = arith.constant 0 : i32
      %dma_wait3A_1227 = tpu.memref_slice %arg8[%mul3A_2, %dma_wait3A_1226] : memref<10112x128xf32, #tpu.memory_space<hbm>> -> memref<632x128xf32, #tpu.memory_space<hbm>>
      tpu.wait_dma2 semaphore(%run_scoped3A : memref<!tpu.dma_semaphore, #tpu.memory_space<semaphore_mem>>) src(%dma_wait3A_1227 : memref<632x128xf32, #tpu.memory_space<hbm>>) dst(%dma_wait3A_1225 : memref<632x128xf32, #tpu.memory_space<vmem_shared>>)
      tpu.yield
    }) : () -> ()
    %barrier3A = arith.constant 0 : index
    tpu.barrier barrier_id(%barrier3A)
    %mul3A_3 = arith.constant 10048 : i32
    %mul3A_4 = arith.muli %add3A, %mul3A_3 : i32
    %add3A_5 = arith.constant 0 : i32
    %add3A_6 = arith.addi %mul3A_4, %add3A_5 : i32
    %multiple_of3A = tpu.assume_multiple %add3A_6, 32 : i32
    %mul3A_7 = arith.constant 10048 : i32
    %mul3A_8 = arith.muli %add3A, %mul3A_7 : i32
    %add3A_9 = arith.constant 0 : i32
    %add3A_10 = arith.addi %mul3A_8, %add3A_9 : i32
    %mul3A_11 = arith.constant 16 : i32
    %mul3A_12 = arith.muli %add3A_10, %mul3A_11 : i32
    %multiple_of3A_13 = tpu.assume_multiple %mul3A_12, 512 : i32
    %dma_start3A = tpu.memref_slice %arg5[%multiple_of3A] : memref<321536xi32, #tpu.memory_space<hbm>> -> memref<32xi32, #tpu.memory_space<hbm>>
    %dma_start3A_14 = tpu.memref_slice %arg5[%multiple_of3A] : memref<321536xi32, #tpu.memory_space<hbm>> -> memref<32xi32, #tpu.memory_space<hbm>>
    tpu.enqueue_dma source(%dma_start3A_14 : memref<32xi32, #tpu.memory_space<hbm>>) target(%arg10 : memref<32xi32, #tpu.memory_space<vmem>>) target_semaphore(%arg27 : memref<!tpu.dma_semaphore, #tpu.memory_space<semaphore_mem>>)
    %dma_start3A_15 = tpu.memref_slice %arg6[%multiple_of3A] : memref<321536xi32, #tpu.memory_space<hbm>> -> memref<32xi32, #tpu.memory_space<hbm>>
    %dma_start3A_16 = tpu.memref_slice %arg6[%multiple_of3A] : memref<321536xi32, #tpu.memory_space<hbm>> -> memref<32xi32, #tpu.memory_space<hbm>>
    tpu.enqueue_dma source(%dma_start3A_16 : memref<32xi32, #tpu.memory_space<hbm>>) target(%arg12 : memref<32xi32, #tpu.memory_space<vmem>>) target_semaphore(%arg27 : memref<!tpu.dma_semaphore, #tpu.memory_space<semaphore_mem>>)
    %dma_start3A_17 = tpu.memref_slice %arg7[%multiple_of3A_13] : memref<5144576xf32, #tpu.memory_space<hbm>> -> memref<512xf32, #tpu.memory_space<hbm>>
    %dma_start3A_18 = tpu.memref_slice %arg7[%multiple_of3A_13] : memref<5144576xf32, #tpu.memory_space<hbm>> -> memref<512xf32, #tpu.memory_space<hbm>>
    tpu.enqueue_dma source(%dma_start3A_18 : memref<512xf32, #tpu.memory_space<hbm>>) target(%arg16 : memref<512xf32, #tpu.memory_space<vmem>>) target_semaphore(%arg27 : memref<!tpu.dma_semaphore, #tpu.memory_space<semaphore_mem>>)
    %mul3A_19 = arith.constant 10048 : i32
    %mul3A_20 = arith.muli %add3A, %mul3A_19 : i32
    %add3A_21 = arith.constant 32 : i32
    %add3A_22 = arith.addi %mul3A_20, %add3A_21 : i32
    %multiple_of3A_23 = tpu.assume_multiple %add3A_22, 32 : i32
    %mul3A_24 = arith.constant 10048 : i32
    %mul3A_25 = arith.muli %add3A, %mul3A_24 : i32
    %add3A_26 = arith.constant 32 : i32
    %add3A_27 = arith.addi %mul3A_25, %add3A_26 : i32
    %mul3A_28 = arith.constant 16 : i32
    %mul3A_29 = arith.muli %add3A_27, %mul3A_28 : i32
    %multiple_of3A_30 = tpu.assume_multiple %mul3A_29, 512 : i32
    %dma_start3A_31 = tpu.memref_slice %arg5[%multiple_of3A_23] : memref<321536xi32, #tpu.memory_space<hbm>> -> memref<32xi32, #tpu.memory_space<hbm>>
    %dma_start3A_32 = tpu.memref_slice %arg5[%multiple_of3A_23] : memref<321536xi32, #tpu.memory_space<hbm>> -> memref<32xi32, #tpu.memory_space<hbm>>
    tpu.enqueue_dma source(%dma_start3A_32 : memref<32xi32, #tpu.memory_space<hbm>>) target(%arg11 : memref<32xi32, #tpu.memory_space<vmem>>) target_semaphore(%arg28 : memref<!tpu.dma_semaphore, #tpu.memory_space<semaphore_mem>>)
    %dma_start3A_33 = tpu.memref_slice %arg6[%multiple_of3A_23] : memref<321536xi32, #tpu.memory_space<hbm>> -> memref<32xi32, #tpu.memory_space<hbm>>
    %dma_start3A_34 = tpu.memref_slice %arg6[%multiple_of3A_23] : memref<321536xi32, #tpu.memory_space<hbm>> -> memref<32xi32, #tpu.memory_space<hbm>>
    tpu.enqueue_dma source(%dma_start3A_34 : memref<32xi32, #tpu.memory_space<hbm>>) target(%arg13 : memref<32xi32, #tpu.memory_space<vmem>>) target_semaphore(%arg28 : memref<!tpu.dma_semaphore, #tpu.memory_space<semaphore_mem>>)
    %dma_start3A_35 = tpu.memref_slice %arg7[%multiple_of3A_30] : memref<5144576xf32, #tpu.memory_space<hbm>> -> memref<512xf32, #tpu.memory_space<hbm>>
    %dma_start3A_36 = tpu.memref_slice %arg7[%multiple_of3A_30] : memref<5144576xf32, #tpu.memory_space<hbm>> -> memref<512xf32, #tpu.memory_space<hbm>>
    tpu.enqueue_dma source(%dma_start3A_36 : memref<512xf32, #tpu.memory_space<hbm>>) target(%arg17 : memref<512xf32, #tpu.memory_space<vmem>>) target_semaphore(%arg28 : memref<!tpu.dma_semaphore, #tpu.memory_space<semaphore_mem>>)
    %mul3A_37 = arith.constant 10048 : i32
    %mul3A_38 = arith.muli %add3A, %mul3A_37 : i32
    %add3A_39 = arith.constant 0 : i32
    %add3A_40 = arith.addi %mul3A_38, %add3A_39 : i32
    %multiple_of3A_41 = tpu.assume_multiple %add3A_40, 32 : i32
    %mul3A_42 = arith.constant 10048 : i32
    %mul3A_43 = arith.muli %add3A, %mul3A_42 : i32
    %add3A_44 = arith.constant 0 : i32
    %add3A_45 = arith.addi %mul3A_43, %add3A_44 : i32
    %mul3A_46 = arith.constant 16 : i32
    %mul3A_47 = arith.muli %add3A_45, %mul3A_46 : i32
    %multiple_of3A_48 = tpu.assume_multiple %mul3A_47, 512 : i32
    %dma_wait3A = tpu.memref_slice %arg5[%multiple_of3A_41] : memref<321536xi32, #tpu.memory_space<hbm>> -> memref<32xi32, #tpu.memory_space<hbm>>
    %dma_wait3A_49 = tpu.memref_slice %arg5[%multiple_of3A_41] : memref<321536xi32, #tpu.memory_space<hbm>> -> memref<32xi32, #tpu.memory_space<hbm>>
    tpu.wait_dma2 semaphore(%arg27 : memref<!tpu.dma_semaphore, #tpu.memory_space<semaphore_mem>>) src(%dma_wait3A_49 : memref<32xi32, #tpu.memory_space<hbm>>) dst(%arg10 : memref<32xi32, #tpu.memory_space<vmem>>)
    %dma_wait3A_50 = tpu.memref_slice %arg6[%multiple_of3A_41] : memref<321536xi32, #tpu.memory_space<hbm>> -> memref<32xi32, #tpu.memory_space<hbm>>
    %dma_wait3A_51 = tpu.memref_slice %arg6[%multiple_of3A_41] : memref<321536xi32, #tpu.memory_space<hbm>> -> memref<32xi32, #tpu.memory_space<hbm>>
    tpu.wait_dma2 semaphore(%arg27 : memref<!tpu.dma_semaphore, #tpu.memory_space<semaphore_mem>>) src(%dma_wait3A_51 : memref<32xi32, #tpu.memory_space<hbm>>) dst(%arg12 : memref<32xi32, #tpu.memory_space<vmem>>)
    %dma_wait3A_52 = tpu.memref_slice %arg7[%multiple_of3A_48] : memref<5144576xf32, #tpu.memory_space<hbm>> -> memref<512xf32, #tpu.memory_space<hbm>>
    %dma_wait3A_53 = tpu.memref_slice %arg7[%multiple_of3A_48] : memref<5144576xf32, #tpu.memory_space<hbm>> -> memref<512xf32, #tpu.memory_space<hbm>>
    tpu.wait_dma2 semaphore(%arg27 : memref<!tpu.dma_semaphore, #tpu.memory_space<semaphore_mem>>) src(%dma_wait3A_53 : memref<512xf32, #tpu.memory_space<hbm>>) dst(%arg16 : memref<512xf32, #tpu.memory_space<vmem>>)
    %dma_start3A_54 = arith.constant 0 : i32
    %dma_start3A_55 = arith.constant 0 : i32
    %dma_start3A_56 = tpu.memref_slice %arg2[%dma_start3A_54, %dma_start3A_55] : memref<10112x128xf32, #tpu.memory_space<hbm>> -> memref<10112x128xf32, #tpu.memory_space<hbm>>
    tpu.enqueue_indirect_dma source(%dma_start3A_56 : memref<10112x128xf32, #tpu.memory_space<hbm>>) target(%arg18 : memref<32x128xf32, #tpu.memory_space<vmem>>) offsets(%arg12 : memref<32xi32, #tpu.memory_space<vmem>>) semaphore(%arg29 : memref<!tpu.dma_semaphore, #tpu.memory_space<semaphore_mem>>)
    %dma_start3A_57 = arith.constant 0 : i32
    %dma_start3A_58 = arith.constant 0 : i32
    %dma_start3A_59 = tpu.memref_slice %arg3[%dma_start3A_57, %dma_start3A_58] : memref<10112x128xf32, #tpu.memory_space<hbm>> -> memref<10112x128xf32, #tpu.memory_space<hbm>>
    tpu.enqueue_indirect_dma source(%dma_start3A_59 : memref<10112x128xf32, #tpu.memory_space<hbm>>) target(%arg20 : memref<32x128xf32, #tpu.memory_space<vmem>>) offsets(%arg10 : memref<32xi32, #tpu.memory_space<vmem>>) semaphore(%arg29 : memref<!tpu.dma_semaphore, #tpu.memory_space<semaphore_mem>>)
    %dma_start3A_60 = arith.constant 0 : i32
    %dma_start3A_61 = arith.constant 0 : i32
    %dma_start3A_62 = tpu.memref_slice %arg4[%dma_start3A_60, %dma_start3A_61] : memref<10112x128xf32, #tpu.memory_space<hbm>> -> memref<10112x128xf32, #tpu.memory_space<hbm>>
    tpu.enqueue_indirect_dma source(%dma_start3A_62 : memref<10112x128xf32, #tpu.memory_space<hbm>>) target(%arg22 : memref<32x128xf32, #tpu.memory_space<vmem>>) offsets(%arg10 : memref<32xi32, #tpu.memory_space<vmem>>) semaphore(%arg29 : memref<!tpu.dma_semaphore, #tpu.memory_space<semaphore_mem>>)
    %mul3A_63 = arith.constant 10048 : i32
    %mul3A_64 = arith.muli %add3A, %mul3A_63 : i32
    %add3A_65 = arith.constant 32 : i32
    %add3A_66 = arith.addi %mul3A_64, %add3A_65 : i32
    %multiple_of3A_67 = tpu.assume_multiple %add3A_66, 32 : i32
    %mul3A_68 = arith.constant 10048 : i32
    %mul3A_69 = arith.muli %add3A, %mul3A_68 : i32
    %add3A_70 = arith.constant 32 : i32
    %add3A_71 = arith.addi %mul3A_69, %add3A_70 : i32
    %mul3A_72 = arith.constant 16 : i32
    %mul3A_73 = arith.muli %add3A_71, %mul3A_72 : i32
    %multiple_of3A_74 = tpu.assume_multiple %mul3A_73, 512 : i32
    %dma_wait3A_75 = tpu.memref_slice %arg5[%multiple_of3A_67] : memref<321536xi32, #tpu.memory_space<hbm>> -> memref<32xi32, #tpu.memory_space<hbm>>
    %dma_wait3A_76 = tpu.memref_slice %arg5[%multiple_of3A_67] : memref<321536xi32, #tpu.memory_space<hbm>> -> memref<32xi32, #tpu.memory_space<hbm>>
    tpu.wait_dma2 semaphore(%arg28 : memref<!tpu.dma_semaphore, #tpu.memory_space<semaphore_mem>>) src(%dma_wait3A_76 : memref<32xi32, #tpu.memory_space<hbm>>) dst(%arg11 : memref<32xi32, #tpu.memory_space<vmem>>)
    %dma_wait3A_77 = tpu.memref_slice %arg6[%multiple_of3A_67] : memref<321536xi32, #tpu.memory_space<hbm>> -> memref<32xi32, #tpu.memory_space<hbm>>
    %dma_wait3A_78 = tpu.memref_slice %arg6[%multiple_of3A_67] : memref<321536xi32, #tpu.memory_space<hbm>> -> memref<32xi32, #tpu.memory_space<hbm>>
    tpu.wait_dma2 semaphore(%arg28 : memref<!tpu.dma_semaphore, #tpu.memory_space<semaphore_mem>>) src(%dma_wait3A_78 : memref<32xi32, #tpu.memory_space<hbm>>) dst(%arg13 : memref<32xi32, #tpu.memory_space<vmem>>)
    %dma_wait3A_79 = tpu.memref_slice %arg7[%multiple_of3A_74] : memref<5144576xf32, #tpu.memory_space<hbm>> -> memref<512xf32, #tpu.memory_space<hbm>>
    %dma_wait3A_80 = tpu.memref_slice %arg7[%multiple_of3A_74] : memref<5144576xf32, #tpu.memory_space<hbm>> -> memref<512xf32, #tpu.memory_space<hbm>>
    tpu.wait_dma2 semaphore(%arg28 : memref<!tpu.dma_semaphore, #tpu.memory_space<semaphore_mem>>) src(%dma_wait3A_80 : memref<512xf32, #tpu.memory_space<hbm>>) dst(%arg17 : memref<512xf32, #tpu.memory_space<vmem>>)
    %dma_start3A_81 = arith.constant 0 : i32
    %dma_start3A_82 = arith.constant 0 : i32
    %dma_start3A_83 = tpu.memref_slice %arg2[%dma_start3A_81, %dma_start3A_82] : memref<10112x128xf32, #tpu.memory_space<hbm>> -> memref<10112x128xf32, #tpu.memory_space<hbm>>
    tpu.enqueue_indirect_dma source(%dma_start3A_83 : memref<10112x128xf32, #tpu.memory_space<hbm>>) target(%arg19 : memref<32x128xf32, #tpu.memory_space<vmem>>) offsets(%arg13 : memref<32xi32, #tpu.memory_space<vmem>>) semaphore(%arg30 : memref<!tpu.dma_semaphore, #tpu.memory_space<semaphore_mem>>)
    %dma_start3A_84 = arith.constant 0 : i32
    %dma_start3A_85 = arith.constant 0 : i32
    %dma_start3A_86 = tpu.memref_slice %arg3[%dma_start3A_84, %dma_start3A_85] : memref<10112x128xf32, #tpu.memory_space<hbm>> -> memref<10112x128xf32, #tpu.memory_space<hbm>>
    tpu.enqueue_indirect_dma source(%dma_start3A_86 : memref<10112x128xf32, #tpu.memory_space<hbm>>) target(%arg21 : memref<32x128xf32, #tpu.memory_space<vmem>>) offsets(%arg11 : memref<32xi32, #tpu.memory_space<vmem>>) semaphore(%arg30 : memref<!tpu.dma_semaphore, #tpu.memory_space<semaphore_mem>>)
    %dma_start3A_87 = arith.constant 0 : i32
    %dma_start3A_88 = arith.constant 0 : i32
    %dma_start3A_89 = tpu.memref_slice %arg4[%dma_start3A_87, %dma_start3A_88] : memref<10112x128xf32, #tpu.memory_space<hbm>> -> memref<10112x128xf32, #tpu.memory_space<hbm>>
    tpu.enqueue_indirect_dma source(%dma_start3A_89 : memref<10112x128xf32, #tpu.memory_space<hbm>>) target(%arg23 : memref<32x128xf32, #tpu.memory_space<vmem>>) offsets(%arg11 : memref<32xi32, #tpu.memory_space<vmem>>) semaphore(%arg30 : memref<!tpu.dma_semaphore, #tpu.memory_space<semaphore_mem>>)
    %dma_wait3A_90 = arith.constant 0 : i32
    %dma_wait3A_91 = arith.constant 0 : i32
    %dma_wait3A_92 = tpu.memref_slice %arg2[%dma_wait3A_90, %dma_wait3A_91] : memref<10112x128xf32, #tpu.memory_space<hbm>> -> memref<10112x128xf32, #tpu.memory_space<hbm>>
    tpu.wait_indirect_dma semaphore(%arg29 : memref<!tpu.dma_semaphore, #tpu.memory_space<semaphore_mem>>) src(%dma_wait3A_92 : memref<10112x128xf32, #tpu.memory_space<hbm>>) dst(%arg18 : memref<32x128xf32, #tpu.memory_space<vmem>>)
    %dma_wait3A_93 = arith.constant 0 : i32
    %dma_wait3A_94 = arith.constant 0 : i32
    %dma_wait3A_95 = tpu.memref_slice %arg3[%dma_wait3A_93, %dma_wait3A_94] : memref<10112x128xf32, #tpu.memory_space<hbm>> -> memref<10112x128xf32, #tpu.memory_space<hbm>>
    tpu.wait_indirect_dma semaphore(%arg29 : memref<!tpu.dma_semaphore, #tpu.memory_space<semaphore_mem>>) src(%dma_wait3A_95 : memref<10112x128xf32, #tpu.memory_space<hbm>>) dst(%arg20 : memref<32x128xf32, #tpu.memory_space<vmem>>)
    %dma_wait3A_96 = arith.constant 0 : i32
    %dma_wait3A_97 = arith.constant 0 : i32
    %dma_wait3A_98 = tpu.memref_slice %arg4[%dma_wait3A_96, %dma_wait3A_97] : memref<10112x128xf32, #tpu.memory_space<hbm>> -> memref<10112x128xf32, #tpu.memory_space<hbm>>
    tpu.wait_indirect_dma semaphore(%arg29 : memref<!tpu.dma_semaphore, #tpu.memory_space<semaphore_mem>>) src(%dma_wait3A_98 : memref<10112x128xf32, #tpu.memory_space<hbm>>) dst(%arg22 : memref<32x128xf32, #tpu.memory_space<vmem>>)
    %get3A = arith.constant 0 : index
    %get3A_99 = tpu.vector_load %arg12[%get3A] {strides = array<i32>} : memref<32xi32, #tpu.memory_space<vmem>>, vector<16xi32>,
    %get3A_100 = vector.shape_cast %get3A_99 : vector<16xi32> to vector<16xi32>
    %swap3A = arith.constant 0 : index
    %swap3A_101 = tpu.vector_load %arg14[%swap3A] {strides = array<i32>} : memref<32xi32, #tpu.memory_space<vmem>>, vector<16xi32>,
    %swap3A_102 = vector.shape_cast %swap3A_101 : vector<16xi32> to vector<16xi32>
    %swap3A_103 = vector.shape_cast %get3A_100 : vector<16xi32> to vector<16xi32>
    tpu.vector_store %arg14[%swap3A], %swap3A_103 {strides = array<i32>} : memref<32xi32, #tpu.memory_space<vmem>>, vector<16xi32>,
    %get3A_104 = arith.constant 16 : index
    %get3A_105 = tpu.vector_load %arg12[%get3A_104] {strides = array<i32>} : memref<32xi32, #tpu.memory_space<vmem>>, vector<16xi32>,
    %get3A_106 = vector.shape_cast %get3A_105 : vector<16xi32> to vector<16xi32>
    %swap3A_107 = arith.constant 16 : index
    %swap3A_108 = tpu.vector_load %arg14[%swap3A_107] {strides = array<i32>} : memref<32xi32, #tpu.memory_space<vmem>>, vector<16xi32>,
    %swap3A_109 = vector.shape_cast %swap3A_108 : vector<16xi32> to vector<16xi32>
    %swap3A_110 = vector.shape_cast %get3A_106 : vector<16xi32> to vector<16xi32>
    tpu.vector_store %arg14[%swap3A_107], %swap3A_110 {strides = array<i32>} : memref<32xi32, #tpu.memory_space<vmem>>, vector<16xi32>,
    %get3A_111 = arith.constant 0 : index
    %get3A_112 = tpu.vector_load %arg16[%get3A_111] {strides = array<i32>} : memref<512xf32, #tpu.memory_space<vmem>>, vector<16xf32>,
    %get3A_113 = vector.shape_cast %get3A_112 : vector<16xf32> to vector<16xf32>
    %swap3A_114 = arith.constant 0 : index
    %swap3A_115 = tpu.vector_load %arg26[%swap3A_114] {strides = array<i32>} : memref<512xf32, #tpu.memory_space<vmem>>, vector<16xf32>,
    %swap3A_116 = vector.shape_cast %swap3A_115 : vector<16xf32> to vector<16xf32>
    %swap3A_117 = vector.shape_cast %get3A_113 : vector<16xf32> to vector<16xf32>
    tpu.vector_store %arg26[%swap3A_114], %swap3A_117 {strides = array<i32>} : memref<512xf32, #tpu.memory_space<vmem>>, vector<16xf32>,
    %get3A_118 = arith.constant 16 : index
    %get3A_119 = tpu.vector_load %arg16[%get3A_118] {strides = array<i32>} : memref<512xf32, #tpu.memory_space<vmem>>, vector<16xf32>,
    %get3A_120 = vector.shape_cast %get3A_119 : vector<16xf32> to vector<16xf32>
    %swap3A_121 = arith.constant 16 : index
    %swap3A_122 = tpu.vector_load %arg26[%swap3A_121] {strides = array<i32>} : memref<512xf32, #tpu.memory_space<vmem>>, vector<16xf32>,
    %swap3A_123 = vector.shape_cast %swap3A_122 : vector<16xf32> to vector<16xf32>
    %swap3A_124 = vector.shape_cast %get3A_120 : vector<16xf32> to vector<16xf32>
    tpu.vector_store %arg26[%swap3A_121], %swap3A_124 {strides = array<i32>} : memref<512xf32, #tpu.memory_space<vmem>>, vector<16xf32>,
    %get3A_125 = arith.constant 32 : index
    %get3A_126 = tpu.vector_load %arg16[%get3A_125] {strides = array<i32>} : memref<512xf32, #tpu.memory_space<vmem>>, vector<16xf32>,
    %get3A_127 = vector.shape_cast %get3A_126 : vector<16xf32> to vector<16xf32>
    %swap3A_128 = arith.constant 32 : index
    %swap3A_129 = tpu.vector_load %arg26[%swap3A_128] {strides = array<i32>} : memref<512xf32, #tpu.memory_space<vmem>>, vector<16xf32>,
    %swap3A_130 = vector.shape_cast %swap3A_129 : vector<16xf32> to vector<16xf32>
    %swap3A_131 = vector.shape_cast %get3A_127 : vector<16xf32> to vector<16xf32>
    tpu.vector_store %arg26[%swap3A_128], %swap3A_131 {strides = array<i32>} : memref<512xf32, #tpu.memory_space<vmem>>, vector<16xf32>,
    %get3A_132 = arith.constant 48 : index
    %get3A_133 = tpu.vector_load %arg16[%get3A_132] {strides = array<i32>} : memref<512xf32, #tpu.memory_space<vmem>>, vector<16xf32>,
    %get3A_134 = vector.shape_cast %get3A_133 : vector<16xf32> to vector<16xf32>
    %swap3A_135 = arith.constant 48 : index
    %swap3A_136 = tpu.vector_load %arg26[%swap3A_135] {strides = array<i32>} : memref<512xf32, #tpu.memory_space<vmem>>, vector<16xf32>,
    %swap3A_137 = vector.shape_cast %swap3A_136 : vector<16xf32> to vector<16xf32>
    %swap3A_138 = vector.shape_cast %get3A_134 : vector<16xf32> to vector<16xf32>
    tpu.vector_store %arg26[%swap3A_135], %swap3A_138 {strides = array<i32>} : memref<512xf32, #tpu.memory_space<vmem>>, vector<16xf32>,
    %get3A_139 = arith.constant 64 : index
    %get3A_140 = tpu.vector_load %arg16[%get3A_139] {strides = array<i32>} : memref<512xf32, #tpu.memory_space<vmem>>, vector<16xf32>,
    %get3A_141 = vector.shape_cast %get3A_140 : vector<16xf32> to vector<16xf32>
    %swap3A_142 = arith.constant 64 : index
    %swap3A_143 = tpu.vector_load %arg26[%swap3A_142] {strides = array<i32>} : memref<512xf32, #tpu.memory_space<vmem>>, vector<16xf32>,
    %swap3A_144 = vector.shape_cast %swap3A_143 : vector<16xf32> to vector<16xf32>
    %swap3A_145 = vector.shape_cast %get3A_141 : vector<16xf32> to vector<16xf32>
    tpu.vector_store %arg26[%swap3A_142], %swap3A_145 {strides = array<i32>} : memref<512xf32, #tpu.memory_space<vmem>>, vector<16xf32>,
    %get3A_146 = arith.constant 80 : index
    %get3A_147 = tpu.vector_load %arg16[%get3A_146] {strides = array<i32>} : memref<512xf32, #tpu.memory_space<vmem>>, vector<16xf32>,
    %get3A_148 = vector.shape_cast %get3A_147 : vector<16xf32> to vector<16xf32>
    %swap3A_149 = arith.constant 80 : index
    %swap3A_150 = tpu.vector_load %arg26[%swap3A_149] {strides = array<i32>} : memref<512xf32, #tpu.memory_space<vmem>>, vector<16xf32>,
    %swap3A_151 = vector.shape_cast %swap3A_150 : vector<16xf32> to vector<16xf32>
    %swap3A_152 = vector.shape_cast %get3A_148 : vector<16xf32> to vector<16xf32>
    tpu.vector_store %arg26[%swap3A_149], %swap3A_152 {strides = array<i32>} : memref<512xf32, #tpu.memory_space<vmem>>, vector<16xf32>,
    %get3A_153 = arith.constant 96 : index
    %get3A_154 = tpu.vector_load %arg16[%get3A_153] {strides = array<i32>} : memref<512xf32, #tpu.memory_space<vmem>>, vector<16xf32>,
    %get3A_155 = vector.shape_cast %get3A_154 : vector<16xf32> to vector<16xf32>
    %swap3A_156 = arith.constant 96 : index
    %swap3A_157 = tpu.vector_load %arg26[%swap3A_156] {strides = array<i32>} : memref<512xf32, #tpu.memory_space<vmem>>, vector<16xf32>,
    %swap3A_158 = vector.shape_cast %swap3A_157 : vector<16xf32> to vector<16xf32>
    %swap3A_159 = vector.shape_cast %get3A_155 : vector<16xf32> to vector<16xf32>
    tpu.vector_store %arg26[%swap3A_156], %swap3A_159 {strides = array<i32>} : memref<512xf32, #tpu.memory_space<vmem>>, vector<16xf32>,
    %get3A_160 = arith.constant 112 : index
    %get3A_161 = tpu.vector_load %arg16[%get3A_160] {strides = array<i32>} : memref<512xf32, #tpu.memory_space<vmem>>, vector<16xf32>,
    %get3A_162 = vector.shape_cast %get3A_161 : vector<16xf32> to vector<16xf32>
    %swap3A_163 = arith.constant 112 : index
    %swap3A_164 = tpu.vector_load %arg26[%swap3A_163] {strides = array<i32>} : memref<512xf32, #tpu.memory_space<vmem>>, vector<16xf32>,
    %swap3A_165 = vector.shape_cast %swap3A_164 : vector<16xf32> to vector<16xf32>
    %swap3A_166 = vector.shape_cast %get3A_162 : vector<16xf32> to vector<16xf32>
    tpu.vector_store %arg26[%swap3A_163], %swap3A_166 {strides = array<i32>} : memref<512xf32, #tpu.memory_space<vmem>>, vector<16xf32>,
    %get3A_167 = arith.constant 128 : index
    %get3A_168 = tpu.vector_load %arg16[%get3A_167] {strides = array<i32>} : memref<512xf32, #tpu.memory_space<vmem>>, vector<16xf32>,
    %get3A_169 = vector.shape_cast %get3A_168 : vector<16xf32> to vector<16xf32>
    %swap3A_170 = arith.constant 128 : index
    %swap3A_171 = tpu.vector_load %arg26[%swap3A_170] {strides = array<i32>} : memref<512xf32, #tpu.memory_space<vmem>>, vector<16xf32>,
    %swap3A_172 = vector.shape_cast %swap3A_171 : vector<16xf32> to vector<16xf32>
    %swap3A_173 = vector.shape_cast %get3A_169 : vector<16xf32> to vector<16xf32>
    tpu.vector_store %arg26[%swap3A_170], %swap3A_173 {strides = array<i32>} : memref<512xf32, #tpu.memory_space<vmem>>, vector<16xf32>,
    %get3A_174 = arith.constant 144 : index
    %get3A_175 = tpu.vector_load %arg16[%get3A_174] {strides = array<i32>} : memref<512xf32, #tpu.memory_space<vmem>>, vector<16xf32>,
    %get3A_176 = vector.shape_cast %get3A_175 : vector<16xf32> to vector<16xf32>
    %swap3A_177 = arith.constant 144 : index
    %swap3A_178 = tpu.vector_load %arg26[%swap3A_177] {strides = array<i32>} : memref<512xf32, #tpu.memory_space<vmem>>, vector<16xf32>,
    %swap3A_179 = vector.shape_cast %swap3A_178 : vector<16xf32> to vector<16xf32>
    %swap3A_180 = vector.shape_cast %get3A_176 : vector<16xf32> to vector<16xf32>
    tpu.vector_store %arg26[%swap3A_177], %swap3A_180 {strides = array<i32>} : memref<512xf32, #tpu.memory_space<vmem>>, vector<16xf32>,
    %get3A_181 = arith.constant 160 : index
    %get3A_182 = tpu.vector_load %arg16[%get3A_181] {strides = array<i32>} : memref<512xf32, #tpu.memory_space<vmem>>, vector<16xf32>,
    %get3A_183 = vector.shape_cast %get3A_182 : vector<16xf32> to vector<16xf32>
    %swap3A_184 = arith.constant 160 : index
    %swap3A_185 = tpu.vector_load %arg26[%swap3A_184] {strides = array<i32>} : memref<512xf32, #tpu.memory_space<vmem>>, vector<16xf32>,
    %swap3A_186 = vector.shape_cast %swap3A_185 : vector<16xf32> to vector<16xf32>
    %swap3A_187 = vector.shape_cast %get3A_183 : vector<16xf32> to vector<16xf32>
    tpu.vector_store %arg26[%swap3A_184], %swap3A_187 {strides = array<i32>} : memref<512xf32, #tpu.memory_space<vmem>>, vector<16xf32>,
    %get3A_188 = arith.constant 176 : index
    %get3A_189 = tpu.vector_load %arg16[%get3A_188] {strides = array<i32>} : memref<512xf32, #tpu.memory_space<vmem>>, vector<16xf32>,
    %get3A_190 = vector.shape_cast %get3A_189 : vector<16xf32> to vector<16xf32>
    %swap3A_191 = arith.constant 176 : index
    %swap3A_192 = tpu.vector_load %arg26[%swap3A_191] {strides = array<i32>} : memref<512xf32, #tpu.memory_space<vmem>>, vector<16xf32>,
    %swap3A_193 = vector.shape_cast %swap3A_192 : vector<16xf32> to vector<16xf32>
    %swap3A_194 = vector.shape_cast %get3A_190 : vector<16xf32> to vector<16xf32>
    tpu.vector_store %arg26[%swap3A_191], %swap3A_194 {strides = array<i32>} : memref<512xf32, #tpu.memory_space<vmem>>, vector<16xf32>,
    %get3A_195 = arith.constant 192 : index
    %get3A_196 = tpu.vector_load %arg16[%get3A_195] {strides = array<i32>} : memref<512xf32, #tpu.memory_space<vmem>>, vector<16xf32>,
    %get3A_197 = vector.shape_cast %get3A_196 : vector<16xf32> to vector<16xf32>
    %swap3A_198 = arith.constant 192 : index
    %swap3A_199 = tpu.vector_load %arg26[%swap3A_198] {strides = array<i32>} : memref<512xf32, #tpu.memory_space<vmem>>, vector<16xf32>,
    %swap3A_200 = vector.shape_cast %swap3A_199 : vector<16xf32> to vector<16xf32>
    %swap3A_201 = vector.shape_cast %get3A_197 : vector<16xf32> to vector<16xf32>
    tpu.vector_store %arg26[%swap3A_198], %swap3A_201 {strides = array<i32>} : memref<512xf32, #tpu.memory_space<vmem>>, vector<16xf32>,
    %get3A_202 = arith.constant 208 : index
    %get3A_203 = tpu.vector_load %arg16[%get3A_202] {strides = array<i32>} : memref<512xf32, #tpu.memory_space<vmem>>, vector<16xf32>,
    %get3A_204 = vector.shape_cast %get3A_203 : vector<16xf32> to vector<16xf32>
    %swap3A_205 = arith.constant 208 : index
    %swap3A_206 = tpu.vector_load %arg26[%swap3A_205] {strides = array<i32>} : memref<512xf32, #tpu.memory_space<vmem>>, vector<16xf32>,
    %swap3A_207 = vector.shape_cast %swap3A_206 : vector<16xf32> to vector<16xf32>
    %swap3A_208 = vector.shape_cast %get3A_204 : vector<16xf32> to vector<16xf32>
    tpu.vector_store %arg26[%swap3A_205], %swap3A_208 {strides = array<i32>} : memref<512xf32, #tpu.memory_space<vmem>>, vector<16xf32>,
    %get3A_209 = arith.constant 224 : index
    %get3A_210 = tpu.vector_load %arg16[%get3A_209] {strides = array<i32>} : memref<512xf32, #tpu.memory_space<vmem>>, vector<16xf32>,
    %get3A_211 = vector.shape_cast %get3A_210 : vector<16xf32> to vector<16xf32>
    %swap3A_212 = arith.constant 224 : index
    %swap3A_213 = tpu.vector_load %arg26[%swap3A_212] {strides = array<i32>} : memref<512xf32, #tpu.memory_space<vmem>>, vector<16xf32>,
    %swap3A_214 = vector.shape_cast %swap3A_213 : vector<16xf32> to vector<16xf32>
    %swap3A_215 = vector.shape_cast %get3A_211 : vector<16xf32> to vector<16xf32>
    tpu.vector_store %arg26[%swap3A_212], %swap3A_215 {strides = array<i32>} : memref<512xf32, #tpu.memory_space<vmem>>, vector<16xf32>,
    %get3A_216 = arith.constant 240 : index
    %get3A_217 = tpu.vector_load %arg16[%get3A_216] {strides = array<i32>} : memref<512xf32, #tpu.memory_space<vmem>>, vector<16xf32>,
    %get3A_218 = vector.shape_cast %get3A_217 : vector<16xf32> to vector<16xf32>
    %swap3A_219 = arith.constant 240 : index
    %swap3A_220 = tpu.vector_load %arg26[%swap3A_219] {strides = array<i32>} : memref<512xf32, #tpu.memory_space<vmem>>, vector<16xf32>,
    %swap3A_221 = vector.shape_cast %swap3A_220 : vector<16xf32> to vector<16xf32>
    %swap3A_222 = vector.shape_cast %get3A_218 : vector<16xf32> to vector<16xf32>
    tpu.vector_store %arg26[%swap3A_219], %swap3A_222 {strides = array<i32>} : memref<512xf32, #tpu.memory_space<vmem>>, vector<16xf32>,
    %get3A_223 = arith.constant 256 : index
    %get3A_224 = tpu.vector_load %arg16[%get3A_223] {strides = array<i32>} : memref<512xf32, #tpu.memory_space<vmem>>, vector<16xf32>,
    %get3A_225 = vector.shape_cast %get3A_224 : vector<16xf32> to vector<16xf32>
    %swap3A_226 = arith.constant 256 : index
    %swap3A_227 = tpu.vector_load %arg26[%swap3A_226] {strides = array<i32>} : memref<512xf32, #tpu.memory_space<vmem>>, vector<16xf32>,
    %swap3A_228 = vector.shape_cast %swap3A_227 : vector<16xf32> to vector<16xf32>
    %swap3A_229 = vector.shape_cast %get3A_225 : vector<16xf32> to vector<16xf32>
    tpu.vector_store %arg26[%swap3A_226], %swap3A_229 {strides = array<i32>} : memref<512xf32, #tpu.memory_space<vmem>>, vector<16xf32>,
    %get3A_230 = arith.constant 272 : index
    %get3A_231 = tpu.vector_load %arg16[%get3A_230] {strides = array<i32>} : memref<512xf32, #tpu.memory_space<vmem>>, vector<16xf32>,
    %get3A_232 = vector.shape_cast %get3A_231 : vector<16xf32> to vector<16xf32>
    %swap3A_233 = arith.constant 272 : index
    %swap3A_234 = tpu.vector_load %arg26[%swap3A_233] {strides = array<i32>} : memref<512xf32, #tpu.memory_space<vmem>>, vector<16xf32>,
    %swap3A_235 = vector.shape_cast %swap3A_234 : vector<16xf32> to vector<16xf32>
    %swap3A_236 = vector.shape_cast %get3A_232 : vector<16xf32> to vector<16xf32>
    tpu.vector_store %arg26[%swap3A_233], %swap3A_236 {strides = array<i32>} : memref<512xf32, #tpu.memory_space<vmem>>, vector<16xf32>,
    %get3A_237 = arith.constant 288 : index
    %get3A_238 = tpu.vector_load %arg16[%get3A_237] {strides = array<i32>} : memref<512xf32, #tpu.memory_space<vmem>>, vector<16xf32>,
    %get3A_239 = vector.shape_cast %get3A_238 : vector<16xf32> to vector<16xf32>
    %swap3A_240 = arith.constant 288 : index
    %swap3A_241 = tpu.vector_load %arg26[%swap3A_240] {strides = array<i32>} : memref<512xf32, #tpu.memory_space<vmem>>, vector<16xf32>,
    %swap3A_242 = vector.shape_cast %swap3A_241 : vector<16xf32> to vector<16xf32>
    %swap3A_243 = vector.shape_cast %get3A_239 : vector<16xf32> to vector<16xf32>
    tpu.vector_store %arg26[%swap3A_240], %swap3A_243 {strides = array<i32>} : memref<512xf32, #tpu.memory_space<vmem>>, vector<16xf32>,
    %get3A_244 = arith.constant 304 : index
    %get3A_245 = tpu.vector_load %arg16[%get3A_244] {strides = array<i32>} : memref<512xf32, #tpu.memory_space<vmem>>, vector<16xf32>,
    %get3A_246 = vector.shape_cast %get3A_245 : vector<16xf32> to vector<16xf32>
    %swap3A_247 = arith.constant 304 : index
    %swap3A_248 = tpu.vector_load %arg26[%swap3A_247] {strides = array<i32>} : memref<512xf32, #tpu.memory_space<vmem>>, vector<16xf32>,
    %swap3A_249 = vector.shape_cast %swap3A_248 : vector<16xf32> to vector<16xf32>
    %swap3A_250 = vector.shape_cast %get3A_246 : vector<16xf32> to vector<16xf32>
    tpu.vector_store %arg26[%swap3A_247], %swap3A_250 {strides = array<i32>} : memref<512xf32, #tpu.memory_space<vmem>>, vector<16xf32>,
    %get3A_251 = arith.constant 320 : index
    %get3A_252 = tpu.vector_load %arg16[%get3A_251] {strides = array<i32>} : memref<512xf32, #tpu.memory_space<vmem>>, vector<16xf32>,
    %get3A_253 = vector.shape_cast %get3A_252 : vector<16xf32> to vector<16xf32>
    %swap3A_254 = arith.constant 320 : index
    %swap3A_255 = tpu.vector_load %arg26[%swap3A_254] {strides = array<i32>} : memref<512xf32, #tpu.memory_space<vmem>>, vector<16xf32>,
    %swap3A_256 = vector.shape_cast %swap3A_255 : vector<16xf32> to vector<16xf32>
    %swap3A_257 = vector.shape_cast %get3A_253 : vector<16xf32> to vector<16xf32>
    tpu.vector_store %arg26[%swap3A_254], %swap3A_257 {strides = array<i32>} : memref<512xf32, #tpu.memory_space<vmem>>, vector<16xf32>,
    %get3A_258 = arith.constant 336 : index
    %get3A_259 = tpu.vector_load %arg16[%get3A_258] {strides = array<i32>} : memref<512xf32, #tpu.memory_space<vmem>>, vector<16xf32>,
    %get3A_260 = vector.shape_cast %get3A_259 : vector<16xf32> to vector<16xf32>
    %swap3A_261 = arith.constant 336 : index
    %swap3A_262 = tpu.vector_load %arg26[%swap3A_261] {strides = array<i32>} : memref<512xf32, #tpu.memory_space<vmem>>, vector<16xf32>,
    %swap3A_263 = vector.shape_cast %swap3A_262 : vector<16xf32> to vector<16xf32>
    %swap3A_264 = vector.shape_cast %get3A_260 : vector<16xf32> to vector<16xf32>
    tpu.vector_store %arg26[%swap3A_261], %swap3A_264 {strides = array<i32>} : memref<512xf32, #tpu.memory_space<vmem>>, vector<16xf32>,
    %get3A_265 = arith.constant 352 : index
    %get3A_266 = tpu.vector_load %arg16[%get3A_265] {strides = array<i32>} : memref<512xf32, #tpu.memory_space<vmem>>, vector<16xf32>,
    %get3A_267 = vector.shape_cast %get3A_266 : vector<16xf32> to vector<16xf32>
    %swap3A_268 = arith.constant 352 : index
    %swap3A_269 = tpu.vector_load %arg26[%swap3A_268] {strides = array<i32>} : memref<512xf32, #tpu.memory_space<vmem>>, vector<16xf32>,
    %swap3A_270 = vector.shape_cast %swap3A_269 : vector<16xf32> to vector<16xf32>
    %swap3A_271 = vector.shape_cast %get3A_267 : vector<16xf32> to vector<16xf32>
    tpu.vector_store %arg26[%swap3A_268], %swap3A_271 {strides = array<i32>} : memref<512xf32, #tpu.memory_space<vmem>>, vector<16xf32>,
    %get3A_272 = arith.constant 368 : index
    %get3A_273 = tpu.vector_load %arg16[%get3A_272] {strides = array<i32>} : memref<512xf32, #tpu.memory_space<vmem>>, vector<16xf32>,
    %get3A_274 = vector.shape_cast %get3A_273 : vector<16xf32> to vector<16xf32>
    %swap3A_275 = arith.constant 368 : index
    %swap3A_276 = tpu.vector_load %arg26[%swap3A_275] {strides = array<i32>} : memref<512xf32, #tpu.memory_space<vmem>>, vector<16xf32>,
    %swap3A_277 = vector.shape_cast %swap3A_276 : vector<16xf32> to vector<16xf32>
    %swap3A_278 = vector.shape_cast %get3A_274 : vector<16xf32> to vector<16xf32>
    tpu.vector_store %arg26[%swap3A_275], %swap3A_278 {strides = array<i32>} : memref<512xf32, #tpu.memory_space<vmem>>, vector<16xf32>,
    %get3A_279 = arith.constant 384 : index
    %get3A_280 = tpu.vector_load %arg16[%get3A_279] {strides = array<i32>} : memref<512xf32, #tpu.memory_space<vmem>>, vector<16xf32>,
    %get3A_281 = vector.shape_cast %get3A_280 : vector<16xf32> to vector<16xf32>
    %swap3A_282 = arith.constant 384 : index
    %swap3A_283 = tpu.vector_load %arg26[%swap3A_282] {strides = array<i32>} : memref<512xf32, #tpu.memory_space<vmem>>, vector<16xf32>,
    %swap3A_284 = vector.shape_cast %swap3A_283 : vector<16xf32> to vector<16xf32>
    %swap3A_285 = vector.shape_cast %get3A_281 : vector<16xf32> to vector<16xf32>
    tpu.vector_store %arg26[%swap3A_282], %swap3A_285 {strides = array<i32>} : memref<512xf32, #tpu.memory_space<vmem>>, vector<16xf32>,
    %get3A_286 = arith.constant 400 : index
    %get3A_287 = tpu.vector_load %arg16[%get3A_286] {strides = array<i32>} : memref<512xf32, #tpu.memory_space<vmem>>, vector<16xf32>,
    %get3A_288 = vector.shape_cast %get3A_287 : vector<16xf32> to vector<16xf32>
    %swap3A_289 = arith.constant 400 : index
    %swap3A_290 = tpu.vector_load %arg26[%swap3A_289] {strides = array<i32>} : memref<512xf32, #tpu.memory_space<vmem>>, vector<16xf32>,
    %swap3A_291 = vector.shape_cast %swap3A_290 : vector<16xf32> to vector<16xf32>
    %swap3A_292 = vector.shape_cast %get3A_288 : vector<16xf32> to vector<16xf32>
    tpu.vector_store %arg26[%swap3A_289], %swap3A_292 {strides = array<i32>} : memref<512xf32, #tpu.memory_space<vmem>>, vector<16xf32>,
    %get3A_293 = arith.constant 416 : index
    %get3A_294 = tpu.vector_load %arg16[%get3A_293] {strides = array<i32>} : memref<512xf32, #tpu.memory_space<vmem>>, vector<16xf32>,
    %get3A_295 = vector.shape_cast %get3A_294 : vector<16xf32> to vector<16xf32>
    %swap3A_296 = arith.constant 416 : index
    %swap3A_297 = tpu.vector_load %arg26[%swap3A_296] {strides = array<i32>} : memref<512xf32, #tpu.memory_space<vmem>>, vector<16xf32>,
    %swap3A_298 = vector.shape_cast %swap3A_297 : vector<16xf32> to vector<16xf32>
    %swap3A_299 = vector.shape_cast %get3A_295 : vector<16xf32> to vector<16xf32>
    tpu.vector_store %arg26[%swap3A_296], %swap3A_299 {strides = array<i32>} : memref<512xf32, #tpu.memory_space<vmem>>, vector<16xf32>,
    %get3A_300 = arith.constant 432 : index
    %get3A_301 = tpu.vector_load %arg16[%get3A_300] {strides = array<i32>} : memref<512xf32, #tpu.memory_space<vmem>>, vector<16xf32>,
    %get3A_302 = vector.shape_cast %get3A_301 : vector<16xf32> to vector<16xf32>
    %swap3A_303 = arith.constant 432 : index
    %swap3A_304 = tpu.vector_load %arg26[%swap3A_303] {strides = array<i32>} : memref<512xf32, #tpu.memory_space<vmem>>, vector<16xf32>,
    %swap3A_305 = vector.shape_cast %swap3A_304 : vector<16xf32> to vector<16xf32>
    %swap3A_306 = vector.shape_cast %get3A_302 : vector<16xf32> to vector<16xf32>
    tpu.vector_store %arg26[%swap3A_303], %swap3A_306 {strides = array<i32>} : memref<512xf32, #tpu.memory_space<vmem>>, vector<16xf32>,
    %get3A_307 = arith.constant 448 : index
    %get3A_308 = tpu.vector_load %arg16[%get3A_307] {strides = array<i32>} : memref<512xf32, #tpu.memory_space<vmem>>, vector<16xf32>,
    %get3A_309 = vector.shape_cast %get3A_308 : vector<16xf32> to vector<16xf32>
    %swap3A_310 = arith.constant 448 : index
    %swap3A_311 = tpu.vector_load %arg26[%swap3A_310] {strides = array<i32>} : memref<512xf32, #tpu.memory_space<vmem>>, vector<16xf32>,
    %swap3A_312 = vector.shape_cast %swap3A_311 : vector<16xf32> to vector<16xf32>
    %swap3A_313 = vector.shape_cast %get3A_309 : vector<16xf32> to vector<16xf32>
    tpu.vector_store %arg26[%swap3A_310], %swap3A_313 {strides = array<i32>} : memref<512xf32, #tpu.memory_space<vmem>>, vector<16xf32>,
    %get3A_314 = arith.constant 464 : index
    %get3A_315 = tpu.vector_load %arg16[%get3A_314] {strides = array<i32>} : memref<512xf32, #tpu.memory_space<vmem>>, vector<16xf32>,
    %get3A_316 = vector.shape_cast %get3A_315 : vector<16xf32> to vector<16xf32>
    %swap3A_317 = arith.constant 464 : index
    %swap3A_318 = tpu.vector_load %arg26[%swap3A_317] {strides = array<i32>} : memref<512xf32, #tpu.memory_space<vmem>>, vector<16xf32>,
    %swap3A_319 = vector.shape_cast %swap3A_318 : vector<16xf32> to vector<16xf32>
    %swap3A_320 = vector.shape_cast %get3A_316 : vector<16xf32> to vector<16xf32>
    tpu.vector_store %arg26[%swap3A_317], %swap3A_320 {strides = array<i32>} : memref<512xf32, #tpu.memory_space<vmem>>, vector<16xf32>,
    %get3A_321 = arith.constant 480 : index
    %get3A_322 = tpu.vector_load %arg16[%get3A_321] {strides = array<i32>} : memref<512xf32, #tpu.memory_space<vmem>>, vector<16xf32>,
    %get3A_323 = vector.shape_cast %get3A_322 : vector<16xf32> to vector<16xf32>
    %swap3A_324 = arith.constant 480 : index
    %swap3A_325 = tpu.vector_load %arg26[%swap3A_324] {strides = array<i32>} : memref<512xf32, #tpu.memory_space<vmem>>, vector<16xf32>,
    %swap3A_326 = vector.shape_cast %swap3A_325 : vector<16xf32> to vector<16xf32>
    %swap3A_327 = vector.shape_cast %get3A_323 : vector<16xf32> to vector<16xf32>
    tpu.vector_store %arg26[%swap3A_324], %swap3A_327 {strides = array<i32>} : memref<512xf32, #tpu.memory_space<vmem>>, vector<16xf32>,
    %get3A_328 = arith.constant 496 : index
    %get3A_329 = tpu.vector_load %arg16[%get3A_328] {strides = array<i32>} : memref<512xf32, #tpu.memory_space<vmem>>, vector<16xf32>,
    %get3A_330 = vector.shape_cast %get3A_329 : vector<16xf32> to vector<16xf32>
    %swap3A_331 = arith.constant 496 : index
    %swap3A_332 = tpu.vector_load %arg26[%swap3A_331] {strides = array<i32>} : memref<512xf32, #tpu.memory_space<vmem>>, vector<16xf32>,
    %swap3A_333 = vector.shape_cast %swap3A_332 : vector<16xf32> to vector<16xf32>
    %swap3A_334 = vector.shape_cast %get3A_330 : vector<16xf32> to vector<16xf32>
    tpu.vector_store %arg26[%swap3A_331], %swap3A_334 {strides = array<i32>} : memref<512xf32, #tpu.memory_space<vmem>>, vector<16xf32>,
    %mul3A_335 = arith.constant 10048 : i32
    %mul3A_336 = arith.muli %add3A, %mul3A_335 : i32
    %add3A_337 = arith.constant 64 : i32
    %add3A_338 = arith.addi %mul3A_336, %add3A_337 : i32
    %multiple_of3A_339 = tpu.assume_multiple %add3A_338, 32 : i32
    %mul3A_340 = arith.constant 10048 : i32
    %mul3A_341 = arith.muli %add3A, %mul3A_340 : i32
    %add3A_342 = arith.constant 64 : i32
    %add3A_343 = arith.addi %mul3A_341, %add3A_342 : i32
    %mul3A_344 = arith.constant 16 : i32
    %mul3A_345 = arith.muli %add3A_343, %mul3A_344 : i32
    %multiple_of3A_346 = tpu.assume_multiple %mul3A_345, 512 : i32
    %dma_start3A_347 = tpu.memref_slice %arg5[%multiple_of3A_339] : memref<321536xi32, #tpu.memory_space<hbm>> -> memref<32xi32, #tpu.memory_space<hbm>>
    %dma_start3A_348 = tpu.memref_slice %arg5[%multiple_of3A_339] : memref<321536xi32, #tpu.memory_space<hbm>> -> memref<32xi32, #tpu.memory_space<hbm>>
    tpu.enqueue_dma source(%dma_start3A_348 : memref<32xi32, #tpu.memory_space<hbm>>) target(%arg10 : memref<32xi32, #tpu.memory_space<vmem>>) target_semaphore(%arg27 : memref<!tpu.dma_semaphore, #tpu.memory_space<semaphore_mem>>)
    %dma_start3A_349 = tpu.memref_slice %arg6[%multiple_of3A_339] : memref<321536xi32, #tpu.memory_space<hbm>> -> memref<32xi32, #tpu.memory_space<hbm>>
    %dma_start3A_350 = tpu.memref_slice %arg6[%multiple_of3A_339] : memref<321536xi32, #tpu.memory_space<hbm>> -> memref<32xi32, #tpu.memory_space<hbm>>
    tpu.enqueue_dma source(%dma_start3A_350 : memref<32xi32, #tpu.memory_space<hbm>>) target(%arg12 : memref<32xi32, #tpu.memory_space<vmem>>) target_semaphore(%arg27 : memref<!tpu.dma_semaphore, #tpu.memory_space<semaphore_mem>>)
    %dma_start3A_351 = tpu.memref_slice %arg7[%multiple_of3A_346] : memref<5144576xf32, #tpu.memory_space<hbm>> -> memref<512xf32, #tpu.memory_space<hbm>>
    %dma_start3A_352 = tpu.memref_slice %arg7[%multiple_of3A_346] : memref<5144576xf32, #tpu.memory_space<hbm>> -> memref<512xf32, #tpu.memory_space<hbm>>
    tpu.enqueue_dma source(%dma_start3A_352 : memref<512xf32, #tpu.memory_space<hbm>>) target(%arg16 : memref<512xf32, #tpu.memory_space<vmem>>) target_semaphore(%arg27 : memref<!tpu.dma_semaphore, #tpu.memory_space<semaphore_mem>>)
    %scan3A = arith.constant 0 : i32
    %scan3A_353 = arith.constant 0 : i32
    %scan3A_354 = arith.constant 32 : i32
    %scan3A_355 = arith.addi %scan3A_353, %scan3A_354 : i32
    %scan3A_356 = arith.constant 1 : i32
    scf.for %scan3A_1220 = %scan3A_353 to %scan3A_355 step %scan3A_356  : i32 {
      %mul3A_1221 = arith.constant 16 : i32
      %mul3A_1222 = arith.muli %scan3A_1220, %mul3A_1221 : i32
      %get3A_1223 = arith.index_cast %mul3A_1222 : i32 to index
      %get3A_1224 = tpu.vector_load %arg26[%get3A_1223] {strides = array<i32>} : memref<512xf32, #tpu.memory_space<vmem>>, vector<16xf32>,
      %get3A_1225 = vector.shape_cast %get3A_1224 : vector<16xf32> to vector<16xf32>
      %get3A_1226 = arith.index_cast %scan3A_1220 : i32 to index
      %get3A_1227 = arith.constant 0 : index
      %get3A_1228 = tpu.vector_load %arg18[%get3A_1226, %get3A_1227] {strides = array<i32>} : memref<32x128xf32, #tpu.memory_space<vmem>>, vector<1x16xf32>,
      %get3A_1229 = vector.shape_cast %get3A_1228 : vector<1x16xf32> to vector<16xf32>
      %get3A_1230 = arith.index_cast %scan3A_1220 : i32 to index
      %get3A_1231 = arith.constant 0 : index
      %get3A_1232 = tpu.vector_load %arg20[%get3A_1230, %get3A_1231] {strides = array<i32>} : memref<32x128xf32, #tpu.memory_space<vmem>>, vector<1x16xf32>,
      %get3A_1233 = vector.shape_cast %get3A_1232 : vector<1x16xf32> to vector<16xf32>
      %add3A_1234 = arith.addf %get3A_1229, %get3A_1233 : vector<16xf32>
      %neg3A = arith.constant 0.000000e+00 : f32
      %neg3A_1235 = vector.broadcast %neg3A : f32 to vector<16xf32>
      %neg3A_1236 = arith.subf %neg3A_1235, %add3A_1234 : vector<16xf32>
      %exp3A = math.exp %neg3A_1236 : vector<16xf32>
      %add3A_1237 = arith.constant 1.000000e+00 : f32
      %add3A_1238 = vector.broadcast %add3A_1237 : f32 to vector<16xf32>
      %add3A_1239 = arith.addf %add3A_1238, %exp3A : vector<16xf32>
      %div3A = arith.constant 1.000000e+00 : f32
      %div3A_1240 = vector.broadcast %div3A : f32 to vector<16xf32>
      %div3A_1241 = arith.divf %div3A_1240, %add3A_1239 : vector<16xf32>
      %get3A_1242 = arith.index_cast %scan3A_1220 : i32 to index
      %get3A_1243 = arith.constant 0 : index
      %get3A_1244 = tpu.vector_load %arg22[%get3A_1242, %get3A_1243] {strides = array<i32>} : memref<32x128xf32, #tpu.memory_space<vmem>>, vector<1x16xf32>,
      %get3A_1245 = vector.shape_cast %get3A_1244 : vector<1x16xf32> to vector<16xf32>
      %mul3A_1246 = arith.mulf %div3A_1241, %get3A_1245 : vector<16xf32>
      %mul3A_1247 = arith.mulf %mul3A_1246, %get3A_1225 : vector<16xf32>
      %swap3A_1248 = arith.index_cast %scan3A_1220 : i32 to index
      %swap3A_1249 = arith.constant 0 : index
      %swap3A_1250 = tpu.vector_load %arg24[%swap3A_1248, %swap3A_1249] {strides = array<i32>} : memref<32x128xf32, #tpu.memory_space<vmem>>, vector<1x16xf32>,
      %swap3A_1251 = vector.shape_cast %swap3A_1250 : vector<1x16xf32> to vector<16xf32>
      %swap3A_1252 = vector.shape_cast %mul3A_1247 : vector<16xf32> to vector<1x16xf32>
      tpu.vector_store %arg24[%swap3A_1248, %swap3A_1249], %swap3A_1252 {strides = array<i32>} : memref<32x128xf32, #tpu.memory_space<vmem>>, vector<1x16xf32>,
      %get3A_1253 = arith.index_cast %scan3A_1220 : i32 to index
      %get3A_1254 = arith.constant 16 : index
      %get3A_1255 = tpu.vector_load %arg18[%get3A_1253, %get3A_1254] {strides = array<i32>} : memref<32x128xf32, #tpu.memory_space<vmem>>, vector<1x16xf32>,
      %get3A_1256 = vector.shape_cast %get3A_1255 : vector<1x16xf32> to vector<16xf32>
      %get3A_1257 = arith.index_cast %scan3A_1220 : i32 to index
      %get3A_1258 = arith.constant 16 : index
      %get3A_1259 = tpu.vector_load %arg20[%get3A_1257, %get3A_1258] {strides = array<i32>} : memref<32x128xf32, #tpu.memory_space<vmem>>, vector<1x16xf32>,
      %get3A_1260 = vector.shape_cast %get3A_1259 : vector<1x16xf32> to vector<16xf32>
      %add3A_1261 = arith.addf %get3A_1256, %get3A_1260 : vector<16xf32>
      %neg3A_1262 = arith.constant 0.000000e+00 : f32
      %neg3A_1263 = vector.broadcast %neg3A_1262 : f32 to vector<16xf32>
      %neg3A_1264 = arith.subf %neg3A_1263, %add3A_1261 : vector<16xf32>
      %exp3A_1265 = math.exp %neg3A_1264 : vector<16xf32>
      %add3A_1266 = arith.constant 1.000000e+00 : f32
      %add3A_1267 = vector.broadcast %add3A_1266 : f32 to vector<16xf32>
      %add3A_1268 = arith.addf %add3A_1267, %exp3A_1265 : vector<16xf32>
      %div3A_1269 = arith.constant 1.000000e+00 : f32
      %div3A_1270 = vector.broadcast %div3A_1269 : f32 to vector<16xf32>
      %div3A_1271 = arith.divf %div3A_1270, %add3A_1268 : vector<16xf32>
      %get3A_1272 = arith.index_cast %scan3A_1220 : i32 to index
      %get3A_1273 = arith.constant 16 : index
      %get3A_1274 = tpu.vector_load %arg22[%get3A_1272, %get3A_1273] {strides = array<i32>} : memref<32x128xf32, #tpu.memory_space<vmem>>, vector<1x16xf32>,
      %get3A_1275 = vector.shape_cast %get3A_1274 : vector<1x16xf32> to vector<16xf32>
      %mul3A_1276 = arith.mulf %div3A_1271, %get3A_1275 : vector<16xf32>
      %mul3A_1277 = arith.mulf %mul3A_1276, %get3A_1225 : vector<16xf32>
      %swap3A_1278 = arith.index_cast %scan3A_1220 : i32 to index
      %swap3A_1279 = arith.constant 16 : index
      %swap3A_1280 = tpu.vector_load %arg24[%swap3A_1278, %swap3A_1279] {strides = array<i32>} : memref<32x128xf32, #tpu.memory_space<vmem>>, vector<1x16xf32>,
      %swap3A_1281 = vector.shape_cast %swap3A_1280 : vector<1x16xf32> to vector<16xf32>
      %swap3A_1282 = vector.shape_cast %mul3A_1277 : vector<16xf32> to vector<1x16xf32>
      tpu.vector_store %arg24[%swap3A_1278, %swap3A_1279], %swap3A_1282 {strides = array<i32>} : memref<32x128xf32, #tpu.memory_space<vmem>>, vector<1x16xf32>,
      %get3A_1283 = arith.index_cast %scan3A_1220 : i32 to index
      %get3A_1284 = arith.constant 32 : index
      %get3A_1285 = tpu.vector_load %arg18[%get3A_1283, %get3A_1284] {strides = array<i32>} : memref<32x128xf32, #tpu.memory_space<vmem>>, vector<1x16xf32>,
      %get3A_1286 = vector.shape_cast %get3A_1285 : vector<1x16xf32> to vector<16xf32>
      %get3A_1287 = arith.index_cast %scan3A_1220 : i32 to index
      %get3A_1288 = arith.constant 32 : index
      %get3A_1289 = tpu.vector_load %arg20[%get3A_1287, %get3A_1288] {strides = array<i32>} : memref<32x128xf32, #tpu.memory_space<vmem>>, vector<1x16xf32>,
      %get3A_1290 = vector.shape_cast %get3A_1289 : vector<1x16xf32> to vector<16xf32>
      %add3A_1291 = arith.addf %get3A_1286, %get3A_1290 : vector<16xf32>
      %neg3A_1292 = arith.constant 0.000000e+00 : f32
      %neg3A_1293 = vector.broadcast %neg3A_1292 : f32 to vector<16xf32>
      %neg3A_1294 = arith.subf %neg3A_1293, %add3A_1291 : vector<16xf32>
      %exp3A_1295 = math.exp %neg3A_1294 : vector<16xf32>
      %add3A_1296 = arith.constant 1.000000e+00 : f32
      %add3A_1297 = vector.broadcast %add3A_1296 : f32 to vector<16xf32>
      %add3A_1298 = arith.addf %add3A_1297, %exp3A_1295 : vector<16xf32>
      %div3A_1299 = arith.constant 1.000000e+00 : f32
      %div3A_1300 = vector.broadcast %div3A_1299 : f32 to vector<16xf32>
      %div3A_1301 = arith.divf %div3A_1300, %add3A_1298 : vector<16xf32>
      %get3A_1302 = arith.index_cast %scan3A_1220 : i32 to index
      %get3A_1303 = arith.constant 32 : index
      %get3A_1304 = tpu.vector_load %arg22[%get3A_1302, %get3A_1303] {strides = array<i32>} : memref<32x128xf32, #tpu.memory_space<vmem>>, vector<1x16xf32>,
      %get3A_1305 = vector.shape_cast %get3A_1304 : vector<1x16xf32> to vector<16xf32>
      %mul3A_1306 = arith.mulf %div3A_1301, %get3A_1305 : vector<16xf32>
      %mul3A_1307 = arith.mulf %mul3A_1306, %get3A_1225 : vector<16xf32>
      %swap3A_1308 = arith.index_cast %scan3A_1220 : i32 to index
      %swap3A_1309 = arith.constant 32 : index
      %swap3A_1310 = tpu.vector_load %arg24[%swap3A_1308, %swap3A_1309] {strides = array<i32>} : memref<32x128xf32, #tpu.memory_space<vmem>>, vector<1x16xf32>,
      %swap3A_1311 = vector.shape_cast %swap3A_1310 : vector<1x16xf32> to vector<16xf32>
      %swap3A_1312 = vector.shape_cast %mul3A_1307 : vector<16xf32> to vector<1x16xf32>
      tpu.vector_store %arg24[%swap3A_1308, %swap3A_1309], %swap3A_1312 {strides = array<i32>} : memref<32x128xf32, #tpu.memory_space<vmem>>, vector<1x16xf32>,
      %get3A_1313 = arith.index_cast %scan3A_1220 : i32 to index
      %get3A_1314 = arith.constant 48 : index
      %get3A_1315 = tpu.vector_load %arg18[%get3A_1313, %get3A_1314] {strides = array<i32>} : memref<32x128xf32, #tpu.memory_space<vmem>>, vector<1x16xf32>,
      %get3A_1316 = vector.shape_cast %get3A_1315 : vector<1x16xf32> to vector<16xf32>
      %get3A_1317 = arith.index_cast %scan3A_1220 : i32 to index
      %get3A_1318 = arith.constant 48 : index
      %get3A_1319 = tpu.vector_load %arg20[%get3A_1317, %get3A_1318] {strides = array<i32>} : memref<32x128xf32, #tpu.memory_space<vmem>>, vector<1x16xf32>,
      %get3A_1320 = vector.shape_cast %get3A_1319 : vector<1x16xf32> to vector<16xf32>
      %add3A_1321 = arith.addf %get3A_1316, %get3A_1320 : vector<16xf32>
      %neg3A_1322 = arith.constant 0.000000e+00 : f32
      %neg3A_1323 = vector.broadcast %neg3A_1322 : f32 to vector<16xf32>
      %neg3A_1324 = arith.subf %neg3A_1323, %add3A_1321 : vector<16xf32>
      %exp3A_1325 = math.exp %neg3A_1324 : vector<16xf32>
      %add3A_1326 = arith.constant 1.000000e+00 : f32
      %add3A_1327 = vector.broadcast %add3A_1326 : f32 to vector<16xf32>
      %add3A_1328 = arith.addf %add3A_1327, %exp3A_1325 : vector<16xf32>
      %div3A_1329 = arith.constant 1.000000e+00 : f32
      %div3A_1330 = vector.broadcast %div3A_1329 : f32 to vector<16xf32>
      %div3A_1331 = arith.divf %div3A_1330, %add3A_1328 : vector<16xf32>
      %get3A_1332 = arith.index_cast %scan3A_1220 : i32 to index
      %get3A_1333 = arith.constant 48 : index
      %get3A_1334 = tpu.vector_load %arg22[%get3A_1332, %get3A_1333] {strides = array<i32>} : memref<32x128xf32, #tpu.memory_space<vmem>>, vector<1x16xf32>,
      %get3A_1335 = vector.shape_cast %get3A_1334 : vector<1x16xf32> to vector<16xf32>
      %mul3A_1336 = arith.mulf %div3A_1331, %get3A_1335 : vector<16xf32>
      %mul3A_1337 = arith.mulf %mul3A_1336, %get3A_1225 : vector<16xf32>
      %swap3A_1338 = arith.index_cast %scan3A_1220 : i32 to index
      %swap3A_1339 = arith.constant 48 : index
      %swap3A_1340 = tpu.vector_load %arg24[%swap3A_1338, %swap3A_1339] {strides = array<i32>} : memref<32x128xf32, #tpu.memory_space<vmem>>, vector<1x16xf32>,
      %swap3A_1341 = vector.shape_cast %swap3A_1340 : vector<1x16xf32> to vector<16xf32>
      %swap3A_1342 = vector.shape_cast %mul3A_1337 : vector<16xf32> to vector<1x16xf32>
      tpu.vector_store %arg24[%swap3A_1338, %swap3A_1339], %swap3A_1342 {strides = array<i32>} : memref<32x128xf32, #tpu.memory_space<vmem>>, vector<1x16xf32>,
      %get3A_1343 = arith.index_cast %scan3A_1220 : i32 to index
      %get3A_1344 = arith.constant 64 : index
      %get3A_1345 = tpu.vector_load %arg18[%get3A_1343, %get3A_1344] {strides = array<i32>} : memref<32x128xf32, #tpu.memory_space<vmem>>, vector<1x16xf32>,
      %get3A_1346 = vector.shape_cast %get3A_1345 : vector<1x16xf32> to vector<16xf32>
      %get3A_1347 = arith.index_cast %scan3A_1220 : i32 to index
      %get3A_1348 = arith.constant 64 : index
      %get3A_1349 = tpu.vector_load %arg20[%get3A_1347, %get3A_1348] {strides = array<i32>} : memref<32x128xf32, #tpu.memory_space<vmem>>, vector<1x16xf32>,
      %get3A_1350 = vector.shape_cast %get3A_1349 : vector<1x16xf32> to vector<16xf32>
      %add3A_1351 = arith.addf %get3A_1346, %get3A_1350 : vector<16xf32>
      %neg3A_1352 = arith.constant 0.000000e+00 : f32
      %neg3A_1353 = vector.broadcast %neg3A_1352 : f32 to vector<16xf32>
      %neg3A_1354 = arith.subf %neg3A_1353, %add3A_1351 : vector<16xf32>
      %exp3A_1355 = math.exp %neg3A_1354 : vector<16xf32>
      %add3A_1356 = arith.constant 1.000000e+00 : f32
      %add3A_1357 = vector.broadcast %add3A_1356 : f32 to vector<16xf32>
      %add3A_1358 = arith.addf %add3A_1357, %exp3A_1355 : vector<16xf32>
      %div3A_1359 = arith.constant 1.000000e+00 : f32
      %div3A_1360 = vector.broadcast %div3A_1359 : f32 to vector<16xf32>
      %div3A_1361 = arith.divf %div3A_1360, %add3A_1358 : vector<16xf32>
      %get3A_1362 = arith.index_cast %scan3A_1220 : i32 to index
      %get3A_1363 = arith.constant 64 : index
      %get3A_1364 = tpu.vector_load %arg22[%get3A_1362, %get3A_1363] {strides = array<i32>} : memref<32x128xf32, #tpu.memory_space<vmem>>, vector<1x16xf32>,
      %get3A_1365 = vector.shape_cast %get3A_1364 : vector<1x16xf32> to vector<16xf32>
      %mul3A_1366 = arith.mulf %div3A_1361, %get3A_1365 : vector<16xf32>
      %mul3A_1367 = arith.mulf %mul3A_1366, %get3A_1225 : vector<16xf32>
      %swap3A_1368 = arith.index_cast %scan3A_1220 : i32 to index
      %swap3A_1369 = arith.constant 64 : index
      %swap3A_1370 = tpu.vector_load %arg24[%swap3A_1368, %swap3A_1369] {strides = array<i32>} : memref<32x128xf32, #tpu.memory_space<vmem>>, vector<1x16xf32>,
      %swap3A_1371 = vector.shape_cast %swap3A_1370 : vector<1x16xf32> to vector<16xf32>
      %swap3A_1372 = vector.shape_cast %mul3A_1367 : vector<16xf32> to vector<1x16xf32>
      tpu.vector_store %arg24[%swap3A_1368, %swap3A_1369], %swap3A_1372 {strides = array<i32>} : memref<32x128xf32, #tpu.memory_space<vmem>>, vector<1x16xf32>,
      %get3A_1373 = arith.index_cast %scan3A_1220 : i32 to index
      %get3A_1374 = arith.constant 80 : index
      %get3A_1375 = tpu.vector_load %arg18[%get3A_1373, %get3A_1374] {strides = array<i32>} : memref<32x128xf32, #tpu.memory_space<vmem>>, vector<1x16xf32>,
      %get3A_1376 = vector.shape_cast %get3A_1375 : vector<1x16xf32> to vector<16xf32>
      %get3A_1377 = arith.index_cast %scan3A_1220 : i32 to index
      %get3A_1378 = arith.constant 80 : index
      %get3A_1379 = tpu.vector_load %arg20[%get3A_1377, %get3A_1378] {strides = array<i32>} : memref<32x128xf32, #tpu.memory_space<vmem>>, vector<1x16xf32>,
      %get3A_1380 = vector.shape_cast %get3A_1379 : vector<1x16xf32> to vector<16xf32>
      %add3A_1381 = arith.addf %get3A_1376, %get3A_1380 : vector<16xf32>
      %neg3A_1382 = arith.constant 0.000000e+00 : f32
      %neg3A_1383 = vector.broadcast %neg3A_1382 : f32 to vector<16xf32>
      %neg3A_1384 = arith.subf %neg3A_1383, %add3A_1381 : vector<16xf32>
      %exp3A_1385 = math.exp %neg3A_1384 : vector<16xf32>
      %add3A_1386 = arith.constant 1.000000e+00 : f32
      %add3A_1387 = vector.broadcast %add3A_1386 : f32 to vector<16xf32>
      %add3A_1388 = arith.addf %add3A_1387, %exp3A_1385 : vector<16xf32>
      %div3A_1389 = arith.constant 1.000000e+00 : f32
      %div3A_1390 = vector.broadcast %div3A_1389 : f32 to vector<16xf32>
      %div3A_1391 = arith.divf %div3A_1390, %add3A_1388 : vector<16xf32>
      %get3A_1392 = arith.index_cast %scan3A_1220 : i32 to index
      %get3A_1393 = arith.constant 80 : index
      %get3A_1394 = tpu.vector_load %arg22[%get3A_1392, %get3A_1393] {strides = array<i32>} : memref<32x128xf32, #tpu.memory_space<vmem>>, vector<1x16xf32>,
      %get3A_1395 = vector.shape_cast %get3A_1394 : vector<1x16xf32> to vector<16xf32>
      %mul3A_1396 = arith.mulf %div3A_1391, %get3A_1395 : vector<16xf32>
      %mul3A_1397 = arith.mulf %mul3A_1396, %get3A_1225 : vector<16xf32>
      %swap3A_1398 = arith.index_cast %scan3A_1220 : i32 to index
      %swap3A_1399 = arith.constant 80 : index
      %swap3A_1400 = tpu.vector_load %arg24[%swap3A_1398, %swap3A_1399] {strides = array<i32>} : memref<32x128xf32, #tpu.memory_space<vmem>>, vector<1x16xf32>,
      %swap3A_1401 = vector.shape_cast %swap3A_1400 : vector<1x16xf32> to vector<16xf32>
      %swap3A_1402 = vector.shape_cast %mul3A_1397 : vector<16xf32> to vector<1x16xf32>
      tpu.vector_store %arg24[%swap3A_1398, %swap3A_1399], %swap3A_1402 {strides = array<i32>} : memref<32x128xf32, #tpu.memory_space<vmem>>, vector<1x16xf32>,
      %get3A_1403 = arith.index_cast %scan3A_1220 : i32 to index
      %get3A_1404 = arith.constant 96 : index
      %get3A_1405 = tpu.vector_load %arg18[%get3A_1403, %get3A_1404] {strides = array<i32>} : memref<32x128xf32, #tpu.memory_space<vmem>>, vector<1x16xf32>,
      %get3A_1406 = vector.shape_cast %get3A_1405 : vector<1x16xf32> to vector<16xf32>
      %get3A_1407 = arith.index_cast %scan3A_1220 : i32 to index
      %get3A_1408 = arith.constant 96 : index
      %get3A_1409 = tpu.vector_load %arg20[%get3A_1407, %get3A_1408] {strides = array<i32>} : memref<32x128xf32, #tpu.memory_space<vmem>>, vector<1x16xf32>,
      %get3A_1410 = vector.shape_cast %get3A_1409 : vector<1x16xf32> to vector<16xf32>
      %add3A_1411 = arith.addf %get3A_1406, %get3A_1410 : vector<16xf32>
      %neg3A_1412 = arith.constant 0.000000e+00 : f32
      %neg3A_1413 = vector.broadcast %neg3A_1412 : f32 to vector<16xf32>
      %neg3A_1414 = arith.subf %neg3A_1413, %add3A_1411 : vector<16xf32>
      %exp3A_1415 = math.exp %neg3A_1414 : vector<16xf32>
      %add3A_1416 = arith.constant 1.000000e+00 : f32
      %add3A_1417 = vector.broadcast %add3A_1416 : f32 to vector<16xf32>
      %add3A_1418 = arith.addf %add3A_1417, %exp3A_1415 : vector<16xf32>
      %div3A_1419 = arith.constant 1.000000e+00 : f32
      %div3A_1420 = vector.broadcast %div3A_1419 : f32 to vector<16xf32>
      %div3A_1421 = arith.divf %div3A_1420, %add3A_1418 : vector<16xf32>
      %get3A_1422 = arith.index_cast %scan3A_1220 : i32 to index
      %get3A_1423 = arith.constant 96 : index
      %get3A_1424 = tpu.vector_load %arg22[%get3A_1422, %get3A_1423] {strides = array<i32>} : memref<32x128xf32, #tpu.memory_space<vmem>>, vector<1x16xf32>,
      %get3A_1425 = vector.shape_cast %get3A_1424 : vector<1x16xf32> to vector<16xf32>
      %mul3A_1426 = arith.mulf %div3A_1421, %get3A_1425 : vector<16xf32>
      %mul3A_1427 = arith.mulf %mul3A_1426, %get3A_1225 : vector<16xf32>
      %swap3A_1428 = arith.index_cast %scan3A_1220 : i32 to index
      %swap3A_1429 = arith.constant 96 : index
      %swap3A_1430 = tpu.vector_load %arg24[%swap3A_1428, %swap3A_1429] {strides = array<i32>} : memref<32x128xf32, #tpu.memory_space<vmem>>, vector<1x16xf32>,
      %swap3A_1431 = vector.shape_cast %swap3A_1430 : vector<1x16xf32> to vector<16xf32>
      %swap3A_1432 = vector.shape_cast %mul3A_1427 : vector<16xf32> to vector<1x16xf32>
      tpu.vector_store %arg24[%swap3A_1428, %swap3A_1429], %swap3A_1432 {strides = array<i32>} : memref<32x128xf32, #tpu.memory_space<vmem>>, vector<1x16xf32>,
      %get3A_1433 = arith.index_cast %scan3A_1220 : i32 to index
      %get3A_1434 = arith.constant 112 : index
      %get3A_1435 = tpu.vector_load %arg18[%get3A_1433, %get3A_1434] {strides = array<i32>} : memref<32x128xf32, #tpu.memory_space<vmem>>, vector<1x16xf32>,
      %get3A_1436 = vector.shape_cast %get3A_1435 : vector<1x16xf32> to vector<16xf32>
      %get3A_1437 = arith.index_cast %scan3A_1220 : i32 to index
      %get3A_1438 = arith.constant 112 : index
      %get3A_1439 = tpu.vector_load %arg20[%get3A_1437, %get3A_1438] {strides = array<i32>} : memref<32x128xf32, #tpu.memory_space<vmem>>, vector<1x16xf32>,
      %get3A_1440 = vector.shape_cast %get3A_1439 : vector<1x16xf32> to vector<16xf32>
      %add3A_1441 = arith.addf %get3A_1436, %get3A_1440 : vector<16xf32>
      %neg3A_1442 = arith.constant 0.000000e+00 : f32
      %neg3A_1443 = vector.broadcast %neg3A_1442 : f32 to vector<16xf32>
      %neg3A_1444 = arith.subf %neg3A_1443, %add3A_1441 : vector<16xf32>
      %exp3A_1445 = math.exp %neg3A_1444 : vector<16xf32>
      %add3A_1446 = arith.constant 1.000000e+00 : f32
      %add3A_1447 = vector.broadcast %add3A_1446 : f32 to vector<16xf32>
      %add3A_1448 = arith.addf %add3A_1447, %exp3A_1445 : vector<16xf32>
      %div3A_1449 = arith.constant 1.000000e+00 : f32
      %div3A_1450 = vector.broadcast %div3A_1449 : f32 to vector<16xf32>
      %div3A_1451 = arith.divf %div3A_1450, %add3A_1448 : vector<16xf32>
      %get3A_1452 = arith.index_cast %scan3A_1220 : i32 to index
      %get3A_1453 = arith.constant 112 : index
      %get3A_1454 = tpu.vector_load %arg22[%get3A_1452, %get3A_1453] {strides = array<i32>} : memref<32x128xf32, #tpu.memory_space<vmem>>, vector<1x16xf32>,
      %get3A_1455 = vector.shape_cast %get3A_1454 : vector<1x16xf32> to vector<16xf32>
      %mul3A_1456 = arith.mulf %div3A_1451, %get3A_1455 : vector<16xf32>
      %mul3A_1457 = arith.mulf %mul3A_1456, %get3A_1225 : vector<16xf32>
      %swap3A_1458 = arith.index_cast %scan3A_1220 : i32 to index
      %swap3A_1459 = arith.constant 112 : index
      %swap3A_1460 = tpu.vector_load %arg24[%swap3A_1458, %swap3A_1459] {strides = array<i32>} : memref<32x128xf32, #tpu.memory_space<vmem>>, vector<1x16xf32>,
      %swap3A_1461 = vector.shape_cast %swap3A_1460 : vector<1x16xf32> to vector<16xf32>
      %swap3A_1462 = vector.shape_cast %mul3A_1457 : vector<16xf32> to vector<1x16xf32>
      tpu.vector_store %arg24[%swap3A_1458, %swap3A_1459], %swap3A_1462 {strides = array<i32>} : memref<32x128xf32, #tpu.memory_space<vmem>>, vector<1x16xf32>,
    }
    %scan3A_357 = arith.constant 32 : i32
    %dma_start3A_358 = arith.constant 0 : i32
    %dma_start3A_359 = arith.constant 0 : i32
    %dma_start3A_360 = tpu.memref_slice %arg33[%dma_start3A_358, %dma_start3A_359] : memref<10112x128xf32, #tpu.memory_space<vmem_shared>> -> memref<10112x128xf32, #tpu.memory_space<vmem_shared>>
    tpu.enqueue_indirect_dma source(%arg24 : memref<32x128xf32, #tpu.memory_space<vmem>>) target(%dma_start3A_360 : memref<10112x128xf32, #tpu.memory_space<vmem_shared>>) offsets(%arg14 : memref<32xi32, #tpu.memory_space<vmem>>) semaphore(%arg31 : memref<!tpu.dma_semaphore, #tpu.memory_space<semaphore_mem>>) {add = true}
    %mul3A_361 = arith.constant 10048 : i32
    %mul3A_362 = arith.muli %add3A, %mul3A_361 : i32
    %add3A_363 = arith.constant 64 : i32
    %add3A_364 = arith.addi %mul3A_362, %add3A_363 : i32
    %multiple_of3A_365 = tpu.assume_multiple %add3A_364, 32 : i32
    %mul3A_366 = arith.constant 10048 : i32
    %mul3A_367 = arith.muli %add3A, %mul3A_366 : i32
    %add3A_368 = arith.constant 64 : i32
    %add3A_369 = arith.addi %mul3A_367, %add3A_368 : i32
    %mul3A_370 = arith.constant 16 : i32
    %mul3A_371 = arith.muli %add3A_369, %mul3A_370 : i32
    %multiple_of3A_372 = tpu.assume_multiple %mul3A_371, 512 : i32
    %dma_wait3A_373 = tpu.memref_slice %arg5[%multiple_of3A_365] : memref<321536xi32, #tpu.memory_space<hbm>> -> memref<32xi32, #tpu.memory_space<hbm>>
    %dma_wait3A_374 = tpu.memref_slice %arg5[%multiple_of3A_365] : memref<321536xi32, #tpu.memory_space<hbm>> -> memref<32xi32, #tpu.memory_space<hbm>>
    tpu.wait_dma2 semaphore(%arg27 : memref<!tpu.dma_semaphore, #tpu.memory_space<semaphore_mem>>) src(%dma_wait3A_374 : memref<32xi32, #tpu.memory_space<hbm>>) dst(%arg10 : memref<32xi32, #tpu.memory_space<vmem>>)
    %dma_wait3A_375 = tpu.memref_slice %arg6[%multiple_of3A_365] : memref<321536xi32, #tpu.memory_space<hbm>> -> memref<32xi32, #tpu.memory_space<hbm>>
    %dma_wait3A_376 = tpu.memref_slice %arg6[%multiple_of3A_365] : memref<321536xi32, #tpu.memory_space<hbm>> -> memref<32xi32, #tpu.memory_space<hbm>>
    tpu.wait_dma2 semaphore(%arg27 : memref<!tpu.dma_semaphore, #tpu.memory_space<semaphore_mem>>) src(%dma_wait3A_376 : memref<32xi32, #tpu.memory_space<hbm>>) dst(%arg12 : memref<32xi32, #tpu.memory_space<vmem>>)
    %dma_wait3A_377 = tpu.memref_slice %arg7[%multiple_of3A_372] : memref<5144576xf32, #tpu.memory_space<hbm>> -> memref<512xf32, #tpu.memory_space<hbm>>
    %dma_wait3A_378 = tpu.memref_slice %arg7[%multiple_of3A_372] : memref<5144576xf32, #tpu.memory_space<hbm>> -> memref<512xf32, #tpu.memory_space<hbm>>
    tpu.wait_dma2 semaphore(%arg27 : memref<!tpu.dma_semaphore, #tpu.memory_space<semaphore_mem>>) src(%dma_wait3A_378 : memref<512xf32, #tpu.memory_space<hbm>>) dst(%arg16 : memref<512xf32, #tpu.memory_space<vmem>>)
    %dma_start3A_379 = arith.constant 0 : i32
    %dma_start3A_380 = arith.constant 0 : i32
    %dma_start3A_381 = tpu.memref_slice %arg2[%dma_start3A_379, %dma_start3A_380] : memref<10112x128xf32, #tpu.memory_space<hbm>> -> memref<10112x128xf32, #tpu.memory_space<hbm>>
    tpu.enqueue_indirect_dma source(%dma_start3A_381 : memref<10112x128xf32, #tpu.memory_space<hbm>>) target(%arg18 : memref<32x128xf32, #tpu.memory_space<vmem>>) offsets(%arg12 : memref<32xi32, #tpu.memory_space<vmem>>) semaphore(%arg29 : memref<!tpu.dma_semaphore, #tpu.memory_space<semaphore_mem>>)
    %dma_start3A_382 = arith.constant 0 : i32
    %dma_start3A_383 = arith.constant 0 : i32
    %dma_start3A_384 = tpu.memref_slice %arg3[%dma_start3A_382, %dma_start3A_383] : memref<10112x128xf32, #tpu.memory_space<hbm>> -> memref<10112x128xf32, #tpu.memory_space<hbm>>
    tpu.enqueue_indirect_dma source(%dma_start3A_384 : memref<10112x128xf32, #tpu.memory_space<hbm>>) target(%arg20 : memref<32x128xf32, #tpu.memory_space<vmem>>) offsets(%arg10 : memref<32xi32, #tpu.memory_space<vmem>>) semaphore(%arg29 : memref<!tpu.dma_semaphore, #tpu.memory_space<semaphore_mem>>)
    %dma_start3A_385 = arith.constant 0 : i32
    %dma_start3A_386 = arith.constant 0 : i32
    %dma_start3A_387 = tpu.memref_slice %arg4[%dma_start3A_385, %dma_start3A_386] : memref<10112x128xf32, #tpu.memory_space<hbm>> -> memref<10112x128xf32, #tpu.memory_space<hbm>>
    tpu.enqueue_indirect_dma source(%dma_start3A_387 : memref<10112x128xf32, #tpu.memory_space<hbm>>) target(%arg22 : memref<32x128xf32, #tpu.memory_space<vmem>>) offsets(%arg10 : memref<32xi32, #tpu.memory_space<vmem>>) semaphore(%arg29 : memref<!tpu.dma_semaphore, #tpu.memory_space<semaphore_mem>>)
    %dma_wait3A_388 = arith.constant 0 : i32
    %dma_wait3A_389 = arith.constant 0 : i32
    %dma_wait3A_390 = tpu.memref_slice %arg2[%dma_wait3A_388, %dma_wait3A_389] : memref<10112x128xf32, #tpu.memory_space<hbm>> -> memref<10112x128xf32, #tpu.memory_space<hbm>>
    tpu.wait_indirect_dma semaphore(%arg30 : memref<!tpu.dma_semaphore, #tpu.memory_space<semaphore_mem>>) src(%dma_wait3A_390 : memref<10112x128xf32, #tpu.memory_space<hbm>>) dst(%arg19 : memref<32x128xf32, #tpu.memory_space<vmem>>)
    %dma_wait3A_391 = arith.constant 0 : i32
    %dma_wait3A_392 = arith.constant 0 : i32
    %dma_wait3A_393 = tpu.memref_slice %arg3[%dma_wait3A_391, %dma_wait3A_392] : memref<10112x128xf32, #tpu.memory_space<hbm>> -> memref<10112x128xf32, #tpu.memory_space<hbm>>
    tpu.wait_indirect_dma semaphore(%arg30 : memref<!tpu.dma_semaphore, #tpu.memory_space<semaphore_mem>>) src(%dma_wait3A_393 : memref<10112x128xf32, #tpu.memory_space<hbm>>) dst(%arg21 : memref<32x128xf32, #tpu.memory_space<vmem>>)
    %dma_wait3A_394 = arith.constant 0 : i32
    %dma_wait3A_395 = arith.constant 0 : i32
    %dma_wait3A_396 = tpu.memref_slice %arg4[%dma_wait3A_394, %dma_wait3A_395] : memref<10112x128xf32, #tpu.memory_space<hbm>> -> memref<10112x128xf32, #tpu.memory_space<hbm>>
    tpu.wait_indirect_dma semaphore(%arg30 : memref<!tpu.dma_semaphore, #tpu.memory_space<semaphore_mem>>) src(%dma_wait3A_396 : memref<10112x128xf32, #tpu.memory_space<hbm>>) dst(%arg23 : memref<32x128xf32, #tpu.memory_space<vmem>>)
    %get3A_397 = arith.constant 0 : index
    %get3A_398 = tpu.vector_load %arg13[%get3A_397] {strides = array<i32>} : memref<32xi32, #tpu.memory_space<vmem>>, vector<16xi32>,
    %get3A_399 = vector.shape_cast %get3A_398 : vector<16xi32> to vector<16xi32>
    %swap3A_400 = arith.constant 0 : index
    %swap3A_401 = tpu.vector_load %arg15[%swap3A_400] {strides = array<i32>} : memref<32xi32, #tpu.memory_space<vmem>>, vector<16xi32>,
    %swap3A_402 = vector.shape_cast %swap3A_401 : vector<16xi32> to vector<16xi32>
    %swap3A_403 = vector.shape_cast %get3A_399 : vector<16xi32> to vector<16xi32>
    tpu.vector_store %arg15[%swap3A_400], %swap3A_403 {strides = array<i32>} : memref<32xi32, #tpu.memory_space<vmem>>, vector<16xi32>,
    %get3A_404 = arith.constant 16 : index
    %get3A_405 = tpu.vector_load %arg13[%get3A_404] {strides = array<i32>} : memref<32xi32, #tpu.memory_space<vmem>>, vector<16xi32>,
    %get3A_406 = vector.shape_cast %get3A_405 : vector<16xi32> to vector<16xi32>
    %swap3A_407 = arith.constant 16 : index
    %swap3A_408 = tpu.vector_load %arg15[%swap3A_407] {strides = array<i32>} : memref<32xi32, #tpu.memory_space<vmem>>, vector<16xi32>,
    %swap3A_409 = vector.shape_cast %swap3A_408 : vector<16xi32> to vector<16xi32>
    %swap3A_410 = vector.shape_cast %get3A_406 : vector<16xi32> to vector<16xi32>
    tpu.vector_store %arg15[%swap3A_407], %swap3A_410 {strides = array<i32>} : memref<32xi32, #tpu.memory_space<vmem>>, vector<16xi32>,
    %get3A_411 = arith.constant 0 : index
    %get3A_412 = tpu.vector_load %arg17[%get3A_411] {strides = array<i32>} : memref<512xf32, #tpu.memory_space<vmem>>, vector<16xf32>,
    %get3A_413 = vector.shape_cast %get3A_412 : vector<16xf32> to vector<16xf32>
    %swap3A_414 = arith.constant 0 : index
    %swap3A_415 = tpu.vector_load %arg26[%swap3A_414] {strides = array<i32>} : memref<512xf32, #tpu.memory_space<vmem>>, vector<16xf32>,
    %swap3A_416 = vector.shape_cast %swap3A_415 : vector<16xf32> to vector<16xf32>
    %swap3A_417 = vector.shape_cast %get3A_413 : vector<16xf32> to vector<16xf32>
    tpu.vector_store %arg26[%swap3A_414], %swap3A_417 {strides = array<i32>} : memref<512xf32, #tpu.memory_space<vmem>>, vector<16xf32>,
    %get3A_418 = arith.constant 16 : index
    %get3A_419 = tpu.vector_load %arg17[%get3A_418] {strides = array<i32>} : memref<512xf32, #tpu.memory_space<vmem>>, vector<16xf32>,
    %get3A_420 = vector.shape_cast %get3A_419 : vector<16xf32> to vector<16xf32>
    %swap3A_421 = arith.constant 16 : index
    %swap3A_422 = tpu.vector_load %arg26[%swap3A_421] {strides = array<i32>} : memref<512xf32, #tpu.memory_space<vmem>>, vector<16xf32>,
    %swap3A_423 = vector.shape_cast %swap3A_422 : vector<16xf32> to vector<16xf32>
    %swap3A_424 = vector.shape_cast %get3A_420 : vector<16xf32> to vector<16xf32>
    tpu.vector_store %arg26[%swap3A_421], %swap3A_424 {strides = array<i32>} : memref<512xf32, #tpu.memory_space<vmem>>, vector<16xf32>,
    %get3A_425 = arith.constant 32 : index
    %get3A_426 = tpu.vector_load %arg17[%get3A_425] {strides = array<i32>} : memref<512xf32, #tpu.memory_space<vmem>>, vector<16xf32>,
    %get3A_427 = vector.shape_cast %get3A_426 : vector<16xf32> to vector<16xf32>
    %swap3A_428 = arith.constant 32 : index
    %swap3A_429 = tpu.vector_load %arg26[%swap3A_428] {strides = array<i32>} : memref<512xf32, #tpu.memory_space<vmem>>, vector<16xf32>,
    %swap3A_430 = vector.shape_cast %swap3A_429 : vector<16xf32> to vector<16xf32>
    %swap3A_431 = vector.shape_cast %get3A_427 : vector<16xf32> to vector<16xf32>
    tpu.vector_store %arg26[%swap3A_428], %swap3A_431 {strides = array<i32>} : memref<512xf32, #tpu.memory_space<vmem>>, vector<16xf32>,
    %get3A_432 = arith.constant 48 : index
    %get3A_433 = tpu.vector_load %arg17[%get3A_432] {strides = array<i32>} : memref<512xf32, #tpu.memory_space<vmem>>, vector<16xf32>,
    %get3A_434 = vector.shape_cast %get3A_433 : vector<16xf32> to vector<16xf32>
    %swap3A_435 = arith.constant 48 : index
    %swap3A_436 = tpu.vector_load %arg26[%swap3A_435] {strides = array<i32>} : memref<512xf32, #tpu.memory_space<vmem>>, vector<16xf32>,
    %swap3A_437 = vector.shape_cast %swap3A_436 : vector<16xf32> to vector<16xf32>
    %swap3A_438 = vector.shape_cast %get3A_434 : vector<16xf32> to vector<16xf32>
    tpu.vector_store %arg26[%swap3A_435], %swap3A_438 {strides = array<i32>} : memref<512xf32, #tpu.memory_space<vmem>>, vector<16xf32>,
    %get3A_439 = arith.constant 64 : index
    %get3A_440 = tpu.vector_load %arg17[%get3A_439] {strides = array<i32>} : memref<512xf32, #tpu.memory_space<vmem>>, vector<16xf32>,
    %get3A_441 = vector.shape_cast %get3A_440 : vector<16xf32> to vector<16xf32>
    %swap3A_442 = arith.constant 64 : index
    %swap3A_443 = tpu.vector_load %arg26[%swap3A_442] {strides = array<i32>} : memref<512xf32, #tpu.memory_space<vmem>>, vector<16xf32>,
    %swap3A_444 = vector.shape_cast %swap3A_443 : vector<16xf32> to vector<16xf32>
    %swap3A_445 = vector.shape_cast %get3A_441 : vector<16xf32> to vector<16xf32>
    tpu.vector_store %arg26[%swap3A_442], %swap3A_445 {strides = array<i32>} : memref<512xf32, #tpu.memory_space<vmem>>, vector<16xf32>,
    %get3A_446 = arith.constant 80 : index
    %get3A_447 = tpu.vector_load %arg17[%get3A_446] {strides = array<i32>} : memref<512xf32, #tpu.memory_space<vmem>>, vector<16xf32>,
    %get3A_448 = vector.shape_cast %get3A_447 : vector<16xf32> to vector<16xf32>
    %swap3A_449 = arith.constant 80 : index
    %swap3A_450 = tpu.vector_load %arg26[%swap3A_449] {strides = array<i32>} : memref<512xf32, #tpu.memory_space<vmem>>, vector<16xf32>,
    %swap3A_451 = vector.shape_cast %swap3A_450 : vector<16xf32> to vector<16xf32>
    %swap3A_452 = vector.shape_cast %get3A_448 : vector<16xf32> to vector<16xf32>
    tpu.vector_store %arg26[%swap3A_449], %swap3A_452 {strides = array<i32>} : memref<512xf32, #tpu.memory_space<vmem>>, vector<16xf32>,
    %get3A_453 = arith.constant 96 : index
    %get3A_454 = tpu.vector_load %arg17[%get3A_453] {strides = array<i32>} : memref<512xf32, #tpu.memory_space<vmem>>, vector<16xf32>,
    %get3A_455 = vector.shape_cast %get3A_454 : vector<16xf32> to vector<16xf32>
    %swap3A_456 = arith.constant 96 : index
    %swap3A_457 = tpu.vector_load %arg26[%swap3A_456] {strides = array<i32>} : memref<512xf32, #tpu.memory_space<vmem>>, vector<16xf32>,
    %swap3A_458 = vector.shape_cast %swap3A_457 : vector<16xf32> to vector<16xf32>
    %swap3A_459 = vector.shape_cast %get3A_455 : vector<16xf32> to vector<16xf32>
    tpu.vector_store %arg26[%swap3A_456], %swap3A_459 {strides = array<i32>} : memref<512xf32, #tpu.memory_space<vmem>>, vector<16xf32>,
    %get3A_460 = arith.constant 112 : index
    %get3A_461 = tpu.vector_load %arg17[%get3A_460] {strides = array<i32>} : memref<512xf32, #tpu.memory_space<vmem>>, vector<16xf32>,
    %get3A_462 = vector.shape_cast %get3A_461 : vector<16xf32> to vector<16xf32>
    %swap3A_463 = arith.constant 112 : index
    %swap3A_464 = tpu.vector_load %arg26[%swap3A_463] {strides = array<i32>} : memref<512xf32, #tpu.memory_space<vmem>>, vector<16xf32>,
    %swap3A_465 = vector.shape_cast %swap3A_464 : vector<16xf32> to vector<16xf32>
    %swap3A_466 = vector.shape_cast %get3A_462 : vector<16xf32> to vector<16xf32>
    tpu.vector_store %arg26[%swap3A_463], %swap3A_466 {strides = array<i32>} : memref<512xf32, #tpu.memory_space<vmem>>, vector<16xf32>,
    %get3A_467 = arith.constant 128 : index
    %get3A_468 = tpu.vector_load %arg17[%get3A_467] {strides = array<i32>} : memref<512xf32, #tpu.memory_space<vmem>>, vector<16xf32>,
    %get3A_469 = vector.shape_cast %get3A_468 : vector<16xf32> to vector<16xf32>
    %swap3A_470 = arith.constant 128 : index
    %swap3A_471 = tpu.vector_load %arg26[%swap3A_470] {strides = array<i32>} : memref<512xf32, #tpu.memory_space<vmem>>, vector<16xf32>,
    %swap3A_472 = vector.shape_cast %swap3A_471 : vector<16xf32> to vector<16xf32>
    %swap3A_473 = vector.shape_cast %get3A_469 : vector<16xf32> to vector<16xf32>
    tpu.vector_store %arg26[%swap3A_470], %swap3A_473 {strides = array<i32>} : memref<512xf32, #tpu.memory_space<vmem>>, vector<16xf32>,
    %get3A_474 = arith.constant 144 : index
    %get3A_475 = tpu.vector_load %arg17[%get3A_474] {strides = array<i32>} : memref<512xf32, #tpu.memory_space<vmem>>, vector<16xf32>,
    %get3A_476 = vector.shape_cast %get3A_475 : vector<16xf32> to vector<16xf32>
    %swap3A_477 = arith.constant 144 : index
    %swap3A_478 = tpu.vector_load %arg26[%swap3A_477] {strides = array<i32>} : memref<512xf32, #tpu.memory_space<vmem>>, vector<16xf32>,
    %swap3A_479 = vector.shape_cast %swap3A_478 : vector<16xf32> to vector<16xf32>
    %swap3A_480 = vector.shape_cast %get3A_476 : vector<16xf32> to vector<16xf32>
    tpu.vector_store %arg26[%swap3A_477], %swap3A_480 {strides = array<i32>} : memref<512xf32, #tpu.memory_space<vmem>>, vector<16xf32>,
    %get3A_481 = arith.constant 160 : index
    %get3A_482 = tpu.vector_load %arg17[%get3A_481] {strides = array<i32>} : memref<512xf32, #tpu.memory_space<vmem>>, vector<16xf32>,
    %get3A_483 = vector.shape_cast %get3A_482 : vector<16xf32> to vector<16xf32>
    %swap3A_484 = arith.constant 160 : index
    %swap3A_485 = tpu.vector_load %arg26[%swap3A_484] {strides = array<i32>} : memref<512xf32, #tpu.memory_space<vmem>>, vector<16xf32>,
    %swap3A_486 = vector.shape_cast %swap3A_485 : vector<16xf32> to vector<16xf32>
    %swap3A_487 = vector.shape_cast %get3A_483 : vector<16xf32> to vector<16xf32>
    tpu.vector_store %arg26[%swap3A_484], %swap3A_487 {strides = array<i32>} : memref<512xf32, #tpu.memory_space<vmem>>, vector<16xf32>,
    %get3A_488 = arith.constant 176 : index
    %get3A_489 = tpu.vector_load %arg17[%get3A_488] {strides = array<i32>} : memref<512xf32, #tpu.memory_space<vmem>>, vector<16xf32>,
    %get3A_490 = vector.shape_cast %get3A_489 : vector<16xf32> to vector<16xf32>
    %swap3A_491 = arith.constant 176 : index
    %swap3A_492 = tpu.vector_load %arg26[%swap3A_491] {strides = array<i32>} : memref<512xf32, #tpu.memory_space<vmem>>, vector<16xf32>,
    %swap3A_493 = vector.shape_cast %swap3A_492 : vector<16xf32> to vector<16xf32>
    %swap3A_494 = vector.shape_cast %get3A_490 : vector<16xf32> to vector<16xf32>
    tpu.vector_store %arg26[%swap3A_491], %swap3A_494 {strides = array<i32>} : memref<512xf32, #tpu.memory_space<vmem>>, vector<16xf32>,
    %get3A_495 = arith.constant 192 : index
    %get3A_496 = tpu.vector_load %arg17[%get3A_495] {strides = array<i32>} : memref<512xf32, #tpu.memory_space<vmem>>, vector<16xf32>,
    %get3A_497 = vector.shape_cast %get3A_496 : vector<16xf32> to vector<16xf32>
    %swap3A_498 = arith.constant 192 : index
    %swap3A_499 = tpu.vector_load %arg26[%swap3A_498] {strides = array<i32>} : memref<512xf32, #tpu.memory_space<vmem>>, vector<16xf32>,
    %swap3A_500 = vector.shape_cast %swap3A_499 : vector<16xf32> to vector<16xf32>
    %swap3A_501 = vector.shape_cast %get3A_497 : vector<16xf32> to vector<16xf32>
    tpu.vector_store %arg26[%swap3A_498], %swap3A_501 {strides = array<i32>} : memref<512xf32, #tpu.memory_space<vmem>>, vector<16xf32>,
    %get3A_502 = arith.constant 208 : index
    %get3A_503 = tpu.vector_load %arg17[%get3A_502] {strides = array<i32>} : memref<512xf32, #tpu.memory_space<vmem>>, vector<16xf32>,
    %get3A_504 = vector.shape_cast %get3A_503 : vector<16xf32> to vector<16xf32>
    %swap3A_505 = arith.constant 208 : index
    %swap3A_506 = tpu.vector_load %arg26[%swap3A_505] {strides = array<i32>} : memref<512xf32, #tpu.memory_space<vmem>>, vector<16xf32>,
    %swap3A_507 = vector.shape_cast %swap3A_506 : vector<16xf32> to vector<16xf32>
    %swap3A_508 = vector.shape_cast %get3A_504 : vector<16xf32> to vector<16xf32>
    tpu.vector_store %arg26[%swap3A_505], %swap3A_508 {strides = array<i32>} : memref<512xf32, #tpu.memory_space<vmem>>, vector<16xf32>,
    %get3A_509 = arith.constant 224 : index
    %get3A_510 = tpu.vector_load %arg17[%get3A_509] {strides = array<i32>} : memref<512xf32, #tpu.memory_space<vmem>>, vector<16xf32>,
    %get3A_511 = vector.shape_cast %get3A_510 : vector<16xf32> to vector<16xf32>
    %swap3A_512 = arith.constant 224 : index
    %swap3A_513 = tpu.vector_load %arg26[%swap3A_512] {strides = array<i32>} : memref<512xf32, #tpu.memory_space<vmem>>, vector<16xf32>,
    %swap3A_514 = vector.shape_cast %swap3A_513 : vector<16xf32> to vector<16xf32>
    %swap3A_515 = vector.shape_cast %get3A_511 : vector<16xf32> to vector<16xf32>
    tpu.vector_store %arg26[%swap3A_512], %swap3A_515 {strides = array<i32>} : memref<512xf32, #tpu.memory_space<vmem>>, vector<16xf32>,
    %get3A_516 = arith.constant 240 : index
    %get3A_517 = tpu.vector_load %arg17[%get3A_516] {strides = array<i32>} : memref<512xf32, #tpu.memory_space<vmem>>, vector<16xf32>,
    %get3A_518 = vector.shape_cast %get3A_517 : vector<16xf32> to vector<16xf32>
    %swap3A_519 = arith.constant 240 : index
    %swap3A_520 = tpu.vector_load %arg26[%swap3A_519] {strides = array<i32>} : memref<512xf32, #tpu.memory_space<vmem>>, vector<16xf32>,
    %swap3A_521 = vector.shape_cast %swap3A_520 : vector<16xf32> to vector<16xf32>
    %swap3A_522 = vector.shape_cast %get3A_518 : vector<16xf32> to vector<16xf32>
    tpu.vector_store %arg26[%swap3A_519], %swap3A_522 {strides = array<i32>} : memref<512xf32, #tpu.memory_space<vmem>>, vector<16xf32>,
    %get3A_523 = arith.constant 256 : index
    %get3A_524 = tpu.vector_load %arg17[%get3A_523] {strides = array<i32>} : memref<512xf32, #tpu.memory_space<vmem>>, vector<16xf32>,
    %get3A_525 = vector.shape_cast %get3A_524 : vector<16xf32> to vector<16xf32>
    %swap3A_526 = arith.constant 256 : index
    %swap3A_527 = tpu.vector_load %arg26[%swap3A_526] {strides = array<i32>} : memref<512xf32, #tpu.memory_space<vmem>>, vector<16xf32>,
    %swap3A_528 = vector.shape_cast %swap3A_527 : vector<16xf32> to vector<16xf32>
    %swap3A_529 = vector.shape_cast %get3A_525 : vector<16xf32> to vector<16xf32>
    tpu.vector_store %arg26[%swap3A_526], %swap3A_529 {strides = array<i32>} : memref<512xf32, #tpu.memory_space<vmem>>, vector<16xf32>,
    %get3A_530 = arith.constant 272 : index
    %get3A_531 = tpu.vector_load %arg17[%get3A_530] {strides = array<i32>} : memref<512xf32, #tpu.memory_space<vmem>>, vector<16xf32>,
    %get3A_532 = vector.shape_cast %get3A_531 : vector<16xf32> to vector<16xf32>
    %swap3A_533 = arith.constant 272 : index
    %swap3A_534 = tpu.vector_load %arg26[%swap3A_533] {strides = array<i32>} : memref<512xf32, #tpu.memory_space<vmem>>, vector<16xf32>,
    %swap3A_535 = vector.shape_cast %swap3A_534 : vector<16xf32> to vector<16xf32>
    %swap3A_536 = vector.shape_cast %get3A_532 : vector<16xf32> to vector<16xf32>
    tpu.vector_store %arg26[%swap3A_533], %swap3A_536 {strides = array<i32>} : memref<512xf32, #tpu.memory_space<vmem>>, vector<16xf32>,
    %get3A_537 = arith.constant 288 : index
    %get3A_538 = tpu.vector_load %arg17[%get3A_537] {strides = array<i32>} : memref<512xf32, #tpu.memory_space<vmem>>, vector<16xf32>,
    %get3A_539 = vector.shape_cast %get3A_538 : vector<16xf32> to vector<16xf32>
    %swap3A_540 = arith.constant 288 : index
    %swap3A_541 = tpu.vector_load %arg26[%swap3A_540] {strides = array<i32>} : memref<512xf32, #tpu.memory_space<vmem>>, vector<16xf32>,
    %swap3A_542 = vector.shape_cast %swap3A_541 : vector<16xf32> to vector<16xf32>
    %swap3A_543 = vector.shape_cast %get3A_539 : vector<16xf32> to vector<16xf32>
    tpu.vector_store %arg26[%swap3A_540], %swap3A_543 {strides = array<i32>} : memref<512xf32, #tpu.memory_space<vmem>>, vector<16xf32>,
    %get3A_544 = arith.constant 304 : index
    %get3A_545 = tpu.vector_load %arg17[%get3A_544] {strides = array<i32>} : memref<512xf32, #tpu.memory_space<vmem>>, vector<16xf32>,
    %get3A_546 = vector.shape_cast %get3A_545 : vector<16xf32> to vector<16xf32>
    %swap3A_547 = arith.constant 304 : index
    %swap3A_548 = tpu.vector_load %arg26[%swap3A_547] {strides = array<i32>} : memref<512xf32, #tpu.memory_space<vmem>>, vector<16xf32>,
    %swap3A_549 = vector.shape_cast %swap3A_548 : vector<16xf32> to vector<16xf32>
    %swap3A_550 = vector.shape_cast %get3A_546 : vector<16xf32> to vector<16xf32>
    tpu.vector_store %arg26[%swap3A_547], %swap3A_550 {strides = array<i32>} : memref<512xf32, #tpu.memory_space<vmem>>, vector<16xf32>,
    %get3A_551 = arith.constant 320 : index
    %get3A_552 = tpu.vector_load %arg17[%get3A_551] {strides = array<i32>} : memref<512xf32, #tpu.memory_space<vmem>>, vector<16xf32>,
    %get3A_553 = vector.shape_cast %get3A_552 : vector<16xf32> to vector<16xf32>
    %swap3A_554 = arith.constant 320 : index
    %swap3A_555 = tpu.vector_load %arg26[%swap3A_554] {strides = array<i32>} : memref<512xf32, #tpu.memory_space<vmem>>, vector<16xf32>,
    %swap3A_556 = vector.shape_cast %swap3A_555 : vector<16xf32> to vector<16xf32>
    %swap3A_557 = vector.shape_cast %get3A_553 : vector<16xf32> to vector<16xf32>
    tpu.vector_store %arg26[%swap3A_554], %swap3A_557 {strides = array<i32>} : memref<512xf32, #tpu.memory_space<vmem>>, vector<16xf32>,
    %get3A_558 = arith.constant 336 : index
    %get3A_559 = tpu.vector_load %arg17[%get3A_558] {strides = array<i32>} : memref<512xf32, #tpu.memory_space<vmem>>, vector<16xf32>,
    %get3A_560 = vector.shape_cast %get3A_559 : vector<16xf32> to vector<16xf32>
    %swap3A_561 = arith.constant 336 : index
    %swap3A_562 = tpu.vector_load %arg26[%swap3A_561] {strides = array<i32>} : memref<512xf32, #tpu.memory_space<vmem>>, vector<16xf32>,
    %swap3A_563 = vector.shape_cast %swap3A_562 : vector<16xf32> to vector<16xf32>
    %swap3A_564 = vector.shape_cast %get3A_560 : vector<16xf32> to vector<16xf32>
    tpu.vector_store %arg26[%swap3A_561], %swap3A_564 {strides = array<i32>} : memref<512xf32, #tpu.memory_space<vmem>>, vector<16xf32>,
    %get3A_565 = arith.constant 352 : index
    %get3A_566 = tpu.vector_load %arg17[%get3A_565] {strides = array<i32>} : memref<512xf32, #tpu.memory_space<vmem>>, vector<16xf32>,
    %get3A_567 = vector.shape_cast %get3A_566 : vector<16xf32> to vector<16xf32>
    %swap3A_568 = arith.constant 352 : index
    %swap3A_569 = tpu.vector_load %arg26[%swap3A_568] {strides = array<i32>} : memref<512xf32, #tpu.memory_space<vmem>>, vector<16xf32>,
    %swap3A_570 = vector.shape_cast %swap3A_569 : vector<16xf32> to vector<16xf32>
    %swap3A_571 = vector.shape_cast %get3A_567 : vector<16xf32> to vector<16xf32>
    tpu.vector_store %arg26[%swap3A_568], %swap3A_571 {strides = array<i32>} : memref<512xf32, #tpu.memory_space<vmem>>, vector<16xf32>,
    %get3A_572 = arith.constant 368 : index
    %get3A_573 = tpu.vector_load %arg17[%get3A_572] {strides = array<i32>} : memref<512xf32, #tpu.memory_space<vmem>>, vector<16xf32>,
    %get3A_574 = vector.shape_cast %get3A_573 : vector<16xf32> to vector<16xf32>
    %swap3A_575 = arith.constant 368 : index
    %swap3A_576 = tpu.vector_load %arg26[%swap3A_575] {strides = array<i32>} : memref<512xf32, #tpu.memory_space<vmem>>, vector<16xf32>,
    %swap3A_577 = vector.shape_cast %swap3A_576 : vector<16xf32> to vector<16xf32>
    %swap3A_578 = vector.shape_cast %get3A_574 : vector<16xf32> to vector<16xf32>
    tpu.vector_store %arg26[%swap3A_575], %swap3A_578 {strides = array<i32>} : memref<512xf32, #tpu.memory_space<vmem>>, vector<16xf32>,
    %get3A_579 = arith.constant 384 : index
    %get3A_580 = tpu.vector_load %arg17[%get3A_579] {strides = array<i32>} : memref<512xf32, #tpu.memory_space<vmem>>, vector<16xf32>,
    %get3A_581 = vector.shape_cast %get3A_580 : vector<16xf32> to vector<16xf32>
    %swap3A_582 = arith.constant 384 : index
    %swap3A_583 = tpu.vector_load %arg26[%swap3A_582] {strides = array<i32>} : memref<512xf32, #tpu.memory_space<vmem>>, vector<16xf32>,
    %swap3A_584 = vector.shape_cast %swap3A_583 : vector<16xf32> to vector<16xf32>
    %swap3A_585 = vector.shape_cast %get3A_581 : vector<16xf32> to vector<16xf32>
    tpu.vector_store %arg26[%swap3A_582], %swap3A_585 {strides = array<i32>} : memref<512xf32, #tpu.memory_space<vmem>>, vector<16xf32>,
    %get3A_586 = arith.constant 400 : index
    %get3A_587 = tpu.vector_load %arg17[%get3A_586] {strides = array<i32>} : memref<512xf32, #tpu.memory_space<vmem>>, vector<16xf32>,
    %get3A_588 = vector.shape_cast %get3A_587 : vector<16xf32> to vector<16xf32>
    %swap3A_589 = arith.constant 400 : index
    %swap3A_590 = tpu.vector_load %arg26[%swap3A_589] {strides = array<i32>} : memref<512xf32, #tpu.memory_space<vmem>>, vector<16xf32>,
    %swap3A_591 = vector.shape_cast %swap3A_590 : vector<16xf32> to vector<16xf32>
    %swap3A_592 = vector.shape_cast %get3A_588 : vector<16xf32> to vector<16xf32>
    tpu.vector_store %arg26[%swap3A_589], %swap3A_592 {strides = array<i32>} : memref<512xf32, #tpu.memory_space<vmem>>, vector<16xf32>,
    %get3A_593 = arith.constant 416 : index
    %get3A_594 = tpu.vector_load %arg17[%get3A_593] {strides = array<i32>} : memref<512xf32, #tpu.memory_space<vmem>>, vector<16xf32>,
    %get3A_595 = vector.shape_cast %get3A_594 : vector<16xf32> to vector<16xf32>
    %swap3A_596 = arith.constant 416 : index
    %swap3A_597 = tpu.vector_load %arg26[%swap3A_596] {strides = array<i32>} : memref<512xf32, #tpu.memory_space<vmem>>, vector<16xf32>,
    %swap3A_598 = vector.shape_cast %swap3A_597 : vector<16xf32> to vector<16xf32>
    %swap3A_599 = vector.shape_cast %get3A_595 : vector<16xf32> to vector<16xf32>
    tpu.vector_store %arg26[%swap3A_596], %swap3A_599 {strides = array<i32>} : memref<512xf32, #tpu.memory_space<vmem>>, vector<16xf32>,
    %get3A_600 = arith.constant 432 : index
    %get3A_601 = tpu.vector_load %arg17[%get3A_600] {strides = array<i32>} : memref<512xf32, #tpu.memory_space<vmem>>, vector<16xf32>,
    %get3A_602 = vector.shape_cast %get3A_601 : vector<16xf32> to vector<16xf32>
    %swap3A_603 = arith.constant 432 : index
    %swap3A_604 = tpu.vector_load %arg26[%swap3A_603] {strides = array<i32>} : memref<512xf32, #tpu.memory_space<vmem>>, vector<16xf32>,
    %swap3A_605 = vector.shape_cast %swap3A_604 : vector<16xf32> to vector<16xf32>
    %swap3A_606 = vector.shape_cast %get3A_602 : vector<16xf32> to vector<16xf32>
    tpu.vector_store %arg26[%swap3A_603], %swap3A_606 {strides = array<i32>} : memref<512xf32, #tpu.memory_space<vmem>>, vector<16xf32>,
    %get3A_607 = arith.constant 448 : index
    %get3A_608 = tpu.vector_load %arg17[%get3A_607] {strides = array<i32>} : memref<512xf32, #tpu.memory_space<vmem>>, vector<16xf32>,
    %get3A_609 = vector.shape_cast %get3A_608 : vector<16xf32> to vector<16xf32>
    %swap3A_610 = arith.constant 448 : index
    %swap3A_611 = tpu.vector_load %arg26[%swap3A_610] {strides = array<i32>} : memref<512xf32, #tpu.memory_space<vmem>>, vector<16xf32>,
    %swap3A_612 = vector.shape_cast %swap3A_611 : vector<16xf32> to vector<16xf32>
    %swap3A_613 = vector.shape_cast %get3A_609 : vector<16xf32> to vector<16xf32>
    tpu.vector_store %arg26[%swap3A_610], %swap3A_613 {strides = array<i32>} : memref<512xf32, #tpu.memory_space<vmem>>, vector<16xf32>,
    %get3A_614 = arith.constant 464 : index
    %get3A_615 = tpu.vector_load %arg17[%get3A_614] {strides = array<i32>} : memref<512xf32, #tpu.memory_space<vmem>>, vector<16xf32>,
    %get3A_616 = vector.shape_cast %get3A_615 : vector<16xf32> to vector<16xf32>
    %swap3A_617 = arith.constant 464 : index
    %swap3A_618 = tpu.vector_load %arg26[%swap3A_617] {strides = array<i32>} : memref<512xf32, #tpu.memory_space<vmem>>, vector<16xf32>,
    %swap3A_619 = vector.shape_cast %swap3A_618 : vector<16xf32> to vector<16xf32>
    %swap3A_620 = vector.shape_cast %get3A_616 : vector<16xf32> to vector<16xf32>
    tpu.vector_store %arg26[%swap3A_617], %swap3A_620 {strides = array<i32>} : memref<512xf32, #tpu.memory_space<vmem>>, vector<16xf32>,
    %get3A_621 = arith.constant 480 : index
    %get3A_622 = tpu.vector_load %arg17[%get3A_621] {strides = array<i32>} : memref<512xf32, #tpu.memory_space<vmem>>, vector<16xf32>,
    %get3A_623 = vector.shape_cast %get3A_622 : vector<16xf32> to vector<16xf32>
    %swap3A_624 = arith.constant 480 : index
    %swap3A_625 = tpu.vector_load %arg26[%swap3A_624] {strides = array<i32>} : memref<512xf32, #tpu.memory_space<vmem>>, vector<16xf32>,
    %swap3A_626 = vector.shape_cast %swap3A_625 : vector<16xf32> to vector<16xf32>
    %swap3A_627 = vector.shape_cast %get3A_623 : vector<16xf32> to vector<16xf32>
    tpu.vector_store %arg26[%swap3A_624], %swap3A_627 {strides = array<i32>} : memref<512xf32, #tpu.memory_space<vmem>>, vector<16xf32>,
    %get3A_628 = arith.constant 496 : index
    %get3A_629 = tpu.vector_load %arg17[%get3A_628] {strides = array<i32>} : memref<512xf32, #tpu.memory_space<vmem>>, vector<16xf32>,
    %get3A_630 = vector.shape_cast %get3A_629 : vector<16xf32> to vector<16xf32>
    %swap3A_631 = arith.constant 496 : index
    %swap3A_632 = tpu.vector_load %arg26[%swap3A_631] {strides = array<i32>} : memref<512xf32, #tpu.memory_space<vmem>>, vector<16xf32>,
    %swap3A_633 = vector.shape_cast %swap3A_632 : vector<16xf32> to vector<16xf32>
    %swap3A_634 = vector.shape_cast %get3A_630 : vector<16xf32> to vector<16xf32>
    tpu.vector_store %arg26[%swap3A_631], %swap3A_634 {strides = array<i32>} : memref<512xf32, #tpu.memory_space<vmem>>, vector<16xf32>,
    %mul3A_635 = arith.constant 10048 : i32
    %mul3A_636 = arith.muli %add3A, %mul3A_635 : i32
    %add3A_637 = arith.constant 96 : i32
    %add3A_638 = arith.addi %mul3A_636, %add3A_637 : i32
    %multiple_of3A_639 = tpu.assume_multiple %add3A_638, 32 : i32
    %mul3A_640 = arith.constant 10048 : i32
    %mul3A_641 = arith.muli %add3A, %mul3A_640 : i32
    %add3A_642 = arith.constant 96 : i32
    %add3A_643 = arith.addi %mul3A_641, %add3A_642 : i32
    %mul3A_644 = arith.constant 16 : i32
    %mul3A_645 = arith.muli %add3A_643, %mul3A_644 : i32
    %multiple_of3A_646 = tpu.assume_multiple %mul3A_645, 512 : i32
    %dma_start3A_647 = tpu.memref_slice %arg5[%multiple_of3A_639] : memref<321536xi32, #tpu.memory_space<hbm>> -> memref<32xi32, #tpu.memory_space<hbm>>
    %dma_start3A_648 = tpu.memref_slice %arg5[%multiple_of3A_639] : memref<321536xi32, #tpu.memory_space<hbm>> -> memref<32xi32, #tpu.memory_space<hbm>>
    tpu.enqueue_dma source(%dma_start3A_648 : memref<32xi32, #tpu.memory_space<hbm>>) target(%arg11 : memref<32xi32, #tpu.memory_space<vmem>>) target_semaphore(%arg28 : memref<!tpu.dma_semaphore, #tpu.memory_space<semaphore_mem>>)
    %dma_start3A_649 = tpu.memref_slice %arg6[%multiple_of3A_639] : memref<321536xi32, #tpu.memory_space<hbm>> -> memref<32xi32, #tpu.memory_space<hbm>>
    %dma_start3A_650 = tpu.memref_slice %arg6[%multiple_of3A_639] : memref<321536xi32, #tpu.memory_space<hbm>> -> memref<32xi32, #tpu.memory_space<hbm>>
    tpu.enqueue_dma source(%dma_start3A_650 : memref<32xi32, #tpu.memory_space<hbm>>) target(%arg13 : memref<32xi32, #tpu.memory_space<vmem>>) target_semaphore(%arg28 : memref<!tpu.dma_semaphore, #tpu.memory_space<semaphore_mem>>)
    %dma_start3A_651 = tpu.memref_slice %arg7[%multiple_of3A_646] : memref<5144576xf32, #tpu.memory_space<hbm>> -> memref<512xf32, #tpu.memory_space<hbm>>
    %dma_start3A_652 = tpu.memref_slice %arg7[%multiple_of3A_646] : memref<5144576xf32, #tpu.memory_space<hbm>> -> memref<512xf32, #tpu.memory_space<hbm>>
    tpu.enqueue_dma source(%dma_start3A_652 : memref<512xf32, #tpu.memory_space<hbm>>) target(%arg17 : memref<512xf32, #tpu.memory_space<vmem>>) target_semaphore(%arg28 : memref<!tpu.dma_semaphore, #tpu.memory_space<semaphore_mem>>)
    %scan3A_653 = arith.constant 0 : i32
    %scan3A_654 = arith.constant 0 : i32
    %scan3A_655 = arith.constant 32 : i32
    %scan3A_656 = arith.addi %scan3A_654, %scan3A_655 : i32
    %scan3A_657 = arith.constant 1 : i32
    scf.for %scan3A_1220 = %scan3A_654 to %scan3A_656 step %scan3A_657  : i32 {
      %mul3A_1221 = arith.constant 16 : i32
      %mul3A_1222 = arith.muli %scan3A_1220, %mul3A_1221 : i32
      %get3A_1223 = arith.index_cast %mul3A_1222 : i32 to index
      %get3A_1224 = tpu.vector_load %arg26[%get3A_1223] {strides = array<i32>} : memref<512xf32, #tpu.memory_space<vmem>>, vector<16xf32>,
      %get3A_1225 = vector.shape_cast %get3A_1224 : vector<16xf32> to vector<16xf32>
      %get3A_1226 = arith.index_cast %scan3A_1220 : i32 to index
      %get3A_1227 = arith.constant 0 : index
      %get3A_1228 = tpu.vector_load %arg19[%get3A_1226, %get3A_1227] {strides = array<i32>} : memref<32x128xf32, #tpu.memory_space<vmem>>, vector<1x16xf32>,
      %get3A_1229 = vector.shape_cast %get3A_1228 : vector<1x16xf32> to vector<16xf32>
      %get3A_1230 = arith.index_cast %scan3A_1220 : i32 to index
      %get3A_1231 = arith.constant 0 : index
      %get3A_1232 = tpu.vector_load %arg21[%get3A_1230, %get3A_1231] {strides = array<i32>} : memref<32x128xf32, #tpu.memory_space<vmem>>, vector<1x16xf32>,
      %get3A_1233 = vector.shape_cast %get3A_1232 : vector<1x16xf32> to vector<16xf32>
      %add3A_1234 = arith.addf %get3A_1229, %get3A_1233 : vector<16xf32>
      %neg3A = arith.constant 0.000000e+00 : f32
      %neg3A_1235 = vector.broadcast %neg3A : f32 to vector<16xf32>
      %neg3A_1236 = arith.subf %neg3A_1235, %add3A_1234 : vector<16xf32>
      %exp3A = math.exp %neg3A_1236 : vector<16xf32>
      %add3A_1237 = arith.constant 1.000000e+00 : f32
      %add3A_1238 = vector.broadcast %add3A_1237 : f32 to vector<16xf32>
      %add3A_1239 = arith.addf %add3A_1238, %exp3A : vector<16xf32>
      %div3A = arith.constant 1.000000e+00 : f32
      %div3A_1240 = vector.broadcast %div3A : f32 to vector<16xf32>
      %div3A_1241 = arith.divf %div3A_1240, %add3A_1239 : vector<16xf32>
      %get3A_1242 = arith.index_cast %scan3A_1220 : i32 to index
      %get3A_1243 = arith.constant 0 : index
      %get3A_1244 = tpu.vector_load %arg23[%get3A_1242, %get3A_1243] {strides = array<i32>} : memref<32x128xf32, #tpu.memory_space<vmem>>, vector<1x16xf32>,
      %get3A_1245 = vector.shape_cast %get3A_1244 : vector<1x16xf32> to vector<16xf32>
      %mul3A_1246 = arith.mulf %div3A_1241, %get3A_1245 : vector<16xf32>
      %mul3A_1247 = arith.mulf %mul3A_1246, %get3A_1225 : vector<16xf32>
      %swap3A_1248 = arith.index_cast %scan3A_1220 : i32 to index
      %swap3A_1249 = arith.constant 0 : index
      %swap3A_1250 = tpu.vector_load %arg25[%swap3A_1248, %swap3A_1249] {strides = array<i32>} : memref<32x128xf32, #tpu.memory_space<vmem>>, vector<1x16xf32>,
      %swap3A_1251 = vector.shape_cast %swap3A_1250 : vector<1x16xf32> to vector<16xf32>
      %swap3A_1252 = vector.shape_cast %mul3A_1247 : vector<16xf32> to vector<1x16xf32>
      tpu.vector_store %arg25[%swap3A_1248, %swap3A_1249], %swap3A_1252 {strides = array<i32>} : memref<32x128xf32, #tpu.memory_space<vmem>>, vector<1x16xf32>,
      %get3A_1253 = arith.index_cast %scan3A_1220 : i32 to index
      %get3A_1254 = arith.constant 16 : index
      %get3A_1255 = tpu.vector_load %arg19[%get3A_1253, %get3A_1254] {strides = array<i32>} : memref<32x128xf32, #tpu.memory_space<vmem>>, vector<1x16xf32>,
      %get3A_1256 = vector.shape_cast %get3A_1255 : vector<1x16xf32> to vector<16xf32>
      %get3A_1257 = arith.index_cast %scan3A_1220 : i32 to index
      %get3A_1258 = arith.constant 16 : index
      %get3A_1259 = tpu.vector_load %arg21[%get3A_1257, %get3A_1258] {strides = array<i32>} : memref<32x128xf32, #tpu.memory_space<vmem>>, vector<1x16xf32>,
      %get3A_1260 = vector.shape_cast %get3A_1259 : vector<1x16xf32> to vector<16xf32>
      %add3A_1261 = arith.addf %get3A_1256, %get3A_1260 : vector<16xf32>
      %neg3A_1262 = arith.constant 0.000000e+00 : f32
      %neg3A_1263 = vector.broadcast %neg3A_1262 : f32 to vector<16xf32>
      %neg3A_1264 = arith.subf %neg3A_1263, %add3A_1261 : vector<16xf32>
      %exp3A_1265 = math.exp %neg3A_1264 : vector<16xf32>
      %add3A_1266 = arith.constant 1.000000e+00 : f32
      %add3A_1267 = vector.broadcast %add3A_1266 : f32 to vector<16xf32>
      %add3A_1268 = arith.addf %add3A_1267, %exp3A_1265 : vector<16xf32>
      %div3A_1269 = arith.constant 1.000000e+00 : f32
      %div3A_1270 = vector.broadcast %div3A_1269 : f32 to vector<16xf32>
      %div3A_1271 = arith.divf %div3A_1270, %add3A_1268 : vector<16xf32>
      %get3A_1272 = arith.index_cast %scan3A_1220 : i32 to index
      %get3A_1273 = arith.constant 16 : index
      %get3A_1274 = tpu.vector_load %arg23[%get3A_1272, %get3A_1273] {strides = array<i32>} : memref<32x128xf32, #tpu.memory_space<vmem>>, vector<1x16xf32>,
      %get3A_1275 = vector.shape_cast %get3A_1274 : vector<1x16xf32> to vector<16xf32>
      %mul3A_1276 = arith.mulf %div3A_1271, %get3A_1275 : vector<16xf32>
      %mul3A_1277 = arith.mulf %mul3A_1276, %get3A_1225 : vector<16xf32>
      %swap3A_1278 = arith.index_cast %scan3A_1220 : i32 to index
      %swap3A_1279 = arith.constant 16 : index
      %swap3A_1280 = tpu.vector_load %arg25[%swap3A_1278, %swap3A_1279] {strides = array<i32>} : memref<32x128xf32, #tpu.memory_space<vmem>>, vector<1x16xf32>,
      %swap3A_1281 = vector.shape_cast %swap3A_1280 : vector<1x16xf32> to vector<16xf32>
      %swap3A_1282 = vector.shape_cast %mul3A_1277 : vector<16xf32> to vector<1x16xf32>
      tpu.vector_store %arg25[%swap3A_1278, %swap3A_1279], %swap3A_1282 {strides = array<i32>} : memref<32x128xf32, #tpu.memory_space<vmem>>, vector<1x16xf32>,
      %get3A_1283 = arith.index_cast %scan3A_1220 : i32 to index
      %get3A_1284 = arith.constant 32 : index
      %get3A_1285 = tpu.vector_load %arg19[%get3A_1283, %get3A_1284] {strides = array<i32>} : memref<32x128xf32, #tpu.memory_space<vmem>>, vector<1x16xf32>,
      %get3A_1286 = vector.shape_cast %get3A_1285 : vector<1x16xf32> to vector<16xf32>
      %get3A_1287 = arith.index_cast %scan3A_1220 : i32 to index
      %get3A_1288 = arith.constant 32 : index
      %get3A_1289 = tpu.vector_load %arg21[%get3A_1287, %get3A_1288] {strides = array<i32>} : memref<32x128xf32, #tpu.memory_space<vmem>>, vector<1x16xf32>,
      %get3A_1290 = vector.shape_cast %get3A_1289 : vector<1x16xf32> to vector<16xf32>
      %add3A_1291 = arith.addf %get3A_1286, %get3A_1290 : vector<16xf32>
      %neg3A_1292 = arith.constant 0.000000e+00 : f32
      %neg3A_1293 = vector.broadcast %neg3A_1292 : f32 to vector<16xf32>
      %neg3A_1294 = arith.subf %neg3A_1293, %add3A_1291 : vector<16xf32>
      %exp3A_1295 = math.exp %neg3A_1294 : vector<16xf32>
      %add3A_1296 = arith.constant 1.000000e+00 : f32
      %add3A_1297 = vector.broadcast %add3A_1296 : f32 to vector<16xf32>
      %add3A_1298 = arith.addf %add3A_1297, %exp3A_1295 : vector<16xf32>
      %div3A_1299 = arith.constant 1.000000e+00 : f32
      %div3A_1300 = vector.broadcast %div3A_1299 : f32 to vector<16xf32>
      %div3A_1301 = arith.divf %div3A_1300, %add3A_1298 : vector<16xf32>
      %get3A_1302 = arith.index_cast %scan3A_1220 : i32 to index
      %get3A_1303 = arith.constant 32 : index
      %get3A_1304 = tpu.vector_load %arg23[%get3A_1302, %get3A_1303] {strides = array<i32>} : memref<32x128xf32, #tpu.memory_space<vmem>>, vector<1x16xf32>,
      %get3A_1305 = vector.shape_cast %get3A_1304 : vector<1x16xf32> to vector<16xf32>
      %mul3A_1306 = arith.mulf %div3A_1301, %get3A_1305 : vector<16xf32>
      %mul3A_1307 = arith.mulf %mul3A_1306, %get3A_1225 : vector<16xf32>
      %swap3A_1308 = arith.index_cast %scan3A_1220 : i32 to index
      %swap3A_1309 = arith.constant 32 : index
      %swap3A_1310 = tpu.vector_load %arg25[%swap3A_1308, %swap3A_1309] {strides = array<i32>} : memref<32x128xf32, #tpu.memory_space<vmem>>, vector<1x16xf32>,
      %swap3A_1311 = vector.shape_cast %swap3A_1310 : vector<1x16xf32> to vector<16xf32>
      %swap3A_1312 = vector.shape_cast %mul3A_1307 : vector<16xf32> to vector<1x16xf32>
      tpu.vector_store %arg25[%swap3A_1308, %swap3A_1309], %swap3A_1312 {strides = array<i32>} : memref<32x128xf32, #tpu.memory_space<vmem>>, vector<1x16xf32>,
      %get3A_1313 = arith.index_cast %scan3A_1220 : i32 to index
      %get3A_1314 = arith.constant 48 : index
      %get3A_1315 = tpu.vector_load %arg19[%get3A_1313, %get3A_1314] {strides = array<i32>} : memref<32x128xf32, #tpu.memory_space<vmem>>, vector<1x16xf32>,
      %get3A_1316 = vector.shape_cast %get3A_1315 : vector<1x16xf32> to vector<16xf32>
      %get3A_1317 = arith.index_cast %scan3A_1220 : i32 to index
      %get3A_1318 = arith.constant 48 : index
      %get3A_1319 = tpu.vector_load %arg21[%get3A_1317, %get3A_1318] {strides = array<i32>} : memref<32x128xf32, #tpu.memory_space<vmem>>, vector<1x16xf32>,
      %get3A_1320 = vector.shape_cast %get3A_1319 : vector<1x16xf32> to vector<16xf32>
      %add3A_1321 = arith.addf %get3A_1316, %get3A_1320 : vector<16xf32>
      %neg3A_1322 = arith.constant 0.000000e+00 : f32
      %neg3A_1323 = vector.broadcast %neg3A_1322 : f32 to vector<16xf32>
      %neg3A_1324 = arith.subf %neg3A_1323, %add3A_1321 : vector<16xf32>
      %exp3A_1325 = math.exp %neg3A_1324 : vector<16xf32>
      %add3A_1326 = arith.constant 1.000000e+00 : f32
      %add3A_1327 = vector.broadcast %add3A_1326 : f32 to vector<16xf32>
      %add3A_1328 = arith.addf %add3A_1327, %exp3A_1325 : vector<16xf32>
      %div3A_1329 = arith.constant 1.000000e+00 : f32
      %div3A_1330 = vector.broadcast %div3A_1329 : f32 to vector<16xf32>
      %div3A_1331 = arith.divf %div3A_1330, %add3A_1328 : vector<16xf32>
      %get3A_1332 = arith.index_cast %scan3A_1220 : i32 to index
      %get3A_1333 = arith.constant 48 : index
      %get3A_1334 = tpu.vector_load %arg23[%get3A_1332, %get3A_1333] {strides = array<i32>} : memref<32x128xf32, #tpu.memory_space<vmem>>, vector<1x16xf32>,
      %get3A_1335 = vector.shape_cast %get3A_1334 : vector<1x16xf32> to vector<16xf32>
      %mul3A_1336 = arith.mulf %div3A_1331, %get3A_1335 : vector<16xf32>
      %mul3A_1337 = arith.mulf %mul3A_1336, %get3A_1225 : vector<16xf32>
      %swap3A_1338 = arith.index_cast %scan3A_1220 : i32 to index
      %swap3A_1339 = arith.constant 48 : index
      %swap3A_1340 = tpu.vector_load %arg25[%swap3A_1338, %swap3A_1339] {strides = array<i32>} : memref<32x128xf32, #tpu.memory_space<vmem>>, vector<1x16xf32>,
      %swap3A_1341 = vector.shape_cast %swap3A_1340 : vector<1x16xf32> to vector<16xf32>
      %swap3A_1342 = vector.shape_cast %mul3A_1337 : vector<16xf32> to vector<1x16xf32>
      tpu.vector_store %arg25[%swap3A_1338, %swap3A_1339], %swap3A_1342 {strides = array<i32>} : memref<32x128xf32, #tpu.memory_space<vmem>>, vector<1x16xf32>,
      %get3A_1343 = arith.index_cast %scan3A_1220 : i32 to index
      %get3A_1344 = arith.constant 64 : index
      %get3A_1345 = tpu.vector_load %arg19[%get3A_1343, %get3A_1344] {strides = array<i32>} : memref<32x128xf32, #tpu.memory_space<vmem>>, vector<1x16xf32>,
      %get3A_1346 = vector.shape_cast %get3A_1345 : vector<1x16xf32> to vector<16xf32>
      %get3A_1347 = arith.index_cast %scan3A_1220 : i32 to index
      %get3A_1348 = arith.constant 64 : index
      %get3A_1349 = tpu.vector_load %arg21[%get3A_1347, %get3A_1348] {strides = array<i32>} : memref<32x128xf32, #tpu.memory_space<vmem>>, vector<1x16xf32>,
      %get3A_1350 = vector.shape_cast %get3A_1349 : vector<1x16xf32> to vector<16xf32>
      %add3A_1351 = arith.addf %get3A_1346, %get3A_1350 : vector<16xf32>
      %neg3A_1352 = arith.constant 0.000000e+00 : f32
      %neg3A_1353 = vector.broadcast %neg3A_1352 : f32 to vector<16xf32>
      %neg3A_1354 = arith.subf %neg3A_1353, %add3A_1351 : vector<16xf32>
      %exp3A_1355 = math.exp %neg3A_1354 : vector<16xf32>
      %add3A_1356 = arith.constant 1.000000e+00 : f32
      %add3A_1357 = vector.broadcast %add3A_1356 : f32 to vector<16xf32>
      %add3A_1358 = arith.addf %add3A_1357, %exp3A_1355 : vector<16xf32>
      %div3A_1359 = arith.constant 1.000000e+00 : f32
      %div3A_1360 = vector.broadcast %div3A_1359 : f32 to vector<16xf32>
      %div3A_1361 = arith.divf %div3A_1360, %add3A_1358 : vector<16xf32>
      %get3A_1362 = arith.index_cast %scan3A_1220 : i32 to index
      %get3A_1363 = arith.constant 64 : index
      %get3A_1364 = tpu.vector_load %arg23[%get3A_1362, %get3A_1363] {strides = array<i32>} : memref<32x128xf32, #tpu.memory_space<vmem>>, vector<1x16xf32>,
      %get3A_1365 = vector.shape_cast %get3A_1364 : vector<1x16xf32> to vector<16xf32>
      %mul3A_1366 = arith.mulf %div3A_1361, %get3A_1365 : vector<16xf32>
      %mul3A_1367 = arith.mulf %mul3A_1366, %get3A_1225 : vector<16xf32>
      %swap3A_1368 = arith.index_cast %scan3A_1220 : i32 to index
      %swap3A_1369 = arith.constant 64 : index
      %swap3A_1370 = tpu.vector_load %arg25[%swap3A_1368, %swap3A_1369] {strides = array<i32>} : memref<32x128xf32, #tpu.memory_space<vmem>>, vector<1x16xf32>,
      %swap3A_1371 = vector.shape_cast %swap3A_1370 : vector<1x16xf32> to vector<16xf32>
      %swap3A_1372 = vector.shape_cast %mul3A_1367 : vector<16xf32> to vector<1x16xf32>
      tpu.vector_store %arg25[%swap3A_1368, %swap3A_1369], %swap3A_1372 {strides = array<i32>} : memref<32x128xf32, #tpu.memory_space<vmem>>, vector<1x16xf32>,
      %get3A_1373 = arith.index_cast %scan3A_1220 : i32 to index
      %get3A_1374 = arith.constant 80 : index
      %get3A_1375 = tpu.vector_load %arg19[%get3A_1373, %get3A_1374] {strides = array<i32>} : memref<32x128xf32, #tpu.memory_space<vmem>>, vector<1x16xf32>,
      %get3A_1376 = vector.shape_cast %get3A_1375 : vector<1x16xf32> to vector<16xf32>
      %get3A_1377 = arith.index_cast %scan3A_1220 : i32 to index
      %get3A_1378 = arith.constant 80 : index
      %get3A_1379 = tpu.vector_load %arg21[%get3A_1377, %get3A_1378] {strides = array<i32>} : memref<32x128xf32, #tpu.memory_space<vmem>>, vector<1x16xf32>,
      %get3A_1380 = vector.shape_cast %get3A_1379 : vector<1x16xf32> to vector<16xf32>
      %add3A_1381 = arith.addf %get3A_1376, %get3A_1380 : vector<16xf32>
      %neg3A_1382 = arith.constant 0.000000e+00 : f32
      %neg3A_1383 = vector.broadcast %neg3A_1382 : f32 to vector<16xf32>
      %neg3A_1384 = arith.subf %neg3A_1383, %add3A_1381 : vector<16xf32>
      %exp3A_1385 = math.exp %neg3A_1384 : vector<16xf32>
      %add3A_1386 = arith.constant 1.000000e+00 : f32
      %add3A_1387 = vector.broadcast %add3A_1386 : f32 to vector<16xf32>
      %add3A_1388 = arith.addf %add3A_1387, %exp3A_1385 : vector<16xf32>
      %div3A_1389 = arith.constant 1.000000e+00 : f32
      %div3A_1390 = vector.broadcast %div3A_1389 : f32 to vector<16xf32>
      %div3A_1391 = arith.divf %div3A_1390, %add3A_1388 : vector<16xf32>
      %get3A_1392 = arith.index_cast %scan3A_1220 : i32 to index
      %get3A_1393 = arith.constant 80 : index
      %get3A_1394 = tpu.vector_load %arg23[%get3A_1392, %get3A_1393] {strides = array<i32>} : memref<32x128xf32, #tpu.memory_space<vmem>>, vector<1x16xf32>,
      %get3A_1395 = vector.shape_cast %get3A_1394 : vector<1x16xf32> to vector<16xf32>
      %mul3A_1396 = arith.mulf %div3A_1391, %get3A_1395 : vector<16xf32>
      %mul3A_1397 = arith.mulf %mul3A_1396, %get3A_1225 : vector<16xf32>
      %swap3A_1398 = arith.index_cast %scan3A_1220 : i32 to index
      %swap3A_1399 = arith.constant 80 : index
      %swap3A_1400 = tpu.vector_load %arg25[%swap3A_1398, %swap3A_1399] {strides = array<i32>} : memref<32x128xf32, #tpu.memory_space<vmem>>, vector<1x16xf32>,
      %swap3A_1401 = vector.shape_cast %swap3A_1400 : vector<1x16xf32> to vector<16xf32>
      %swap3A_1402 = vector.shape_cast %mul3A_1397 : vector<16xf32> to vector<1x16xf32>
      tpu.vector_store %arg25[%swap3A_1398, %swap3A_1399], %swap3A_1402 {strides = array<i32>} : memref<32x128xf32, #tpu.memory_space<vmem>>, vector<1x16xf32>,
      %get3A_1403 = arith.index_cast %scan3A_1220 : i32 to index
      %get3A_1404 = arith.constant 96 : index
      %get3A_1405 = tpu.vector_load %arg19[%get3A_1403, %get3A_1404] {strides = array<i32>} : memref<32x128xf32, #tpu.memory_space<vmem>>, vector<1x16xf32>,
      %get3A_1406 = vector.shape_cast %get3A_1405 : vector<1x16xf32> to vector<16xf32>
      %get3A_1407 = arith.index_cast %scan3A_1220 : i32 to index
      %get3A_1408 = arith.constant 96 : index
      %get3A_1409 = tpu.vector_load %arg21[%get3A_1407, %get3A_1408] {strides = array<i32>} : memref<32x128xf32, #tpu.memory_space<vmem>>, vector<1x16xf32>,
      %get3A_1410 = vector.shape_cast %get3A_1409 : vector<1x16xf32> to vector<16xf32>
      %add3A_1411 = arith.addf %get3A_1406, %get3A_1410 : vector<16xf32>
      %neg3A_1412 = arith.constant 0.000000e+00 : f32
      %neg3A_1413 = vector.broadcast %neg3A_1412 : f32 to vector<16xf32>
      %neg3A_1414 = arith.subf %neg3A_1413, %add3A_1411 : vector<16xf32>
      %exp3A_1415 = math.exp %neg3A_1414 : vector<16xf32>
      %add3A_1416 = arith.constant 1.000000e+00 : f32
      %add3A_1417 = vector.broadcast %add3A_1416 : f32 to vector<16xf32>
      %add3A_1418 = arith.addf %add3A_1417, %exp3A_1415 : vector<16xf32>
      %div3A_1419 = arith.constant 1.000000e+00 : f32
      %div3A_1420 = vector.broadcast %div3A_1419 : f32 to vector<16xf32>
      %div3A_1421 = arith.divf %div3A_1420, %add3A_1418 : vector<16xf32>
      %get3A_1422 = arith.index_cast %scan3A_1220 : i32 to index
      %get3A_1423 = arith.constant 96 : index
      %get3A_1424 = tpu.vector_load %arg23[%get3A_1422, %get3A_1423] {strides = array<i32>} : memref<32x128xf32, #tpu.memory_space<vmem>>, vector<1x16xf32>,
      %get3A_1425 = vector.shape_cast %get3A_1424 : vector<1x16xf32> to vector<16xf32>
      %mul3A_1426 = arith.mulf %div3A_1421, %get3A_1425 : vector<16xf32>
      %mul3A_1427 = arith.mulf %mul3A_1426, %get3A_1225 : vector<16xf32>
      %swap3A_1428 = arith.index_cast %scan3A_1220 : i32 to index
      %swap3A_1429 = arith.constant 96 : index
      %swap3A_1430 = tpu.vector_load %arg25[%swap3A_1428, %swap3A_1429] {strides = array<i32>} : memref<32x128xf32, #tpu.memory_space<vmem>>, vector<1x16xf32>,
      %swap3A_1431 = vector.shape_cast %swap3A_1430 : vector<1x16xf32> to vector<16xf32>
      %swap3A_1432 = vector.shape_cast %mul3A_1427 : vector<16xf32> to vector<1x16xf32>
      tpu.vector_store %arg25[%swap3A_1428, %swap3A_1429], %swap3A_1432 {strides = array<i32>} : memref<32x128xf32, #tpu.memory_space<vmem>>, vector<1x16xf32>,
      %get3A_1433 = arith.index_cast %scan3A_1220 : i32 to index
      %get3A_1434 = arith.constant 112 : index
      %get3A_1435 = tpu.vector_load %arg19[%get3A_1433, %get3A_1434] {strides = array<i32>} : memref<32x128xf32, #tpu.memory_space<vmem>>, vector<1x16xf32>,
      %get3A_1436 = vector.shape_cast %get3A_1435 : vector<1x16xf32> to vector<16xf32>
      %get3A_1437 = arith.index_cast %scan3A_1220 : i32 to index
      %get3A_1438 = arith.constant 112 : index
      %get3A_1439 = tpu.vector_load %arg21[%get3A_1437, %get3A_1438] {strides = array<i32>} : memref<32x128xf32, #tpu.memory_space<vmem>>, vector<1x16xf32>,
      %get3A_1440 = vector.shape_cast %get3A_1439 : vector<1x16xf32> to vector<16xf32>
      %add3A_1441 = arith.addf %get3A_1436, %get3A_1440 : vector<16xf32>
      %neg3A_1442 = arith.constant 0.000000e+00 : f32
      %neg3A_1443 = vector.broadcast %neg3A_1442 : f32 to vector<16xf32>
      %neg3A_1444 = arith.subf %neg3A_1443, %add3A_1441 : vector<16xf32>
      %exp3A_1445 = math.exp %neg3A_1444 : vector<16xf32>
      %add3A_1446 = arith.constant 1.000000e+00 : f32
      %add3A_1447 = vector.broadcast %add3A_1446 : f32 to vector<16xf32>
      %add3A_1448 = arith.addf %add3A_1447, %exp3A_1445 : vector<16xf32>
      %div3A_1449 = arith.constant 1.000000e+00 : f32
      %div3A_1450 = vector.broadcast %div3A_1449 : f32 to vector<16xf32>
      %div3A_1451 = arith.divf %div3A_1450, %add3A_1448 : vector<16xf32>
      %get3A_1452 = arith.index_cast %scan3A_1220 : i32 to index
      %get3A_1453 = arith.constant 112 : index
      %get3A_1454 = tpu.vector_load %arg23[%get3A_1452, %get3A_1453] {strides = array<i32>} : memref<32x128xf32, #tpu.memory_space<vmem>>, vector<1x16xf32>,
      %get3A_1455 = vector.shape_cast %get3A_1454 : vector<1x16xf32> to vector<16xf32>
      %mul3A_1456 = arith.mulf %div3A_1451, %get3A_1455 : vector<16xf32>
      %mul3A_1457 = arith.mulf %mul3A_1456, %get3A_1225 : vector<16xf32>
      %swap3A_1458 = arith.index_cast %scan3A_1220 : i32 to index
      %swap3A_1459 = arith.constant 112 : index
      %swap3A_1460 = tpu.vector_load %arg25[%swap3A_1458, %swap3A_1459] {strides = array<i32>} : memref<32x128xf32, #tpu.memory_space<vmem>>, vector<1x16xf32>,
      %swap3A_1461 = vector.shape_cast %swap3A_1460 : vector<1x16xf32> to vector<16xf32>
      %swap3A_1462 = vector.shape_cast %mul3A_1457 : vector<16xf32> to vector<1x16xf32>
      tpu.vector_store %arg25[%swap3A_1458, %swap3A_1459], %swap3A_1462 {strides = array<i32>} : memref<32x128xf32, #tpu.memory_space<vmem>>, vector<1x16xf32>,
    }
    %scan3A_658 = arith.constant 32 : i32
    %dma_start3A_659 = arith.constant 0 : i32
    %dma_start3A_660 = arith.constant 0 : i32
    %dma_start3A_661 = tpu.memref_slice %arg33[%dma_start3A_659, %dma_start3A_660] : memref<10112x128xf32, #tpu.memory_space<vmem_shared>> -> memref<10112x128xf32, #tpu.memory_space<vmem_shared>>
    tpu.enqueue_indirect_dma source(%arg25 : memref<32x128xf32, #tpu.memory_space<vmem>>) target(%dma_start3A_661 : memref<10112x128xf32, #tpu.memory_space<vmem_shared>>) offsets(%arg15 : memref<32xi32, #tpu.memory_space<vmem>>) semaphore(%arg32 : memref<!tpu.dma_semaphore, #tpu.memory_space<semaphore_mem>>) {add = true}
    %scan3A_662 = arith.constant 0 : i32
    %scan3A_663 = arith.constant 1 : i32
    %scan3A_664 = arith.constant 155 : i32
    %scan3A_665 = arith.addi %scan3A_663, %scan3A_664 : i32
    %scan3A_666 = arith.constant 1 : i32
    scf.for %scan3A_1220 = %scan3A_663 to %scan3A_665 step %scan3A_666  : i32 {
      %mul3A_1221 = arith.constant 2 : i32
      %mul3A_1222 = arith.muli %mul3A_1221, %scan3A_1220 : i32
      %add3A_1223 = arith.constant 1 : i32
      %add3A_1224 = arith.addi %mul3A_1222, %add3A_1223 : i32
      %mul3A_1225 = arith.constant 10048 : i32
      %mul3A_1226 = arith.muli %add3A, %mul3A_1225 : i32
      %mul3A_1227 = arith.constant 32 : i32
      %mul3A_1228 = arith.muli %add3A_1224, %mul3A_1227 : i32
      %add3A_1229 = arith.addi %mul3A_1226, %mul3A_1228 : i32
      %multiple_of3A_1230 = tpu.assume_multiple %add3A_1229, 32 : i32
      %mul3A_1231 = arith.constant 10048 : i32
      %mul3A_1232 = arith.muli %add3A, %mul3A_1231 : i32
      %mul3A_1233 = arith.constant 32 : i32
      %mul3A_1234 = arith.muli %add3A_1224, %mul3A_1233 : i32
      %add3A_1235 = arith.addi %mul3A_1232, %mul3A_1234 : i32
      %mul3A_1236 = arith.constant 16 : i32
      %mul3A_1237 = arith.muli %add3A_1235, %mul3A_1236 : i32
      %multiple_of3A_1238 = tpu.assume_multiple %mul3A_1237, 512 : i32
      %dma_wait3A_1239 = tpu.memref_slice %arg5[%multiple_of3A_1230] : memref<321536xi32, #tpu.memory_space<hbm>> -> memref<32xi32, #tpu.memory_space<hbm>>
      %dma_wait3A_1240 = tpu.memref_slice %arg5[%multiple_of3A_1230] : memref<321536xi32, #tpu.memory_space<hbm>> -> memref<32xi32, #tpu.memory_space<hbm>>
      tpu.wait_dma2 semaphore(%arg28 : memref<!tpu.dma_semaphore, #tpu.memory_space<semaphore_mem>>) src(%dma_wait3A_1240 : memref<32xi32, #tpu.memory_space<hbm>>) dst(%arg11 : memref<32xi32, #tpu.memory_space<vmem>>)
      %dma_wait3A_1241 = tpu.memref_slice %arg6[%multiple_of3A_1230] : memref<321536xi32, #tpu.memory_space<hbm>> -> memref<32xi32, #tpu.memory_space<hbm>>
      %dma_wait3A_1242 = tpu.memref_slice %arg6[%multiple_of3A_1230] : memref<321536xi32, #tpu.memory_space<hbm>> -> memref<32xi32, #tpu.memory_space<hbm>>
      tpu.wait_dma2 semaphore(%arg28 : memref<!tpu.dma_semaphore, #tpu.memory_space<semaphore_mem>>) src(%dma_wait3A_1242 : memref<32xi32, #tpu.memory_space<hbm>>) dst(%arg13 : memref<32xi32, #tpu.memory_space<vmem>>)
      %dma_wait3A_1243 = tpu.memref_slice %arg7[%multiple_of3A_1238] : memref<5144576xf32, #tpu.memory_space<hbm>> -> memref<512xf32, #tpu.memory_space<hbm>>
      %dma_wait3A_1244 = tpu.memref_slice %arg7[%multiple_of3A_1238] : memref<5144576xf32, #tpu.memory_space<hbm>> -> memref<512xf32, #tpu.memory_space<hbm>>
      tpu.wait_dma2 semaphore(%arg28 : memref<!tpu.dma_semaphore, #tpu.memory_space<semaphore_mem>>) src(%dma_wait3A_1244 : memref<512xf32, #tpu.memory_space<hbm>>) dst(%arg17 : memref<512xf32, #tpu.memory_space<vmem>>)
      %dma_start3A_1245 = arith.constant 0 : i32
      %dma_start3A_1246 = arith.constant 0 : i32
      %dma_start3A_1247 = tpu.memref_slice %arg2[%dma_start3A_1245, %dma_start3A_1246] : memref<10112x128xf32, #tpu.memory_space<hbm>> -> memref<10112x128xf32, #tpu.memory_space<hbm>>
      tpu.enqueue_indirect_dma source(%dma_start3A_1247 : memref<10112x128xf32, #tpu.memory_space<hbm>>) target(%arg19 : memref<32x128xf32, #tpu.memory_space<vmem>>) offsets(%arg13 : memref<32xi32, #tpu.memory_space<vmem>>) semaphore(%arg30 : memref<!tpu.dma_semaphore, #tpu.memory_space<semaphore_mem>>)
      %dma_start3A_1248 = arith.constant 0 : i32
      %dma_start3A_1249 = arith.constant 0 : i32
      %dma_start3A_1250 = tpu.memref_slice %arg3[%dma_start3A_1248, %dma_start3A_1249] : memref<10112x128xf32, #tpu.memory_space<hbm>> -> memref<10112x128xf32, #tpu.memory_space<hbm>>
      tpu.enqueue_indirect_dma source(%dma_start3A_1250 : memref<10112x128xf32, #tpu.memory_space<hbm>>) target(%arg21 : memref<32x128xf32, #tpu.memory_space<vmem>>) offsets(%arg11 : memref<32xi32, #tpu.memory_space<vmem>>) semaphore(%arg30 : memref<!tpu.dma_semaphore, #tpu.memory_space<semaphore_mem>>)
      %dma_start3A_1251 = arith.constant 0 : i32
      %dma_start3A_1252 = arith.constant 0 : i32
      %dma_start3A_1253 = tpu.memref_slice %arg4[%dma_start3A_1251, %dma_start3A_1252] : memref<10112x128xf32, #tpu.memory_space<hbm>> -> memref<10112x128xf32, #tpu.memory_space<hbm>>
      tpu.enqueue_indirect_dma source(%dma_start3A_1253 : memref<10112x128xf32, #tpu.memory_space<hbm>>) target(%arg23 : memref<32x128xf32, #tpu.memory_space<vmem>>) offsets(%arg11 : memref<32xi32, #tpu.memory_space<vmem>>) semaphore(%arg30 : memref<!tpu.dma_semaphore, #tpu.memory_space<semaphore_mem>>)
      %dma_wait3A_1254 = arith.constant 0 : i32
      %dma_wait3A_1255 = arith.constant 0 : i32
      %dma_wait3A_1256 = tpu.memref_slice %arg2[%dma_wait3A_1254, %dma_wait3A_1255] : memref<10112x128xf32, #tpu.memory_space<hbm>> -> memref<10112x128xf32, #tpu.memory_space<hbm>>
      tpu.wait_indirect_dma semaphore(%arg29 : memref<!tpu.dma_semaphore, #tpu.memory_space<semaphore_mem>>) src(%dma_wait3A_1256 : memref<10112x128xf32, #tpu.memory_space<hbm>>) dst(%arg18 : memref<32x128xf32, #tpu.memory_space<vmem>>)
      %dma_wait3A_1257 = arith.constant 0 : i32
      %dma_wait3A_1258 = arith.constant 0 : i32
      %dma_wait3A_1259 = tpu.memref_slice %arg3[%dma_wait3A_1257, %dma_wait3A_1258] : memref<10112x128xf32, #tpu.memory_space<hbm>> -> memref<10112x128xf32, #tpu.memory_space<hbm>>
      tpu.wait_indirect_dma semaphore(%arg29 : memref<!tpu.dma_semaphore, #tpu.memory_space<semaphore_mem>>) src(%dma_wait3A_1259 : memref<10112x128xf32, #tpu.memory_space<hbm>>) dst(%arg20 : memref<32x128xf32, #tpu.memory_space<vmem>>)
      %dma_wait3A_1260 = arith.constant 0 : i32
      %dma_wait3A_1261 = arith.constant 0 : i32
      %dma_wait3A_1262 = tpu.memref_slice %arg4[%dma_wait3A_1260, %dma_wait3A_1261] : memref<10112x128xf32, #tpu.memory_space<hbm>> -> memref<10112x128xf32, #tpu.memory_space<hbm>>
      tpu.wait_indirect_dma semaphore(%arg29 : memref<!tpu.dma_semaphore, #tpu.memory_space<semaphore_mem>>) src(%dma_wait3A_1262 : memref<10112x128xf32, #tpu.memory_space<hbm>>) dst(%arg22 : memref<32x128xf32, #tpu.memory_space<vmem>>)
      %dma_wait3A_1263 = arith.constant 0 : i32
      %dma_wait3A_1264 = arith.constant 0 : i32
      %dma_wait3A_1265 = tpu.memref_slice %arg33[%dma_wait3A_1263, %dma_wait3A_1264] : memref<10112x128xf32, #tpu.memory_space<vmem_shared>> -> memref<10112x128xf32, #tpu.memory_space<vmem_shared>>
      tpu.wait_indirect_dma semaphore(%arg31 : memref<!tpu.dma_semaphore, #tpu.memory_space<semaphore_mem>>) src(%arg24 : memref<32x128xf32, #tpu.memory_space<vmem>>) dst(%dma_wait3A_1265 : memref<10112x128xf32, #tpu.memory_space<vmem_shared>>)
      %get3A_1266 = arith.constant 0 : index
      %get3A_1267 = tpu.vector_load %arg12[%get3A_1266] {strides = array<i32>} : memref<32xi32, #tpu.memory_space<vmem>>, vector<16xi32>,
      %get3A_1268 = vector.shape_cast %get3A_1267 : vector<16xi32> to vector<16xi32>
      %swap3A_1269 = arith.constant 0 : index
      %swap3A_1270 = tpu.vector_load %arg14[%swap3A_1269] {strides = array<i32>} : memref<32xi32, #tpu.memory_space<vmem>>, vector<16xi32>,
      %swap3A_1271 = vector.shape_cast %swap3A_1270 : vector<16xi32> to vector<16xi32>
      %swap3A_1272 = vector.shape_cast %get3A_1268 : vector<16xi32> to vector<16xi32>
      tpu.vector_store %arg14[%swap3A_1269], %swap3A_1272 {strides = array<i32>} : memref<32xi32, #tpu.memory_space<vmem>>, vector<16xi32>,
      %get3A_1273 = arith.constant 16 : index
      %get3A_1274 = tpu.vector_load %arg12[%get3A_1273] {strides = array<i32>} : memref<32xi32, #tpu.memory_space<vmem>>, vector<16xi32>,
      %get3A_1275 = vector.shape_cast %get3A_1274 : vector<16xi32> to vector<16xi32>
      %swap3A_1276 = arith.constant 16 : index
      %swap3A_1277 = tpu.vector_load %arg14[%swap3A_1276] {strides = array<i32>} : memref<32xi32, #tpu.memory_space<vmem>>, vector<16xi32>,
      %swap3A_1278 = vector.shape_cast %swap3A_1277 : vector<16xi32> to vector<16xi32>
      %swap3A_1279 = vector.shape_cast %get3A_1275 : vector<16xi32> to vector<16xi32>
      tpu.vector_store %arg14[%swap3A_1276], %swap3A_1279 {strides = array<i32>} : memref<32xi32, #tpu.memory_space<vmem>>, vector<16xi32>,
      %get3A_1280 = arith.constant 0 : index
      %get3A_1281 = tpu.vector_load %arg16[%get3A_1280] {strides = array<i32>} : memref<512xf32, #tpu.memory_space<vmem>>, vector<16xf32>,
      %get3A_1282 = vector.shape_cast %get3A_1281 : vector<16xf32> to vector<16xf32>
      %swap3A_1283 = arith.constant 0 : index
      %swap3A_1284 = tpu.vector_load %arg26[%swap3A_1283] {strides = array<i32>} : memref<512xf32, #tpu.memory_space<vmem>>, vector<16xf32>,
      %swap3A_1285 = vector.shape_cast %swap3A_1284 : vector<16xf32> to vector<16xf32>
      %swap3A_1286 = vector.shape_cast %get3A_1282 : vector<16xf32> to vector<16xf32>
      tpu.vector_store %arg26[%swap3A_1283], %swap3A_1286 {strides = array<i32>} : memref<512xf32, #tpu.memory_space<vmem>>, vector<16xf32>,
      %get3A_1287 = arith.constant 16 : index
      %get3A_1288 = tpu.vector_load %arg16[%get3A_1287] {strides = array<i32>} : memref<512xf32, #tpu.memory_space<vmem>>, vector<16xf32>,
      %get3A_1289 = vector.shape_cast %get3A_1288 : vector<16xf32> to vector<16xf32>
      %swap3A_1290 = arith.constant 16 : index
      %swap3A_1291 = tpu.vector_load %arg26[%swap3A_1290] {strides = array<i32>} : memref<512xf32, #tpu.memory_space<vmem>>, vector<16xf32>,
      %swap3A_1292 = vector.shape_cast %swap3A_1291 : vector<16xf32> to vector<16xf32>
      %swap3A_1293 = vector.shape_cast %get3A_1289 : vector<16xf32> to vector<16xf32>
      tpu.vector_store %arg26[%swap3A_1290], %swap3A_1293 {strides = array<i32>} : memref<512xf32, #tpu.memory_space<vmem>>, vector<16xf32>,
      %get3A_1294 = arith.constant 32 : index
      %get3A_1295 = tpu.vector_load %arg16[%get3A_1294] {strides = array<i32>} : memref<512xf32, #tpu.memory_space<vmem>>, vector<16xf32>,
      %get3A_1296 = vector.shape_cast %get3A_1295 : vector<16xf32> to vector<16xf32>
      %swap3A_1297 = arith.constant 32 : index
      %swap3A_1298 = tpu.vector_load %arg26[%swap3A_1297] {strides = array<i32>} : memref<512xf32, #tpu.memory_space<vmem>>, vector<16xf32>,
      %swap3A_1299 = vector.shape_cast %swap3A_1298 : vector<16xf32> to vector<16xf32>
      %swap3A_1300 = vector.shape_cast %get3A_1296 : vector<16xf32> to vector<16xf32>
      tpu.vector_store %arg26[%swap3A_1297], %swap3A_1300 {strides = array<i32>} : memref<512xf32, #tpu.memory_space<vmem>>, vector<16xf32>,
      %get3A_1301 = arith.constant 48 : index
      %get3A_1302 = tpu.vector_load %arg16[%get3A_1301] {strides = array<i32>} : memref<512xf32, #tpu.memory_space<vmem>>, vector<16xf32>,
      %get3A_1303 = vector.shape_cast %get3A_1302 : vector<16xf32> to vector<16xf32>
      %swap3A_1304 = arith.constant 48 : index
      %swap3A_1305 = tpu.vector_load %arg26[%swap3A_1304] {strides = array<i32>} : memref<512xf32, #tpu.memory_space<vmem>>, vector<16xf32>,
      %swap3A_1306 = vector.shape_cast %swap3A_1305 : vector<16xf32> to vector<16xf32>
      %swap3A_1307 = vector.shape_cast %get3A_1303 : vector<16xf32> to vector<16xf32>
      tpu.vector_store %arg26[%swap3A_1304], %swap3A_1307 {strides = array<i32>} : memref<512xf32, #tpu.memory_space<vmem>>, vector<16xf32>,
      %get3A_1308 = arith.constant 64 : index
      %get3A_1309 = tpu.vector_load %arg16[%get3A_1308] {strides = array<i32>} : memref<512xf32, #tpu.memory_space<vmem>>, vector<16xf32>,
      %get3A_1310 = vector.shape_cast %get3A_1309 : vector<16xf32> to vector<16xf32>
      %swap3A_1311 = arith.constant 64 : index
      %swap3A_1312 = tpu.vector_load %arg26[%swap3A_1311] {strides = array<i32>} : memref<512xf32, #tpu.memory_space<vmem>>, vector<16xf32>,
      %swap3A_1313 = vector.shape_cast %swap3A_1312 : vector<16xf32> to vector<16xf32>
      %swap3A_1314 = vector.shape_cast %get3A_1310 : vector<16xf32> to vector<16xf32>
      tpu.vector_store %arg26[%swap3A_1311], %swap3A_1314 {strides = array<i32>} : memref<512xf32, #tpu.memory_space<vmem>>, vector<16xf32>,
      %get3A_1315 = arith.constant 80 : index
      %get3A_1316 = tpu.vector_load %arg16[%get3A_1315] {strides = array<i32>} : memref<512xf32, #tpu.memory_space<vmem>>, vector<16xf32>,
      %get3A_1317 = vector.shape_cast %get3A_1316 : vector<16xf32> to vector<16xf32>
      %swap3A_1318 = arith.constant 80 : index
      %swap3A_1319 = tpu.vector_load %arg26[%swap3A_1318] {strides = array<i32>} : memref<512xf32, #tpu.memory_space<vmem>>, vector<16xf32>,
      %swap3A_1320 = vector.shape_cast %swap3A_1319 : vector<16xf32> to vector<16xf32>
      %swap3A_1321 = vector.shape_cast %get3A_1317 : vector<16xf32> to vector<16xf32>
      tpu.vector_store %arg26[%swap3A_1318], %swap3A_1321 {strides = array<i32>} : memref<512xf32, #tpu.memory_space<vmem>>, vector<16xf32>,
      %get3A_1322 = arith.constant 96 : index
      %get3A_1323 = tpu.vector_load %arg16[%get3A_1322] {strides = array<i32>} : memref<512xf32, #tpu.memory_space<vmem>>, vector<16xf32>,
      %get3A_1324 = vector.shape_cast %get3A_1323 : vector<16xf32> to vector<16xf32>
      %swap3A_1325 = arith.constant 96 : index
      %swap3A_1326 = tpu.vector_load %arg26[%swap3A_1325] {strides = array<i32>} : memref<512xf32, #tpu.memory_space<vmem>>, vector<16xf32>,
      %swap3A_1327 = vector.shape_cast %swap3A_1326 : vector<16xf32> to vector<16xf32>
      %swap3A_1328 = vector.shape_cast %get3A_1324 : vector<16xf32> to vector<16xf32>
      tpu.vector_store %arg26[%swap3A_1325], %swap3A_1328 {strides = array<i32>} : memref<512xf32, #tpu.memory_space<vmem>>, vector<16xf32>,
      %get3A_1329 = arith.constant 112 : index
      %get3A_1330 = tpu.vector_load %arg16[%get3A_1329] {strides = array<i32>} : memref<512xf32, #tpu.memory_space<vmem>>, vector<16xf32>,
      %get3A_1331 = vector.shape_cast %get3A_1330 : vector<16xf32> to vector<16xf32>
      %swap3A_1332 = arith.constant 112 : index
      %swap3A_1333 = tpu.vector_load %arg26[%swap3A_1332] {strides = array<i32>} : memref<512xf32, #tpu.memory_space<vmem>>, vector<16xf32>,
      %swap3A_1334 = vector.shape_cast %swap3A_1333 : vector<16xf32> to vector<16xf32>
      %swap3A_1335 = vector.shape_cast %get3A_1331 : vector<16xf32> to vector<16xf32>
      tpu.vector_store %arg26[%swap3A_1332], %swap3A_1335 {strides = array<i32>} : memref<512xf32, #tpu.memory_space<vmem>>, vector<16xf32>,
      %get3A_1336 = arith.constant 128 : index
      %get3A_1337 = tpu.vector_load %arg16[%get3A_1336] {strides = array<i32>} : memref<512xf32, #tpu.memory_space<vmem>>, vector<16xf32>,
      %get3A_1338 = vector.shape_cast %get3A_1337 : vector<16xf32> to vector<16xf32>
      %swap3A_1339 = arith.constant 128 : index
      %swap3A_1340 = tpu.vector_load %arg26[%swap3A_1339] {strides = array<i32>} : memref<512xf32, #tpu.memory_space<vmem>>, vector<16xf32>,
      %swap3A_1341 = vector.shape_cast %swap3A_1340 : vector<16xf32> to vector<16xf32>
      %swap3A_1342 = vector.shape_cast %get3A_1338 : vector<16xf32> to vector<16xf32>
      tpu.vector_store %arg26[%swap3A_1339], %swap3A_1342 {strides = array<i32>} : memref<512xf32, #tpu.memory_space<vmem>>, vector<16xf32>,
      %get3A_1343 = arith.constant 144 : index
      %get3A_1344 = tpu.vector_load %arg16[%get3A_1343] {strides = array<i32>} : memref<512xf32, #tpu.memory_space<vmem>>, vector<16xf32>,
      %get3A_1345 = vector.shape_cast %get3A_1344 : vector<16xf32> to vector<16xf32>
      %swap3A_1346 = arith.constant 144 : index
      %swap3A_1347 = tpu.vector_load %arg26[%swap3A_1346] {strides = array<i32>} : memref<512xf32, #tpu.memory_space<vmem>>, vector<16xf32>,
      %swap3A_1348 = vector.shape_cast %swap3A_1347 : vector<16xf32> to vector<16xf32>
      %swap3A_1349 = vector.shape_cast %get3A_1345 : vector<16xf32> to vector<16xf32>
      tpu.vector_store %arg26[%swap3A_1346], %swap3A_1349 {strides = array<i32>} : memref<512xf32, #tpu.memory_space<vmem>>, vector<16xf32>,
      %get3A_1350 = arith.constant 160 : index
      %get3A_1351 = tpu.vector_load %arg16[%get3A_1350] {strides = array<i32>} : memref<512xf32, #tpu.memory_space<vmem>>, vector<16xf32>,
      %get3A_1352 = vector.shape_cast %get3A_1351 : vector<16xf32> to vector<16xf32>
      %swap3A_1353 = arith.constant 160 : index
      %swap3A_1354 = tpu.vector_load %arg26[%swap3A_1353] {strides = array<i32>} : memref<512xf32, #tpu.memory_space<vmem>>, vector<16xf32>,
      %swap3A_1355 = vector.shape_cast %swap3A_1354 : vector<16xf32> to vector<16xf32>
      %swap3A_1356 = vector.shape_cast %get3A_1352 : vector<16xf32> to vector<16xf32>
      tpu.vector_store %arg26[%swap3A_1353], %swap3A_1356 {strides = array<i32>} : memref<512xf32, #tpu.memory_space<vmem>>, vector<16xf32>,
      %get3A_1357 = arith.constant 176 : index
      %get3A_1358 = tpu.vector_load %arg16[%get3A_1357] {strides = array<i32>} : memref<512xf32, #tpu.memory_space<vmem>>, vector<16xf32>,
      %get3A_1359 = vector.shape_cast %get3A_1358 : vector<16xf32> to vector<16xf32>
      %swap3A_1360 = arith.constant 176 : index
      %swap3A_1361 = tpu.vector_load %arg26[%swap3A_1360] {strides = array<i32>} : memref<512xf32, #tpu.memory_space<vmem>>, vector<16xf32>,
      %swap3A_1362 = vector.shape_cast %swap3A_1361 : vector<16xf32> to vector<16xf32>
      %swap3A_1363 = vector.shape_cast %get3A_1359 : vector<16xf32> to vector<16xf32>
      tpu.vector_store %arg26[%swap3A_1360], %swap3A_1363 {strides = array<i32>} : memref<512xf32, #tpu.memory_space<vmem>>, vector<16xf32>,
      %get3A_1364 = arith.constant 192 : index
      %get3A_1365 = tpu.vector_load %arg16[%get3A_1364] {strides = array<i32>} : memref<512xf32, #tpu.memory_space<vmem>>, vector<16xf32>,
      %get3A_1366 = vector.shape_cast %get3A_1365 : vector<16xf32> to vector<16xf32>
      %swap3A_1367 = arith.constant 192 : index
      %swap3A_1368 = tpu.vector_load %arg26[%swap3A_1367] {strides = array<i32>} : memref<512xf32, #tpu.memory_space<vmem>>, vector<16xf32>,
      %swap3A_1369 = vector.shape_cast %swap3A_1368 : vector<16xf32> to vector<16xf32>
      %swap3A_1370 = vector.shape_cast %get3A_1366 : vector<16xf32> to vector<16xf32>
      tpu.vector_store %arg26[%swap3A_1367], %swap3A_1370 {strides = array<i32>} : memref<512xf32, #tpu.memory_space<vmem>>, vector<16xf32>,
      %get3A_1371 = arith.constant 208 : index
      %get3A_1372 = tpu.vector_load %arg16[%get3A_1371] {strides = array<i32>} : memref<512xf32, #tpu.memory_space<vmem>>, vector<16xf32>,
      %get3A_1373 = vector.shape_cast %get3A_1372 : vector<16xf32> to vector<16xf32>
      %swap3A_1374 = arith.constant 208 : index
      %swap3A_1375 = tpu.vector_load %arg26[%swap3A_1374] {strides = array<i32>} : memref<512xf32, #tpu.memory_space<vmem>>, vector<16xf32>,
      %swap3A_1376 = vector.shape_cast %swap3A_1375 : vector<16xf32> to vector<16xf32>
      %swap3A_1377 = vector.shape_cast %get3A_1373 : vector<16xf32> to vector<16xf32>
      tpu.vector_store %arg26[%swap3A_1374], %swap3A_1377 {strides = array<i32>} : memref<512xf32, #tpu.memory_space<vmem>>, vector<16xf32>,
      %get3A_1378 = arith.constant 224 : index
      %get3A_1379 = tpu.vector_load %arg16[%get3A_1378] {strides = array<i32>} : memref<512xf32, #tpu.memory_space<vmem>>, vector<16xf32>,
      %get3A_1380 = vector.shape_cast %get3A_1379 : vector<16xf32> to vector<16xf32>
      %swap3A_1381 = arith.constant 224 : index
      %swap3A_1382 = tpu.vector_load %arg26[%swap3A_1381] {strides = array<i32>} : memref<512xf32, #tpu.memory_space<vmem>>, vector<16xf32>,
      %swap3A_1383 = vector.shape_cast %swap3A_1382 : vector<16xf32> to vector<16xf32>
      %swap3A_1384 = vector.shape_cast %get3A_1380 : vector<16xf32> to vector<16xf32>
      tpu.vector_store %arg26[%swap3A_1381], %swap3A_1384 {strides = array<i32>} : memref<512xf32, #tpu.memory_space<vmem>>, vector<16xf32>,
      %get3A_1385 = arith.constant 240 : index
      %get3A_1386 = tpu.vector_load %arg16[%get3A_1385] {strides = array<i32>} : memref<512xf32, #tpu.memory_space<vmem>>, vector<16xf32>,
      %get3A_1387 = vector.shape_cast %get3A_1386 : vector<16xf32> to vector<16xf32>
      %swap3A_1388 = arith.constant 240 : index
      %swap3A_1389 = tpu.vector_load %arg26[%swap3A_1388] {strides = array<i32>} : memref<512xf32, #tpu.memory_space<vmem>>, vector<16xf32>,
      %swap3A_1390 = vector.shape_cast %swap3A_1389 : vector<16xf32> to vector<16xf32>
      %swap3A_1391 = vector.shape_cast %get3A_1387 : vector<16xf32> to vector<16xf32>
      tpu.vector_store %arg26[%swap3A_1388], %swap3A_1391 {strides = array<i32>} : memref<512xf32, #tpu.memory_space<vmem>>, vector<16xf32>,
      %get3A_1392 = arith.constant 256 : index
      %get3A_1393 = tpu.vector_load %arg16[%get3A_1392] {strides = array<i32>} : memref<512xf32, #tpu.memory_space<vmem>>, vector<16xf32>,
      %get3A_1394 = vector.shape_cast %get3A_1393 : vector<16xf32> to vector<16xf32>
      %swap3A_1395 = arith.constant 256 : index
      %swap3A_1396 = tpu.vector_load %arg26[%swap3A_1395] {strides = array<i32>} : memref<512xf32, #tpu.memory_space<vmem>>, vector<16xf32>,
      %swap3A_1397 = vector.shape_cast %swap3A_1396 : vector<16xf32> to vector<16xf32>
      %swap3A_1398 = vector.shape_cast %get3A_1394 : vector<16xf32> to vector<16xf32>
      tpu.vector_store %arg26[%swap3A_1395], %swap3A_1398 {strides = array<i32>} : memref<512xf32, #tpu.memory_space<vmem>>, vector<16xf32>,
      %get3A_1399 = arith.constant 272 : index
      %get3A_1400 = tpu.vector_load %arg16[%get3A_1399] {strides = array<i32>} : memref<512xf32, #tpu.memory_space<vmem>>, vector<16xf32>,
      %get3A_1401 = vector.shape_cast %get3A_1400 : vector<16xf32> to vector<16xf32>
      %swap3A_1402 = arith.constant 272 : index
      %swap3A_1403 = tpu.vector_load %arg26[%swap3A_1402] {strides = array<i32>} : memref<512xf32, #tpu.memory_space<vmem>>, vector<16xf32>,
      %swap3A_1404 = vector.shape_cast %swap3A_1403 : vector<16xf32> to vector<16xf32>
      %swap3A_1405 = vector.shape_cast %get3A_1401 : vector<16xf32> to vector<16xf32>
      tpu.vector_store %arg26[%swap3A_1402], %swap3A_1405 {strides = array<i32>} : memref<512xf32, #tpu.memory_space<vmem>>, vector<16xf32>,
      %get3A_1406 = arith.constant 288 : index
      %get3A_1407 = tpu.vector_load %arg16[%get3A_1406] {strides = array<i32>} : memref<512xf32, #tpu.memory_space<vmem>>, vector<16xf32>,
      %get3A_1408 = vector.shape_cast %get3A_1407 : vector<16xf32> to vector<16xf32>
      %swap3A_1409 = arith.constant 288 : index
      %swap3A_1410 = tpu.vector_load %arg26[%swap3A_1409] {strides = array<i32>} : memref<512xf32, #tpu.memory_space<vmem>>, vector<16xf32>,
      %swap3A_1411 = vector.shape_cast %swap3A_1410 : vector<16xf32> to vector<16xf32>
      %swap3A_1412 = vector.shape_cast %get3A_1408 : vector<16xf32> to vector<16xf32>
      tpu.vector_store %arg26[%swap3A_1409], %swap3A_1412 {strides = array<i32>} : memref<512xf32, #tpu.memory_space<vmem>>, vector<16xf32>,
      %get3A_1413 = arith.constant 304 : index
      %get3A_1414 = tpu.vector_load %arg16[%get3A_1413] {strides = array<i32>} : memref<512xf32, #tpu.memory_space<vmem>>, vector<16xf32>,
      %get3A_1415 = vector.shape_cast %get3A_1414 : vector<16xf32> to vector<16xf32>
      %swap3A_1416 = arith.constant 304 : index
      %swap3A_1417 = tpu.vector_load %arg26[%swap3A_1416] {strides = array<i32>} : memref<512xf32, #tpu.memory_space<vmem>>, vector<16xf32>,
      %swap3A_1418 = vector.shape_cast %swap3A_1417 : vector<16xf32> to vector<16xf32>
      %swap3A_1419 = vector.shape_cast %get3A_1415 : vector<16xf32> to vector<16xf32>
      tpu.vector_store %arg26[%swap3A_1416], %swap3A_1419 {strides = array<i32>} : memref<512xf32, #tpu.memory_space<vmem>>, vector<16xf32>,
      %get3A_1420 = arith.constant 320 : index
      %get3A_1421 = tpu.vector_load %arg16[%get3A_1420] {strides = array<i32>} : memref<512xf32, #tpu.memory_space<vmem>>, vector<16xf32>,
      %get3A_1422 = vector.shape_cast %get3A_1421 : vector<16xf32> to vector<16xf32>
      %swap3A_1423 = arith.constant 320 : index
      %swap3A_1424 = tpu.vector_load %arg26[%swap3A_1423] {strides = array<i32>} : memref<512xf32, #tpu.memory_space<vmem>>, vector<16xf32>,
      %swap3A_1425 = vector.shape_cast %swap3A_1424 : vector<16xf32> to vector<16xf32>
      %swap3A_1426 = vector.shape_cast %get3A_1422 : vector<16xf32> to vector<16xf32>
      tpu.vector_store %arg26[%swap3A_1423], %swap3A_1426 {strides = array<i32>} : memref<512xf32, #tpu.memory_space<vmem>>, vector<16xf32>,
      %get3A_1427 = arith.constant 336 : index
      %get3A_1428 = tpu.vector_load %arg16[%get3A_1427] {strides = array<i32>} : memref<512xf32, #tpu.memory_space<vmem>>, vector<16xf32>,
      %get3A_1429 = vector.shape_cast %get3A_1428 : vector<16xf32> to vector<16xf32>
      %swap3A_1430 = arith.constant 336 : index
      %swap3A_1431 = tpu.vector_load %arg26[%swap3A_1430] {strides = array<i32>} : memref<512xf32, #tpu.memory_space<vmem>>, vector<16xf32>,
      %swap3A_1432 = vector.shape_cast %swap3A_1431 : vector<16xf32> to vector<16xf32>
      %swap3A_1433 = vector.shape_cast %get3A_1429 : vector<16xf32> to vector<16xf32>
      tpu.vector_store %arg26[%swap3A_1430], %swap3A_1433 {strides = array<i32>} : memref<512xf32, #tpu.memory_space<vmem>>, vector<16xf32>,
      %get3A_1434 = arith.constant 352 : index
      %get3A_1435 = tpu.vector_load %arg16[%get3A_1434] {strides = array<i32>} : memref<512xf32, #tpu.memory_space<vmem>>, vector<16xf32>,
      %get3A_1436 = vector.shape_cast %get3A_1435 : vector<16xf32> to vector<16xf32>
      %swap3A_1437 = arith.constant 352 : index
      %swap3A_1438 = tpu.vector_load %arg26[%swap3A_1437] {strides = array<i32>} : memref<512xf32, #tpu.memory_space<vmem>>, vector<16xf32>,
      %swap3A_1439 = vector.shape_cast %swap3A_1438 : vector<16xf32> to vector<16xf32>
      %swap3A_1440 = vector.shape_cast %get3A_1436 : vector<16xf32> to vector<16xf32>
      tpu.vector_store %arg26[%swap3A_1437], %swap3A_1440 {strides = array<i32>} : memref<512xf32, #tpu.memory_space<vmem>>, vector<16xf32>,
      %get3A_1441 = arith.constant 368 : index
      %get3A_1442 = tpu.vector_load %arg16[%get3A_1441] {strides = array<i32>} : memref<512xf32, #tpu.memory_space<vmem>>, vector<16xf32>,
      %get3A_1443 = vector.shape_cast %get3A_1442 : vector<16xf32> to vector<16xf32>
      %swap3A_1444 = arith.constant 368 : index
      %swap3A_1445 = tpu.vector_load %arg26[%swap3A_1444] {strides = array<i32>} : memref<512xf32, #tpu.memory_space<vmem>>, vector<16xf32>,
      %swap3A_1446 = vector.shape_cast %swap3A_1445 : vector<16xf32> to vector<16xf32>
      %swap3A_1447 = vector.shape_cast %get3A_1443 : vector<16xf32> to vector<16xf32>
      tpu.vector_store %arg26[%swap3A_1444], %swap3A_1447 {strides = array<i32>} : memref<512xf32, #tpu.memory_space<vmem>>, vector<16xf32>,
      %get3A_1448 = arith.constant 384 : index
      %get3A_1449 = tpu.vector_load %arg16[%get3A_1448] {strides = array<i32>} : memref<512xf32, #tpu.memory_space<vmem>>, vector<16xf32>,
      %get3A_1450 = vector.shape_cast %get3A_1449 : vector<16xf32> to vector<16xf32>
      %swap3A_1451 = arith.constant 384 : index
      %swap3A_1452 = tpu.vector_load %arg26[%swap3A_1451] {strides = array<i32>} : memref<512xf32, #tpu.memory_space<vmem>>, vector<16xf32>,
      %swap3A_1453 = vector.shape_cast %swap3A_1452 : vector<16xf32> to vector<16xf32>
      %swap3A_1454 = vector.shape_cast %get3A_1450 : vector<16xf32> to vector<16xf32>
      tpu.vector_store %arg26[%swap3A_1451], %swap3A_1454 {strides = array<i32>} : memref<512xf32, #tpu.memory_space<vmem>>, vector<16xf32>,
      %get3A_1455 = arith.constant 400 : index
      %get3A_1456 = tpu.vector_load %arg16[%get3A_1455] {strides = array<i32>} : memref<512xf32, #tpu.memory_space<vmem>>, vector<16xf32>,
      %get3A_1457 = vector.shape_cast %get3A_1456 : vector<16xf32> to vector<16xf32>
      %swap3A_1458 = arith.constant 400 : index
      %swap3A_1459 = tpu.vector_load %arg26[%swap3A_1458] {strides = array<i32>} : memref<512xf32, #tpu.memory_space<vmem>>, vector<16xf32>,
      %swap3A_1460 = vector.shape_cast %swap3A_1459 : vector<16xf32> to vector<16xf32>
      %swap3A_1461 = vector.shape_cast %get3A_1457 : vector<16xf32> to vector<16xf32>
      tpu.vector_store %arg26[%swap3A_1458], %swap3A_1461 {strides = array<i32>} : memref<512xf32, #tpu.memory_space<vmem>>, vector<16xf32>,
      %get3A_1462 = arith.constant 416 : index
      %get3A_1463 = tpu.vector_load %arg16[%get3A_1462] {strides = array<i32>} : memref<512xf32, #tpu.memory_space<vmem>>, vector<16xf32>,
      %get3A_1464 = vector.shape_cast %get3A_1463 : vector<16xf32> to vector<16xf32>
      %swap3A_1465 = arith.constant 416 : index
      %swap3A_1466 = tpu.vector_load %arg26[%swap3A_1465] {strides = array<i32>} : memref<512xf32, #tpu.memory_space<vmem>>, vector<16xf32>,
      %swap3A_1467 = vector.shape_cast %swap3A_1466 : vector<16xf32> to vector<16xf32>
      %swap3A_1468 = vector.shape_cast %get3A_1464 : vector<16xf32> to vector<16xf32>
      tpu.vector_store %arg26[%swap3A_1465], %swap3A_1468 {strides = array<i32>} : memref<512xf32, #tpu.memory_space<vmem>>, vector<16xf32>,
      %get3A_1469 = arith.constant 432 : index
      %get3A_1470 = tpu.vector_load %arg16[%get3A_1469] {strides = array<i32>} : memref<512xf32, #tpu.memory_space<vmem>>, vector<16xf32>,
      %get3A_1471 = vector.shape_cast %get3A_1470 : vector<16xf32> to vector<16xf32>
      %swap3A_1472 = arith.constant 432 : index
      %swap3A_1473 = tpu.vector_load %arg26[%swap3A_1472] {strides = array<i32>} : memref<512xf32, #tpu.memory_space<vmem>>, vector<16xf32>,
      %swap3A_1474 = vector.shape_cast %swap3A_1473 : vector<16xf32> to vector<16xf32>
      %swap3A_1475 = vector.shape_cast %get3A_1471 : vector<16xf32> to vector<16xf32>
      tpu.vector_store %arg26[%swap3A_1472], %swap3A_1475 {strides = array<i32>} : memref<512xf32, #tpu.memory_space<vmem>>, vector<16xf32>,
      %get3A_1476 = arith.constant 448 : index
      %get3A_1477 = tpu.vector_load %arg16[%get3A_1476] {strides = array<i32>} : memref<512xf32, #tpu.memory_space<vmem>>, vector<16xf32>,
      %get3A_1478 = vector.shape_cast %get3A_1477 : vector<16xf32> to vector<16xf32>
      %swap3A_1479 = arith.constant 448 : index
      %swap3A_1480 = tpu.vector_load %arg26[%swap3A_1479] {strides = array<i32>} : memref<512xf32, #tpu.memory_space<vmem>>, vector<16xf32>,
      %swap3A_1481 = vector.shape_cast %swap3A_1480 : vector<16xf32> to vector<16xf32>
      %swap3A_1482 = vector.shape_cast %get3A_1478 : vector<16xf32> to vector<16xf32>
      tpu.vector_store %arg26[%swap3A_1479], %swap3A_1482 {strides = array<i32>} : memref<512xf32, #tpu.memory_space<vmem>>, vector<16xf32>,
      %get3A_1483 = arith.constant 464 : index
      %get3A_1484 = tpu.vector_load %arg16[%get3A_1483] {strides = array<i32>} : memref<512xf32, #tpu.memory_space<vmem>>, vector<16xf32>,
      %get3A_1485 = vector.shape_cast %get3A_1484 : vector<16xf32> to vector<16xf32>
      %swap3A_1486 = arith.constant 464 : index
      %swap3A_1487 = tpu.vector_load %arg26[%swap3A_1486] {strides = array<i32>} : memref<512xf32, #tpu.memory_space<vmem>>, vector<16xf32>,
      %swap3A_1488 = vector.shape_cast %swap3A_1487 : vector<16xf32> to vector<16xf32>
      %swap3A_1489 = vector.shape_cast %get3A_1485 : vector<16xf32> to vector<16xf32>
      tpu.vector_store %arg26[%swap3A_1486], %swap3A_1489 {strides = array<i32>} : memref<512xf32, #tpu.memory_space<vmem>>, vector<16xf32>,
      %get3A_1490 = arith.constant 480 : index
      %get3A_1491 = tpu.vector_load %arg16[%get3A_1490] {strides = array<i32>} : memref<512xf32, #tpu.memory_space<vmem>>, vector<16xf32>,
      %get3A_1492 = vector.shape_cast %get3A_1491 : vector<16xf32> to vector<16xf32>
      %swap3A_1493 = arith.constant 480 : index
      %swap3A_1494 = tpu.vector_load %arg26[%swap3A_1493] {strides = array<i32>} : memref<512xf32, #tpu.memory_space<vmem>>, vector<16xf32>,
      %swap3A_1495 = vector.shape_cast %swap3A_1494 : vector<16xf32> to vector<16xf32>
      %swap3A_1496 = vector.shape_cast %get3A_1492 : vector<16xf32> to vector<16xf32>
      tpu.vector_store %arg26[%swap3A_1493], %swap3A_1496 {strides = array<i32>} : memref<512xf32, #tpu.memory_space<vmem>>, vector<16xf32>,
      %get3A_1497 = arith.constant 496 : index
      %get3A_1498 = tpu.vector_load %arg16[%get3A_1497] {strides = array<i32>} : memref<512xf32, #tpu.memory_space<vmem>>, vector<16xf32>,
      %get3A_1499 = vector.shape_cast %get3A_1498 : vector<16xf32> to vector<16xf32>
      %swap3A_1500 = arith.constant 496 : index
      %swap3A_1501 = tpu.vector_load %arg26[%swap3A_1500] {strides = array<i32>} : memref<512xf32, #tpu.memory_space<vmem>>, vector<16xf32>,
      %swap3A_1502 = vector.shape_cast %swap3A_1501 : vector<16xf32> to vector<16xf32>
      %swap3A_1503 = vector.shape_cast %get3A_1499 : vector<16xf32> to vector<16xf32>
      tpu.vector_store %arg26[%swap3A_1500], %swap3A_1503 {strides = array<i32>} : memref<512xf32, #tpu.memory_space<vmem>>, vector<16xf32>,
      %add3A_1504 = arith.constant 2 : i32
      %add3A_1505 = arith.addi %mul3A_1222, %add3A_1504 : i32
      %mul3A_1506 = arith.constant 10048 : i32
      %mul3A_1507 = arith.muli %add3A, %mul3A_1506 : i32
      %mul3A_1508 = arith.constant 32 : i32
      %mul3A_1509 = arith.muli %add3A_1505, %mul3A_1508 : i32
      %add3A_1510 = arith.addi %mul3A_1507, %mul3A_1509 : i32
      %multiple_of3A_1511 = tpu.assume_multiple %add3A_1510, 32 : i32
      %mul3A_1512 = arith.constant 10048 : i32
      %mul3A_1513 = arith.muli %add3A, %mul3A_1512 : i32
      %mul3A_1514 = arith.constant 32 : i32
      %mul3A_1515 = arith.muli %add3A_1505, %mul3A_1514 : i32
      %add3A_1516 = arith.addi %mul3A_1513, %mul3A_1515 : i32
      %mul3A_1517 = arith.constant 16 : i32
      %mul3A_1518 = arith.muli %add3A_1516, %mul3A_1517 : i32
      %multiple_of3A_1519 = tpu.assume_multiple %mul3A_1518, 512 : i32
      %dma_start3A_1520 = tpu.memref_slice %arg5[%multiple_of3A_1511] : memref<321536xi32, #tpu.memory_space<hbm>> -> memref<32xi32, #tpu.memory_space<hbm>>
      %dma_start3A_1521 = tpu.memref_slice %arg5[%multiple_of3A_1511] : memref<321536xi32, #tpu.memory_space<hbm>> -> memref<32xi32, #tpu.memory_space<hbm>>
      tpu.enqueue_dma source(%dma_start3A_1521 : memref<32xi32, #tpu.memory_space<hbm>>) target(%arg10 : memref<32xi32, #tpu.memory_space<vmem>>) target_semaphore(%arg27 : memref<!tpu.dma_semaphore, #tpu.memory_space<semaphore_mem>>)
      %dma_start3A_1522 = tpu.memref_slice %arg6[%multiple_of3A_1511] : memref<321536xi32, #tpu.memory_space<hbm>> -> memref<32xi32, #tpu.memory_space<hbm>>
      %dma_start3A_1523 = tpu.memref_slice %arg6[%multiple_of3A_1511] : memref<321536xi32, #tpu.memory_space<hbm>> -> memref<32xi32, #tpu.memory_space<hbm>>
      tpu.enqueue_dma source(%dma_start3A_1523 : memref<32xi32, #tpu.memory_space<hbm>>) target(%arg12 : memref<32xi32, #tpu.memory_space<vmem>>) target_semaphore(%arg27 : memref<!tpu.dma_semaphore, #tpu.memory_space<semaphore_mem>>)
      %dma_start3A_1524 = tpu.memref_slice %arg7[%multiple_of3A_1519] : memref<5144576xf32, #tpu.memory_space<hbm>> -> memref<512xf32, #tpu.memory_space<hbm>>
      %dma_start3A_1525 = tpu.memref_slice %arg7[%multiple_of3A_1519] : memref<5144576xf32, #tpu.memory_space<hbm>> -> memref<512xf32, #tpu.memory_space<hbm>>
      tpu.enqueue_dma source(%dma_start3A_1525 : memref<512xf32, #tpu.memory_space<hbm>>) target(%arg16 : memref<512xf32, #tpu.memory_space<vmem>>) target_semaphore(%arg27 : memref<!tpu.dma_semaphore, #tpu.memory_space<semaphore_mem>>)
      %scan3A_1526 = arith.constant 0 : i32
      %scan3A_1527 = arith.constant 0 : i32
      %scan3A_1528 = arith.constant 32 : i32
      %scan3A_1529 = arith.addi %scan3A_1527, %scan3A_1528 : i32
      %scan3A_1530 = arith.constant 1 : i32
      scf.for %scan3A_1851 = %scan3A_1527 to %scan3A_1529 step %scan3A_1530  : i32 {
        %mul3A_1852 = arith.constant 16 : i32
        %mul3A_1853 = arith.muli %scan3A_1851, %mul3A_1852 : i32
        %get3A_1854 = arith.index_cast %mul3A_1853 : i32 to index
        %get3A_1855 = tpu.vector_load %arg26[%get3A_1854] {strides = array<i32>} : memref<512xf32, #tpu.memory_space<vmem>>, vector<16xf32>,
        %get3A_1856 = vector.shape_cast %get3A_1855 : vector<16xf32> to vector<16xf32>
        %get3A_1857 = arith.index_cast %scan3A_1851 : i32 to index
        %get3A_1858 = arith.constant 0 : index
        %get3A_1859 = tpu.vector_load %arg18[%get3A_1857, %get3A_1858] {strides = array<i32>} : memref<32x128xf32, #tpu.memory_space<vmem>>, vector<1x16xf32>,
        %get3A_1860 = vector.shape_cast %get3A_1859 : vector<1x16xf32> to vector<16xf32>
        %get3A_1861 = arith.index_cast %scan3A_1851 : i32 to index
        %get3A_1862 = arith.constant 0 : index
        %get3A_1863 = tpu.vector_load %arg20[%get3A_1861, %get3A_1862] {strides = array<i32>} : memref<32x128xf32, #tpu.memory_space<vmem>>, vector<1x16xf32>,
        %get3A_1864 = vector.shape_cast %get3A_1863 : vector<1x16xf32> to vector<16xf32>
        %add3A_1865 = arith.addf %get3A_1860, %get3A_1864 : vector<16xf32>
        %neg3A = arith.constant 0.000000e+00 : f32
        %neg3A_1866 = vector.broadcast %neg3A : f32 to vector<16xf32>
        %neg3A_1867 = arith.subf %neg3A_1866, %add3A_1865 : vector<16xf32>
        %exp3A = math.exp %neg3A_1867 : vector<16xf32>
        %add3A_1868 = arith.constant 1.000000e+00 : f32
        %add3A_1869 = vector.broadcast %add3A_1868 : f32 to vector<16xf32>
        %add3A_1870 = arith.addf %add3A_1869, %exp3A : vector<16xf32>
        %div3A = arith.constant 1.000000e+00 : f32
        %div3A_1871 = vector.broadcast %div3A : f32 to vector<16xf32>
        %div3A_1872 = arith.divf %div3A_1871, %add3A_1870 : vector<16xf32>
        %get3A_1873 = arith.index_cast %scan3A_1851 : i32 to index
        %get3A_1874 = arith.constant 0 : index
        %get3A_1875 = tpu.vector_load %arg22[%get3A_1873, %get3A_1874] {strides = array<i32>} : memref<32x128xf32, #tpu.memory_space<vmem>>, vector<1x16xf32>,
        %get3A_1876 = vector.shape_cast %get3A_1875 : vector<1x16xf32> to vector<16xf32>
        %mul3A_1877 = arith.mulf %div3A_1872, %get3A_1876 : vector<16xf32>
        %mul3A_1878 = arith.mulf %mul3A_1877, %get3A_1856 : vector<16xf32>
        %swap3A_1879 = arith.index_cast %scan3A_1851 : i32 to index
        %swap3A_1880 = arith.constant 0 : index
        %swap3A_1881 = tpu.vector_load %arg24[%swap3A_1879, %swap3A_1880] {strides = array<i32>} : memref<32x128xf32, #tpu.memory_space<vmem>>, vector<1x16xf32>,
        %swap3A_1882 = vector.shape_cast %swap3A_1881 : vector<1x16xf32> to vector<16xf32>
        %swap3A_1883 = vector.shape_cast %mul3A_1878 : vector<16xf32> to vector<1x16xf32>
        tpu.vector_store %arg24[%swap3A_1879, %swap3A_1880], %swap3A_1883 {strides = array<i32>} : memref<32x128xf32, #tpu.memory_space<vmem>>, vector<1x16xf32>,
        %get3A_1884 = arith.index_cast %scan3A_1851 : i32 to index
        %get3A_1885 = arith.constant 16 : index
        %get3A_1886 = tpu.vector_load %arg18[%get3A_1884, %get3A_1885] {strides = array<i32>} : memref<32x128xf32, #tpu.memory_space<vmem>>, vector<1x16xf32>,
        %get3A_1887 = vector.shape_cast %get3A_1886 : vector<1x16xf32> to vector<16xf32>
        %get3A_1888 = arith.index_cast %scan3A_1851 : i32 to index
        %get3A_1889 = arith.constant 16 : index
        %get3A_1890 = tpu.vector_load %arg20[%get3A_1888, %get3A_1889] {strides = array<i32>} : memref<32x128xf32, #tpu.memory_space<vmem>>, vector<1x16xf32>,
        %get3A_1891 = vector.shape_cast %get3A_1890 : vector<1x16xf32> to vector<16xf32>
        %add3A_1892 = arith.addf %get3A_1887, %get3A_1891 : vector<16xf32>
        %neg3A_1893 = arith.constant 0.000000e+00 : f32
        %neg3A_1894 = vector.broadcast %neg3A_1893 : f32 to vector<16xf32>
        %neg3A_1895 = arith.subf %neg3A_1894, %add3A_1892 : vector<16xf32>
        %exp3A_1896 = math.exp %neg3A_1895 : vector<16xf32>
        %add3A_1897 = arith.constant 1.000000e+00 : f32
        %add3A_1898 = vector.broadcast %add3A_1897 : f32 to vector<16xf32>
        %add3A_1899 = arith.addf %add3A_1898, %exp3A_1896 : vector<16xf32>
        %div3A_1900 = arith.constant 1.000000e+00 : f32
        %div3A_1901 = vector.broadcast %div3A_1900 : f32 to vector<16xf32>
        %div3A_1902 = arith.divf %div3A_1901, %add3A_1899 : vector<16xf32>
        %get3A_1903 = arith.index_cast %scan3A_1851 : i32 to index
        %get3A_1904 = arith.constant 16 : index
        %get3A_1905 = tpu.vector_load %arg22[%get3A_1903, %get3A_1904] {strides = array<i32>} : memref<32x128xf32, #tpu.memory_space<vmem>>, vector<1x16xf32>,
        %get3A_1906 = vector.shape_cast %get3A_1905 : vector<1x16xf32> to vector<16xf32>
        %mul3A_1907 = arith.mulf %div3A_1902, %get3A_1906 : vector<16xf32>
        %mul3A_1908 = arith.mulf %mul3A_1907, %get3A_1856 : vector<16xf32>
        %swap3A_1909 = arith.index_cast %scan3A_1851 : i32 to index
        %swap3A_1910 = arith.constant 16 : index
        %swap3A_1911 = tpu.vector_load %arg24[%swap3A_1909, %swap3A_1910] {strides = array<i32>} : memref<32x128xf32, #tpu.memory_space<vmem>>, vector<1x16xf32>,
        %swap3A_1912 = vector.shape_cast %swap3A_1911 : vector<1x16xf32> to vector<16xf32>
        %swap3A_1913 = vector.shape_cast %mul3A_1908 : vector<16xf32> to vector<1x16xf32>
        tpu.vector_store %arg24[%swap3A_1909, %swap3A_1910], %swap3A_1913 {strides = array<i32>} : memref<32x128xf32, #tpu.memory_space<vmem>>, vector<1x16xf32>,
        %get3A_1914 = arith.index_cast %scan3A_1851 : i32 to index
        %get3A_1915 = arith.constant 32 : index
        %get3A_1916 = tpu.vector_load %arg18[%get3A_1914, %get3A_1915] {strides = array<i32>} : memref<32x128xf32, #tpu.memory_space<vmem>>, vector<1x16xf32>,
        %get3A_1917 = vector.shape_cast %get3A_1916 : vector<1x16xf32> to vector<16xf32>
        %get3A_1918 = arith.index_cast %scan3A_1851 : i32 to index
        %get3A_1919 = arith.constant 32 : index
        %get3A_1920 = tpu.vector_load %arg20[%get3A_1918, %get3A_1919] {strides = array<i32>} : memref<32x128xf32, #tpu.memory_space<vmem>>, vector<1x16xf32>,
        %get3A_1921 = vector.shape_cast %get3A_1920 : vector<1x16xf32> to vector<16xf32>
        %add3A_1922 = arith.addf %get3A_1917, %get3A_1921 : vector<16xf32>
        %neg3A_1923 = arith.constant 0.000000e+00 : f32
        %neg3A_1924 = vector.broadcast %neg3A_1923 : f32 to vector<16xf32>
        %neg3A_1925 = arith.subf %neg3A_1924, %add3A_1922 : vector<16xf32>
        %exp3A_1926 = math.exp %neg3A_1925 : vector<16xf32>
        %add3A_1927 = arith.constant 1.000000e+00 : f32
        %add3A_1928 = vector.broadcast %add3A_1927 : f32 to vector<16xf32>
        %add3A_1929 = arith.addf %add3A_1928, %exp3A_1926 : vector<16xf32>
        %div3A_1930 = arith.constant 1.000000e+00 : f32
        %div3A_1931 = vector.broadcast %div3A_1930 : f32 to vector<16xf32>
        %div3A_1932 = arith.divf %div3A_1931, %add3A_1929 : vector<16xf32>
        %get3A_1933 = arith.index_cast %scan3A_1851 : i32 to index
        %get3A_1934 = arith.constant 32 : index
        %get3A_1935 = tpu.vector_load %arg22[%get3A_1933, %get3A_1934] {strides = array<i32>} : memref<32x128xf32, #tpu.memory_space<vmem>>, vector<1x16xf32>,
        %get3A_1936 = vector.shape_cast %get3A_1935 : vector<1x16xf32> to vector<16xf32>
        %mul3A_1937 = arith.mulf %div3A_1932, %get3A_1936 : vector<16xf32>
        %mul3A_1938 = arith.mulf %mul3A_1937, %get3A_1856 : vector<16xf32>
        %swap3A_1939 = arith.index_cast %scan3A_1851 : i32 to index
        %swap3A_1940 = arith.constant 32 : index
        %swap3A_1941 = tpu.vector_load %arg24[%swap3A_1939, %swap3A_1940] {strides = array<i32>} : memref<32x128xf32, #tpu.memory_space<vmem>>, vector<1x16xf32>,
        %swap3A_1942 = vector.shape_cast %swap3A_1941 : vector<1x16xf32> to vector<16xf32>
        %swap3A_1943 = vector.shape_cast %mul3A_1938 : vector<16xf32> to vector<1x16xf32>
        tpu.vector_store %arg24[%swap3A_1939, %swap3A_1940], %swap3A_1943 {strides = array<i32>} : memref<32x128xf32, #tpu.memory_space<vmem>>, vector<1x16xf32>,
        %get3A_1944 = arith.index_cast %scan3A_1851 : i32 to index
        %get3A_1945 = arith.constant 48 : index
        %get3A_1946 = tpu.vector_load %arg18[%get3A_1944, %get3A_1945] {strides = array<i32>} : memref<32x128xf32, #tpu.memory_space<vmem>>, vector<1x16xf32>,
        %get3A_1947 = vector.shape_cast %get3A_1946 : vector<1x16xf32> to vector<16xf32>
        %get3A_1948 = arith.index_cast %scan3A_1851 : i32 to index
        %get3A_1949 = arith.constant 48 : index
        %get3A_1950 = tpu.vector_load %arg20[%get3A_1948, %get3A_1949] {strides = array<i32>} : memref<32x128xf32, #tpu.memory_space<vmem>>, vector<1x16xf32>,
        %get3A_1951 = vector.shape_cast %get3A_1950 : vector<1x16xf32> to vector<16xf32>
        %add3A_1952 = arith.addf %get3A_1947, %get3A_1951 : vector<16xf32>
        %neg3A_1953 = arith.constant 0.000000e+00 : f32
        %neg3A_1954 = vector.broadcast %neg3A_1953 : f32 to vector<16xf32>
        %neg3A_1955 = arith.subf %neg3A_1954, %add3A_1952 : vector<16xf32>
        %exp3A_1956 = math.exp %neg3A_1955 : vector<16xf32>
        %add3A_1957 = arith.constant 1.000000e+00 : f32
        %add3A_1958 = vector.broadcast %add3A_1957 : f32 to vector<16xf32>
        %add3A_1959 = arith.addf %add3A_1958, %exp3A_1956 : vector<16xf32>
        %div3A_1960 = arith.constant 1.000000e+00 : f32
        %div3A_1961 = vector.broadcast %div3A_1960 : f32 to vector<16xf32>
        %div3A_1962 = arith.divf %div3A_1961, %add3A_1959 : vector<16xf32>
        %get3A_1963 = arith.index_cast %scan3A_1851 : i32 to index
        %get3A_1964 = arith.constant 48 : index
        %get3A_1965 = tpu.vector_load %arg22[%get3A_1963, %get3A_1964] {strides = array<i32>} : memref<32x128xf32, #tpu.memory_space<vmem>>, vector<1x16xf32>,
        %get3A_1966 = vector.shape_cast %get3A_1965 : vector<1x16xf32> to vector<16xf32>
        %mul3A_1967 = arith.mulf %div3A_1962, %get3A_1966 : vector<16xf32>
        %mul3A_1968 = arith.mulf %mul3A_1967, %get3A_1856 : vector<16xf32>
        %swap3A_1969 = arith.index_cast %scan3A_1851 : i32 to index
        %swap3A_1970 = arith.constant 48 : index
        %swap3A_1971 = tpu.vector_load %arg24[%swap3A_1969, %swap3A_1970] {strides = array<i32>} : memref<32x128xf32, #tpu.memory_space<vmem>>, vector<1x16xf32>,
        %swap3A_1972 = vector.shape_cast %swap3A_1971 : vector<1x16xf32> to vector<16xf32>
        %swap3A_1973 = vector.shape_cast %mul3A_1968 : vector<16xf32> to vector<1x16xf32>
        tpu.vector_store %arg24[%swap3A_1969, %swap3A_1970], %swap3A_1973 {strides = array<i32>} : memref<32x128xf32, #tpu.memory_space<vmem>>, vector<1x16xf32>,
        %get3A_1974 = arith.index_cast %scan3A_1851 : i32 to index
        %get3A_1975 = arith.constant 64 : index
        %get3A_1976 = tpu.vector_load %arg18[%get3A_1974, %get3A_1975] {strides = array<i32>} : memref<32x128xf32, #tpu.memory_space<vmem>>, vector<1x16xf32>,
        %get3A_1977 = vector.shape_cast %get3A_1976 : vector<1x16xf32> to vector<16xf32>
        %get3A_1978 = arith.index_cast %scan3A_1851 : i32 to index
        %get3A_1979 = arith.constant 64 : index
        %get3A_1980 = tpu.vector_load %arg20[%get3A_1978, %get3A_1979] {strides = array<i32>} : memref<32x128xf32, #tpu.memory_space<vmem>>, vector<1x16xf32>,
        %get3A_1981 = vector.shape_cast %get3A_1980 : vector<1x16xf32> to vector<16xf32>
        %add3A_1982 = arith.addf %get3A_1977, %get3A_1981 : vector<16xf32>
        %neg3A_1983 = arith.constant 0.000000e+00 : f32
        %neg3A_1984 = vector.broadcast %neg3A_1983 : f32 to vector<16xf32>
        %neg3A_1985 = arith.subf %neg3A_1984, %add3A_1982 : vector<16xf32>
        %exp3A_1986 = math.exp %neg3A_1985 : vector<16xf32>
        %add3A_1987 = arith.constant 1.000000e+00 : f32
        %add3A_1988 = vector.broadcast %add3A_1987 : f32 to vector<16xf32>
        %add3A_1989 = arith.addf %add3A_1988, %exp3A_1986 : vector<16xf32>
        %div3A_1990 = arith.constant 1.000000e+00 : f32
        %div3A_1991 = vector.broadcast %div3A_1990 : f32 to vector<16xf32>
        %div3A_1992 = arith.divf %div3A_1991, %add3A_1989 : vector<16xf32>
        %get3A_1993 = arith.index_cast %scan3A_1851 : i32 to index
        %get3A_1994 = arith.constant 64 : index
        %get3A_1995 = tpu.vector_load %arg22[%get3A_1993, %get3A_1994] {strides = array<i32>} : memref<32x128xf32, #tpu.memory_space<vmem>>, vector<1x16xf32>,
        %get3A_1996 = vector.shape_cast %get3A_1995 : vector<1x16xf32> to vector<16xf32>
        %mul3A_1997 = arith.mulf %div3A_1992, %get3A_1996 : vector<16xf32>
        %mul3A_1998 = arith.mulf %mul3A_1997, %get3A_1856 : vector<16xf32>
        %swap3A_1999 = arith.index_cast %scan3A_1851 : i32 to index
        %swap3A_2000 = arith.constant 64 : index
        %swap3A_2001 = tpu.vector_load %arg24[%swap3A_1999, %swap3A_2000] {strides = array<i32>} : memref<32x128xf32, #tpu.memory_space<vmem>>, vector<1x16xf32>,
        %swap3A_2002 = vector.shape_cast %swap3A_2001 : vector<1x16xf32> to vector<16xf32>
        %swap3A_2003 = vector.shape_cast %mul3A_1998 : vector<16xf32> to vector<1x16xf32>
        tpu.vector_store %arg24[%swap3A_1999, %swap3A_2000], %swap3A_2003 {strides = array<i32>} : memref<32x128xf32, #tpu.memory_space<vmem>>, vector<1x16xf32>,
        %get3A_2004 = arith.index_cast %scan3A_1851 : i32 to index
        %get3A_2005 = arith.constant 80 : index
        %get3A_2006 = tpu.vector_load %arg18[%get3A_2004, %get3A_2005] {strides = array<i32>} : memref<32x128xf32, #tpu.memory_space<vmem>>, vector<1x16xf32>,
        %get3A_2007 = vector.shape_cast %get3A_2006 : vector<1x16xf32> to vector<16xf32>
        %get3A_2008 = arith.index_cast %scan3A_1851 : i32 to index
        %get3A_2009 = arith.constant 80 : index
        %get3A_2010 = tpu.vector_load %arg20[%get3A_2008, %get3A_2009] {strides = array<i32>} : memref<32x128xf32, #tpu.memory_space<vmem>>, vector<1x16xf32>,
        %get3A_2011 = vector.shape_cast %get3A_2010 : vector<1x16xf32> to vector<16xf32>
        %add3A_2012 = arith.addf %get3A_2007, %get3A_2011 : vector<16xf32>
        %neg3A_2013 = arith.constant 0.000000e+00 : f32
        %neg3A_2014 = vector.broadcast %neg3A_2013 : f32 to vector<16xf32>
        %neg3A_2015 = arith.subf %neg3A_2014, %add3A_2012 : vector<16xf32>
        %exp3A_2016 = math.exp %neg3A_2015 : vector<16xf32>
        %add3A_2017 = arith.constant 1.000000e+00 : f32
        %add3A_2018 = vector.broadcast %add3A_2017 : f32 to vector<16xf32>
        %add3A_2019 = arith.addf %add3A_2018, %exp3A_2016 : vector<16xf32>
        %div3A_2020 = arith.constant 1.000000e+00 : f32
        %div3A_2021 = vector.broadcast %div3A_2020 : f32 to vector<16xf32>
        %div3A_2022 = arith.divf %div3A_2021, %add3A_2019 : vector<16xf32>
        %get3A_2023 = arith.index_cast %scan3A_1851 : i32 to index
        %get3A_2024 = arith.constant 80 : index
        %get3A_2025 = tpu.vector_load %arg22[%get3A_2023, %get3A_2024] {strides = array<i32>} : memref<32x128xf32, #tpu.memory_space<vmem>>, vector<1x16xf32>,
        %get3A_2026 = vector.shape_cast %get3A_2025 : vector<1x16xf32> to vector<16xf32>
        %mul3A_2027 = arith.mulf %div3A_2022, %get3A_2026 : vector<16xf32>
        %mul3A_2028 = arith.mulf %mul3A_2027, %get3A_1856 : vector<16xf32>
        %swap3A_2029 = arith.index_cast %scan3A_1851 : i32 to index
        %swap3A_2030 = arith.constant 80 : index
        %swap3A_2031 = tpu.vector_load %arg24[%swap3A_2029, %swap3A_2030] {strides = array<i32>} : memref<32x128xf32, #tpu.memory_space<vmem>>, vector<1x16xf32>,
        %swap3A_2032 = vector.shape_cast %swap3A_2031 : vector<1x16xf32> to vector<16xf32>
        %swap3A_2033 = vector.shape_cast %mul3A_2028 : vector<16xf32> to vector<1x16xf32>
        tpu.vector_store %arg24[%swap3A_2029, %swap3A_2030], %swap3A_2033 {strides = array<i32>} : memref<32x128xf32, #tpu.memory_space<vmem>>, vector<1x16xf32>,
        %get3A_2034 = arith.index_cast %scan3A_1851 : i32 to index
        %get3A_2035 = arith.constant 96 : index
        %get3A_2036 = tpu.vector_load %arg18[%get3A_2034, %get3A_2035] {strides = array<i32>} : memref<32x128xf32, #tpu.memory_space<vmem>>, vector<1x16xf32>,
        %get3A_2037 = vector.shape_cast %get3A_2036 : vector<1x16xf32> to vector<16xf32>
        %get3A_2038 = arith.index_cast %scan3A_1851 : i32 to index
        %get3A_2039 = arith.constant 96 : index
        %get3A_2040 = tpu.vector_load %arg20[%get3A_2038, %get3A_2039] {strides = array<i32>} : memref<32x128xf32, #tpu.memory_space<vmem>>, vector<1x16xf32>,
        %get3A_2041 = vector.shape_cast %get3A_2040 : vector<1x16xf32> to vector<16xf32>
        %add3A_2042 = arith.addf %get3A_2037, %get3A_2041 : vector<16xf32>
        %neg3A_2043 = arith.constant 0.000000e+00 : f32
        %neg3A_2044 = vector.broadcast %neg3A_2043 : f32 to vector<16xf32>
        %neg3A_2045 = arith.subf %neg3A_2044, %add3A_2042 : vector<16xf32>
        %exp3A_2046 = math.exp %neg3A_2045 : vector<16xf32>
        %add3A_2047 = arith.constant 1.000000e+00 : f32
        %add3A_2048 = vector.broadcast %add3A_2047 : f32 to vector<16xf32>
        %add3A_2049 = arith.addf %add3A_2048, %exp3A_2046 : vector<16xf32>
        %div3A_2050 = arith.constant 1.000000e+00 : f32
        %div3A_2051 = vector.broadcast %div3A_2050 : f32 to vector<16xf32>
        %div3A_2052 = arith.divf %div3A_2051, %add3A_2049 : vector<16xf32>
        %get3A_2053 = arith.index_cast %scan3A_1851 : i32 to index
        %get3A_2054 = arith.constant 96 : index
        %get3A_2055 = tpu.vector_load %arg22[%get3A_2053, %get3A_2054] {strides = array<i32>} : memref<32x128xf32, #tpu.memory_space<vmem>>, vector<1x16xf32>,
        %get3A_2056 = vector.shape_cast %get3A_2055 : vector<1x16xf32> to vector<16xf32>
        %mul3A_2057 = arith.mulf %div3A_2052, %get3A_2056 : vector<16xf32>
        %mul3A_2058 = arith.mulf %mul3A_2057, %get3A_1856 : vector<16xf32>
        %swap3A_2059 = arith.index_cast %scan3A_1851 : i32 to index
        %swap3A_2060 = arith.constant 96 : index
        %swap3A_2061 = tpu.vector_load %arg24[%swap3A_2059, %swap3A_2060] {strides = array<i32>} : memref<32x128xf32, #tpu.memory_space<vmem>>, vector<1x16xf32>,
        %swap3A_2062 = vector.shape_cast %swap3A_2061 : vector<1x16xf32> to vector<16xf32>
        %swap3A_2063 = vector.shape_cast %mul3A_2058 : vector<16xf32> to vector<1x16xf32>
        tpu.vector_store %arg24[%swap3A_2059, %swap3A_2060], %swap3A_2063 {strides = array<i32>} : memref<32x128xf32, #tpu.memory_space<vmem>>, vector<1x16xf32>,
        %get3A_2064 = arith.index_cast %scan3A_1851 : i32 to index
        %get3A_2065 = arith.constant 112 : index
        %get3A_2066 = tpu.vector_load %arg18[%get3A_2064, %get3A_2065] {strides = array<i32>} : memref<32x128xf32, #tpu.memory_space<vmem>>, vector<1x16xf32>,
        %get3A_2067 = vector.shape_cast %get3A_2066 : vector<1x16xf32> to vector<16xf32>
        %get3A_2068 = arith.index_cast %scan3A_1851 : i32 to index
        %get3A_2069 = arith.constant 112 : index
        %get3A_2070 = tpu.vector_load %arg20[%get3A_2068, %get3A_2069] {strides = array<i32>} : memref<32x128xf32, #tpu.memory_space<vmem>>, vector<1x16xf32>,
        %get3A_2071 = vector.shape_cast %get3A_2070 : vector<1x16xf32> to vector<16xf32>
        %add3A_2072 = arith.addf %get3A_2067, %get3A_2071 : vector<16xf32>
        %neg3A_2073 = arith.constant 0.000000e+00 : f32
        %neg3A_2074 = vector.broadcast %neg3A_2073 : f32 to vector<16xf32>
        %neg3A_2075 = arith.subf %neg3A_2074, %add3A_2072 : vector<16xf32>
        %exp3A_2076 = math.exp %neg3A_2075 : vector<16xf32>
        %add3A_2077 = arith.constant 1.000000e+00 : f32
        %add3A_2078 = vector.broadcast %add3A_2077 : f32 to vector<16xf32>
        %add3A_2079 = arith.addf %add3A_2078, %exp3A_2076 : vector<16xf32>
        %div3A_2080 = arith.constant 1.000000e+00 : f32
        %div3A_2081 = vector.broadcast %div3A_2080 : f32 to vector<16xf32>
        %div3A_2082 = arith.divf %div3A_2081, %add3A_2079 : vector<16xf32>
        %get3A_2083 = arith.index_cast %scan3A_1851 : i32 to index
        %get3A_2084 = arith.constant 112 : index
        %get3A_2085 = tpu.vector_load %arg22[%get3A_2083, %get3A_2084] {strides = array<i32>} : memref<32x128xf32, #tpu.memory_space<vmem>>, vector<1x16xf32>,
        %get3A_2086 = vector.shape_cast %get3A_2085 : vector<1x16xf32> to vector<16xf32>
        %mul3A_2087 = arith.mulf %div3A_2082, %get3A_2086 : vector<16xf32>
        %mul3A_2088 = arith.mulf %mul3A_2087, %get3A_1856 : vector<16xf32>
        %swap3A_2089 = arith.index_cast %scan3A_1851 : i32 to index
        %swap3A_2090 = arith.constant 112 : index
        %swap3A_2091 = tpu.vector_load %arg24[%swap3A_2089, %swap3A_2090] {strides = array<i32>} : memref<32x128xf32, #tpu.memory_space<vmem>>, vector<1x16xf32>,
        %swap3A_2092 = vector.shape_cast %swap3A_2091 : vector<1x16xf32> to vector<16xf32>
        %swap3A_2093 = vector.shape_cast %mul3A_2088 : vector<16xf32> to vector<1x16xf32>
        tpu.vector_store %arg24[%swap3A_2089, %swap3A_2090], %swap3A_2093 {strides = array<i32>} : memref<32x128xf32, #tpu.memory_space<vmem>>, vector<1x16xf32>,
      }
      %scan3A_1531 = arith.constant 32 : i32
      %dma_start3A_1532 = arith.constant 0 : i32
      %dma_start3A_1533 = arith.constant 0 : i32
      %dma_start3A_1534 = tpu.memref_slice %arg33[%dma_start3A_1532, %dma_start3A_1533] : memref<10112x128xf32, #tpu.memory_space<vmem_shared>> -> memref<10112x128xf32, #tpu.memory_space<vmem_shared>>
      tpu.enqueue_indirect_dma source(%arg24 : memref<32x128xf32, #tpu.memory_space<vmem>>) target(%dma_start3A_1534 : memref<10112x128xf32, #tpu.memory_space<vmem_shared>>) offsets(%arg14 : memref<32xi32, #tpu.memory_space<vmem>>) semaphore(%arg31 : memref<!tpu.dma_semaphore, #tpu.memory_space<semaphore_mem>>) {add = true}
      %mul3A_1535 = arith.constant 2 : i32
      %mul3A_1536 = arith.muli %mul3A_1535, %scan3A_1220 : i32
      %add3A_1537 = arith.constant 1 : i32
      %add3A_1538 = arith.addi %mul3A_1536, %add3A_1537 : i32
      %add3A_1539 = arith.constant 1 : i32
      %add3A_1540 = arith.addi %add3A_1538, %add3A_1539 : i32
      %mul3A_1541 = arith.constant 10048 : i32
      %mul3A_1542 = arith.muli %add3A, %mul3A_1541 : i32
      %mul3A_1543 = arith.constant 32 : i32
      %mul3A_1544 = arith.muli %add3A_1540, %mul3A_1543 : i32
      %add3A_1545 = arith.addi %mul3A_1542, %mul3A_1544 : i32
      %multiple_of3A_1546 = tpu.assume_multiple %add3A_1545, 32 : i32
      %mul3A_1547 = arith.constant 10048 : i32
      %mul3A_1548 = arith.muli %add3A, %mul3A_1547 : i32
      %mul3A_1549 = arith.constant 32 : i32
      %mul3A_1550 = arith.muli %add3A_1540, %mul3A_1549 : i32
      %add3A_1551 = arith.addi %mul3A_1548, %mul3A_1550 : i32
      %mul3A_1552 = arith.constant 16 : i32
      %mul3A_1553 = arith.muli %add3A_1551, %mul3A_1552 : i32
      %multiple_of3A_1554 = tpu.assume_multiple %mul3A_1553, 512 : i32
      %dma_wait3A_1555 = tpu.memref_slice %arg5[%multiple_of3A_1546] : memref<321536xi32, #tpu.memory_space<hbm>> -> memref<32xi32, #tpu.memory_space<hbm>>
      %dma_wait3A_1556 = tpu.memref_slice %arg5[%multiple_of3A_1546] : memref<321536xi32, #tpu.memory_space<hbm>> -> memref<32xi32, #tpu.memory_space<hbm>>
      tpu.wait_dma2 semaphore(%arg27 : memref<!tpu.dma_semaphore, #tpu.memory_space<semaphore_mem>>) src(%dma_wait3A_1556 : memref<32xi32, #tpu.memory_space<hbm>>) dst(%arg10 : memref<32xi32, #tpu.memory_space<vmem>>)
      %dma_wait3A_1557 = tpu.memref_slice %arg6[%multiple_of3A_1546] : memref<321536xi32, #tpu.memory_space<hbm>> -> memref<32xi32, #tpu.memory_space<hbm>>
      %dma_wait3A_1558 = tpu.memref_slice %arg6[%multiple_of3A_1546] : memref<321536xi32, #tpu.memory_space<hbm>> -> memref<32xi32, #tpu.memory_space<hbm>>
      tpu.wait_dma2 semaphore(%arg27 : memref<!tpu.dma_semaphore, #tpu.memory_space<semaphore_mem>>) src(%dma_wait3A_1558 : memref<32xi32, #tpu.memory_space<hbm>>) dst(%arg12 : memref<32xi32, #tpu.memory_space<vmem>>)
      %dma_wait3A_1559 = tpu.memref_slice %arg7[%multiple_of3A_1554] : memref<5144576xf32, #tpu.memory_space<hbm>> -> memref<512xf32, #tpu.memory_space<hbm>>
      %dma_wait3A_1560 = tpu.memref_slice %arg7[%multiple_of3A_1554] : memref<5144576xf32, #tpu.memory_space<hbm>> -> memref<512xf32, #tpu.memory_space<hbm>>
      tpu.wait_dma2 semaphore(%arg27 : memref<!tpu.dma_semaphore, #tpu.memory_space<semaphore_mem>>) src(%dma_wait3A_1560 : memref<512xf32, #tpu.memory_space<hbm>>) dst(%arg16 : memref<512xf32, #tpu.memory_space<vmem>>)
      %dma_start3A_1561 = arith.constant 0 : i32
      %dma_start3A_1562 = arith.constant 0 : i32
      %dma_start3A_1563 = tpu.memref_slice %arg2[%dma_start3A_1561, %dma_start3A_1562] : memref<10112x128xf32, #tpu.memory_space<hbm>> -> memref<10112x128xf32, #tpu.memory_space<hbm>>
      tpu.enqueue_indirect_dma source(%dma_start3A_1563 : memref<10112x128xf32, #tpu.memory_space<hbm>>) target(%arg18 : memref<32x128xf32, #tpu.memory_space<vmem>>) offsets(%arg12 : memref<32xi32, #tpu.memory_space<vmem>>) semaphore(%arg29 : memref<!tpu.dma_semaphore, #tpu.memory_space<semaphore_mem>>)
      %dma_start3A_1564 = arith.constant 0 : i32
      %dma_start3A_1565 = arith.constant 0 : i32
      %dma_start3A_1566 = tpu.memref_slice %arg3[%dma_start3A_1564, %dma_start3A_1565] : memref<10112x128xf32, #tpu.memory_space<hbm>> -> memref<10112x128xf32, #tpu.memory_space<hbm>>
      tpu.enqueue_indirect_dma source(%dma_start3A_1566 : memref<10112x128xf32, #tpu.memory_space<hbm>>) target(%arg20 : memref<32x128xf32, #tpu.memory_space<vmem>>) offsets(%arg10 : memref<32xi32, #tpu.memory_space<vmem>>) semaphore(%arg29 : memref<!tpu.dma_semaphore, #tpu.memory_space<semaphore_mem>>)
      %dma_start3A_1567 = arith.constant 0 : i32
      %dma_start3A_1568 = arith.constant 0 : i32
      %dma_start3A_1569 = tpu.memref_slice %arg4[%dma_start3A_1567, %dma_start3A_1568] : memref<10112x128xf32, #tpu.memory_space<hbm>> -> memref<10112x128xf32, #tpu.memory_space<hbm>>
      tpu.enqueue_indirect_dma source(%dma_start3A_1569 : memref<10112x128xf32, #tpu.memory_space<hbm>>) target(%arg22 : memref<32x128xf32, #tpu.memory_space<vmem>>) offsets(%arg10 : memref<32xi32, #tpu.memory_space<vmem>>) semaphore(%arg29 : memref<!tpu.dma_semaphore, #tpu.memory_space<semaphore_mem>>)
      %dma_wait3A_1570 = arith.constant 0 : i32
      %dma_wait3A_1571 = arith.constant 0 : i32
      %dma_wait3A_1572 = tpu.memref_slice %arg2[%dma_wait3A_1570, %dma_wait3A_1571] : memref<10112x128xf32, #tpu.memory_space<hbm>> -> memref<10112x128xf32, #tpu.memory_space<hbm>>
      tpu.wait_indirect_dma semaphore(%arg30 : memref<!tpu.dma_semaphore, #tpu.memory_space<semaphore_mem>>) src(%dma_wait3A_1572 : memref<10112x128xf32, #tpu.memory_space<hbm>>) dst(%arg19 : memref<32x128xf32, #tpu.memory_space<vmem>>)
      %dma_wait3A_1573 = arith.constant 0 : i32
      %dma_wait3A_1574 = arith.constant 0 : i32
      %dma_wait3A_1575 = tpu.memref_slice %arg3[%dma_wait3A_1573, %dma_wait3A_1574] : memref<10112x128xf32, #tpu.memory_space<hbm>> -> memref<10112x128xf32, #tpu.memory_space<hbm>>
      tpu.wait_indirect_dma semaphore(%arg30 : memref<!tpu.dma_semaphore, #tpu.memory_space<semaphore_mem>>) src(%dma_wait3A_1575 : memref<10112x128xf32, #tpu.memory_space<hbm>>) dst(%arg21 : memref<32x128xf32, #tpu.memory_space<vmem>>)
      %dma_wait3A_1576 = arith.constant 0 : i32
      %dma_wait3A_1577 = arith.constant 0 : i32
      %dma_wait3A_1578 = tpu.memref_slice %arg4[%dma_wait3A_1576, %dma_wait3A_1577] : memref<10112x128xf32, #tpu.memory_space<hbm>> -> memref<10112x128xf32, #tpu.memory_space<hbm>>
      tpu.wait_indirect_dma semaphore(%arg30 : memref<!tpu.dma_semaphore, #tpu.memory_space<semaphore_mem>>) src(%dma_wait3A_1578 : memref<10112x128xf32, #tpu.memory_space<hbm>>) dst(%arg23 : memref<32x128xf32, #tpu.memory_space<vmem>>)
      %dma_wait3A_1579 = arith.constant 0 : i32
      %dma_wait3A_1580 = arith.constant 0 : i32
      %dma_wait3A_1581 = tpu.memref_slice %arg33[%dma_wait3A_1579, %dma_wait3A_1580] : memref<10112x128xf32, #tpu.memory_space<vmem_shared>> -> memref<10112x128xf32, #tpu.memory_space<vmem_shared>>
      tpu.wait_indirect_dma semaphore(%arg32 : memref<!tpu.dma_semaphore, #tpu.memory_space<semaphore_mem>>) src(%arg25 : memref<32x128xf32, #tpu.memory_space<vmem>>) dst(%dma_wait3A_1581 : memref<10112x128xf32, #tpu.memory_space<vmem_shared>>)
      %get3A_1582 = arith.constant 0 : index
      %get3A_1583 = tpu.vector_load %arg13[%get3A_1582] {strides = array<i32>} : memref<32xi32, #tpu.memory_space<vmem>>, vector<16xi32>,
      %get3A_1584 = vector.shape_cast %get3A_1583 : vector<16xi32> to vector<16xi32>
      %swap3A_1585 = arith.constant 0 : index
      %swap3A_1586 = tpu.vector_load %arg15[%swap3A_1585] {strides = array<i32>} : memref<32xi32, #tpu.memory_space<vmem>>, vector<16xi32>,
      %swap3A_1587 = vector.shape_cast %swap3A_1586 : vector<16xi32> to vector<16xi32>
      %swap3A_1588 = vector.shape_cast %get3A_1584 : vector<16xi32> to vector<16xi32>
      tpu.vector_store %arg15[%swap3A_1585], %swap3A_1588 {strides = array<i32>} : memref<32xi32, #tpu.memory_space<vmem>>, vector<16xi32>,
      %get3A_1589 = arith.constant 16 : index
      %get3A_1590 = tpu.vector_load %arg13[%get3A_1589] {strides = array<i32>} : memref<32xi32, #tpu.memory_space<vmem>>, vector<16xi32>,
      %get3A_1591 = vector.shape_cast %get3A_1590 : vector<16xi32> to vector<16xi32>
      %swap3A_1592 = arith.constant 16 : index
      %swap3A_1593 = tpu.vector_load %arg15[%swap3A_1592] {strides = array<i32>} : memref<32xi32, #tpu.memory_space<vmem>>, vector<16xi32>,
      %swap3A_1594 = vector.shape_cast %swap3A_1593 : vector<16xi32> to vector<16xi32>
      %swap3A_1595 = vector.shape_cast %get3A_1591 : vector<16xi32> to vector<16xi32>
      tpu.vector_store %arg15[%swap3A_1592], %swap3A_1595 {strides = array<i32>} : memref<32xi32, #tpu.memory_space<vmem>>, vector<16xi32>,
      %get3A_1596 = arith.constant 0 : index
      %get3A_1597 = tpu.vector_load %arg17[%get3A_1596] {strides = array<i32>} : memref<512xf32, #tpu.memory_space<vmem>>, vector<16xf32>,
      %get3A_1598 = vector.shape_cast %get3A_1597 : vector<16xf32> to vector<16xf32>
      %swap3A_1599 = arith.constant 0 : index
      %swap3A_1600 = tpu.vector_load %arg26[%swap3A_1599] {strides = array<i32>} : memref<512xf32, #tpu.memory_space<vmem>>, vector<16xf32>,
      %swap3A_1601 = vector.shape_cast %swap3A_1600 : vector<16xf32> to vector<16xf32>
      %swap3A_1602 = vector.shape_cast %get3A_1598 : vector<16xf32> to vector<16xf32>
      tpu.vector_store %arg26[%swap3A_1599], %swap3A_1602 {strides = array<i32>} : memref<512xf32, #tpu.memory_space<vmem>>, vector<16xf32>,
      %get3A_1603 = arith.constant 16 : index
      %get3A_1604 = tpu.vector_load %arg17[%get3A_1603] {strides = array<i32>} : memref<512xf32, #tpu.memory_space<vmem>>, vector<16xf32>,
      %get3A_1605 = vector.shape_cast %get3A_1604 : vector<16xf32> to vector<16xf32>
      %swap3A_1606 = arith.constant 16 : index
      %swap3A_1607 = tpu.vector_load %arg26[%swap3A_1606] {strides = array<i32>} : memref<512xf32, #tpu.memory_space<vmem>>, vector<16xf32>,
      %swap3A_1608 = vector.shape_cast %swap3A_1607 : vector<16xf32> to vector<16xf32>
      %swap3A_1609 = vector.shape_cast %get3A_1605 : vector<16xf32> to vector<16xf32>
      tpu.vector_store %arg26[%swap3A_1606], %swap3A_1609 {strides = array<i32>} : memref<512xf32, #tpu.memory_space<vmem>>, vector<16xf32>,
      %get3A_1610 = arith.constant 32 : index
      %get3A_1611 = tpu.vector_load %arg17[%get3A_1610] {strides = array<i32>} : memref<512xf32, #tpu.memory_space<vmem>>, vector<16xf32>,
      %get3A_1612 = vector.shape_cast %get3A_1611 : vector<16xf32> to vector<16xf32>
      %swap3A_1613 = arith.constant 32 : index
      %swap3A_1614 = tpu.vector_load %arg26[%swap3A_1613] {strides = array<i32>} : memref<512xf32, #tpu.memory_space<vmem>>, vector<16xf32>,
      %swap3A_1615 = vector.shape_cast %swap3A_1614 : vector<16xf32> to vector<16xf32>
      %swap3A_1616 = vector.shape_cast %get3A_1612 : vector<16xf32> to vector<16xf32>
      tpu.vector_store %arg26[%swap3A_1613], %swap3A_1616 {strides = array<i32>} : memref<512xf32, #tpu.memory_space<vmem>>, vector<16xf32>,
      %get3A_1617 = arith.constant 48 : index
      %get3A_1618 = tpu.vector_load %arg17[%get3A_1617] {strides = array<i32>} : memref<512xf32, #tpu.memory_space<vmem>>, vector<16xf32>,
      %get3A_1619 = vector.shape_cast %get3A_1618 : vector<16xf32> to vector<16xf32>
      %swap3A_1620 = arith.constant 48 : index
      %swap3A_1621 = tpu.vector_load %arg26[%swap3A_1620] {strides = array<i32>} : memref<512xf32, #tpu.memory_space<vmem>>, vector<16xf32>,
      %swap3A_1622 = vector.shape_cast %swap3A_1621 : vector<16xf32> to vector<16xf32>
      %swap3A_1623 = vector.shape_cast %get3A_1619 : vector<16xf32> to vector<16xf32>
      tpu.vector_store %arg26[%swap3A_1620], %swap3A_1623 {strides = array<i32>} : memref<512xf32, #tpu.memory_space<vmem>>, vector<16xf32>,
      %get3A_1624 = arith.constant 64 : index
      %get3A_1625 = tpu.vector_load %arg17[%get3A_1624] {strides = array<i32>} : memref<512xf32, #tpu.memory_space<vmem>>, vector<16xf32>,
      %get3A_1626 = vector.shape_cast %get3A_1625 : vector<16xf32> to vector<16xf32>
      %swap3A_1627 = arith.constant 64 : index
      %swap3A_1628 = tpu.vector_load %arg26[%swap3A_1627] {strides = array<i32>} : memref<512xf32, #tpu.memory_space<vmem>>, vector<16xf32>,
      %swap3A_1629 = vector.shape_cast %swap3A_1628 : vector<16xf32> to vector<16xf32>
      %swap3A_1630 = vector.shape_cast %get3A_1626 : vector<16xf32> to vector<16xf32>
      tpu.vector_store %arg26[%swap3A_1627], %swap3A_1630 {strides = array<i32>} : memref<512xf32, #tpu.memory_space<vmem>>, vector<16xf32>,
      %get3A_1631 = arith.constant 80 : index
      %get3A_1632 = tpu.vector_load %arg17[%get3A_1631] {strides = array<i32>} : memref<512xf32, #tpu.memory_space<vmem>>, vector<16xf32>,
      %get3A_1633 = vector.shape_cast %get3A_1632 : vector<16xf32> to vector<16xf32>
      %swap3A_1634 = arith.constant 80 : index
      %swap3A_1635 = tpu.vector_load %arg26[%swap3A_1634] {strides = array<i32>} : memref<512xf32, #tpu.memory_space<vmem>>, vector<16xf32>,
      %swap3A_1636 = vector.shape_cast %swap3A_1635 : vector<16xf32> to vector<16xf32>
      %swap3A_1637 = vector.shape_cast %get3A_1633 : vector<16xf32> to vector<16xf32>
      tpu.vector_store %arg26[%swap3A_1634], %swap3A_1637 {strides = array<i32>} : memref<512xf32, #tpu.memory_space<vmem>>, vector<16xf32>,
      %get3A_1638 = arith.constant 96 : index
      %get3A_1639 = tpu.vector_load %arg17[%get3A_1638] {strides = array<i32>} : memref<512xf32, #tpu.memory_space<vmem>>, vector<16xf32>,
      %get3A_1640 = vector.shape_cast %get3A_1639 : vector<16xf32> to vector<16xf32>
      %swap3A_1641 = arith.constant 96 : index
      %swap3A_1642 = tpu.vector_load %arg26[%swap3A_1641] {strides = array<i32>} : memref<512xf32, #tpu.memory_space<vmem>>, vector<16xf32>,
      %swap3A_1643 = vector.shape_cast %swap3A_1642 : vector<16xf32> to vector<16xf32>
      %swap3A_1644 = vector.shape_cast %get3A_1640 : vector<16xf32> to vector<16xf32>
      tpu.vector_store %arg26[%swap3A_1641], %swap3A_1644 {strides = array<i32>} : memref<512xf32, #tpu.memory_space<vmem>>, vector<16xf32>,
      %get3A_1645 = arith.constant 112 : index
      %get3A_1646 = tpu.vector_load %arg17[%get3A_1645] {strides = array<i32>} : memref<512xf32, #tpu.memory_space<vmem>>, vector<16xf32>,
      %get3A_1647 = vector.shape_cast %get3A_1646 : vector<16xf32> to vector<16xf32>
      %swap3A_1648 = arith.constant 112 : index
      %swap3A_1649 = tpu.vector_load %arg26[%swap3A_1648] {strides = array<i32>} : memref<512xf32, #tpu.memory_space<vmem>>, vector<16xf32>,
      %swap3A_1650 = vector.shape_cast %swap3A_1649 : vector<16xf32> to vector<16xf32>
      %swap3A_1651 = vector.shape_cast %get3A_1647 : vector<16xf32> to vector<16xf32>
      tpu.vector_store %arg26[%swap3A_1648], %swap3A_1651 {strides = array<i32>} : memref<512xf32, #tpu.memory_space<vmem>>, vector<16xf32>,
      %get3A_1652 = arith.constant 128 : index
      %get3A_1653 = tpu.vector_load %arg17[%get3A_1652] {strides = array<i32>} : memref<512xf32, #tpu.memory_space<vmem>>, vector<16xf32>,
      %get3A_1654 = vector.shape_cast %get3A_1653 : vector<16xf32> to vector<16xf32>
      %swap3A_1655 = arith.constant 128 : index
      %swap3A_1656 = tpu.vector_load %arg26[%swap3A_1655] {strides = array<i32>} : memref<512xf32, #tpu.memory_space<vmem>>, vector<16xf32>,
      %swap3A_1657 = vector.shape_cast %swap3A_1656 : vector<16xf32> to vector<16xf32>
      %swap3A_1658 = vector.shape_cast %get3A_1654 : vector<16xf32> to vector<16xf32>
      tpu.vector_store %arg26[%swap3A_1655], %swap3A_1658 {strides = array<i32>} : memref<512xf32, #tpu.memory_space<vmem>>, vector<16xf32>,
      %get3A_1659 = arith.constant 144 : index
      %get3A_1660 = tpu.vector_load %arg17[%get3A_1659] {strides = array<i32>} : memref<512xf32, #tpu.memory_space<vmem>>, vector<16xf32>,
      %get3A_1661 = vector.shape_cast %get3A_1660 : vector<16xf32> to vector<16xf32>
      %swap3A_1662 = arith.constant 144 : index
      %swap3A_1663 = tpu.vector_load %arg26[%swap3A_1662] {strides = array<i32>} : memref<512xf32, #tpu.memory_space<vmem>>, vector<16xf32>,
      %swap3A_1664 = vector.shape_cast %swap3A_1663 : vector<16xf32> to vector<16xf32>
      %swap3A_1665 = vector.shape_cast %get3A_1661 : vector<16xf32> to vector<16xf32>
      tpu.vector_store %arg26[%swap3A_1662], %swap3A_1665 {strides = array<i32>} : memref<512xf32, #tpu.memory_space<vmem>>, vector<16xf32>,
      %get3A_1666 = arith.constant 160 : index
      %get3A_1667 = tpu.vector_load %arg17[%get3A_1666] {strides = array<i32>} : memref<512xf32, #tpu.memory_space<vmem>>, vector<16xf32>,
      %get3A_1668 = vector.shape_cast %get3A_1667 : vector<16xf32> to vector<16xf32>
      %swap3A_1669 = arith.constant 160 : index
      %swap3A_1670 = tpu.vector_load %arg26[%swap3A_1669] {strides = array<i32>} : memref<512xf32, #tpu.memory_space<vmem>>, vector<16xf32>,
      %swap3A_1671 = vector.shape_cast %swap3A_1670 : vector<16xf32> to vector<16xf32>
      %swap3A_1672 = vector.shape_cast %get3A_1668 : vector<16xf32> to vector<16xf32>
      tpu.vector_store %arg26[%swap3A_1669], %swap3A_1672 {strides = array<i32>} : memref<512xf32, #tpu.memory_space<vmem>>, vector<16xf32>,
      %get3A_1673 = arith.constant 176 : index
      %get3A_1674 = tpu.vector_load %arg17[%get3A_1673] {strides = array<i32>} : memref<512xf32, #tpu.memory_space<vmem>>, vector<16xf32>,
      %get3A_1675 = vector.shape_cast %get3A_1674 : vector<16xf32> to vector<16xf32>
      %swap3A_1676 = arith.constant 176 : index
      %swap3A_1677 = tpu.vector_load %arg26[%swap3A_1676] {strides = array<i32>} : memref<512xf32, #tpu.memory_space<vmem>>, vector<16xf32>,
      %swap3A_1678 = vector.shape_cast %swap3A_1677 : vector<16xf32> to vector<16xf32>
      %swap3A_1679 = vector.shape_cast %get3A_1675 : vector<16xf32> to vector<16xf32>
      tpu.vector_store %arg26[%swap3A_1676], %swap3A_1679 {strides = array<i32>} : memref<512xf32, #tpu.memory_space<vmem>>, vector<16xf32>,
      %get3A_1680 = arith.constant 192 : index
      %get3A_1681 = tpu.vector_load %arg17[%get3A_1680] {strides = array<i32>} : memref<512xf32, #tpu.memory_space<vmem>>, vector<16xf32>,
      %get3A_1682 = vector.shape_cast %get3A_1681 : vector<16xf32> to vector<16xf32>
      %swap3A_1683 = arith.constant 192 : index
      %swap3A_1684 = tpu.vector_load %arg26[%swap3A_1683] {strides = array<i32>} : memref<512xf32, #tpu.memory_space<vmem>>, vector<16xf32>,
      %swap3A_1685 = vector.shape_cast %swap3A_1684 : vector<16xf32> to vector<16xf32>
      %swap3A_1686 = vector.shape_cast %get3A_1682 : vector<16xf32> to vector<16xf32>
      tpu.vector_store %arg26[%swap3A_1683], %swap3A_1686 {strides = array<i32>} : memref<512xf32, #tpu.memory_space<vmem>>, vector<16xf32>,
      %get3A_1687 = arith.constant 208 : index
      %get3A_1688 = tpu.vector_load %arg17[%get3A_1687] {strides = array<i32>} : memref<512xf32, #tpu.memory_space<vmem>>, vector<16xf32>,
      %get3A_1689 = vector.shape_cast %get3A_1688 : vector<16xf32> to vector<16xf32>
      %swap3A_1690 = arith.constant 208 : index
      %swap3A_1691 = tpu.vector_load %arg26[%swap3A_1690] {strides = array<i32>} : memref<512xf32, #tpu.memory_space<vmem>>, vector<16xf32>,
      %swap3A_1692 = vector.shape_cast %swap3A_1691 : vector<16xf32> to vector<16xf32>
      %swap3A_1693 = vector.shape_cast %get3A_1689 : vector<16xf32> to vector<16xf32>
      tpu.vector_store %arg26[%swap3A_1690], %swap3A_1693 {strides = array<i32>} : memref<512xf32, #tpu.memory_space<vmem>>, vector<16xf32>,
      %get3A_1694 = arith.constant 224 : index
      %get3A_1695 = tpu.vector_load %arg17[%get3A_1694] {strides = array<i32>} : memref<512xf32, #tpu.memory_space<vmem>>, vector<16xf32>,
      %get3A_1696 = vector.shape_cast %get3A_1695 : vector<16xf32> to vector<16xf32>
      %swap3A_1697 = arith.constant 224 : index
      %swap3A_1698 = tpu.vector_load %arg26[%swap3A_1697] {strides = array<i32>} : memref<512xf32, #tpu.memory_space<vmem>>, vector<16xf32>,
      %swap3A_1699 = vector.shape_cast %swap3A_1698 : vector<16xf32> to vector<16xf32>
      %swap3A_1700 = vector.shape_cast %get3A_1696 : vector<16xf32> to vector<16xf32>
      tpu.vector_store %arg26[%swap3A_1697], %swap3A_1700 {strides = array<i32>} : memref<512xf32, #tpu.memory_space<vmem>>, vector<16xf32>,
      %get3A_1701 = arith.constant 240 : index
      %get3A_1702 = tpu.vector_load %arg17[%get3A_1701] {strides = array<i32>} : memref<512xf32, #tpu.memory_space<vmem>>, vector<16xf32>,
      %get3A_1703 = vector.shape_cast %get3A_1702 : vector<16xf32> to vector<16xf32>
      %swap3A_1704 = arith.constant 240 : index
      %swap3A_1705 = tpu.vector_load %arg26[%swap3A_1704] {strides = array<i32>} : memref<512xf32, #tpu.memory_space<vmem>>, vector<16xf32>,
      %swap3A_1706 = vector.shape_cast %swap3A_1705 : vector<16xf32> to vector<16xf32>
      %swap3A_1707 = vector.shape_cast %get3A_1703 : vector<16xf32> to vector<16xf32>
      tpu.vector_store %arg26[%swap3A_1704], %swap3A_1707 {strides = array<i32>} : memref<512xf32, #tpu.memory_space<vmem>>, vector<16xf32>,
      %get3A_1708 = arith.constant 256 : index
      %get3A_1709 = tpu.vector_load %arg17[%get3A_1708] {strides = array<i32>} : memref<512xf32, #tpu.memory_space<vmem>>, vector<16xf32>,
      %get3A_1710 = vector.shape_cast %get3A_1709 : vector<16xf32> to vector<16xf32>
      %swap3A_1711 = arith.constant 256 : index
      %swap3A_1712 = tpu.vector_load %arg26[%swap3A_1711] {strides = array<i32>} : memref<512xf32, #tpu.memory_space<vmem>>, vector<16xf32>,
      %swap3A_1713 = vector.shape_cast %swap3A_1712 : vector<16xf32> to vector<16xf32>
      %swap3A_1714 = vector.shape_cast %get3A_1710 : vector<16xf32> to vector<16xf32>
      tpu.vector_store %arg26[%swap3A_1711], %swap3A_1714 {strides = array<i32>} : memref<512xf32, #tpu.memory_space<vmem>>, vector<16xf32>,
      %get3A_1715 = arith.constant 272 : index
      %get3A_1716 = tpu.vector_load %arg17[%get3A_1715] {strides = array<i32>} : memref<512xf32, #tpu.memory_space<vmem>>, vector<16xf32>,
      %get3A_1717 = vector.shape_cast %get3A_1716 : vector<16xf32> to vector<16xf32>
      %swap3A_1718 = arith.constant 272 : index
      %swap3A_1719 = tpu.vector_load %arg26[%swap3A_1718] {strides = array<i32>} : memref<512xf32, #tpu.memory_space<vmem>>, vector<16xf32>,
      %swap3A_1720 = vector.shape_cast %swap3A_1719 : vector<16xf32> to vector<16xf32>
      %swap3A_1721 = vector.shape_cast %get3A_1717 : vector<16xf32> to vector<16xf32>
      tpu.vector_store %arg26[%swap3A_1718], %swap3A_1721 {strides = array<i32>} : memref<512xf32, #tpu.memory_space<vmem>>, vector<16xf32>,
      %get3A_1722 = arith.constant 288 : index
      %get3A_1723 = tpu.vector_load %arg17[%get3A_1722] {strides = array<i32>} : memref<512xf32, #tpu.memory_space<vmem>>, vector<16xf32>,
      %get3A_1724 = vector.shape_cast %get3A_1723 : vector<16xf32> to vector<16xf32>
      %swap3A_1725 = arith.constant 288 : index
      %swap3A_1726 = tpu.vector_load %arg26[%swap3A_1725] {strides = array<i32>} : memref<512xf32, #tpu.memory_space<vmem>>, vector<16xf32>,
      %swap3A_1727 = vector.shape_cast %swap3A_1726 : vector<16xf32> to vector<16xf32>
      %swap3A_1728 = vector.shape_cast %get3A_1724 : vector<16xf32> to vector<16xf32>
      tpu.vector_store %arg26[%swap3A_1725], %swap3A_1728 {strides = array<i32>} : memref<512xf32, #tpu.memory_space<vmem>>, vector<16xf32>,
      %get3A_1729 = arith.constant 304 : index
      %get3A_1730 = tpu.vector_load %arg17[%get3A_1729] {strides = array<i32>} : memref<512xf32, #tpu.memory_space<vmem>>, vector<16xf32>,
      %get3A_1731 = vector.shape_cast %get3A_1730 : vector<16xf32> to vector<16xf32>
      %swap3A_1732 = arith.constant 304 : index
      %swap3A_1733 = tpu.vector_load %arg26[%swap3A_1732] {strides = array<i32>} : memref<512xf32, #tpu.memory_space<vmem>>, vector<16xf32>,
      %swap3A_1734 = vector.shape_cast %swap3A_1733 : vector<16xf32> to vector<16xf32>
      %swap3A_1735 = vector.shape_cast %get3A_1731 : vector<16xf32> to vector<16xf32>
      tpu.vector_store %arg26[%swap3A_1732], %swap3A_1735 {strides = array<i32>} : memref<512xf32, #tpu.memory_space<vmem>>, vector<16xf32>,
      %get3A_1736 = arith.constant 320 : index
      %get3A_1737 = tpu.vector_load %arg17[%get3A_1736] {strides = array<i32>} : memref<512xf32, #tpu.memory_space<vmem>>, vector<16xf32>,
      %get3A_1738 = vector.shape_cast %get3A_1737 : vector<16xf32> to vector<16xf32>
      %swap3A_1739 = arith.constant 320 : index
      %swap3A_1740 = tpu.vector_load %arg26[%swap3A_1739] {strides = array<i32>} : memref<512xf32, #tpu.memory_space<vmem>>, vector<16xf32>,
      %swap3A_1741 = vector.shape_cast %swap3A_1740 : vector<16xf32> to vector<16xf32>
      %swap3A_1742 = vector.shape_cast %get3A_1738 : vector<16xf32> to vector<16xf32>
      tpu.vector_store %arg26[%swap3A_1739], %swap3A_1742 {strides = array<i32>} : memref<512xf32, #tpu.memory_space<vmem>>, vector<16xf32>,
      %get3A_1743 = arith.constant 336 : index
      %get3A_1744 = tpu.vector_load %arg17[%get3A_1743] {strides = array<i32>} : memref<512xf32, #tpu.memory_space<vmem>>, vector<16xf32>,
      %get3A_1745 = vector.shape_cast %get3A_1744 : vector<16xf32> to vector<16xf32>
      %swap3A_1746 = arith.constant 336 : index
      %swap3A_1747 = tpu.vector_load %arg26[%swap3A_1746] {strides = array<i32>} : memref<512xf32, #tpu.memory_space<vmem>>, vector<16xf32>,
      %swap3A_1748 = vector.shape_cast %swap3A_1747 : vector<16xf32> to vector<16xf32>
      %swap3A_1749 = vector.shape_cast %get3A_1745 : vector<16xf32> to vector<16xf32>
      tpu.vector_store %arg26[%swap3A_1746], %swap3A_1749 {strides = array<i32>} : memref<512xf32, #tpu.memory_space<vmem>>, vector<16xf32>,
      %get3A_1750 = arith.constant 352 : index
      %get3A_1751 = tpu.vector_load %arg17[%get3A_1750] {strides = array<i32>} : memref<512xf32, #tpu.memory_space<vmem>>, vector<16xf32>,
      %get3A_1752 = vector.shape_cast %get3A_1751 : vector<16xf32> to vector<16xf32>
      %swap3A_1753 = arith.constant 352 : index
      %swap3A_1754 = tpu.vector_load %arg26[%swap3A_1753] {strides = array<i32>} : memref<512xf32, #tpu.memory_space<vmem>>, vector<16xf32>,
      %swap3A_1755 = vector.shape_cast %swap3A_1754 : vector<16xf32> to vector<16xf32>
      %swap3A_1756 = vector.shape_cast %get3A_1752 : vector<16xf32> to vector<16xf32>
      tpu.vector_store %arg26[%swap3A_1753], %swap3A_1756 {strides = array<i32>} : memref<512xf32, #tpu.memory_space<vmem>>, vector<16xf32>,
      %get3A_1757 = arith.constant 368 : index
      %get3A_1758 = tpu.vector_load %arg17[%get3A_1757] {strides = array<i32>} : memref<512xf32, #tpu.memory_space<vmem>>, vector<16xf32>,
      %get3A_1759 = vector.shape_cast %get3A_1758 : vector<16xf32> to vector<16xf32>
      %swap3A_1760 = arith.constant 368 : index
      %swap3A_1761 = tpu.vector_load %arg26[%swap3A_1760] {strides = array<i32>} : memref<512xf32, #tpu.memory_space<vmem>>, vector<16xf32>,
      %swap3A_1762 = vector.shape_cast %swap3A_1761 : vector<16xf32> to vector<16xf32>
      %swap3A_1763 = vector.shape_cast %get3A_1759 : vector<16xf32> to vector<16xf32>
      tpu.vector_store %arg26[%swap3A_1760], %swap3A_1763 {strides = array<i32>} : memref<512xf32, #tpu.memory_space<vmem>>, vector<16xf32>,
      %get3A_1764 = arith.constant 384 : index
      %get3A_1765 = tpu.vector_load %arg17[%get3A_1764] {strides = array<i32>} : memref<512xf32, #tpu.memory_space<vmem>>, vector<16xf32>,
      %get3A_1766 = vector.shape_cast %get3A_1765 : vector<16xf32> to vector<16xf32>
      %swap3A_1767 = arith.constant 384 : index
      %swap3A_1768 = tpu.vector_load %arg26[%swap3A_1767] {strides = array<i32>} : memref<512xf32, #tpu.memory_space<vmem>>, vector<16xf32>,
      %swap3A_1769 = vector.shape_cast %swap3A_1768 : vector<16xf32> to vector<16xf32>
      %swap3A_1770 = vector.shape_cast %get3A_1766 : vector<16xf32> to vector<16xf32>
      tpu.vector_store %arg26[%swap3A_1767], %swap3A_1770 {strides = array<i32>} : memref<512xf32, #tpu.memory_space<vmem>>, vector<16xf32>,
      %get3A_1771 = arith.constant 400 : index
      %get3A_1772 = tpu.vector_load %arg17[%get3A_1771] {strides = array<i32>} : memref<512xf32, #tpu.memory_space<vmem>>, vector<16xf32>,
      %get3A_1773 = vector.shape_cast %get3A_1772 : vector<16xf32> to vector<16xf32>
      %swap3A_1774 = arith.constant 400 : index
      %swap3A_1775 = tpu.vector_load %arg26[%swap3A_1774] {strides = array<i32>} : memref<512xf32, #tpu.memory_space<vmem>>, vector<16xf32>,
      %swap3A_1776 = vector.shape_cast %swap3A_1775 : vector<16xf32> to vector<16xf32>
      %swap3A_1777 = vector.shape_cast %get3A_1773 : vector<16xf32> to vector<16xf32>
      tpu.vector_store %arg26[%swap3A_1774], %swap3A_1777 {strides = array<i32>} : memref<512xf32, #tpu.memory_space<vmem>>, vector<16xf32>,
      %get3A_1778 = arith.constant 416 : index
      %get3A_1779 = tpu.vector_load %arg17[%get3A_1778] {strides = array<i32>} : memref<512xf32, #tpu.memory_space<vmem>>, vector<16xf32>,
      %get3A_1780 = vector.shape_cast %get3A_1779 : vector<16xf32> to vector<16xf32>
      %swap3A_1781 = arith.constant 416 : index
      %swap3A_1782 = tpu.vector_load %arg26[%swap3A_1781] {strides = array<i32>} : memref<512xf32, #tpu.memory_space<vmem>>, vector<16xf32>,
      %swap3A_1783 = vector.shape_cast %swap3A_1782 : vector<16xf32> to vector<16xf32>
      %swap3A_1784 = vector.shape_cast %get3A_1780 : vector<16xf32> to vector<16xf32>
      tpu.vector_store %arg26[%swap3A_1781], %swap3A_1784 {strides = array<i32>} : memref<512xf32, #tpu.memory_space<vmem>>, vector<16xf32>,
      %get3A_1785 = arith.constant 432 : index
      %get3A_1786 = tpu.vector_load %arg17[%get3A_1785] {strides = array<i32>} : memref<512xf32, #tpu.memory_space<vmem>>, vector<16xf32>,
      %get3A_1787 = vector.shape_cast %get3A_1786 : vector<16xf32> to vector<16xf32>
      %swap3A_1788 = arith.constant 432 : index
      %swap3A_1789 = tpu.vector_load %arg26[%swap3A_1788] {strides = array<i32>} : memref<512xf32, #tpu.memory_space<vmem>>, vector<16xf32>,
      %swap3A_1790 = vector.shape_cast %swap3A_1789 : vector<16xf32> to vector<16xf32>
      %swap3A_1791 = vector.shape_cast %get3A_1787 : vector<16xf32> to vector<16xf32>
      tpu.vector_store %arg26[%swap3A_1788], %swap3A_1791 {strides = array<i32>} : memref<512xf32, #tpu.memory_space<vmem>>, vector<16xf32>,
      %get3A_1792 = arith.constant 448 : index
      %get3A_1793 = tpu.vector_load %arg17[%get3A_1792] {strides = array<i32>} : memref<512xf32, #tpu.memory_space<vmem>>, vector<16xf32>,
      %get3A_1794 = vector.shape_cast %get3A_1793 : vector<16xf32> to vector<16xf32>
      %swap3A_1795 = arith.constant 448 : index
      %swap3A_1796 = tpu.vector_load %arg26[%swap3A_1795] {strides = array<i32>} : memref<512xf32, #tpu.memory_space<vmem>>, vector<16xf32>,
      %swap3A_1797 = vector.shape_cast %swap3A_1796 : vector<16xf32> to vector<16xf32>
      %swap3A_1798 = vector.shape_cast %get3A_1794 : vector<16xf32> to vector<16xf32>
      tpu.vector_store %arg26[%swap3A_1795], %swap3A_1798 {strides = array<i32>} : memref<512xf32, #tpu.memory_space<vmem>>, vector<16xf32>,
      %get3A_1799 = arith.constant 464 : index
      %get3A_1800 = tpu.vector_load %arg17[%get3A_1799] {strides = array<i32>} : memref<512xf32, #tpu.memory_space<vmem>>, vector<16xf32>,
      %get3A_1801 = vector.shape_cast %get3A_1800 : vector<16xf32> to vector<16xf32>
      %swap3A_1802 = arith.constant 464 : index
      %swap3A_1803 = tpu.vector_load %arg26[%swap3A_1802] {strides = array<i32>} : memref<512xf32, #tpu.memory_space<vmem>>, vector<16xf32>,
      %swap3A_1804 = vector.shape_cast %swap3A_1803 : vector<16xf32> to vector<16xf32>
      %swap3A_1805 = vector.shape_cast %get3A_1801 : vector<16xf32> to vector<16xf32>
      tpu.vector_store %arg26[%swap3A_1802], %swap3A_1805 {strides = array<i32>} : memref<512xf32, #tpu.memory_space<vmem>>, vector<16xf32>,
      %get3A_1806 = arith.constant 480 : index
      %get3A_1807 = tpu.vector_load %arg17[%get3A_1806] {strides = array<i32>} : memref<512xf32, #tpu.memory_space<vmem>>, vector<16xf32>,
      %get3A_1808 = vector.shape_cast %get3A_1807 : vector<16xf32> to vector<16xf32>
      %swap3A_1809 = arith.constant 480 : index
      %swap3A_1810 = tpu.vector_load %arg26[%swap3A_1809] {strides = array<i32>} : memref<512xf32, #tpu.memory_space<vmem>>, vector<16xf32>,
      %swap3A_1811 = vector.shape_cast %swap3A_1810 : vector<16xf32> to vector<16xf32>
      %swap3A_1812 = vector.shape_cast %get3A_1808 : vector<16xf32> to vector<16xf32>
      tpu.vector_store %arg26[%swap3A_1809], %swap3A_1812 {strides = array<i32>} : memref<512xf32, #tpu.memory_space<vmem>>, vector<16xf32>,
      %get3A_1813 = arith.constant 496 : index
      %get3A_1814 = tpu.vector_load %arg17[%get3A_1813] {strides = array<i32>} : memref<512xf32, #tpu.memory_space<vmem>>, vector<16xf32>,
      %get3A_1815 = vector.shape_cast %get3A_1814 : vector<16xf32> to vector<16xf32>
      %swap3A_1816 = arith.constant 496 : index
      %swap3A_1817 = tpu.vector_load %arg26[%swap3A_1816] {strides = array<i32>} : memref<512xf32, #tpu.memory_space<vmem>>, vector<16xf32>,
      %swap3A_1818 = vector.shape_cast %swap3A_1817 : vector<16xf32> to vector<16xf32>
      %swap3A_1819 = vector.shape_cast %get3A_1815 : vector<16xf32> to vector<16xf32>
      tpu.vector_store %arg26[%swap3A_1816], %swap3A_1819 {strides = array<i32>} : memref<512xf32, #tpu.memory_space<vmem>>, vector<16xf32>,
      %add3A_1820 = arith.constant 2 : i32
      %add3A_1821 = arith.addi %add3A_1538, %add3A_1820 : i32
      %mul3A_1822 = arith.constant 10048 : i32
      %mul3A_1823 = arith.muli %add3A, %mul3A_1822 : i32
      %mul3A_1824 = arith.constant 32 : i32
      %mul3A_1825 = arith.muli %add3A_1821, %mul3A_1824 : i32
      %add3A_1826 = arith.addi %mul3A_1823, %mul3A_1825 : i32
      %multiple_of3A_1827 = tpu.assume_multiple %add3A_1826, 32 : i32
      %mul3A_1828 = arith.constant 10048 : i32
      %mul3A_1829 = arith.muli %add3A, %mul3A_1828 : i32
      %mul3A_1830 = arith.constant 32 : i32
      %mul3A_1831 = arith.muli %add3A_1821, %mul3A_1830 : i32
      %add3A_1832 = arith.addi %mul3A_1829, %mul3A_1831 : i32
      %mul3A_1833 = arith.constant 16 : i32
      %mul3A_1834 = arith.muli %add3A_1832, %mul3A_1833 : i32
      %multiple_of3A_1835 = tpu.assume_multiple %mul3A_1834, 512 : i32
      %dma_start3A_1836 = tpu.memref_slice %arg5[%multiple_of3A_1827] : memref<321536xi32, #tpu.memory_space<hbm>> -> memref<32xi32, #tpu.memory_space<hbm>>
      %dma_start3A_1837 = tpu.memref_slice %arg5[%multiple_of3A_1827] : memref<321536xi32, #tpu.memory_space<hbm>> -> memref<32xi32, #tpu.memory_space<hbm>>
      tpu.enqueue_dma source(%dma_start3A_1837 : memref<32xi32, #tpu.memory_space<hbm>>) target(%arg11 : memref<32xi32, #tpu.memory_space<vmem>>) target_semaphore(%arg28 : memref<!tpu.dma_semaphore, #tpu.memory_space<semaphore_mem>>)
      %dma_start3A_1838 = tpu.memref_slice %arg6[%multiple_of3A_1827] : memref<321536xi32, #tpu.memory_space<hbm>> -> memref<32xi32, #tpu.memory_space<hbm>>
      %dma_start3A_1839 = tpu.memref_slice %arg6[%multiple_of3A_1827] : memref<321536xi32, #tpu.memory_space<hbm>> -> memref<32xi32, #tpu.memory_space<hbm>>
      tpu.enqueue_dma source(%dma_start3A_1839 : memref<32xi32, #tpu.memory_space<hbm>>) target(%arg13 : memref<32xi32, #tpu.memory_space<vmem>>) target_semaphore(%arg28 : memref<!tpu.dma_semaphore, #tpu.memory_space<semaphore_mem>>)
      %dma_start3A_1840 = tpu.memref_slice %arg7[%multiple_of3A_1835] : memref<5144576xf32, #tpu.memory_space<hbm>> -> memref<512xf32, #tpu.memory_space<hbm>>
      %dma_start3A_1841 = tpu.memref_slice %arg7[%multiple_of3A_1835] : memref<5144576xf32, #tpu.memory_space<hbm>> -> memref<512xf32, #tpu.memory_space<hbm>>
      tpu.enqueue_dma source(%dma_start3A_1841 : memref<512xf32, #tpu.memory_space<hbm>>) target(%arg17 : memref<512xf32, #tpu.memory_space<vmem>>) target_semaphore(%arg28 : memref<!tpu.dma_semaphore, #tpu.memory_space<semaphore_mem>>)
      %scan3A_1842 = arith.constant 0 : i32
      %scan3A_1843 = arith.constant 0 : i32
      %scan3A_1844 = arith.constant 32 : i32
      %scan3A_1845 = arith.addi %scan3A_1843, %scan3A_1844 : i32
      %scan3A_1846 = arith.constant 1 : i32
      scf.for %scan3A_1851 = %scan3A_1843 to %scan3A_1845 step %scan3A_1846  : i32 {
        %mul3A_1852 = arith.constant 16 : i32
        %mul3A_1853 = arith.muli %scan3A_1851, %mul3A_1852 : i32
        %get3A_1854 = arith.index_cast %mul3A_1853 : i32 to index
        %get3A_1855 = tpu.vector_load %arg26[%get3A_1854] {strides = array<i32>} : memref<512xf32, #tpu.memory_space<vmem>>, vector<16xf32>,
        %get3A_1856 = vector.shape_cast %get3A_1855 : vector<16xf32> to vector<16xf32>
        %get3A_1857 = arith.index_cast %scan3A_1851 : i32 to index
        %get3A_1858 = arith.constant 0 : index
        %get3A_1859 = tpu.vector_load %arg19[%get3A_1857, %get3A_1858] {strides = array<i32>} : memref<32x128xf32, #tpu.memory_space<vmem>>, vector<1x16xf32>,
        %get3A_1860 = vector.shape_cast %get3A_1859 : vector<1x16xf32> to vector<16xf32>
        %get3A_1861 = arith.index_cast %scan3A_1851 : i32 to index
        %get3A_1862 = arith.constant 0 : index
        %get3A_1863 = tpu.vector_load %arg21[%get3A_1861, %get3A_1862] {strides = array<i32>} : memref<32x128xf32, #tpu.memory_space<vmem>>, vector<1x16xf32>,
        %get3A_1864 = vector.shape_cast %get3A_1863 : vector<1x16xf32> to vector<16xf32>
        %add3A_1865 = arith.addf %get3A_1860, %get3A_1864 : vector<16xf32>
        %neg3A = arith.constant 0.000000e+00 : f32
        %neg3A_1866 = vector.broadcast %neg3A : f32 to vector<16xf32>
        %neg3A_1867 = arith.subf %neg3A_1866, %add3A_1865 : vector<16xf32>
        %exp3A = math.exp %neg3A_1867 : vector<16xf32>
        %add3A_1868 = arith.constant 1.000000e+00 : f32
        %add3A_1869 = vector.broadcast %add3A_1868 : f32 to vector<16xf32>
        %add3A_1870 = arith.addf %add3A_1869, %exp3A : vector<16xf32>
        %div3A = arith.constant 1.000000e+00 : f32
        %div3A_1871 = vector.broadcast %div3A : f32 to vector<16xf32>
        %div3A_1872 = arith.divf %div3A_1871, %add3A_1870 : vector<16xf32>
        %get3A_1873 = arith.index_cast %scan3A_1851 : i32 to index
        %get3A_1874 = arith.constant 0 : index
        %get3A_1875 = tpu.vector_load %arg23[%get3A_1873, %get3A_1874] {strides = array<i32>} : memref<32x128xf32, #tpu.memory_space<vmem>>, vector<1x16xf32>,
        %get3A_1876 = vector.shape_cast %get3A_1875 : vector<1x16xf32> to vector<16xf32>
        %mul3A_1877 = arith.mulf %div3A_1872, %get3A_1876 : vector<16xf32>
        %mul3A_1878 = arith.mulf %mul3A_1877, %get3A_1856 : vector<16xf32>
        %swap3A_1879 = arith.index_cast %scan3A_1851 : i32 to index
        %swap3A_1880 = arith.constant 0 : index
        %swap3A_1881 = tpu.vector_load %arg25[%swap3A_1879, %swap3A_1880] {strides = array<i32>} : memref<32x128xf32, #tpu.memory_space<vmem>>, vector<1x16xf32>,
        %swap3A_1882 = vector.shape_cast %swap3A_1881 : vector<1x16xf32> to vector<16xf32>
        %swap3A_1883 = vector.shape_cast %mul3A_1878 : vector<16xf32> to vector<1x16xf32>
        tpu.vector_store %arg25[%swap3A_1879, %swap3A_1880], %swap3A_1883 {strides = array<i32>} : memref<32x128xf32, #tpu.memory_space<vmem>>, vector<1x16xf32>,
        %get3A_1884 = arith.index_cast %scan3A_1851 : i32 to index
        %get3A_1885 = arith.constant 16 : index
        %get3A_1886 = tpu.vector_load %arg19[%get3A_1884, %get3A_1885] {strides = array<i32>} : memref<32x128xf32, #tpu.memory_space<vmem>>, vector<1x16xf32>,
        %get3A_1887 = vector.shape_cast %get3A_1886 : vector<1x16xf32> to vector<16xf32>
        %get3A_1888 = arith.index_cast %scan3A_1851 : i32 to index
        %get3A_1889 = arith.constant 16 : index
        %get3A_1890 = tpu.vector_load %arg21[%get3A_1888, %get3A_1889] {strides = array<i32>} : memref<32x128xf32, #tpu.memory_space<vmem>>, vector<1x16xf32>,
        %get3A_1891 = vector.shape_cast %get3A_1890 : vector<1x16xf32> to vector<16xf32>
        %add3A_1892 = arith.addf %get3A_1887, %get3A_1891 : vector<16xf32>
        %neg3A_1893 = arith.constant 0.000000e+00 : f32
        %neg3A_1894 = vector.broadcast %neg3A_1893 : f32 to vector<16xf32>
        %neg3A_1895 = arith.subf %neg3A_1894, %add3A_1892 : vector<16xf32>
        %exp3A_1896 = math.exp %neg3A_1895 : vector<16xf32>
        %add3A_1897 = arith.constant 1.000000e+00 : f32
        %add3A_1898 = vector.broadcast %add3A_1897 : f32 to vector<16xf32>
        %add3A_1899 = arith.addf %add3A_1898, %exp3A_1896 : vector<16xf32>
        %div3A_1900 = arith.constant 1.000000e+00 : f32
        %div3A_1901 = vector.broadcast %div3A_1900 : f32 to vector<16xf32>
        %div3A_1902 = arith.divf %div3A_1901, %add3A_1899 : vector<16xf32>
        %get3A_1903 = arith.index_cast %scan3A_1851 : i32 to index
        %get3A_1904 = arith.constant 16 : index
        %get3A_1905 = tpu.vector_load %arg23[%get3A_1903, %get3A_1904] {strides = array<i32>} : memref<32x128xf32, #tpu.memory_space<vmem>>, vector<1x16xf32>,
        %get3A_1906 = vector.shape_cast %get3A_1905 : vector<1x16xf32> to vector<16xf32>
        %mul3A_1907 = arith.mulf %div3A_1902, %get3A_1906 : vector<16xf32>
        %mul3A_1908 = arith.mulf %mul3A_1907, %get3A_1856 : vector<16xf32>
        %swap3A_1909 = arith.index_cast %scan3A_1851 : i32 to index
        %swap3A_1910 = arith.constant 16 : index
        %swap3A_1911 = tpu.vector_load %arg25[%swap3A_1909, %swap3A_1910] {strides = array<i32>} : memref<32x128xf32, #tpu.memory_space<vmem>>, vector<1x16xf32>,
        %swap3A_1912 = vector.shape_cast %swap3A_1911 : vector<1x16xf32> to vector<16xf32>
        %swap3A_1913 = vector.shape_cast %mul3A_1908 : vector<16xf32> to vector<1x16xf32>
        tpu.vector_store %arg25[%swap3A_1909, %swap3A_1910], %swap3A_1913 {strides = array<i32>} : memref<32x128xf32, #tpu.memory_space<vmem>>, vector<1x16xf32>,
        %get3A_1914 = arith.index_cast %scan3A_1851 : i32 to index
        %get3A_1915 = arith.constant 32 : index
        %get3A_1916 = tpu.vector_load %arg19[%get3A_1914, %get3A_1915] {strides = array<i32>} : memref<32x128xf32, #tpu.memory_space<vmem>>, vector<1x16xf32>,
        %get3A_1917 = vector.shape_cast %get3A_1916 : vector<1x16xf32> to vector<16xf32>
        %get3A_1918 = arith.index_cast %scan3A_1851 : i32 to index
        %get3A_1919 = arith.constant 32 : index
        %get3A_1920 = tpu.vector_load %arg21[%get3A_1918, %get3A_1919] {strides = array<i32>} : memref<32x128xf32, #tpu.memory_space<vmem>>, vector<1x16xf32>,
        %get3A_1921 = vector.shape_cast %get3A_1920 : vector<1x16xf32> to vector<16xf32>
        %add3A_1922 = arith.addf %get3A_1917, %get3A_1921 : vector<16xf32>
        %neg3A_1923 = arith.constant 0.000000e+00 : f32
        %neg3A_1924 = vector.broadcast %neg3A_1923 : f32 to vector<16xf32>
        %neg3A_1925 = arith.subf %neg3A_1924, %add3A_1922 : vector<16xf32>
        %exp3A_1926 = math.exp %neg3A_1925 : vector<16xf32>
        %add3A_1927 = arith.constant 1.000000e+00 : f32
        %add3A_1928 = vector.broadcast %add3A_1927 : f32 to vector<16xf32>
        %add3A_1929 = arith.addf %add3A_1928, %exp3A_1926 : vector<16xf32>
        %div3A_1930 = arith.constant 1.000000e+00 : f32
        %div3A_1931 = vector.broadcast %div3A_1930 : f32 to vector<16xf32>
        %div3A_1932 = arith.divf %div3A_1931, %add3A_1929 : vector<16xf32>
        %get3A_1933 = arith.index_cast %scan3A_1851 : i32 to index
        %get3A_1934 = arith.constant 32 : index
        %get3A_1935 = tpu.vector_load %arg23[%get3A_1933, %get3A_1934] {strides = array<i32>} : memref<32x128xf32, #tpu.memory_space<vmem>>, vector<1x16xf32>,
        %get3A_1936 = vector.shape_cast %get3A_1935 : vector<1x16xf32> to vector<16xf32>
        %mul3A_1937 = arith.mulf %div3A_1932, %get3A_1936 : vector<16xf32>
        %mul3A_1938 = arith.mulf %mul3A_1937, %get3A_1856 : vector<16xf32>
        %swap3A_1939 = arith.index_cast %scan3A_1851 : i32 to index
        %swap3A_1940 = arith.constant 32 : index
        %swap3A_1941 = tpu.vector_load %arg25[%swap3A_1939, %swap3A_1940] {strides = array<i32>} : memref<32x128xf32, #tpu.memory_space<vmem>>, vector<1x16xf32>,
        %swap3A_1942 = vector.shape_cast %swap3A_1941 : vector<1x16xf32> to vector<16xf32>
        %swap3A_1943 = vector.shape_cast %mul3A_1938 : vector<16xf32> to vector<1x16xf32>
        tpu.vector_store %arg25[%swap3A_1939, %swap3A_1940], %swap3A_1943 {strides = array<i32>} : memref<32x128xf32, #tpu.memory_space<vmem>>, vector<1x16xf32>,
        %get3A_1944 = arith.index_cast %scan3A_1851 : i32 to index
        %get3A_1945 = arith.constant 48 : index
        %get3A_1946 = tpu.vector_load %arg19[%get3A_1944, %get3A_1945] {strides = array<i32>} : memref<32x128xf32, #tpu.memory_space<vmem>>, vector<1x16xf32>,
        %get3A_1947 = vector.shape_cast %get3A_1946 : vector<1x16xf32> to vector<16xf32>
        %get3A_1948 = arith.index_cast %scan3A_1851 : i32 to index
        %get3A_1949 = arith.constant 48 : index
        %get3A_1950 = tpu.vector_load %arg21[%get3A_1948, %get3A_1949] {strides = array<i32>} : memref<32x128xf32, #tpu.memory_space<vmem>>, vector<1x16xf32>,
        %get3A_1951 = vector.shape_cast %get3A_1950 : vector<1x16xf32> to vector<16xf32>
        %add3A_1952 = arith.addf %get3A_1947, %get3A_1951 : vector<16xf32>
        %neg3A_1953 = arith.constant 0.000000e+00 : f32
        %neg3A_1954 = vector.broadcast %neg3A_1953 : f32 to vector<16xf32>
        %neg3A_1955 = arith.subf %neg3A_1954, %add3A_1952 : vector<16xf32>
        %exp3A_1956 = math.exp %neg3A_1955 : vector<16xf32>
        %add3A_1957 = arith.constant 1.000000e+00 : f32
        %add3A_1958 = vector.broadcast %add3A_1957 : f32 to vector<16xf32>
        %add3A_1959 = arith.addf %add3A_1958, %exp3A_1956 : vector<16xf32>
        %div3A_1960 = arith.constant 1.000000e+00 : f32
        %div3A_1961 = vector.broadcast %div3A_1960 : f32 to vector<16xf32>
        %div3A_1962 = arith.divf %div3A_1961, %add3A_1959 : vector<16xf32>
        %get3A_1963 = arith.index_cast %scan3A_1851 : i32 to index
        %get3A_1964 = arith.constant 48 : index
        %get3A_1965 = tpu.vector_load %arg23[%get3A_1963, %get3A_1964] {strides = array<i32>} : memref<32x128xf32, #tpu.memory_space<vmem>>, vector<1x16xf32>,
        %get3A_1966 = vector.shape_cast %get3A_1965 : vector<1x16xf32> to vector<16xf32>
        %mul3A_1967 = arith.mulf %div3A_1962, %get3A_1966 : vector<16xf32>
        %mul3A_1968 = arith.mulf %mul3A_1967, %get3A_1856 : vector<16xf32>
        %swap3A_1969 = arith.index_cast %scan3A_1851 : i32 to index
        %swap3A_1970 = arith.constant 48 : index
        %swap3A_1971 = tpu.vector_load %arg25[%swap3A_1969, %swap3A_1970] {strides = array<i32>} : memref<32x128xf32, #tpu.memory_space<vmem>>, vector<1x16xf32>,
        %swap3A_1972 = vector.shape_cast %swap3A_1971 : vector<1x16xf32> to vector<16xf32>
        %swap3A_1973 = vector.shape_cast %mul3A_1968 : vector<16xf32> to vector<1x16xf32>
        tpu.vector_store %arg25[%swap3A_1969, %swap3A_1970], %swap3A_1973 {strides = array<i32>} : memref<32x128xf32, #tpu.memory_space<vmem>>, vector<1x16xf32>,
        %get3A_1974 = arith.index_cast %scan3A_1851 : i32 to index
        %get3A_1975 = arith.constant 64 : index
        %get3A_1976 = tpu.vector_load %arg19[%get3A_1974, %get3A_1975] {strides = array<i32>} : memref<32x128xf32, #tpu.memory_space<vmem>>, vector<1x16xf32>,
        %get3A_1977 = vector.shape_cast %get3A_1976 : vector<1x16xf32> to vector<16xf32>
        %get3A_1978 = arith.index_cast %scan3A_1851 : i32 to index
        %get3A_1979 = arith.constant 64 : index
        %get3A_1980 = tpu.vector_load %arg21[%get3A_1978, %get3A_1979] {strides = array<i32>} : memref<32x128xf32, #tpu.memory_space<vmem>>, vector<1x16xf32>,
        %get3A_1981 = vector.shape_cast %get3A_1980 : vector<1x16xf32> to vector<16xf32>
        %add3A_1982 = arith.addf %get3A_1977, %get3A_1981 : vector<16xf32>
        %neg3A_1983 = arith.constant 0.000000e+00 : f32
        %neg3A_1984 = vector.broadcast %neg3A_1983 : f32 to vector<16xf32>
        %neg3A_1985 = arith.subf %neg3A_1984, %add3A_1982 : vector<16xf32>
        %exp3A_1986 = math.exp %neg3A_1985 : vector<16xf32>
        %add3A_1987 = arith.constant 1.000000e+00 : f32
        %add3A_1988 = vector.broadcast %add3A_1987 : f32 to vector<16xf32>
        %add3A_1989 = arith.addf %add3A_1988, %exp3A_1986 : vector<16xf32>
        %div3A_1990 = arith.constant 1.000000e+00 : f32
        %div3A_1991 = vector.broadcast %div3A_1990 : f32 to vector<16xf32>
        %div3A_1992 = arith.divf %div3A_1991, %add3A_1989 : vector<16xf32>
        %get3A_1993 = arith.index_cast %scan3A_1851 : i32 to index
        %get3A_1994 = arith.constant 64 : index
        %get3A_1995 = tpu.vector_load %arg23[%get3A_1993, %get3A_1994] {strides = array<i32>} : memref<32x128xf32, #tpu.memory_space<vmem>>, vector<1x16xf32>,
        %get3A_1996 = vector.shape_cast %get3A_1995 : vector<1x16xf32> to vector<16xf32>
        %mul3A_1997 = arith.mulf %div3A_1992, %get3A_1996 : vector<16xf32>
        %mul3A_1998 = arith.mulf %mul3A_1997, %get3A_1856 : vector<16xf32>
        %swap3A_1999 = arith.index_cast %scan3A_1851 : i32 to index
        %swap3A_2000 = arith.constant 64 : index
        %swap3A_2001 = tpu.vector_load %arg25[%swap3A_1999, %swap3A_2000] {strides = array<i32>} : memref<32x128xf32, #tpu.memory_space<vmem>>, vector<1x16xf32>,
        %swap3A_2002 = vector.shape_cast %swap3A_2001 : vector<1x16xf32> to vector<16xf32>
        %swap3A_2003 = vector.shape_cast %mul3A_1998 : vector<16xf32> to vector<1x16xf32>
        tpu.vector_store %arg25[%swap3A_1999, %swap3A_2000], %swap3A_2003 {strides = array<i32>} : memref<32x128xf32, #tpu.memory_space<vmem>>, vector<1x16xf32>,
        %get3A_2004 = arith.index_cast %scan3A_1851 : i32 to index
        %get3A_2005 = arith.constant 80 : index
        %get3A_2006 = tpu.vector_load %arg19[%get3A_2004, %get3A_2005] {strides = array<i32>} : memref<32x128xf32, #tpu.memory_space<vmem>>, vector<1x16xf32>,
        %get3A_2007 = vector.shape_cast %get3A_2006 : vector<1x16xf32> to vector<16xf32>
        %get3A_2008 = arith.index_cast %scan3A_1851 : i32 to index
        %get3A_2009 = arith.constant 80 : index
        %get3A_2010 = tpu.vector_load %arg21[%get3A_2008, %get3A_2009] {strides = array<i32>} : memref<32x128xf32, #tpu.memory_space<vmem>>, vector<1x16xf32>,
        %get3A_2011 = vector.shape_cast %get3A_2010 : vector<1x16xf32> to vector<16xf32>
        %add3A_2012 = arith.addf %get3A_2007, %get3A_2011 : vector<16xf32>
        %neg3A_2013 = arith.constant 0.000000e+00 : f32
        %neg3A_2014 = vector.broadcast %neg3A_2013 : f32 to vector<16xf32>
        %neg3A_2015 = arith.subf %neg3A_2014, %add3A_2012 : vector<16xf32>
        %exp3A_2016 = math.exp %neg3A_2015 : vector<16xf32>
        %add3A_2017 = arith.constant 1.000000e+00 : f32
        %add3A_2018 = vector.broadcast %add3A_2017 : f32 to vector<16xf32>
        %add3A_2019 = arith.addf %add3A_2018, %exp3A_2016 : vector<16xf32>
        %div3A_2020 = arith.constant 1.000000e+00 : f32
        %div3A_2021 = vector.broadcast %div3A_2020 : f32 to vector<16xf32>
        %div3A_2022 = arith.divf %div3A_2021, %add3A_2019 : vector<16xf32>
        %get3A_2023 = arith.index_cast %scan3A_1851 : i32 to index
        %get3A_2024 = arith.constant 80 : index
        %get3A_2025 = tpu.vector_load %arg23[%get3A_2023, %get3A_2024] {strides = array<i32>} : memref<32x128xf32, #tpu.memory_space<vmem>>, vector<1x16xf32>,
        %get3A_2026 = vector.shape_cast %get3A_2025 : vector<1x16xf32> to vector<16xf32>
        %mul3A_2027 = arith.mulf %div3A_2022, %get3A_2026 : vector<16xf32>
        %mul3A_2028 = arith.mulf %mul3A_2027, %get3A_1856 : vector<16xf32>
        %swap3A_2029 = arith.index_cast %scan3A_1851 : i32 to index
        %swap3A_2030 = arith.constant 80 : index
        %swap3A_2031 = tpu.vector_load %arg25[%swap3A_2029, %swap3A_2030] {strides = array<i32>} : memref<32x128xf32, #tpu.memory_space<vmem>>, vector<1x16xf32>,
        %swap3A_2032 = vector.shape_cast %swap3A_2031 : vector<1x16xf32> to vector<16xf32>
        %swap3A_2033 = vector.shape_cast %mul3A_2028 : vector<16xf32> to vector<1x16xf32>
        tpu.vector_store %arg25[%swap3A_2029, %swap3A_2030], %swap3A_2033 {strides = array<i32>} : memref<32x128xf32, #tpu.memory_space<vmem>>, vector<1x16xf32>,
        %get3A_2034 = arith.index_cast %scan3A_1851 : i32 to index
        %get3A_2035 = arith.constant 96 : index
        %get3A_2036 = tpu.vector_load %arg19[%get3A_2034, %get3A_2035] {strides = array<i32>} : memref<32x128xf32, #tpu.memory_space<vmem>>, vector<1x16xf32>,
        %get3A_2037 = vector.shape_cast %get3A_2036 : vector<1x16xf32> to vector<16xf32>
        %get3A_2038 = arith.index_cast %scan3A_1851 : i32 to index
        %get3A_2039 = arith.constant 96 : index
        %get3A_2040 = tpu.vector_load %arg21[%get3A_2038, %get3A_2039] {strides = array<i32>} : memref<32x128xf32, #tpu.memory_space<vmem>>, vector<1x16xf32>,
        %get3A_2041 = vector.shape_cast %get3A_2040 : vector<1x16xf32> to vector<16xf32>
        %add3A_2042 = arith.addf %get3A_2037, %get3A_2041 : vector<16xf32>
        %neg3A_2043 = arith.constant 0.000000e+00 : f32
        %neg3A_2044 = vector.broadcast %neg3A_2043 : f32 to vector<16xf32>
        %neg3A_2045 = arith.subf %neg3A_2044, %add3A_2042 : vector<16xf32>
        %exp3A_2046 = math.exp %neg3A_2045 : vector<16xf32>
        %add3A_2047 = arith.constant 1.000000e+00 : f32
        %add3A_2048 = vector.broadcast %add3A_2047 : f32 to vector<16xf32>
        %add3A_2049 = arith.addf %add3A_2048, %exp3A_2046 : vector<16xf32>
        %div3A_2050 = arith.constant 1.000000e+00 : f32
        %div3A_2051 = vector.broadcast %div3A_2050 : f32 to vector<16xf32>
        %div3A_2052 = arith.divf %div3A_2051, %add3A_2049 : vector<16xf32>
        %get3A_2053 = arith.index_cast %scan3A_1851 : i32 to index
        %get3A_2054 = arith.constant 96 : index
        %get3A_2055 = tpu.vector_load %arg23[%get3A_2053, %get3A_2054] {strides = array<i32>} : memref<32x128xf32, #tpu.memory_space<vmem>>, vector<1x16xf32>,
        %get3A_2056 = vector.shape_cast %get3A_2055 : vector<1x16xf32> to vector<16xf32>
        %mul3A_2057 = arith.mulf %div3A_2052, %get3A_2056 : vector<16xf32>
        %mul3A_2058 = arith.mulf %mul3A_2057, %get3A_1856 : vector<16xf32>
        %swap3A_2059 = arith.index_cast %scan3A_1851 : i32 to index
        %swap3A_2060 = arith.constant 96 : index
        %swap3A_2061 = tpu.vector_load %arg25[%swap3A_2059, %swap3A_2060] {strides = array<i32>} : memref<32x128xf32, #tpu.memory_space<vmem>>, vector<1x16xf32>,
        %swap3A_2062 = vector.shape_cast %swap3A_2061 : vector<1x16xf32> to vector<16xf32>
        %swap3A_2063 = vector.shape_cast %mul3A_2058 : vector<16xf32> to vector<1x16xf32>
        tpu.vector_store %arg25[%swap3A_2059, %swap3A_2060], %swap3A_2063 {strides = array<i32>} : memref<32x128xf32, #tpu.memory_space<vmem>>, vector<1x16xf32>,
        %get3A_2064 = arith.index_cast %scan3A_1851 : i32 to index
        %get3A_2065 = arith.constant 112 : index
        %get3A_2066 = tpu.vector_load %arg19[%get3A_2064, %get3A_2065] {strides = array<i32>} : memref<32x128xf32, #tpu.memory_space<vmem>>, vector<1x16xf32>,
        %get3A_2067 = vector.shape_cast %get3A_2066 : vector<1x16xf32> to vector<16xf32>
        %get3A_2068 = arith.index_cast %scan3A_1851 : i32 to index
        %get3A_2069 = arith.constant 112 : index
        %get3A_2070 = tpu.vector_load %arg21[%get3A_2068, %get3A_2069] {strides = array<i32>} : memref<32x128xf32, #tpu.memory_space<vmem>>, vector<1x16xf32>,
        %get3A_2071 = vector.shape_cast %get3A_2070 : vector<1x16xf32> to vector<16xf32>
        %add3A_2072 = arith.addf %get3A_2067, %get3A_2071 : vector<16xf32>
        %neg3A_2073 = arith.constant 0.000000e+00 : f32
        %neg3A_2074 = vector.broadcast %neg3A_2073 : f32 to vector<16xf32>
        %neg3A_2075 = arith.subf %neg3A_2074, %add3A_2072 : vector<16xf32>
        %exp3A_2076 = math.exp %neg3A_2075 : vector<16xf32>
        %add3A_2077 = arith.constant 1.000000e+00 : f32
        %add3A_2078 = vector.broadcast %add3A_2077 : f32 to vector<16xf32>
        %add3A_2079 = arith.addf %add3A_2078, %exp3A_2076 : vector<16xf32>
        %div3A_2080 = arith.constant 1.000000e+00 : f32
        %div3A_2081 = vector.broadcast %div3A_2080 : f32 to vector<16xf32>
        %div3A_2082 = arith.divf %div3A_2081, %add3A_2079 : vector<16xf32>
        %get3A_2083 = arith.index_cast %scan3A_1851 : i32 to index
        %get3A_2084 = arith.constant 112 : index
        %get3A_2085 = tpu.vector_load %arg23[%get3A_2083, %get3A_2084] {strides = array<i32>} : memref<32x128xf32, #tpu.memory_space<vmem>>, vector<1x16xf32>,
        %get3A_2086 = vector.shape_cast %get3A_2085 : vector<1x16xf32> to vector<16xf32>
        %mul3A_2087 = arith.mulf %div3A_2082, %get3A_2086 : vector<16xf32>
        %mul3A_2088 = arith.mulf %mul3A_2087, %get3A_1856 : vector<16xf32>
        %swap3A_2089 = arith.index_cast %scan3A_1851 : i32 to index
        %swap3A_2090 = arith.constant 112 : index
        %swap3A_2091 = tpu.vector_load %arg25[%swap3A_2089, %swap3A_2090] {strides = array<i32>} : memref<32x128xf32, #tpu.memory_space<vmem>>, vector<1x16xf32>,
        %swap3A_2092 = vector.shape_cast %swap3A_2091 : vector<1x16xf32> to vector<16xf32>
        %swap3A_2093 = vector.shape_cast %mul3A_2088 : vector<16xf32> to vector<1x16xf32>
        tpu.vector_store %arg25[%swap3A_2089, %swap3A_2090], %swap3A_2093 {strides = array<i32>} : memref<32x128xf32, #tpu.memory_space<vmem>>, vector<1x16xf32>,
      }
      %scan3A_1847 = arith.constant 32 : i32
      %dma_start3A_1848 = arith.constant 0 : i32
      %dma_start3A_1849 = arith.constant 0 : i32
      %dma_start3A_1850 = tpu.memref_slice %arg33[%dma_start3A_1848, %dma_start3A_1849] : memref<10112x128xf32, #tpu.memory_space<vmem_shared>> -> memref<10112x128xf32, #tpu.memory_space<vmem_shared>>
      tpu.enqueue_indirect_dma source(%arg25 : memref<32x128xf32, #tpu.memory_space<vmem>>) target(%dma_start3A_1850 : memref<10112x128xf32, #tpu.memory_space<vmem_shared>>) offsets(%arg15 : memref<32xi32, #tpu.memory_space<vmem>>) semaphore(%arg32 : memref<!tpu.dma_semaphore, #tpu.memory_space<semaphore_mem>>) {add = true}
    }
    %scan3A_667 = arith.constant 155 : i32
    %mul3A_668 = arith.constant 10048 : i32
    %mul3A_669 = arith.muli %add3A, %mul3A_668 : i32
    %add3A_670 = arith.constant 10016 : i32
    %add3A_671 = arith.addi %mul3A_669, %add3A_670 : i32
    %multiple_of3A_672 = tpu.assume_multiple %add3A_671, 32 : i32
    %mul3A_673 = arith.constant 10048 : i32
    %mul3A_674 = arith.muli %add3A, %mul3A_673 : i32
    %add3A_675 = arith.constant 10016 : i32
    %add3A_676 = arith.addi %mul3A_674, %add3A_675 : i32
    %mul3A_677 = arith.constant 16 : i32
    %mul3A_678 = arith.muli %add3A_676, %mul3A_677 : i32
    %multiple_of3A_679 = tpu.assume_multiple %mul3A_678, 512 : i32
    %dma_wait3A_680 = tpu.memref_slice %arg5[%multiple_of3A_672] : memref<321536xi32, #tpu.memory_space<hbm>> -> memref<32xi32, #tpu.memory_space<hbm>>
    %dma_wait3A_681 = tpu.memref_slice %arg5[%multiple_of3A_672] : memref<321536xi32, #tpu.memory_space<hbm>> -> memref<32xi32, #tpu.memory_space<hbm>>
    tpu.wait_dma2 semaphore(%arg28 : memref<!tpu.dma_semaphore, #tpu.memory_space<semaphore_mem>>) src(%dma_wait3A_681 : memref<32xi32, #tpu.memory_space<hbm>>) dst(%arg11 : memref<32xi32, #tpu.memory_space<vmem>>)
    %dma_wait3A_682 = tpu.memref_slice %arg6[%multiple_of3A_672] : memref<321536xi32, #tpu.memory_space<hbm>> -> memref<32xi32, #tpu.memory_space<hbm>>
    %dma_wait3A_683 = tpu.memref_slice %arg6[%multiple_of3A_672] : memref<321536xi32, #tpu.memory_space<hbm>> -> memref<32xi32, #tpu.memory_space<hbm>>
    tpu.wait_dma2 semaphore(%arg28 : memref<!tpu.dma_semaphore, #tpu.memory_space<semaphore_mem>>) src(%dma_wait3A_683 : memref<32xi32, #tpu.memory_space<hbm>>) dst(%arg13 : memref<32xi32, #tpu.memory_space<vmem>>)
    %dma_wait3A_684 = tpu.memref_slice %arg7[%multiple_of3A_679] : memref<5144576xf32, #tpu.memory_space<hbm>> -> memref<512xf32, #tpu.memory_space<hbm>>
    %dma_wait3A_685 = tpu.memref_slice %arg7[%multiple_of3A_679] : memref<5144576xf32, #tpu.memory_space<hbm>> -> memref<512xf32, #tpu.memory_space<hbm>>
    tpu.wait_dma2 semaphore(%arg28 : memref<!tpu.dma_semaphore, #tpu.memory_space<semaphore_mem>>) src(%dma_wait3A_685 : memref<512xf32, #tpu.memory_space<hbm>>) dst(%arg17 : memref<512xf32, #tpu.memory_space<vmem>>)
    %dma_start3A_686 = arith.constant 0 : i32
    %dma_start3A_687 = arith.constant 0 : i32
    %dma_start3A_688 = tpu.memref_slice %arg2[%dma_start3A_686, %dma_start3A_687] : memref<10112x128xf32, #tpu.memory_space<hbm>> -> memref<10112x128xf32, #tpu.memory_space<hbm>>
    tpu.enqueue_indirect_dma source(%dma_start3A_688 : memref<10112x128xf32, #tpu.memory_space<hbm>>) target(%arg19 : memref<32x128xf32, #tpu.memory_space<vmem>>) offsets(%arg13 : memref<32xi32, #tpu.memory_space<vmem>>) semaphore(%arg30 : memref<!tpu.dma_semaphore, #tpu.memory_space<semaphore_mem>>)
    %dma_start3A_689 = arith.constant 0 : i32
    %dma_start3A_690 = arith.constant 0 : i32
    %dma_start3A_691 = tpu.memref_slice %arg3[%dma_start3A_689, %dma_start3A_690] : memref<10112x128xf32, #tpu.memory_space<hbm>> -> memref<10112x128xf32, #tpu.memory_space<hbm>>
    tpu.enqueue_indirect_dma source(%dma_start3A_691 : memref<10112x128xf32, #tpu.memory_space<hbm>>) target(%arg21 : memref<32x128xf32, #tpu.memory_space<vmem>>) offsets(%arg11 : memref<32xi32, #tpu.memory_space<vmem>>) semaphore(%arg30 : memref<!tpu.dma_semaphore, #tpu.memory_space<semaphore_mem>>)
    %dma_start3A_692 = arith.constant 0 : i32
    %dma_start3A_693 = arith.constant 0 : i32
    %dma_start3A_694 = tpu.memref_slice %arg4[%dma_start3A_692, %dma_start3A_693] : memref<10112x128xf32, #tpu.memory_space<hbm>> -> memref<10112x128xf32, #tpu.memory_space<hbm>>
    tpu.enqueue_indirect_dma source(%dma_start3A_694 : memref<10112x128xf32, #tpu.memory_space<hbm>>) target(%arg23 : memref<32x128xf32, #tpu.memory_space<vmem>>) offsets(%arg11 : memref<32xi32, #tpu.memory_space<vmem>>) semaphore(%arg30 : memref<!tpu.dma_semaphore, #tpu.memory_space<semaphore_mem>>)
    %dma_wait3A_695 = arith.constant 0 : i32
    %dma_wait3A_696 = arith.constant 0 : i32
    %dma_wait3A_697 = tpu.memref_slice %arg2[%dma_wait3A_695, %dma_wait3A_696] : memref<10112x128xf32, #tpu.memory_space<hbm>> -> memref<10112x128xf32, #tpu.memory_space<hbm>>
    tpu.wait_indirect_dma semaphore(%arg29 : memref<!tpu.dma_semaphore, #tpu.memory_space<semaphore_mem>>) src(%dma_wait3A_697 : memref<10112x128xf32, #tpu.memory_space<hbm>>) dst(%arg18 : memref<32x128xf32, #tpu.memory_space<vmem>>)
    %dma_wait3A_698 = arith.constant 0 : i32
    %dma_wait3A_699 = arith.constant 0 : i32
    %dma_wait3A_700 = tpu.memref_slice %arg3[%dma_wait3A_698, %dma_wait3A_699] : memref<10112x128xf32, #tpu.memory_space<hbm>> -> memref<10112x128xf32, #tpu.memory_space<hbm>>
    tpu.wait_indirect_dma semaphore(%arg29 : memref<!tpu.dma_semaphore, #tpu.memory_space<semaphore_mem>>) src(%dma_wait3A_700 : memref<10112x128xf32, #tpu.memory_space<hbm>>) dst(%arg20 : memref<32x128xf32, #tpu.memory_space<vmem>>)
    %dma_wait3A_701 = arith.constant 0 : i32
    %dma_wait3A_702 = arith.constant 0 : i32
    %dma_wait3A_703 = tpu.memref_slice %arg4[%dma_wait3A_701, %dma_wait3A_702] : memref<10112x128xf32, #tpu.memory_space<hbm>> -> memref<10112x128xf32, #tpu.memory_space<hbm>>
    tpu.wait_indirect_dma semaphore(%arg29 : memref<!tpu.dma_semaphore, #tpu.memory_space<semaphore_mem>>) src(%dma_wait3A_703 : memref<10112x128xf32, #tpu.memory_space<hbm>>) dst(%arg22 : memref<32x128xf32, #tpu.memory_space<vmem>>)
    %dma_wait3A_704 = arith.constant 0 : i32
    %dma_wait3A_705 = arith.constant 0 : i32
    %dma_wait3A_706 = tpu.memref_slice %arg33[%dma_wait3A_704, %dma_wait3A_705] : memref<10112x128xf32, #tpu.memory_space<vmem_shared>> -> memref<10112x128xf32, #tpu.memory_space<vmem_shared>>
    tpu.wait_indirect_dma semaphore(%arg31 : memref<!tpu.dma_semaphore, #tpu.memory_space<semaphore_mem>>) src(%arg24 : memref<32x128xf32, #tpu.memory_space<vmem>>) dst(%dma_wait3A_706 : memref<10112x128xf32, #tpu.memory_space<vmem_shared>>)
    %get3A_707 = arith.constant 0 : index
    %get3A_708 = tpu.vector_load %arg12[%get3A_707] {strides = array<i32>} : memref<32xi32, #tpu.memory_space<vmem>>, vector<16xi32>,
    %get3A_709 = vector.shape_cast %get3A_708 : vector<16xi32> to vector<16xi32>
    %swap3A_710 = arith.constant 0 : index
    %swap3A_711 = tpu.vector_load %arg14[%swap3A_710] {strides = array<i32>} : memref<32xi32, #tpu.memory_space<vmem>>, vector<16xi32>,
    %swap3A_712 = vector.shape_cast %swap3A_711 : vector<16xi32> to vector<16xi32>
    %swap3A_713 = vector.shape_cast %get3A_709 : vector<16xi32> to vector<16xi32>
    tpu.vector_store %arg14[%swap3A_710], %swap3A_713 {strides = array<i32>} : memref<32xi32, #tpu.memory_space<vmem>>, vector<16xi32>,
    %get3A_714 = arith.constant 16 : index
    %get3A_715 = tpu.vector_load %arg12[%get3A_714] {strides = array<i32>} : memref<32xi32, #tpu.memory_space<vmem>>, vector<16xi32>,
    %get3A_716 = vector.shape_cast %get3A_715 : vector<16xi32> to vector<16xi32>
    %swap3A_717 = arith.constant 16 : index
    %swap3A_718 = tpu.vector_load %arg14[%swap3A_717] {strides = array<i32>} : memref<32xi32, #tpu.memory_space<vmem>>, vector<16xi32>,
    %swap3A_719 = vector.shape_cast %swap3A_718 : vector<16xi32> to vector<16xi32>
    %swap3A_720 = vector.shape_cast %get3A_716 : vector<16xi32> to vector<16xi32>
    tpu.vector_store %arg14[%swap3A_717], %swap3A_720 {strides = array<i32>} : memref<32xi32, #tpu.memory_space<vmem>>, vector<16xi32>,
    %get3A_721 = arith.constant 0 : index
    %get3A_722 = tpu.vector_load %arg16[%get3A_721] {strides = array<i32>} : memref<512xf32, #tpu.memory_space<vmem>>, vector<16xf32>,
    %get3A_723 = vector.shape_cast %get3A_722 : vector<16xf32> to vector<16xf32>
    %swap3A_724 = arith.constant 0 : index
    %swap3A_725 = tpu.vector_load %arg26[%swap3A_724] {strides = array<i32>} : memref<512xf32, #tpu.memory_space<vmem>>, vector<16xf32>,
    %swap3A_726 = vector.shape_cast %swap3A_725 : vector<16xf32> to vector<16xf32>
    %swap3A_727 = vector.shape_cast %get3A_723 : vector<16xf32> to vector<16xf32>
    tpu.vector_store %arg26[%swap3A_724], %swap3A_727 {strides = array<i32>} : memref<512xf32, #tpu.memory_space<vmem>>, vector<16xf32>,
    %get3A_728 = arith.constant 16 : index
    %get3A_729 = tpu.vector_load %arg16[%get3A_728] {strides = array<i32>} : memref<512xf32, #tpu.memory_space<vmem>>, vector<16xf32>,
    %get3A_730 = vector.shape_cast %get3A_729 : vector<16xf32> to vector<16xf32>
    %swap3A_731 = arith.constant 16 : index
    %swap3A_732 = tpu.vector_load %arg26[%swap3A_731] {strides = array<i32>} : memref<512xf32, #tpu.memory_space<vmem>>, vector<16xf32>,
    %swap3A_733 = vector.shape_cast %swap3A_732 : vector<16xf32> to vector<16xf32>
    %swap3A_734 = vector.shape_cast %get3A_730 : vector<16xf32> to vector<16xf32>
    tpu.vector_store %arg26[%swap3A_731], %swap3A_734 {strides = array<i32>} : memref<512xf32, #tpu.memory_space<vmem>>, vector<16xf32>,
    %get3A_735 = arith.constant 32 : index
    %get3A_736 = tpu.vector_load %arg16[%get3A_735] {strides = array<i32>} : memref<512xf32, #tpu.memory_space<vmem>>, vector<16xf32>,
    %get3A_737 = vector.shape_cast %get3A_736 : vector<16xf32> to vector<16xf32>
    %swap3A_738 = arith.constant 32 : index
    %swap3A_739 = tpu.vector_load %arg26[%swap3A_738] {strides = array<i32>} : memref<512xf32, #tpu.memory_space<vmem>>, vector<16xf32>,
    %swap3A_740 = vector.shape_cast %swap3A_739 : vector<16xf32> to vector<16xf32>
    %swap3A_741 = vector.shape_cast %get3A_737 : vector<16xf32> to vector<16xf32>
    tpu.vector_store %arg26[%swap3A_738], %swap3A_741 {strides = array<i32>} : memref<512xf32, #tpu.memory_space<vmem>>, vector<16xf32>,
    %get3A_742 = arith.constant 48 : index
    %get3A_743 = tpu.vector_load %arg16[%get3A_742] {strides = array<i32>} : memref<512xf32, #tpu.memory_space<vmem>>, vector<16xf32>,
    %get3A_744 = vector.shape_cast %get3A_743 : vector<16xf32> to vector<16xf32>
    %swap3A_745 = arith.constant 48 : index
    %swap3A_746 = tpu.vector_load %arg26[%swap3A_745] {strides = array<i32>} : memref<512xf32, #tpu.memory_space<vmem>>, vector<16xf32>,
    %swap3A_747 = vector.shape_cast %swap3A_746 : vector<16xf32> to vector<16xf32>
    %swap3A_748 = vector.shape_cast %get3A_744 : vector<16xf32> to vector<16xf32>
    tpu.vector_store %arg26[%swap3A_745], %swap3A_748 {strides = array<i32>} : memref<512xf32, #tpu.memory_space<vmem>>, vector<16xf32>,
    %get3A_749 = arith.constant 64 : index
    %get3A_750 = tpu.vector_load %arg16[%get3A_749] {strides = array<i32>} : memref<512xf32, #tpu.memory_space<vmem>>, vector<16xf32>,
    %get3A_751 = vector.shape_cast %get3A_750 : vector<16xf32> to vector<16xf32>
    %swap3A_752 = arith.constant 64 : index
    %swap3A_753 = tpu.vector_load %arg26[%swap3A_752] {strides = array<i32>} : memref<512xf32, #tpu.memory_space<vmem>>, vector<16xf32>,
    %swap3A_754 = vector.shape_cast %swap3A_753 : vector<16xf32> to vector<16xf32>
    %swap3A_755 = vector.shape_cast %get3A_751 : vector<16xf32> to vector<16xf32>
    tpu.vector_store %arg26[%swap3A_752], %swap3A_755 {strides = array<i32>} : memref<512xf32, #tpu.memory_space<vmem>>, vector<16xf32>,
    %get3A_756 = arith.constant 80 : index
    %get3A_757 = tpu.vector_load %arg16[%get3A_756] {strides = array<i32>} : memref<512xf32, #tpu.memory_space<vmem>>, vector<16xf32>,
    %get3A_758 = vector.shape_cast %get3A_757 : vector<16xf32> to vector<16xf32>
    %swap3A_759 = arith.constant 80 : index
    %swap3A_760 = tpu.vector_load %arg26[%swap3A_759] {strides = array<i32>} : memref<512xf32, #tpu.memory_space<vmem>>, vector<16xf32>,
    %swap3A_761 = vector.shape_cast %swap3A_760 : vector<16xf32> to vector<16xf32>
    %swap3A_762 = vector.shape_cast %get3A_758 : vector<16xf32> to vector<16xf32>
    tpu.vector_store %arg26[%swap3A_759], %swap3A_762 {strides = array<i32>} : memref<512xf32, #tpu.memory_space<vmem>>, vector<16xf32>,
    %get3A_763 = arith.constant 96 : index
    %get3A_764 = tpu.vector_load %arg16[%get3A_763] {strides = array<i32>} : memref<512xf32, #tpu.memory_space<vmem>>, vector<16xf32>,
    %get3A_765 = vector.shape_cast %get3A_764 : vector<16xf32> to vector<16xf32>
    %swap3A_766 = arith.constant 96 : index
    %swap3A_767 = tpu.vector_load %arg26[%swap3A_766] {strides = array<i32>} : memref<512xf32, #tpu.memory_space<vmem>>, vector<16xf32>,
    %swap3A_768 = vector.shape_cast %swap3A_767 : vector<16xf32> to vector<16xf32>
    %swap3A_769 = vector.shape_cast %get3A_765 : vector<16xf32> to vector<16xf32>
    tpu.vector_store %arg26[%swap3A_766], %swap3A_769 {strides = array<i32>} : memref<512xf32, #tpu.memory_space<vmem>>, vector<16xf32>,
    %get3A_770 = arith.constant 112 : index
    %get3A_771 = tpu.vector_load %arg16[%get3A_770] {strides = array<i32>} : memref<512xf32, #tpu.memory_space<vmem>>, vector<16xf32>,
    %get3A_772 = vector.shape_cast %get3A_771 : vector<16xf32> to vector<16xf32>
    %swap3A_773 = arith.constant 112 : index
    %swap3A_774 = tpu.vector_load %arg26[%swap3A_773] {strides = array<i32>} : memref<512xf32, #tpu.memory_space<vmem>>, vector<16xf32>,
    %swap3A_775 = vector.shape_cast %swap3A_774 : vector<16xf32> to vector<16xf32>
    %swap3A_776 = vector.shape_cast %get3A_772 : vector<16xf32> to vector<16xf32>
    tpu.vector_store %arg26[%swap3A_773], %swap3A_776 {strides = array<i32>} : memref<512xf32, #tpu.memory_space<vmem>>, vector<16xf32>,
    %get3A_777 = arith.constant 128 : index
    %get3A_778 = tpu.vector_load %arg16[%get3A_777] {strides = array<i32>} : memref<512xf32, #tpu.memory_space<vmem>>, vector<16xf32>,
    %get3A_779 = vector.shape_cast %get3A_778 : vector<16xf32> to vector<16xf32>
    %swap3A_780 = arith.constant 128 : index
    %swap3A_781 = tpu.vector_load %arg26[%swap3A_780] {strides = array<i32>} : memref<512xf32, #tpu.memory_space<vmem>>, vector<16xf32>,
    %swap3A_782 = vector.shape_cast %swap3A_781 : vector<16xf32> to vector<16xf32>
    %swap3A_783 = vector.shape_cast %get3A_779 : vector<16xf32> to vector<16xf32>
    tpu.vector_store %arg26[%swap3A_780], %swap3A_783 {strides = array<i32>} : memref<512xf32, #tpu.memory_space<vmem>>, vector<16xf32>,
    %get3A_784 = arith.constant 144 : index
    %get3A_785 = tpu.vector_load %arg16[%get3A_784] {strides = array<i32>} : memref<512xf32, #tpu.memory_space<vmem>>, vector<16xf32>,
    %get3A_786 = vector.shape_cast %get3A_785 : vector<16xf32> to vector<16xf32>
    %swap3A_787 = arith.constant 144 : index
    %swap3A_788 = tpu.vector_load %arg26[%swap3A_787] {strides = array<i32>} : memref<512xf32, #tpu.memory_space<vmem>>, vector<16xf32>,
    %swap3A_789 = vector.shape_cast %swap3A_788 : vector<16xf32> to vector<16xf32>
    %swap3A_790 = vector.shape_cast %get3A_786 : vector<16xf32> to vector<16xf32>
    tpu.vector_store %arg26[%swap3A_787], %swap3A_790 {strides = array<i32>} : memref<512xf32, #tpu.memory_space<vmem>>, vector<16xf32>,
    %get3A_791 = arith.constant 160 : index
    %get3A_792 = tpu.vector_load %arg16[%get3A_791] {strides = array<i32>} : memref<512xf32, #tpu.memory_space<vmem>>, vector<16xf32>,
    %get3A_793 = vector.shape_cast %get3A_792 : vector<16xf32> to vector<16xf32>
    %swap3A_794 = arith.constant 160 : index
    %swap3A_795 = tpu.vector_load %arg26[%swap3A_794] {strides = array<i32>} : memref<512xf32, #tpu.memory_space<vmem>>, vector<16xf32>,
    %swap3A_796 = vector.shape_cast %swap3A_795 : vector<16xf32> to vector<16xf32>
    %swap3A_797 = vector.shape_cast %get3A_793 : vector<16xf32> to vector<16xf32>
    tpu.vector_store %arg26[%swap3A_794], %swap3A_797 {strides = array<i32>} : memref<512xf32, #tpu.memory_space<vmem>>, vector<16xf32>,
    %get3A_798 = arith.constant 176 : index
    %get3A_799 = tpu.vector_load %arg16[%get3A_798] {strides = array<i32>} : memref<512xf32, #tpu.memory_space<vmem>>, vector<16xf32>,
    %get3A_800 = vector.shape_cast %get3A_799 : vector<16xf32> to vector<16xf32>
    %swap3A_801 = arith.constant 176 : index
    %swap3A_802 = tpu.vector_load %arg26[%swap3A_801] {strides = array<i32>} : memref<512xf32, #tpu.memory_space<vmem>>, vector<16xf32>,
    %swap3A_803 = vector.shape_cast %swap3A_802 : vector<16xf32> to vector<16xf32>
    %swap3A_804 = vector.shape_cast %get3A_800 : vector<16xf32> to vector<16xf32>
    tpu.vector_store %arg26[%swap3A_801], %swap3A_804 {strides = array<i32>} : memref<512xf32, #tpu.memory_space<vmem>>, vector<16xf32>,
    %get3A_805 = arith.constant 192 : index
    %get3A_806 = tpu.vector_load %arg16[%get3A_805] {strides = array<i32>} : memref<512xf32, #tpu.memory_space<vmem>>, vector<16xf32>,
    %get3A_807 = vector.shape_cast %get3A_806 : vector<16xf32> to vector<16xf32>
    %swap3A_808 = arith.constant 192 : index
    %swap3A_809 = tpu.vector_load %arg26[%swap3A_808] {strides = array<i32>} : memref<512xf32, #tpu.memory_space<vmem>>, vector<16xf32>,
    %swap3A_810 = vector.shape_cast %swap3A_809 : vector<16xf32> to vector<16xf32>
    %swap3A_811 = vector.shape_cast %get3A_807 : vector<16xf32> to vector<16xf32>
    tpu.vector_store %arg26[%swap3A_808], %swap3A_811 {strides = array<i32>} : memref<512xf32, #tpu.memory_space<vmem>>, vector<16xf32>,
    %get3A_812 = arith.constant 208 : index
    %get3A_813 = tpu.vector_load %arg16[%get3A_812] {strides = array<i32>} : memref<512xf32, #tpu.memory_space<vmem>>, vector<16xf32>,
    %get3A_814 = vector.shape_cast %get3A_813 : vector<16xf32> to vector<16xf32>
    %swap3A_815 = arith.constant 208 : index
    %swap3A_816 = tpu.vector_load %arg26[%swap3A_815] {strides = array<i32>} : memref<512xf32, #tpu.memory_space<vmem>>, vector<16xf32>,
    %swap3A_817 = vector.shape_cast %swap3A_816 : vector<16xf32> to vector<16xf32>
    %swap3A_818 = vector.shape_cast %get3A_814 : vector<16xf32> to vector<16xf32>
    tpu.vector_store %arg26[%swap3A_815], %swap3A_818 {strides = array<i32>} : memref<512xf32, #tpu.memory_space<vmem>>, vector<16xf32>,
    %get3A_819 = arith.constant 224 : index
    %get3A_820 = tpu.vector_load %arg16[%get3A_819] {strides = array<i32>} : memref<512xf32, #tpu.memory_space<vmem>>, vector<16xf32>,
    %get3A_821 = vector.shape_cast %get3A_820 : vector<16xf32> to vector<16xf32>
    %swap3A_822 = arith.constant 224 : index
    %swap3A_823 = tpu.vector_load %arg26[%swap3A_822] {strides = array<i32>} : memref<512xf32, #tpu.memory_space<vmem>>, vector<16xf32>,
    %swap3A_824 = vector.shape_cast %swap3A_823 : vector<16xf32> to vector<16xf32>
    %swap3A_825 = vector.shape_cast %get3A_821 : vector<16xf32> to vector<16xf32>
    tpu.vector_store %arg26[%swap3A_822], %swap3A_825 {strides = array<i32>} : memref<512xf32, #tpu.memory_space<vmem>>, vector<16xf32>,
    %get3A_826 = arith.constant 240 : index
    %get3A_827 = tpu.vector_load %arg16[%get3A_826] {strides = array<i32>} : memref<512xf32, #tpu.memory_space<vmem>>, vector<16xf32>,
    %get3A_828 = vector.shape_cast %get3A_827 : vector<16xf32> to vector<16xf32>
    %swap3A_829 = arith.constant 240 : index
    %swap3A_830 = tpu.vector_load %arg26[%swap3A_829] {strides = array<i32>} : memref<512xf32, #tpu.memory_space<vmem>>, vector<16xf32>,
    %swap3A_831 = vector.shape_cast %swap3A_830 : vector<16xf32> to vector<16xf32>
    %swap3A_832 = vector.shape_cast %get3A_828 : vector<16xf32> to vector<16xf32>
    tpu.vector_store %arg26[%swap3A_829], %swap3A_832 {strides = array<i32>} : memref<512xf32, #tpu.memory_space<vmem>>, vector<16xf32>,
    %get3A_833 = arith.constant 256 : index
    %get3A_834 = tpu.vector_load %arg16[%get3A_833] {strides = array<i32>} : memref<512xf32, #tpu.memory_space<vmem>>, vector<16xf32>,
    %get3A_835 = vector.shape_cast %get3A_834 : vector<16xf32> to vector<16xf32>
    %swap3A_836 = arith.constant 256 : index
    %swap3A_837 = tpu.vector_load %arg26[%swap3A_836] {strides = array<i32>} : memref<512xf32, #tpu.memory_space<vmem>>, vector<16xf32>,
    %swap3A_838 = vector.shape_cast %swap3A_837 : vector<16xf32> to vector<16xf32>
    %swap3A_839 = vector.shape_cast %get3A_835 : vector<16xf32> to vector<16xf32>
    tpu.vector_store %arg26[%swap3A_836], %swap3A_839 {strides = array<i32>} : memref<512xf32, #tpu.memory_space<vmem>>, vector<16xf32>,
    %get3A_840 = arith.constant 272 : index
    %get3A_841 = tpu.vector_load %arg16[%get3A_840] {strides = array<i32>} : memref<512xf32, #tpu.memory_space<vmem>>, vector<16xf32>,
    %get3A_842 = vector.shape_cast %get3A_841 : vector<16xf32> to vector<16xf32>
    %swap3A_843 = arith.constant 272 : index
    %swap3A_844 = tpu.vector_load %arg26[%swap3A_843] {strides = array<i32>} : memref<512xf32, #tpu.memory_space<vmem>>, vector<16xf32>,
    %swap3A_845 = vector.shape_cast %swap3A_844 : vector<16xf32> to vector<16xf32>
    %swap3A_846 = vector.shape_cast %get3A_842 : vector<16xf32> to vector<16xf32>
    tpu.vector_store %arg26[%swap3A_843], %swap3A_846 {strides = array<i32>} : memref<512xf32, #tpu.memory_space<vmem>>, vector<16xf32>,
    %get3A_847 = arith.constant 288 : index
    %get3A_848 = tpu.vector_load %arg16[%get3A_847] {strides = array<i32>} : memref<512xf32, #tpu.memory_space<vmem>>, vector<16xf32>,
    %get3A_849 = vector.shape_cast %get3A_848 : vector<16xf32> to vector<16xf32>
    %swap3A_850 = arith.constant 288 : index
    %swap3A_851 = tpu.vector_load %arg26[%swap3A_850] {strides = array<i32>} : memref<512xf32, #tpu.memory_space<vmem>>, vector<16xf32>,
    %swap3A_852 = vector.shape_cast %swap3A_851 : vector<16xf32> to vector<16xf32>
    %swap3A_853 = vector.shape_cast %get3A_849 : vector<16xf32> to vector<16xf32>
    tpu.vector_store %arg26[%swap3A_850], %swap3A_853 {strides = array<i32>} : memref<512xf32, #tpu.memory_space<vmem>>, vector<16xf32>,
    %get3A_854 = arith.constant 304 : index
    %get3A_855 = tpu.vector_load %arg16[%get3A_854] {strides = array<i32>} : memref<512xf32, #tpu.memory_space<vmem>>, vector<16xf32>,
    %get3A_856 = vector.shape_cast %get3A_855 : vector<16xf32> to vector<16xf32>
    %swap3A_857 = arith.constant 304 : index
    %swap3A_858 = tpu.vector_load %arg26[%swap3A_857] {strides = array<i32>} : memref<512xf32, #tpu.memory_space<vmem>>, vector<16xf32>,
    %swap3A_859 = vector.shape_cast %swap3A_858 : vector<16xf32> to vector<16xf32>
    %swap3A_860 = vector.shape_cast %get3A_856 : vector<16xf32> to vector<16xf32>
    tpu.vector_store %arg26[%swap3A_857], %swap3A_860 {strides = array<i32>} : memref<512xf32, #tpu.memory_space<vmem>>, vector<16xf32>,
    %get3A_861 = arith.constant 320 : index
    %get3A_862 = tpu.vector_load %arg16[%get3A_861] {strides = array<i32>} : memref<512xf32, #tpu.memory_space<vmem>>, vector<16xf32>,
    %get3A_863 = vector.shape_cast %get3A_862 : vector<16xf32> to vector<16xf32>
    %swap3A_864 = arith.constant 320 : index
    %swap3A_865 = tpu.vector_load %arg26[%swap3A_864] {strides = array<i32>} : memref<512xf32, #tpu.memory_space<vmem>>, vector<16xf32>,
    %swap3A_866 = vector.shape_cast %swap3A_865 : vector<16xf32> to vector<16xf32>
    %swap3A_867 = vector.shape_cast %get3A_863 : vector<16xf32> to vector<16xf32>
    tpu.vector_store %arg26[%swap3A_864], %swap3A_867 {strides = array<i32>} : memref<512xf32, #tpu.memory_space<vmem>>, vector<16xf32>,
    %get3A_868 = arith.constant 336 : index
    %get3A_869 = tpu.vector_load %arg16[%get3A_868] {strides = array<i32>} : memref<512xf32, #tpu.memory_space<vmem>>, vector<16xf32>,
    %get3A_870 = vector.shape_cast %get3A_869 : vector<16xf32> to vector<16xf32>
    %swap3A_871 = arith.constant 336 : index
    %swap3A_872 = tpu.vector_load %arg26[%swap3A_871] {strides = array<i32>} : memref<512xf32, #tpu.memory_space<vmem>>, vector<16xf32>,
    %swap3A_873 = vector.shape_cast %swap3A_872 : vector<16xf32> to vector<16xf32>
    %swap3A_874 = vector.shape_cast %get3A_870 : vector<16xf32> to vector<16xf32>
    tpu.vector_store %arg26[%swap3A_871], %swap3A_874 {strides = array<i32>} : memref<512xf32, #tpu.memory_space<vmem>>, vector<16xf32>,
    %get3A_875 = arith.constant 352 : index
    %get3A_876 = tpu.vector_load %arg16[%get3A_875] {strides = array<i32>} : memref<512xf32, #tpu.memory_space<vmem>>, vector<16xf32>,
    %get3A_877 = vector.shape_cast %get3A_876 : vector<16xf32> to vector<16xf32>
    %swap3A_878 = arith.constant 352 : index
    %swap3A_879 = tpu.vector_load %arg26[%swap3A_878] {strides = array<i32>} : memref<512xf32, #tpu.memory_space<vmem>>, vector<16xf32>,
    %swap3A_880 = vector.shape_cast %swap3A_879 : vector<16xf32> to vector<16xf32>
    %swap3A_881 = vector.shape_cast %get3A_877 : vector<16xf32> to vector<16xf32>
    tpu.vector_store %arg26[%swap3A_878], %swap3A_881 {strides = array<i32>} : memref<512xf32, #tpu.memory_space<vmem>>, vector<16xf32>,
    %get3A_882 = arith.constant 368 : index
    %get3A_883 = tpu.vector_load %arg16[%get3A_882] {strides = array<i32>} : memref<512xf32, #tpu.memory_space<vmem>>, vector<16xf32>,
    %get3A_884 = vector.shape_cast %get3A_883 : vector<16xf32> to vector<16xf32>
    %swap3A_885 = arith.constant 368 : index
    %swap3A_886 = tpu.vector_load %arg26[%swap3A_885] {strides = array<i32>} : memref<512xf32, #tpu.memory_space<vmem>>, vector<16xf32>,
    %swap3A_887 = vector.shape_cast %swap3A_886 : vector<16xf32> to vector<16xf32>
    %swap3A_888 = vector.shape_cast %get3A_884 : vector<16xf32> to vector<16xf32>
    tpu.vector_store %arg26[%swap3A_885], %swap3A_888 {strides = array<i32>} : memref<512xf32, #tpu.memory_space<vmem>>, vector<16xf32>,
    %get3A_889 = arith.constant 384 : index
    %get3A_890 = tpu.vector_load %arg16[%get3A_889] {strides = array<i32>} : memref<512xf32, #tpu.memory_space<vmem>>, vector<16xf32>,
    %get3A_891 = vector.shape_cast %get3A_890 : vector<16xf32> to vector<16xf32>
    %swap3A_892 = arith.constant 384 : index
    %swap3A_893 = tpu.vector_load %arg26[%swap3A_892] {strides = array<i32>} : memref<512xf32, #tpu.memory_space<vmem>>, vector<16xf32>,
    %swap3A_894 = vector.shape_cast %swap3A_893 : vector<16xf32> to vector<16xf32>
    %swap3A_895 = vector.shape_cast %get3A_891 : vector<16xf32> to vector<16xf32>
    tpu.vector_store %arg26[%swap3A_892], %swap3A_895 {strides = array<i32>} : memref<512xf32, #tpu.memory_space<vmem>>, vector<16xf32>,
    %get3A_896 = arith.constant 400 : index
    %get3A_897 = tpu.vector_load %arg16[%get3A_896] {strides = array<i32>} : memref<512xf32, #tpu.memory_space<vmem>>, vector<16xf32>,
    %get3A_898 = vector.shape_cast %get3A_897 : vector<16xf32> to vector<16xf32>
    %swap3A_899 = arith.constant 400 : index
    %swap3A_900 = tpu.vector_load %arg26[%swap3A_899] {strides = array<i32>} : memref<512xf32, #tpu.memory_space<vmem>>, vector<16xf32>,
    %swap3A_901 = vector.shape_cast %swap3A_900 : vector<16xf32> to vector<16xf32>
    %swap3A_902 = vector.shape_cast %get3A_898 : vector<16xf32> to vector<16xf32>
    tpu.vector_store %arg26[%swap3A_899], %swap3A_902 {strides = array<i32>} : memref<512xf32, #tpu.memory_space<vmem>>, vector<16xf32>,
    %get3A_903 = arith.constant 416 : index
    %get3A_904 = tpu.vector_load %arg16[%get3A_903] {strides = array<i32>} : memref<512xf32, #tpu.memory_space<vmem>>, vector<16xf32>,
    %get3A_905 = vector.shape_cast %get3A_904 : vector<16xf32> to vector<16xf32>
    %swap3A_906 = arith.constant 416 : index
    %swap3A_907 = tpu.vector_load %arg26[%swap3A_906] {strides = array<i32>} : memref<512xf32, #tpu.memory_space<vmem>>, vector<16xf32>,
    %swap3A_908 = vector.shape_cast %swap3A_907 : vector<16xf32> to vector<16xf32>
    %swap3A_909 = vector.shape_cast %get3A_905 : vector<16xf32> to vector<16xf32>
    tpu.vector_store %arg26[%swap3A_906], %swap3A_909 {strides = array<i32>} : memref<512xf32, #tpu.memory_space<vmem>>, vector<16xf32>,
    %get3A_910 = arith.constant 432 : index
    %get3A_911 = tpu.vector_load %arg16[%get3A_910] {strides = array<i32>} : memref<512xf32, #tpu.memory_space<vmem>>, vector<16xf32>,
    %get3A_912 = vector.shape_cast %get3A_911 : vector<16xf32> to vector<16xf32>
    %swap3A_913 = arith.constant 432 : index
    %swap3A_914 = tpu.vector_load %arg26[%swap3A_913] {strides = array<i32>} : memref<512xf32, #tpu.memory_space<vmem>>, vector<16xf32>,
    %swap3A_915 = vector.shape_cast %swap3A_914 : vector<16xf32> to vector<16xf32>
    %swap3A_916 = vector.shape_cast %get3A_912 : vector<16xf32> to vector<16xf32>
    tpu.vector_store %arg26[%swap3A_913], %swap3A_916 {strides = array<i32>} : memref<512xf32, #tpu.memory_space<vmem>>, vector<16xf32>,
    %get3A_917 = arith.constant 448 : index
    %get3A_918 = tpu.vector_load %arg16[%get3A_917] {strides = array<i32>} : memref<512xf32, #tpu.memory_space<vmem>>, vector<16xf32>,
    %get3A_919 = vector.shape_cast %get3A_918 : vector<16xf32> to vector<16xf32>
    %swap3A_920 = arith.constant 448 : index
    %swap3A_921 = tpu.vector_load %arg26[%swap3A_920] {strides = array<i32>} : memref<512xf32, #tpu.memory_space<vmem>>, vector<16xf32>,
    %swap3A_922 = vector.shape_cast %swap3A_921 : vector<16xf32> to vector<16xf32>
    %swap3A_923 = vector.shape_cast %get3A_919 : vector<16xf32> to vector<16xf32>
    tpu.vector_store %arg26[%swap3A_920], %swap3A_923 {strides = array<i32>} : memref<512xf32, #tpu.memory_space<vmem>>, vector<16xf32>,
    %get3A_924 = arith.constant 464 : index
    %get3A_925 = tpu.vector_load %arg16[%get3A_924] {strides = array<i32>} : memref<512xf32, #tpu.memory_space<vmem>>, vector<16xf32>,
    %get3A_926 = vector.shape_cast %get3A_925 : vector<16xf32> to vector<16xf32>
    %swap3A_927 = arith.constant 464 : index
    %swap3A_928 = tpu.vector_load %arg26[%swap3A_927] {strides = array<i32>} : memref<512xf32, #tpu.memory_space<vmem>>, vector<16xf32>,
    %swap3A_929 = vector.shape_cast %swap3A_928 : vector<16xf32> to vector<16xf32>
    %swap3A_930 = vector.shape_cast %get3A_926 : vector<16xf32> to vector<16xf32>
    tpu.vector_store %arg26[%swap3A_927], %swap3A_930 {strides = array<i32>} : memref<512xf32, #tpu.memory_space<vmem>>, vector<16xf32>,
    %get3A_931 = arith.constant 480 : index
    %get3A_932 = tpu.vector_load %arg16[%get3A_931] {strides = array<i32>} : memref<512xf32, #tpu.memory_space<vmem>>, vector<16xf32>,
    %get3A_933 = vector.shape_cast %get3A_932 : vector<16xf32> to vector<16xf32>
    %swap3A_934 = arith.constant 480 : index
    %swap3A_935 = tpu.vector_load %arg26[%swap3A_934] {strides = array<i32>} : memref<512xf32, #tpu.memory_space<vmem>>, vector<16xf32>,
    %swap3A_936 = vector.shape_cast %swap3A_935 : vector<16xf32> to vector<16xf32>
    %swap3A_937 = vector.shape_cast %get3A_933 : vector<16xf32> to vector<16xf32>
    tpu.vector_store %arg26[%swap3A_934], %swap3A_937 {strides = array<i32>} : memref<512xf32, #tpu.memory_space<vmem>>, vector<16xf32>,
    %get3A_938 = arith.constant 496 : index
    %get3A_939 = tpu.vector_load %arg16[%get3A_938] {strides = array<i32>} : memref<512xf32, #tpu.memory_space<vmem>>, vector<16xf32>,
    %get3A_940 = vector.shape_cast %get3A_939 : vector<16xf32> to vector<16xf32>
    %swap3A_941 = arith.constant 496 : index
    %swap3A_942 = tpu.vector_load %arg26[%swap3A_941] {strides = array<i32>} : memref<512xf32, #tpu.memory_space<vmem>>, vector<16xf32>,
    %swap3A_943 = vector.shape_cast %swap3A_942 : vector<16xf32> to vector<16xf32>
    %swap3A_944 = vector.shape_cast %get3A_940 : vector<16xf32> to vector<16xf32>
    tpu.vector_store %arg26[%swap3A_941], %swap3A_944 {strides = array<i32>} : memref<512xf32, #tpu.memory_space<vmem>>, vector<16xf32>,
    %scan3A_945 = arith.constant 0 : i32
    %scan3A_946 = arith.constant 0 : i32
    %scan3A_947 = arith.constant 32 : i32
    %scan3A_948 = arith.addi %scan3A_946, %scan3A_947 : i32
    %scan3A_949 = arith.constant 1 : i32
    scf.for %scan3A_1220 = %scan3A_946 to %scan3A_948 step %scan3A_949  : i32 {
      %mul3A_1221 = arith.constant 16 : i32
      %mul3A_1222 = arith.muli %scan3A_1220, %mul3A_1221 : i32
      %get3A_1223 = arith.index_cast %mul3A_1222 : i32 to index
      %get3A_1224 = tpu.vector_load %arg26[%get3A_1223] {strides = array<i32>} : memref<512xf32, #tpu.memory_space<vmem>>, vector<16xf32>,
      %get3A_1225 = vector.shape_cast %get3A_1224 : vector<16xf32> to vector<16xf32>
      %get3A_1226 = arith.index_cast %scan3A_1220 : i32 to index
      %get3A_1227 = arith.constant 0 : index
      %get3A_1228 = tpu.vector_load %arg18[%get3A_1226, %get3A_1227] {strides = array<i32>} : memref<32x128xf32, #tpu.memory_space<vmem>>, vector<1x16xf32>,
      %get3A_1229 = vector.shape_cast %get3A_1228 : vector<1x16xf32> to vector<16xf32>
      %get3A_1230 = arith.index_cast %scan3A_1220 : i32 to index
      %get3A_1231 = arith.constant 0 : index
      %get3A_1232 = tpu.vector_load %arg20[%get3A_1230, %get3A_1231] {strides = array<i32>} : memref<32x128xf32, #tpu.memory_space<vmem>>, vector<1x16xf32>,
      %get3A_1233 = vector.shape_cast %get3A_1232 : vector<1x16xf32> to vector<16xf32>
      %add3A_1234 = arith.addf %get3A_1229, %get3A_1233 : vector<16xf32>
      %neg3A = arith.constant 0.000000e+00 : f32
      %neg3A_1235 = vector.broadcast %neg3A : f32 to vector<16xf32>
      %neg3A_1236 = arith.subf %neg3A_1235, %add3A_1234 : vector<16xf32>
      %exp3A = math.exp %neg3A_1236 : vector<16xf32>
      %add3A_1237 = arith.constant 1.000000e+00 : f32
      %add3A_1238 = vector.broadcast %add3A_1237 : f32 to vector<16xf32>
      %add3A_1239 = arith.addf %add3A_1238, %exp3A : vector<16xf32>
      %div3A = arith.constant 1.000000e+00 : f32
      %div3A_1240 = vector.broadcast %div3A : f32 to vector<16xf32>
      %div3A_1241 = arith.divf %div3A_1240, %add3A_1239 : vector<16xf32>
      %get3A_1242 = arith.index_cast %scan3A_1220 : i32 to index
      %get3A_1243 = arith.constant 0 : index
      %get3A_1244 = tpu.vector_load %arg22[%get3A_1242, %get3A_1243] {strides = array<i32>} : memref<32x128xf32, #tpu.memory_space<vmem>>, vector<1x16xf32>,
      %get3A_1245 = vector.shape_cast %get3A_1244 : vector<1x16xf32> to vector<16xf32>
      %mul3A_1246 = arith.mulf %div3A_1241, %get3A_1245 : vector<16xf32>
      %mul3A_1247 = arith.mulf %mul3A_1246, %get3A_1225 : vector<16xf32>
      %swap3A_1248 = arith.index_cast %scan3A_1220 : i32 to index
      %swap3A_1249 = arith.constant 0 : index
      %swap3A_1250 = tpu.vector_load %arg24[%swap3A_1248, %swap3A_1249] {strides = array<i32>} : memref<32x128xf32, #tpu.memory_space<vmem>>, vector<1x16xf32>,
      %swap3A_1251 = vector.shape_cast %swap3A_1250 : vector<1x16xf32> to vector<16xf32>
      %swap3A_1252 = vector.shape_cast %mul3A_1247 : vector<16xf32> to vector<1x16xf32>
      tpu.vector_store %arg24[%swap3A_1248, %swap3A_1249], %swap3A_1252 {strides = array<i32>} : memref<32x128xf32, #tpu.memory_space<vmem>>, vector<1x16xf32>,
      %get3A_1253 = arith.index_cast %scan3A_1220 : i32 to index
      %get3A_1254 = arith.constant 16 : index
      %get3A_1255 = tpu.vector_load %arg18[%get3A_1253, %get3A_1254] {strides = array<i32>} : memref<32x128xf32, #tpu.memory_space<vmem>>, vector<1x16xf32>,
      %get3A_1256 = vector.shape_cast %get3A_1255 : vector<1x16xf32> to vector<16xf32>
      %get3A_1257 = arith.index_cast %scan3A_1220 : i32 to index
      %get3A_1258 = arith.constant 16 : index
      %get3A_1259 = tpu.vector_load %arg20[%get3A_1257, %get3A_1258] {strides = array<i32>} : memref<32x128xf32, #tpu.memory_space<vmem>>, vector<1x16xf32>,
      %get3A_1260 = vector.shape_cast %get3A_1259 : vector<1x16xf32> to vector<16xf32>
      %add3A_1261 = arith.addf %get3A_1256, %get3A_1260 : vector<16xf32>
      %neg3A_1262 = arith.constant 0.000000e+00 : f32
      %neg3A_1263 = vector.broadcast %neg3A_1262 : f32 to vector<16xf32>
      %neg3A_1264 = arith.subf %neg3A_1263, %add3A_1261 : vector<16xf32>
      %exp3A_1265 = math.exp %neg3A_1264 : vector<16xf32>
      %add3A_1266 = arith.constant 1.000000e+00 : f32
      %add3A_1267 = vector.broadcast %add3A_1266 : f32 to vector<16xf32>
      %add3A_1268 = arith.addf %add3A_1267, %exp3A_1265 : vector<16xf32>
      %div3A_1269 = arith.constant 1.000000e+00 : f32
      %div3A_1270 = vector.broadcast %div3A_1269 : f32 to vector<16xf32>
      %div3A_1271 = arith.divf %div3A_1270, %add3A_1268 : vector<16xf32>
      %get3A_1272 = arith.index_cast %scan3A_1220 : i32 to index
      %get3A_1273 = arith.constant 16 : index
      %get3A_1274 = tpu.vector_load %arg22[%get3A_1272, %get3A_1273] {strides = array<i32>} : memref<32x128xf32, #tpu.memory_space<vmem>>, vector<1x16xf32>,
      %get3A_1275 = vector.shape_cast %get3A_1274 : vector<1x16xf32> to vector<16xf32>
      %mul3A_1276 = arith.mulf %div3A_1271, %get3A_1275 : vector<16xf32>
      %mul3A_1277 = arith.mulf %mul3A_1276, %get3A_1225 : vector<16xf32>
      %swap3A_1278 = arith.index_cast %scan3A_1220 : i32 to index
      %swap3A_1279 = arith.constant 16 : index
      %swap3A_1280 = tpu.vector_load %arg24[%swap3A_1278, %swap3A_1279] {strides = array<i32>} : memref<32x128xf32, #tpu.memory_space<vmem>>, vector<1x16xf32>,
      %swap3A_1281 = vector.shape_cast %swap3A_1280 : vector<1x16xf32> to vector<16xf32>
      %swap3A_1282 = vector.shape_cast %mul3A_1277 : vector<16xf32> to vector<1x16xf32>
      tpu.vector_store %arg24[%swap3A_1278, %swap3A_1279], %swap3A_1282 {strides = array<i32>} : memref<32x128xf32, #tpu.memory_space<vmem>>, vector<1x16xf32>,
      %get3A_1283 = arith.index_cast %scan3A_1220 : i32 to index
      %get3A_1284 = arith.constant 32 : index
      %get3A_1285 = tpu.vector_load %arg18[%get3A_1283, %get3A_1284] {strides = array<i32>} : memref<32x128xf32, #tpu.memory_space<vmem>>, vector<1x16xf32>,
      %get3A_1286 = vector.shape_cast %get3A_1285 : vector<1x16xf32> to vector<16xf32>
      %get3A_1287 = arith.index_cast %scan3A_1220 : i32 to index
      %get3A_1288 = arith.constant 32 : index
      %get3A_1289 = tpu.vector_load %arg20[%get3A_1287, %get3A_1288] {strides = array<i32>} : memref<32x128xf32, #tpu.memory_space<vmem>>, vector<1x16xf32>,
      %get3A_1290 = vector.shape_cast %get3A_1289 : vector<1x16xf32> to vector<16xf32>
      %add3A_1291 = arith.addf %get3A_1286, %get3A_1290 : vector<16xf32>
      %neg3A_1292 = arith.constant 0.000000e+00 : f32
      %neg3A_1293 = vector.broadcast %neg3A_1292 : f32 to vector<16xf32>
      %neg3A_1294 = arith.subf %neg3A_1293, %add3A_1291 : vector<16xf32>
      %exp3A_1295 = math.exp %neg3A_1294 : vector<16xf32>
      %add3A_1296 = arith.constant 1.000000e+00 : f32
      %add3A_1297 = vector.broadcast %add3A_1296 : f32 to vector<16xf32>
      %add3A_1298 = arith.addf %add3A_1297, %exp3A_1295 : vector<16xf32>
      %div3A_1299 = arith.constant 1.000000e+00 : f32
      %div3A_1300 = vector.broadcast %div3A_1299 : f32 to vector<16xf32>
      %div3A_1301 = arith.divf %div3A_1300, %add3A_1298 : vector<16xf32>
      %get3A_1302 = arith.index_cast %scan3A_1220 : i32 to index
      %get3A_1303 = arith.constant 32 : index
      %get3A_1304 = tpu.vector_load %arg22[%get3A_1302, %get3A_1303] {strides = array<i32>} : memref<32x128xf32, #tpu.memory_space<vmem>>, vector<1x16xf32>,
      %get3A_1305 = vector.shape_cast %get3A_1304 : vector<1x16xf32> to vector<16xf32>
      %mul3A_1306 = arith.mulf %div3A_1301, %get3A_1305 : vector<16xf32>
      %mul3A_1307 = arith.mulf %mul3A_1306, %get3A_1225 : vector<16xf32>
      %swap3A_1308 = arith.index_cast %scan3A_1220 : i32 to index
      %swap3A_1309 = arith.constant 32 : index
      %swap3A_1310 = tpu.vector_load %arg24[%swap3A_1308, %swap3A_1309] {strides = array<i32>} : memref<32x128xf32, #tpu.memory_space<vmem>>, vector<1x16xf32>,
      %swap3A_1311 = vector.shape_cast %swap3A_1310 : vector<1x16xf32> to vector<16xf32>
      %swap3A_1312 = vector.shape_cast %mul3A_1307 : vector<16xf32> to vector<1x16xf32>
      tpu.vector_store %arg24[%swap3A_1308, %swap3A_1309], %swap3A_1312 {strides = array<i32>} : memref<32x128xf32, #tpu.memory_space<vmem>>, vector<1x16xf32>,
      %get3A_1313 = arith.index_cast %scan3A_1220 : i32 to index
      %get3A_1314 = arith.constant 48 : index
      %get3A_1315 = tpu.vector_load %arg18[%get3A_1313, %get3A_1314] {strides = array<i32>} : memref<32x128xf32, #tpu.memory_space<vmem>>, vector<1x16xf32>,
      %get3A_1316 = vector.shape_cast %get3A_1315 : vector<1x16xf32> to vector<16xf32>
      %get3A_1317 = arith.index_cast %scan3A_1220 : i32 to index
      %get3A_1318 = arith.constant 48 : index
      %get3A_1319 = tpu.vector_load %arg20[%get3A_1317, %get3A_1318] {strides = array<i32>} : memref<32x128xf32, #tpu.memory_space<vmem>>, vector<1x16xf32>,
      %get3A_1320 = vector.shape_cast %get3A_1319 : vector<1x16xf32> to vector<16xf32>
      %add3A_1321 = arith.addf %get3A_1316, %get3A_1320 : vector<16xf32>
      %neg3A_1322 = arith.constant 0.000000e+00 : f32
      %neg3A_1323 = vector.broadcast %neg3A_1322 : f32 to vector<16xf32>
      %neg3A_1324 = arith.subf %neg3A_1323, %add3A_1321 : vector<16xf32>
      %exp3A_1325 = math.exp %neg3A_1324 : vector<16xf32>
      %add3A_1326 = arith.constant 1.000000e+00 : f32
      %add3A_1327 = vector.broadcast %add3A_1326 : f32 to vector<16xf32>
      %add3A_1328 = arith.addf %add3A_1327, %exp3A_1325 : vector<16xf32>
      %div3A_1329 = arith.constant 1.000000e+00 : f32
      %div3A_1330 = vector.broadcast %div3A_1329 : f32 to vector<16xf32>
      %div3A_1331 = arith.divf %div3A_1330, %add3A_1328 : vector<16xf32>
      %get3A_1332 = arith.index_cast %scan3A_1220 : i32 to index
      %get3A_1333 = arith.constant 48 : index
      %get3A_1334 = tpu.vector_load %arg22[%get3A_1332, %get3A_1333] {strides = array<i32>} : memref<32x128xf32, #tpu.memory_space<vmem>>, vector<1x16xf32>,
      %get3A_1335 = vector.shape_cast %get3A_1334 : vector<1x16xf32> to vector<16xf32>
      %mul3A_1336 = arith.mulf %div3A_1331, %get3A_1335 : vector<16xf32>
      %mul3A_1337 = arith.mulf %mul3A_1336, %get3A_1225 : vector<16xf32>
      %swap3A_1338 = arith.index_cast %scan3A_1220 : i32 to index
      %swap3A_1339 = arith.constant 48 : index
      %swap3A_1340 = tpu.vector_load %arg24[%swap3A_1338, %swap3A_1339] {strides = array<i32>} : memref<32x128xf32, #tpu.memory_space<vmem>>, vector<1x16xf32>,
      %swap3A_1341 = vector.shape_cast %swap3A_1340 : vector<1x16xf32> to vector<16xf32>
      %swap3A_1342 = vector.shape_cast %mul3A_1337 : vector<16xf32> to vector<1x16xf32>
      tpu.vector_store %arg24[%swap3A_1338, %swap3A_1339], %swap3A_1342 {strides = array<i32>} : memref<32x128xf32, #tpu.memory_space<vmem>>, vector<1x16xf32>,
      %get3A_1343 = arith.index_cast %scan3A_1220 : i32 to index
      %get3A_1344 = arith.constant 64 : index
      %get3A_1345 = tpu.vector_load %arg18[%get3A_1343, %get3A_1344] {strides = array<i32>} : memref<32x128xf32, #tpu.memory_space<vmem>>, vector<1x16xf32>,
      %get3A_1346 = vector.shape_cast %get3A_1345 : vector<1x16xf32> to vector<16xf32>
      %get3A_1347 = arith.index_cast %scan3A_1220 : i32 to index
      %get3A_1348 = arith.constant 64 : index
      %get3A_1349 = tpu.vector_load %arg20[%get3A_1347, %get3A_1348] {strides = array<i32>} : memref<32x128xf32, #tpu.memory_space<vmem>>, vector<1x16xf32>,
      %get3A_1350 = vector.shape_cast %get3A_1349 : vector<1x16xf32> to vector<16xf32>
      %add3A_1351 = arith.addf %get3A_1346, %get3A_1350 : vector<16xf32>
      %neg3A_1352 = arith.constant 0.000000e+00 : f32
      %neg3A_1353 = vector.broadcast %neg3A_1352 : f32 to vector<16xf32>
      %neg3A_1354 = arith.subf %neg3A_1353, %add3A_1351 : vector<16xf32>
      %exp3A_1355 = math.exp %neg3A_1354 : vector<16xf32>
      %add3A_1356 = arith.constant 1.000000e+00 : f32
      %add3A_1357 = vector.broadcast %add3A_1356 : f32 to vector<16xf32>
      %add3A_1358 = arith.addf %add3A_1357, %exp3A_1355 : vector<16xf32>
      %div3A_1359 = arith.constant 1.000000e+00 : f32
      %div3A_1360 = vector.broadcast %div3A_1359 : f32 to vector<16xf32>
      %div3A_1361 = arith.divf %div3A_1360, %add3A_1358 : vector<16xf32>
      %get3A_1362 = arith.index_cast %scan3A_1220 : i32 to index
      %get3A_1363 = arith.constant 64 : index
      %get3A_1364 = tpu.vector_load %arg22[%get3A_1362, %get3A_1363] {strides = array<i32>} : memref<32x128xf32, #tpu.memory_space<vmem>>, vector<1x16xf32>,
      %get3A_1365 = vector.shape_cast %get3A_1364 : vector<1x16xf32> to vector<16xf32>
      %mul3A_1366 = arith.mulf %div3A_1361, %get3A_1365 : vector<16xf32>
      %mul3A_1367 = arith.mulf %mul3A_1366, %get3A_1225 : vector<16xf32>
      %swap3A_1368 = arith.index_cast %scan3A_1220 : i32 to index
      %swap3A_1369 = arith.constant 64 : index
      %swap3A_1370 = tpu.vector_load %arg24[%swap3A_1368, %swap3A_1369] {strides = array<i32>} : memref<32x128xf32, #tpu.memory_space<vmem>>, vector<1x16xf32>,
      %swap3A_1371 = vector.shape_cast %swap3A_1370 : vector<1x16xf32> to vector<16xf32>
      %swap3A_1372 = vector.shape_cast %mul3A_1367 : vector<16xf32> to vector<1x16xf32>
      tpu.vector_store %arg24[%swap3A_1368, %swap3A_1369], %swap3A_1372 {strides = array<i32>} : memref<32x128xf32, #tpu.memory_space<vmem>>, vector<1x16xf32>,
      %get3A_1373 = arith.index_cast %scan3A_1220 : i32 to index
      %get3A_1374 = arith.constant 80 : index
      %get3A_1375 = tpu.vector_load %arg18[%get3A_1373, %get3A_1374] {strides = array<i32>} : memref<32x128xf32, #tpu.memory_space<vmem>>, vector<1x16xf32>,
      %get3A_1376 = vector.shape_cast %get3A_1375 : vector<1x16xf32> to vector<16xf32>
      %get3A_1377 = arith.index_cast %scan3A_1220 : i32 to index
      %get3A_1378 = arith.constant 80 : index
      %get3A_1379 = tpu.vector_load %arg20[%get3A_1377, %get3A_1378] {strides = array<i32>} : memref<32x128xf32, #tpu.memory_space<vmem>>, vector<1x16xf32>,
      %get3A_1380 = vector.shape_cast %get3A_1379 : vector<1x16xf32> to vector<16xf32>
      %add3A_1381 = arith.addf %get3A_1376, %get3A_1380 : vector<16xf32>
      %neg3A_1382 = arith.constant 0.000000e+00 : f32
      %neg3A_1383 = vector.broadcast %neg3A_1382 : f32 to vector<16xf32>
      %neg3A_1384 = arith.subf %neg3A_1383, %add3A_1381 : vector<16xf32>
      %exp3A_1385 = math.exp %neg3A_1384 : vector<16xf32>
      %add3A_1386 = arith.constant 1.000000e+00 : f32
      %add3A_1387 = vector.broadcast %add3A_1386 : f32 to vector<16xf32>
      %add3A_1388 = arith.addf %add3A_1387, %exp3A_1385 : vector<16xf32>
      %div3A_1389 = arith.constant 1.000000e+00 : f32
      %div3A_1390 = vector.broadcast %div3A_1389 : f32 to vector<16xf32>
      %div3A_1391 = arith.divf %div3A_1390, %add3A_1388 : vector<16xf32>
      %get3A_1392 = arith.index_cast %scan3A_1220 : i32 to index
      %get3A_1393 = arith.constant 80 : index
      %get3A_1394 = tpu.vector_load %arg22[%get3A_1392, %get3A_1393] {strides = array<i32>} : memref<32x128xf32, #tpu.memory_space<vmem>>, vector<1x16xf32>,
      %get3A_1395 = vector.shape_cast %get3A_1394 : vector<1x16xf32> to vector<16xf32>
      %mul3A_1396 = arith.mulf %div3A_1391, %get3A_1395 : vector<16xf32>
      %mul3A_1397 = arith.mulf %mul3A_1396, %get3A_1225 : vector<16xf32>
      %swap3A_1398 = arith.index_cast %scan3A_1220 : i32 to index
      %swap3A_1399 = arith.constant 80 : index
      %swap3A_1400 = tpu.vector_load %arg24[%swap3A_1398, %swap3A_1399] {strides = array<i32>} : memref<32x128xf32, #tpu.memory_space<vmem>>, vector<1x16xf32>,
      %swap3A_1401 = vector.shape_cast %swap3A_1400 : vector<1x16xf32> to vector<16xf32>
      %swap3A_1402 = vector.shape_cast %mul3A_1397 : vector<16xf32> to vector<1x16xf32>
      tpu.vector_store %arg24[%swap3A_1398, %swap3A_1399], %swap3A_1402 {strides = array<i32>} : memref<32x128xf32, #tpu.memory_space<vmem>>, vector<1x16xf32>,
      %get3A_1403 = arith.index_cast %scan3A_1220 : i32 to index
      %get3A_1404 = arith.constant 96 : index
      %get3A_1405 = tpu.vector_load %arg18[%get3A_1403, %get3A_1404] {strides = array<i32>} : memref<32x128xf32, #tpu.memory_space<vmem>>, vector<1x16xf32>,
      %get3A_1406 = vector.shape_cast %get3A_1405 : vector<1x16xf32> to vector<16xf32>
      %get3A_1407 = arith.index_cast %scan3A_1220 : i32 to index
      %get3A_1408 = arith.constant 96 : index
      %get3A_1409 = tpu.vector_load %arg20[%get3A_1407, %get3A_1408] {strides = array<i32>} : memref<32x128xf32, #tpu.memory_space<vmem>>, vector<1x16xf32>,
      %get3A_1410 = vector.shape_cast %get3A_1409 : vector<1x16xf32> to vector<16xf32>
      %add3A_1411 = arith.addf %get3A_1406, %get3A_1410 : vector<16xf32>
      %neg3A_1412 = arith.constant 0.000000e+00 : f32
      %neg3A_1413 = vector.broadcast %neg3A_1412 : f32 to vector<16xf32>
      %neg3A_1414 = arith.subf %neg3A_1413, %add3A_1411 : vector<16xf32>
      %exp3A_1415 = math.exp %neg3A_1414 : vector<16xf32>
      %add3A_1416 = arith.constant 1.000000e+00 : f32
      %add3A_1417 = vector.broadcast %add3A_1416 : f32 to vector<16xf32>
      %add3A_1418 = arith.addf %add3A_1417, %exp3A_1415 : vector<16xf32>
      %div3A_1419 = arith.constant 1.000000e+00 : f32
      %div3A_1420 = vector.broadcast %div3A_1419 : f32 to vector<16xf32>
      %div3A_1421 = arith.divf %div3A_1420, %add3A_1418 : vector<16xf32>
      %get3A_1422 = arith.index_cast %scan3A_1220 : i32 to index
      %get3A_1423 = arith.constant 96 : index
      %get3A_1424 = tpu.vector_load %arg22[%get3A_1422, %get3A_1423] {strides = array<i32>} : memref<32x128xf32, #tpu.memory_space<vmem>>, vector<1x16xf32>,
      %get3A_1425 = vector.shape_cast %get3A_1424 : vector<1x16xf32> to vector<16xf32>
      %mul3A_1426 = arith.mulf %div3A_1421, %get3A_1425 : vector<16xf32>
      %mul3A_1427 = arith.mulf %mul3A_1426, %get3A_1225 : vector<16xf32>
      %swap3A_1428 = arith.index_cast %scan3A_1220 : i32 to index
      %swap3A_1429 = arith.constant 96 : index
      %swap3A_1430 = tpu.vector_load %arg24[%swap3A_1428, %swap3A_1429] {strides = array<i32>} : memref<32x128xf32, #tpu.memory_space<vmem>>, vector<1x16xf32>,
      %swap3A_1431 = vector.shape_cast %swap3A_1430 : vector<1x16xf32> to vector<16xf32>
      %swap3A_1432 = vector.shape_cast %mul3A_1427 : vector<16xf32> to vector<1x16xf32>
      tpu.vector_store %arg24[%swap3A_1428, %swap3A_1429], %swap3A_1432 {strides = array<i32>} : memref<32x128xf32, #tpu.memory_space<vmem>>, vector<1x16xf32>,
      %get3A_1433 = arith.index_cast %scan3A_1220 : i32 to index
      %get3A_1434 = arith.constant 112 : index
      %get3A_1435 = tpu.vector_load %arg18[%get3A_1433, %get3A_1434] {strides = array<i32>} : memref<32x128xf32, #tpu.memory_space<vmem>>, vector<1x16xf32>,
      %get3A_1436 = vector.shape_cast %get3A_1435 : vector<1x16xf32> to vector<16xf32>
      %get3A_1437 = arith.index_cast %scan3A_1220 : i32 to index
      %get3A_1438 = arith.constant 112 : index
      %get3A_1439 = tpu.vector_load %arg20[%get3A_1437, %get3A_1438] {strides = array<i32>} : memref<32x128xf32, #tpu.memory_space<vmem>>, vector<1x16xf32>,
      %get3A_1440 = vector.shape_cast %get3A_1439 : vector<1x16xf32> to vector<16xf32>
      %add3A_1441 = arith.addf %get3A_1436, %get3A_1440 : vector<16xf32>
      %neg3A_1442 = arith.constant 0.000000e+00 : f32
      %neg3A_1443 = vector.broadcast %neg3A_1442 : f32 to vector<16xf32>
      %neg3A_1444 = arith.subf %neg3A_1443, %add3A_1441 : vector<16xf32>
      %exp3A_1445 = math.exp %neg3A_1444 : vector<16xf32>
      %add3A_1446 = arith.constant 1.000000e+00 : f32
      %add3A_1447 = vector.broadcast %add3A_1446 : f32 to vector<16xf32>
      %add3A_1448 = arith.addf %add3A_1447, %exp3A_1445 : vector<16xf32>
      %div3A_1449 = arith.constant 1.000000e+00 : f32
      %div3A_1450 = vector.broadcast %div3A_1449 : f32 to vector<16xf32>
      %div3A_1451 = arith.divf %div3A_1450, %add3A_1448 : vector<16xf32>
      %get3A_1452 = arith.index_cast %scan3A_1220 : i32 to index
      %get3A_1453 = arith.constant 112 : index
      %get3A_1454 = tpu.vector_load %arg22[%get3A_1452, %get3A_1453] {strides = array<i32>} : memref<32x128xf32, #tpu.memory_space<vmem>>, vector<1x16xf32>,
      %get3A_1455 = vector.shape_cast %get3A_1454 : vector<1x16xf32> to vector<16xf32>
      %mul3A_1456 = arith.mulf %div3A_1451, %get3A_1455 : vector<16xf32>
      %mul3A_1457 = arith.mulf %mul3A_1456, %get3A_1225 : vector<16xf32>
      %swap3A_1458 = arith.index_cast %scan3A_1220 : i32 to index
      %swap3A_1459 = arith.constant 112 : index
      %swap3A_1460 = tpu.vector_load %arg24[%swap3A_1458, %swap3A_1459] {strides = array<i32>} : memref<32x128xf32, #tpu.memory_space<vmem>>, vector<1x16xf32>,
      %swap3A_1461 = vector.shape_cast %swap3A_1460 : vector<1x16xf32> to vector<16xf32>
      %swap3A_1462 = vector.shape_cast %mul3A_1457 : vector<16xf32> to vector<1x16xf32>
      tpu.vector_store %arg24[%swap3A_1458, %swap3A_1459], %swap3A_1462 {strides = array<i32>} : memref<32x128xf32, #tpu.memory_space<vmem>>, vector<1x16xf32>,
    }
    %scan3A_950 = arith.constant 32 : i32
    %dma_start3A_951 = arith.constant 0 : i32
    %dma_start3A_952 = arith.constant 0 : i32
    %dma_start3A_953 = tpu.memref_slice %arg33[%dma_start3A_951, %dma_start3A_952] : memref<10112x128xf32, #tpu.memory_space<vmem_shared>> -> memref<10112x128xf32, #tpu.memory_space<vmem_shared>>
    tpu.enqueue_indirect_dma source(%arg24 : memref<32x128xf32, #tpu.memory_space<vmem>>) target(%dma_start3A_953 : memref<10112x128xf32, #tpu.memory_space<vmem_shared>>) offsets(%arg14 : memref<32xi32, #tpu.memory_space<vmem>>) semaphore(%arg31 : memref<!tpu.dma_semaphore, #tpu.memory_space<semaphore_mem>>) {add = true}
    %dma_wait3A_954 = arith.constant 0 : i32
    %dma_wait3A_955 = arith.constant 0 : i32
    %dma_wait3A_956 = tpu.memref_slice %arg2[%dma_wait3A_954, %dma_wait3A_955] : memref<10112x128xf32, #tpu.memory_space<hbm>> -> memref<10112x128xf32, #tpu.memory_space<hbm>>
    tpu.wait_indirect_dma semaphore(%arg30 : memref<!tpu.dma_semaphore, #tpu.memory_space<semaphore_mem>>) src(%dma_wait3A_956 : memref<10112x128xf32, #tpu.memory_space<hbm>>) dst(%arg19 : memref<32x128xf32, #tpu.memory_space<vmem>>)
    %dma_wait3A_957 = arith.constant 0 : i32
    %dma_wait3A_958 = arith.constant 0 : i32
    %dma_wait3A_959 = tpu.memref_slice %arg3[%dma_wait3A_957, %dma_wait3A_958] : memref<10112x128xf32, #tpu.memory_space<hbm>> -> memref<10112x128xf32, #tpu.memory_space<hbm>>
    tpu.wait_indirect_dma semaphore(%arg30 : memref<!tpu.dma_semaphore, #tpu.memory_space<semaphore_mem>>) src(%dma_wait3A_959 : memref<10112x128xf32, #tpu.memory_space<hbm>>) dst(%arg21 : memref<32x128xf32, #tpu.memory_space<vmem>>)
    %dma_wait3A_960 = arith.constant 0 : i32
    %dma_wait3A_961 = arith.constant 0 : i32
    %dma_wait3A_962 = tpu.memref_slice %arg4[%dma_wait3A_960, %dma_wait3A_961] : memref<10112x128xf32, #tpu.memory_space<hbm>> -> memref<10112x128xf32, #tpu.memory_space<hbm>>
    tpu.wait_indirect_dma semaphore(%arg30 : memref<!tpu.dma_semaphore, #tpu.memory_space<semaphore_mem>>) src(%dma_wait3A_962 : memref<10112x128xf32, #tpu.memory_space<hbm>>) dst(%arg23 : memref<32x128xf32, #tpu.memory_space<vmem>>)
    %dma_wait3A_963 = arith.constant 0 : i32
    %dma_wait3A_964 = arith.constant 0 : i32
    %dma_wait3A_965 = tpu.memref_slice %arg33[%dma_wait3A_963, %dma_wait3A_964] : memref<10112x128xf32, #tpu.memory_space<vmem_shared>> -> memref<10112x128xf32, #tpu.memory_space<vmem_shared>>
    tpu.wait_indirect_dma semaphore(%arg32 : memref<!tpu.dma_semaphore, #tpu.memory_space<semaphore_mem>>) src(%arg25 : memref<32x128xf32, #tpu.memory_space<vmem>>) dst(%dma_wait3A_965 : memref<10112x128xf32, #tpu.memory_space<vmem_shared>>)
    %get3A_966 = arith.constant 0 : index
    %get3A_967 = tpu.vector_load %arg13[%get3A_966] {strides = array<i32>} : memref<32xi32, #tpu.memory_space<vmem>>, vector<16xi32>,
    %get3A_968 = vector.shape_cast %get3A_967 : vector<16xi32> to vector<16xi32>
    %swap3A_969 = arith.constant 0 : index
    %swap3A_970 = tpu.vector_load %arg15[%swap3A_969] {strides = array<i32>} : memref<32xi32, #tpu.memory_space<vmem>>, vector<16xi32>,
    %swap3A_971 = vector.shape_cast %swap3A_970 : vector<16xi32> to vector<16xi32>
    %swap3A_972 = vector.shape_cast %get3A_968 : vector<16xi32> to vector<16xi32>
    tpu.vector_store %arg15[%swap3A_969], %swap3A_972 {strides = array<i32>} : memref<32xi32, #tpu.memory_space<vmem>>, vector<16xi32>,
    %get3A_973 = arith.constant 16 : index
    %get3A_974 = tpu.vector_load %arg13[%get3A_973] {strides = array<i32>} : memref<32xi32, #tpu.memory_space<vmem>>, vector<16xi32>,
    %get3A_975 = vector.shape_cast %get3A_974 : vector<16xi32> to vector<16xi32>
    %swap3A_976 = arith.constant 16 : index
    %swap3A_977 = tpu.vector_load %arg15[%swap3A_976] {strides = array<i32>} : memref<32xi32, #tpu.memory_space<vmem>>, vector<16xi32>,
    %swap3A_978 = vector.shape_cast %swap3A_977 : vector<16xi32> to vector<16xi32>
    %swap3A_979 = vector.shape_cast %get3A_975 : vector<16xi32> to vector<16xi32>
    tpu.vector_store %arg15[%swap3A_976], %swap3A_979 {strides = array<i32>} : memref<32xi32, #tpu.memory_space<vmem>>, vector<16xi32>,
    %get3A_980 = arith.constant 0 : index
    %get3A_981 = tpu.vector_load %arg17[%get3A_980] {strides = array<i32>} : memref<512xf32, #tpu.memory_space<vmem>>, vector<16xf32>,
    %get3A_982 = vector.shape_cast %get3A_981 : vector<16xf32> to vector<16xf32>
    %swap3A_983 = arith.constant 0 : index
    %swap3A_984 = tpu.vector_load %arg26[%swap3A_983] {strides = array<i32>} : memref<512xf32, #tpu.memory_space<vmem>>, vector<16xf32>,
    %swap3A_985 = vector.shape_cast %swap3A_984 : vector<16xf32> to vector<16xf32>
    %swap3A_986 = vector.shape_cast %get3A_982 : vector<16xf32> to vector<16xf32>
    tpu.vector_store %arg26[%swap3A_983], %swap3A_986 {strides = array<i32>} : memref<512xf32, #tpu.memory_space<vmem>>, vector<16xf32>,
    %get3A_987 = arith.constant 16 : index
    %get3A_988 = tpu.vector_load %arg17[%get3A_987] {strides = array<i32>} : memref<512xf32, #tpu.memory_space<vmem>>, vector<16xf32>,
    %get3A_989 = vector.shape_cast %get3A_988 : vector<16xf32> to vector<16xf32>
    %swap3A_990 = arith.constant 16 : index
    %swap3A_991 = tpu.vector_load %arg26[%swap3A_990] {strides = array<i32>} : memref<512xf32, #tpu.memory_space<vmem>>, vector<16xf32>,
    %swap3A_992 = vector.shape_cast %swap3A_991 : vector<16xf32> to vector<16xf32>
    %swap3A_993 = vector.shape_cast %get3A_989 : vector<16xf32> to vector<16xf32>
    tpu.vector_store %arg26[%swap3A_990], %swap3A_993 {strides = array<i32>} : memref<512xf32, #tpu.memory_space<vmem>>, vector<16xf32>,
    %get3A_994 = arith.constant 32 : index
    %get3A_995 = tpu.vector_load %arg17[%get3A_994] {strides = array<i32>} : memref<512xf32, #tpu.memory_space<vmem>>, vector<16xf32>,
    %get3A_996 = vector.shape_cast %get3A_995 : vector<16xf32> to vector<16xf32>
    %swap3A_997 = arith.constant 32 : index
    %swap3A_998 = tpu.vector_load %arg26[%swap3A_997] {strides = array<i32>} : memref<512xf32, #tpu.memory_space<vmem>>, vector<16xf32>,
    %swap3A_999 = vector.shape_cast %swap3A_998 : vector<16xf32> to vector<16xf32>
    %swap3A_1000 = vector.shape_cast %get3A_996 : vector<16xf32> to vector<16xf32>
    tpu.vector_store %arg26[%swap3A_997], %swap3A_1000 {strides = array<i32>} : memref<512xf32, #tpu.memory_space<vmem>>, vector<16xf32>,
    %get3A_1001 = arith.constant 48 : index
    %get3A_1002 = tpu.vector_load %arg17[%get3A_1001] {strides = array<i32>} : memref<512xf32, #tpu.memory_space<vmem>>, vector<16xf32>,
    %get3A_1003 = vector.shape_cast %get3A_1002 : vector<16xf32> to vector<16xf32>
    %swap3A_1004 = arith.constant 48 : index
    %swap3A_1005 = tpu.vector_load %arg26[%swap3A_1004] {strides = array<i32>} : memref<512xf32, #tpu.memory_space<vmem>>, vector<16xf32>,
    %swap3A_1006 = vector.shape_cast %swap3A_1005 : vector<16xf32> to vector<16xf32>
    %swap3A_1007 = vector.shape_cast %get3A_1003 : vector<16xf32> to vector<16xf32>
    tpu.vector_store %arg26[%swap3A_1004], %swap3A_1007 {strides = array<i32>} : memref<512xf32, #tpu.memory_space<vmem>>, vector<16xf32>,
    %get3A_1008 = arith.constant 64 : index
    %get3A_1009 = tpu.vector_load %arg17[%get3A_1008] {strides = array<i32>} : memref<512xf32, #tpu.memory_space<vmem>>, vector<16xf32>,
    %get3A_1010 = vector.shape_cast %get3A_1009 : vector<16xf32> to vector<16xf32>
    %swap3A_1011 = arith.constant 64 : index
    %swap3A_1012 = tpu.vector_load %arg26[%swap3A_1011] {strides = array<i32>} : memref<512xf32, #tpu.memory_space<vmem>>, vector<16xf32>,
    %swap3A_1013 = vector.shape_cast %swap3A_1012 : vector<16xf32> to vector<16xf32>
    %swap3A_1014 = vector.shape_cast %get3A_1010 : vector<16xf32> to vector<16xf32>
    tpu.vector_store %arg26[%swap3A_1011], %swap3A_1014 {strides = array<i32>} : memref<512xf32, #tpu.memory_space<vmem>>, vector<16xf32>,
    %get3A_1015 = arith.constant 80 : index
    %get3A_1016 = tpu.vector_load %arg17[%get3A_1015] {strides = array<i32>} : memref<512xf32, #tpu.memory_space<vmem>>, vector<16xf32>,
    %get3A_1017 = vector.shape_cast %get3A_1016 : vector<16xf32> to vector<16xf32>
    %swap3A_1018 = arith.constant 80 : index
    %swap3A_1019 = tpu.vector_load %arg26[%swap3A_1018] {strides = array<i32>} : memref<512xf32, #tpu.memory_space<vmem>>, vector<16xf32>,
    %swap3A_1020 = vector.shape_cast %swap3A_1019 : vector<16xf32> to vector<16xf32>
    %swap3A_1021 = vector.shape_cast %get3A_1017 : vector<16xf32> to vector<16xf32>
    tpu.vector_store %arg26[%swap3A_1018], %swap3A_1021 {strides = array<i32>} : memref<512xf32, #tpu.memory_space<vmem>>, vector<16xf32>,
    %get3A_1022 = arith.constant 96 : index
    %get3A_1023 = tpu.vector_load %arg17[%get3A_1022] {strides = array<i32>} : memref<512xf32, #tpu.memory_space<vmem>>, vector<16xf32>,
    %get3A_1024 = vector.shape_cast %get3A_1023 : vector<16xf32> to vector<16xf32>
    %swap3A_1025 = arith.constant 96 : index
    %swap3A_1026 = tpu.vector_load %arg26[%swap3A_1025] {strides = array<i32>} : memref<512xf32, #tpu.memory_space<vmem>>, vector<16xf32>,
    %swap3A_1027 = vector.shape_cast %swap3A_1026 : vector<16xf32> to vector<16xf32>
    %swap3A_1028 = vector.shape_cast %get3A_1024 : vector<16xf32> to vector<16xf32>
    tpu.vector_store %arg26[%swap3A_1025], %swap3A_1028 {strides = array<i32>} : memref<512xf32, #tpu.memory_space<vmem>>, vector<16xf32>,
    %get3A_1029 = arith.constant 112 : index
    %get3A_1030 = tpu.vector_load %arg17[%get3A_1029] {strides = array<i32>} : memref<512xf32, #tpu.memory_space<vmem>>, vector<16xf32>,
    %get3A_1031 = vector.shape_cast %get3A_1030 : vector<16xf32> to vector<16xf32>
    %swap3A_1032 = arith.constant 112 : index
    %swap3A_1033 = tpu.vector_load %arg26[%swap3A_1032] {strides = array<i32>} : memref<512xf32, #tpu.memory_space<vmem>>, vector<16xf32>,
    %swap3A_1034 = vector.shape_cast %swap3A_1033 : vector<16xf32> to vector<16xf32>
    %swap3A_1035 = vector.shape_cast %get3A_1031 : vector<16xf32> to vector<16xf32>
    tpu.vector_store %arg26[%swap3A_1032], %swap3A_1035 {strides = array<i32>} : memref<512xf32, #tpu.memory_space<vmem>>, vector<16xf32>,
    %get3A_1036 = arith.constant 128 : index
    %get3A_1037 = tpu.vector_load %arg17[%get3A_1036] {strides = array<i32>} : memref<512xf32, #tpu.memory_space<vmem>>, vector<16xf32>,
    %get3A_1038 = vector.shape_cast %get3A_1037 : vector<16xf32> to vector<16xf32>
    %swap3A_1039 = arith.constant 128 : index
    %swap3A_1040 = tpu.vector_load %arg26[%swap3A_1039] {strides = array<i32>} : memref<512xf32, #tpu.memory_space<vmem>>, vector<16xf32>,
    %swap3A_1041 = vector.shape_cast %swap3A_1040 : vector<16xf32> to vector<16xf32>
    %swap3A_1042 = vector.shape_cast %get3A_1038 : vector<16xf32> to vector<16xf32>
    tpu.vector_store %arg26[%swap3A_1039], %swap3A_1042 {strides = array<i32>} : memref<512xf32, #tpu.memory_space<vmem>>, vector<16xf32>,
    %get3A_1043 = arith.constant 144 : index
    %get3A_1044 = tpu.vector_load %arg17[%get3A_1043] {strides = array<i32>} : memref<512xf32, #tpu.memory_space<vmem>>, vector<16xf32>,
    %get3A_1045 = vector.shape_cast %get3A_1044 : vector<16xf32> to vector<16xf32>
    %swap3A_1046 = arith.constant 144 : index
    %swap3A_1047 = tpu.vector_load %arg26[%swap3A_1046] {strides = array<i32>} : memref<512xf32, #tpu.memory_space<vmem>>, vector<16xf32>,
    %swap3A_1048 = vector.shape_cast %swap3A_1047 : vector<16xf32> to vector<16xf32>
    %swap3A_1049 = vector.shape_cast %get3A_1045 : vector<16xf32> to vector<16xf32>
    tpu.vector_store %arg26[%swap3A_1046], %swap3A_1049 {strides = array<i32>} : memref<512xf32, #tpu.memory_space<vmem>>, vector<16xf32>,
    %get3A_1050 = arith.constant 160 : index
    %get3A_1051 = tpu.vector_load %arg17[%get3A_1050] {strides = array<i32>} : memref<512xf32, #tpu.memory_space<vmem>>, vector<16xf32>,
    %get3A_1052 = vector.shape_cast %get3A_1051 : vector<16xf32> to vector<16xf32>
    %swap3A_1053 = arith.constant 160 : index
    %swap3A_1054 = tpu.vector_load %arg26[%swap3A_1053] {strides = array<i32>} : memref<512xf32, #tpu.memory_space<vmem>>, vector<16xf32>,
    %swap3A_1055 = vector.shape_cast %swap3A_1054 : vector<16xf32> to vector<16xf32>
    %swap3A_1056 = vector.shape_cast %get3A_1052 : vector<16xf32> to vector<16xf32>
    tpu.vector_store %arg26[%swap3A_1053], %swap3A_1056 {strides = array<i32>} : memref<512xf32, #tpu.memory_space<vmem>>, vector<16xf32>,
    %get3A_1057 = arith.constant 176 : index
    %get3A_1058 = tpu.vector_load %arg17[%get3A_1057] {strides = array<i32>} : memref<512xf32, #tpu.memory_space<vmem>>, vector<16xf32>,
    %get3A_1059 = vector.shape_cast %get3A_1058 : vector<16xf32> to vector<16xf32>
    %swap3A_1060 = arith.constant 176 : index
    %swap3A_1061 = tpu.vector_load %arg26[%swap3A_1060] {strides = array<i32>} : memref<512xf32, #tpu.memory_space<vmem>>, vector<16xf32>,
    %swap3A_1062 = vector.shape_cast %swap3A_1061 : vector<16xf32> to vector<16xf32>
    %swap3A_1063 = vector.shape_cast %get3A_1059 : vector<16xf32> to vector<16xf32>
    tpu.vector_store %arg26[%swap3A_1060], %swap3A_1063 {strides = array<i32>} : memref<512xf32, #tpu.memory_space<vmem>>, vector<16xf32>,
    %get3A_1064 = arith.constant 192 : index
    %get3A_1065 = tpu.vector_load %arg17[%get3A_1064] {strides = array<i32>} : memref<512xf32, #tpu.memory_space<vmem>>, vector<16xf32>,
    %get3A_1066 = vector.shape_cast %get3A_1065 : vector<16xf32> to vector<16xf32>
    %swap3A_1067 = arith.constant 192 : index
    %swap3A_1068 = tpu.vector_load %arg26[%swap3A_1067] {strides = array<i32>} : memref<512xf32, #tpu.memory_space<vmem>>, vector<16xf32>,
    %swap3A_1069 = vector.shape_cast %swap3A_1068 : vector<16xf32> to vector<16xf32>
    %swap3A_1070 = vector.shape_cast %get3A_1066 : vector<16xf32> to vector<16xf32>
    tpu.vector_store %arg26[%swap3A_1067], %swap3A_1070 {strides = array<i32>} : memref<512xf32, #tpu.memory_space<vmem>>, vector<16xf32>,
    %get3A_1071 = arith.constant 208 : index
    %get3A_1072 = tpu.vector_load %arg17[%get3A_1071] {strides = array<i32>} : memref<512xf32, #tpu.memory_space<vmem>>, vector<16xf32>,
    %get3A_1073 = vector.shape_cast %get3A_1072 : vector<16xf32> to vector<16xf32>
    %swap3A_1074 = arith.constant 208 : index
    %swap3A_1075 = tpu.vector_load %arg26[%swap3A_1074] {strides = array<i32>} : memref<512xf32, #tpu.memory_space<vmem>>, vector<16xf32>,
    %swap3A_1076 = vector.shape_cast %swap3A_1075 : vector<16xf32> to vector<16xf32>
    %swap3A_1077 = vector.shape_cast %get3A_1073 : vector<16xf32> to vector<16xf32>
    tpu.vector_store %arg26[%swap3A_1074], %swap3A_1077 {strides = array<i32>} : memref<512xf32, #tpu.memory_space<vmem>>, vector<16xf32>,
    %get3A_1078 = arith.constant 224 : index
    %get3A_1079 = tpu.vector_load %arg17[%get3A_1078] {strides = array<i32>} : memref<512xf32, #tpu.memory_space<vmem>>, vector<16xf32>,
    %get3A_1080 = vector.shape_cast %get3A_1079 : vector<16xf32> to vector<16xf32>
    %swap3A_1081 = arith.constant 224 : index
    %swap3A_1082 = tpu.vector_load %arg26[%swap3A_1081] {strides = array<i32>} : memref<512xf32, #tpu.memory_space<vmem>>, vector<16xf32>,
    %swap3A_1083 = vector.shape_cast %swap3A_1082 : vector<16xf32> to vector<16xf32>
    %swap3A_1084 = vector.shape_cast %get3A_1080 : vector<16xf32> to vector<16xf32>
    tpu.vector_store %arg26[%swap3A_1081], %swap3A_1084 {strides = array<i32>} : memref<512xf32, #tpu.memory_space<vmem>>, vector<16xf32>,
    %get3A_1085 = arith.constant 240 : index
    %get3A_1086 = tpu.vector_load %arg17[%get3A_1085] {strides = array<i32>} : memref<512xf32, #tpu.memory_space<vmem>>, vector<16xf32>,
    %get3A_1087 = vector.shape_cast %get3A_1086 : vector<16xf32> to vector<16xf32>
    %swap3A_1088 = arith.constant 240 : index
    %swap3A_1089 = tpu.vector_load %arg26[%swap3A_1088] {strides = array<i32>} : memref<512xf32, #tpu.memory_space<vmem>>, vector<16xf32>,
    %swap3A_1090 = vector.shape_cast %swap3A_1089 : vector<16xf32> to vector<16xf32>
    %swap3A_1091 = vector.shape_cast %get3A_1087 : vector<16xf32> to vector<16xf32>
    tpu.vector_store %arg26[%swap3A_1088], %swap3A_1091 {strides = array<i32>} : memref<512xf32, #tpu.memory_space<vmem>>, vector<16xf32>,
    %get3A_1092 = arith.constant 256 : index
    %get3A_1093 = tpu.vector_load %arg17[%get3A_1092] {strides = array<i32>} : memref<512xf32, #tpu.memory_space<vmem>>, vector<16xf32>,
    %get3A_1094 = vector.shape_cast %get3A_1093 : vector<16xf32> to vector<16xf32>
    %swap3A_1095 = arith.constant 256 : index
    %swap3A_1096 = tpu.vector_load %arg26[%swap3A_1095] {strides = array<i32>} : memref<512xf32, #tpu.memory_space<vmem>>, vector<16xf32>,
    %swap3A_1097 = vector.shape_cast %swap3A_1096 : vector<16xf32> to vector<16xf32>
    %swap3A_1098 = vector.shape_cast %get3A_1094 : vector<16xf32> to vector<16xf32>
    tpu.vector_store %arg26[%swap3A_1095], %swap3A_1098 {strides = array<i32>} : memref<512xf32, #tpu.memory_space<vmem>>, vector<16xf32>,
    %get3A_1099 = arith.constant 272 : index
    %get3A_1100 = tpu.vector_load %arg17[%get3A_1099] {strides = array<i32>} : memref<512xf32, #tpu.memory_space<vmem>>, vector<16xf32>,
    %get3A_1101 = vector.shape_cast %get3A_1100 : vector<16xf32> to vector<16xf32>
    %swap3A_1102 = arith.constant 272 : index
    %swap3A_1103 = tpu.vector_load %arg26[%swap3A_1102] {strides = array<i32>} : memref<512xf32, #tpu.memory_space<vmem>>, vector<16xf32>,
    %swap3A_1104 = vector.shape_cast %swap3A_1103 : vector<16xf32> to vector<16xf32>
    %swap3A_1105 = vector.shape_cast %get3A_1101 : vector<16xf32> to vector<16xf32>
    tpu.vector_store %arg26[%swap3A_1102], %swap3A_1105 {strides = array<i32>} : memref<512xf32, #tpu.memory_space<vmem>>, vector<16xf32>,
    %get3A_1106 = arith.constant 288 : index
    %get3A_1107 = tpu.vector_load %arg17[%get3A_1106] {strides = array<i32>} : memref<512xf32, #tpu.memory_space<vmem>>, vector<16xf32>,
    %get3A_1108 = vector.shape_cast %get3A_1107 : vector<16xf32> to vector<16xf32>
    %swap3A_1109 = arith.constant 288 : index
    %swap3A_1110 = tpu.vector_load %arg26[%swap3A_1109] {strides = array<i32>} : memref<512xf32, #tpu.memory_space<vmem>>, vector<16xf32>,
    %swap3A_1111 = vector.shape_cast %swap3A_1110 : vector<16xf32> to vector<16xf32>
    %swap3A_1112 = vector.shape_cast %get3A_1108 : vector<16xf32> to vector<16xf32>
    tpu.vector_store %arg26[%swap3A_1109], %swap3A_1112 {strides = array<i32>} : memref<512xf32, #tpu.memory_space<vmem>>, vector<16xf32>,
    %get3A_1113 = arith.constant 304 : index
    %get3A_1114 = tpu.vector_load %arg17[%get3A_1113] {strides = array<i32>} : memref<512xf32, #tpu.memory_space<vmem>>, vector<16xf32>,
    %get3A_1115 = vector.shape_cast %get3A_1114 : vector<16xf32> to vector<16xf32>
    %swap3A_1116 = arith.constant 304 : index
    %swap3A_1117 = tpu.vector_load %arg26[%swap3A_1116] {strides = array<i32>} : memref<512xf32, #tpu.memory_space<vmem>>, vector<16xf32>,
    %swap3A_1118 = vector.shape_cast %swap3A_1117 : vector<16xf32> to vector<16xf32>
    %swap3A_1119 = vector.shape_cast %get3A_1115 : vector<16xf32> to vector<16xf32>
    tpu.vector_store %arg26[%swap3A_1116], %swap3A_1119 {strides = array<i32>} : memref<512xf32, #tpu.memory_space<vmem>>, vector<16xf32>,
    %get3A_1120 = arith.constant 320 : index
    %get3A_1121 = tpu.vector_load %arg17[%get3A_1120] {strides = array<i32>} : memref<512xf32, #tpu.memory_space<vmem>>, vector<16xf32>,
    %get3A_1122 = vector.shape_cast %get3A_1121 : vector<16xf32> to vector<16xf32>
    %swap3A_1123 = arith.constant 320 : index
    %swap3A_1124 = tpu.vector_load %arg26[%swap3A_1123] {strides = array<i32>} : memref<512xf32, #tpu.memory_space<vmem>>, vector<16xf32>,
    %swap3A_1125 = vector.shape_cast %swap3A_1124 : vector<16xf32> to vector<16xf32>
    %swap3A_1126 = vector.shape_cast %get3A_1122 : vector<16xf32> to vector<16xf32>
    tpu.vector_store %arg26[%swap3A_1123], %swap3A_1126 {strides = array<i32>} : memref<512xf32, #tpu.memory_space<vmem>>, vector<16xf32>,
    %get3A_1127 = arith.constant 336 : index
    %get3A_1128 = tpu.vector_load %arg17[%get3A_1127] {strides = array<i32>} : memref<512xf32, #tpu.memory_space<vmem>>, vector<16xf32>,
    %get3A_1129 = vector.shape_cast %get3A_1128 : vector<16xf32> to vector<16xf32>
    %swap3A_1130 = arith.constant 336 : index
    %swap3A_1131 = tpu.vector_load %arg26[%swap3A_1130] {strides = array<i32>} : memref<512xf32, #tpu.memory_space<vmem>>, vector<16xf32>,
    %swap3A_1132 = vector.shape_cast %swap3A_1131 : vector<16xf32> to vector<16xf32>
    %swap3A_1133 = vector.shape_cast %get3A_1129 : vector<16xf32> to vector<16xf32>
    tpu.vector_store %arg26[%swap3A_1130], %swap3A_1133 {strides = array<i32>} : memref<512xf32, #tpu.memory_space<vmem>>, vector<16xf32>,
    %get3A_1134 = arith.constant 352 : index
    %get3A_1135 = tpu.vector_load %arg17[%get3A_1134] {strides = array<i32>} : memref<512xf32, #tpu.memory_space<vmem>>, vector<16xf32>,
    %get3A_1136 = vector.shape_cast %get3A_1135 : vector<16xf32> to vector<16xf32>
    %swap3A_1137 = arith.constant 352 : index
    %swap3A_1138 = tpu.vector_load %arg26[%swap3A_1137] {strides = array<i32>} : memref<512xf32, #tpu.memory_space<vmem>>, vector<16xf32>,
    %swap3A_1139 = vector.shape_cast %swap3A_1138 : vector<16xf32> to vector<16xf32>
    %swap3A_1140 = vector.shape_cast %get3A_1136 : vector<16xf32> to vector<16xf32>
    tpu.vector_store %arg26[%swap3A_1137], %swap3A_1140 {strides = array<i32>} : memref<512xf32, #tpu.memory_space<vmem>>, vector<16xf32>,
    %get3A_1141 = arith.constant 368 : index
    %get3A_1142 = tpu.vector_load %arg17[%get3A_1141] {strides = array<i32>} : memref<512xf32, #tpu.memory_space<vmem>>, vector<16xf32>,
    %get3A_1143 = vector.shape_cast %get3A_1142 : vector<16xf32> to vector<16xf32>
    %swap3A_1144 = arith.constant 368 : index
    %swap3A_1145 = tpu.vector_load %arg26[%swap3A_1144] {strides = array<i32>} : memref<512xf32, #tpu.memory_space<vmem>>, vector<16xf32>,
    %swap3A_1146 = vector.shape_cast %swap3A_1145 : vector<16xf32> to vector<16xf32>
    %swap3A_1147 = vector.shape_cast %get3A_1143 : vector<16xf32> to vector<16xf32>
    tpu.vector_store %arg26[%swap3A_1144], %swap3A_1147 {strides = array<i32>} : memref<512xf32, #tpu.memory_space<vmem>>, vector<16xf32>,
    %get3A_1148 = arith.constant 384 : index
    %get3A_1149 = tpu.vector_load %arg17[%get3A_1148] {strides = array<i32>} : memref<512xf32, #tpu.memory_space<vmem>>, vector<16xf32>,
    %get3A_1150 = vector.shape_cast %get3A_1149 : vector<16xf32> to vector<16xf32>
    %swap3A_1151 = arith.constant 384 : index
    %swap3A_1152 = tpu.vector_load %arg26[%swap3A_1151] {strides = array<i32>} : memref<512xf32, #tpu.memory_space<vmem>>, vector<16xf32>,
    %swap3A_1153 = vector.shape_cast %swap3A_1152 : vector<16xf32> to vector<16xf32>
    %swap3A_1154 = vector.shape_cast %get3A_1150 : vector<16xf32> to vector<16xf32>
    tpu.vector_store %arg26[%swap3A_1151], %swap3A_1154 {strides = array<i32>} : memref<512xf32, #tpu.memory_space<vmem>>, vector<16xf32>,
    %get3A_1155 = arith.constant 400 : index
    %get3A_1156 = tpu.vector_load %arg17[%get3A_1155] {strides = array<i32>} : memref<512xf32, #tpu.memory_space<vmem>>, vector<16xf32>,
    %get3A_1157 = vector.shape_cast %get3A_1156 : vector<16xf32> to vector<16xf32>
    %swap3A_1158 = arith.constant 400 : index
    %swap3A_1159 = tpu.vector_load %arg26[%swap3A_1158] {strides = array<i32>} : memref<512xf32, #tpu.memory_space<vmem>>, vector<16xf32>,
    %swap3A_1160 = vector.shape_cast %swap3A_1159 : vector<16xf32> to vector<16xf32>
    %swap3A_1161 = vector.shape_cast %get3A_1157 : vector<16xf32> to vector<16xf32>
    tpu.vector_store %arg26[%swap3A_1158], %swap3A_1161 {strides = array<i32>} : memref<512xf32, #tpu.memory_space<vmem>>, vector<16xf32>,
    %get3A_1162 = arith.constant 416 : index
    %get3A_1163 = tpu.vector_load %arg17[%get3A_1162] {strides = array<i32>} : memref<512xf32, #tpu.memory_space<vmem>>, vector<16xf32>,
    %get3A_1164 = vector.shape_cast %get3A_1163 : vector<16xf32> to vector<16xf32>
    %swap3A_1165 = arith.constant 416 : index
    %swap3A_1166 = tpu.vector_load %arg26[%swap3A_1165] {strides = array<i32>} : memref<512xf32, #tpu.memory_space<vmem>>, vector<16xf32>,
    %swap3A_1167 = vector.shape_cast %swap3A_1166 : vector<16xf32> to vector<16xf32>
    %swap3A_1168 = vector.shape_cast %get3A_1164 : vector<16xf32> to vector<16xf32>
    tpu.vector_store %arg26[%swap3A_1165], %swap3A_1168 {strides = array<i32>} : memref<512xf32, #tpu.memory_space<vmem>>, vector<16xf32>,
    %get3A_1169 = arith.constant 432 : index
    %get3A_1170 = tpu.vector_load %arg17[%get3A_1169] {strides = array<i32>} : memref<512xf32, #tpu.memory_space<vmem>>, vector<16xf32>,
    %get3A_1171 = vector.shape_cast %get3A_1170 : vector<16xf32> to vector<16xf32>
    %swap3A_1172 = arith.constant 432 : index
    %swap3A_1173 = tpu.vector_load %arg26[%swap3A_1172] {strides = array<i32>} : memref<512xf32, #tpu.memory_space<vmem>>, vector<16xf32>,
    %swap3A_1174 = vector.shape_cast %swap3A_1173 : vector<16xf32> to vector<16xf32>
    %swap3A_1175 = vector.shape_cast %get3A_1171 : vector<16xf32> to vector<16xf32>
    tpu.vector_store %arg26[%swap3A_1172], %swap3A_1175 {strides = array<i32>} : memref<512xf32, #tpu.memory_space<vmem>>, vector<16xf32>,
    %get3A_1176 = arith.constant 448 : index
    %get3A_1177 = tpu.vector_load %arg17[%get3A_1176] {strides = array<i32>} : memref<512xf32, #tpu.memory_space<vmem>>, vector<16xf32>,
    %get3A_1178 = vector.shape_cast %get3A_1177 : vector<16xf32> to vector<16xf32>
    %swap3A_1179 = arith.constant 448 : index
    %swap3A_1180 = tpu.vector_load %arg26[%swap3A_1179] {strides = array<i32>} : memref<512xf32, #tpu.memory_space<vmem>>, vector<16xf32>,
    %swap3A_1181 = vector.shape_cast %swap3A_1180 : vector<16xf32> to vector<16xf32>
    %swap3A_1182 = vector.shape_cast %get3A_1178 : vector<16xf32> to vector<16xf32>
    tpu.vector_store %arg26[%swap3A_1179], %swap3A_1182 {strides = array<i32>} : memref<512xf32, #tpu.memory_space<vmem>>, vector<16xf32>,
    %get3A_1183 = arith.constant 464 : index
    %get3A_1184 = tpu.vector_load %arg17[%get3A_1183] {strides = array<i32>} : memref<512xf32, #tpu.memory_space<vmem>>, vector<16xf32>,
    %get3A_1185 = vector.shape_cast %get3A_1184 : vector<16xf32> to vector<16xf32>
    %swap3A_1186 = arith.constant 464 : index
    %swap3A_1187 = tpu.vector_load %arg26[%swap3A_1186] {strides = array<i32>} : memref<512xf32, #tpu.memory_space<vmem>>, vector<16xf32>,
    %swap3A_1188 = vector.shape_cast %swap3A_1187 : vector<16xf32> to vector<16xf32>
    %swap3A_1189 = vector.shape_cast %get3A_1185 : vector<16xf32> to vector<16xf32>
    tpu.vector_store %arg26[%swap3A_1186], %swap3A_1189 {strides = array<i32>} : memref<512xf32, #tpu.memory_space<vmem>>, vector<16xf32>,
    %get3A_1190 = arith.constant 480 : index
    %get3A_1191 = tpu.vector_load %arg17[%get3A_1190] {strides = array<i32>} : memref<512xf32, #tpu.memory_space<vmem>>, vector<16xf32>,
    %get3A_1192 = vector.shape_cast %get3A_1191 : vector<16xf32> to vector<16xf32>
    %swap3A_1193 = arith.constant 480 : index
    %swap3A_1194 = tpu.vector_load %arg26[%swap3A_1193] {strides = array<i32>} : memref<512xf32, #tpu.memory_space<vmem>>, vector<16xf32>,
    %swap3A_1195 = vector.shape_cast %swap3A_1194 : vector<16xf32> to vector<16xf32>
    %swap3A_1196 = vector.shape_cast %get3A_1192 : vector<16xf32> to vector<16xf32>
    tpu.vector_store %arg26[%swap3A_1193], %swap3A_1196 {strides = array<i32>} : memref<512xf32, #tpu.memory_space<vmem>>, vector<16xf32>,
    %get3A_1197 = arith.constant 496 : index
    %get3A_1198 = tpu.vector_load %arg17[%get3A_1197] {strides = array<i32>} : memref<512xf32, #tpu.memory_space<vmem>>, vector<16xf32>,
    %get3A_1199 = vector.shape_cast %get3A_1198 : vector<16xf32> to vector<16xf32>
    %swap3A_1200 = arith.constant 496 : index
    %swap3A_1201 = tpu.vector_load %arg26[%swap3A_1200] {strides = array<i32>} : memref<512xf32, #tpu.memory_space<vmem>>, vector<16xf32>,
    %swap3A_1202 = vector.shape_cast %swap3A_1201 : vector<16xf32> to vector<16xf32>
    %swap3A_1203 = vector.shape_cast %get3A_1199 : vector<16xf32> to vector<16xf32>
    tpu.vector_store %arg26[%swap3A_1200], %swap3A_1203 {strides = array<i32>} : memref<512xf32, #tpu.memory_space<vmem>>, vector<16xf32>,
    %scan3A_1204 = arith.constant 0 : i32
    %scan3A_1205 = arith.constant 0 : i32
    %scan3A_1206 = arith.constant 32 : i32
    %scan3A_1207 = arith.addi %scan3A_1205, %scan3A_1206 : i32
    %scan3A_1208 = arith.constant 1 : i32
    scf.for %scan3A_1220 = %scan3A_1205 to %scan3A_1207 step %scan3A_1208  : i32 {
      %mul3A_1221 = arith.constant 16 : i32
      %mul3A_1222 = arith.muli %scan3A_1220, %mul3A_1221 : i32
      %get3A_1223 = arith.index_cast %mul3A_1222 : i32 to index
      %get3A_1224 = tpu.vector_load %arg26[%get3A_1223] {strides = array<i32>} : memref<512xf32, #tpu.memory_space<vmem>>, vector<16xf32>,
      %get3A_1225 = vector.shape_cast %get3A_1224 : vector<16xf32> to vector<16xf32>
      %get3A_1226 = arith.index_cast %scan3A_1220 : i32 to index
      %get3A_1227 = arith.constant 0 : index
      %get3A_1228 = tpu.vector_load %arg19[%get3A_1226, %get3A_1227] {strides = array<i32>} : memref<32x128xf32, #tpu.memory_space<vmem>>, vector<1x16xf32>,
      %get3A_1229 = vector.shape_cast %get3A_1228 : vector<1x16xf32> to vector<16xf32>
      %get3A_1230 = arith.index_cast %scan3A_1220 : i32 to index
      %get3A_1231 = arith.constant 0 : index
      %get3A_1232 = tpu.vector_load %arg21[%get3A_1230, %get3A_1231] {strides = array<i32>} : memref<32x128xf32, #tpu.memory_space<vmem>>, vector<1x16xf32>,
      %get3A_1233 = vector.shape_cast %get3A_1232 : vector<1x16xf32> to vector<16xf32>
      %add3A_1234 = arith.addf %get3A_1229, %get3A_1233 : vector<16xf32>
      %neg3A = arith.constant 0.000000e+00 : f32
      %neg3A_1235 = vector.broadcast %neg3A : f32 to vector<16xf32>
      %neg3A_1236 = arith.subf %neg3A_1235, %add3A_1234 : vector<16xf32>
      %exp3A = math.exp %neg3A_1236 : vector<16xf32>
      %add3A_1237 = arith.constant 1.000000e+00 : f32
      %add3A_1238 = vector.broadcast %add3A_1237 : f32 to vector<16xf32>
      %add3A_1239 = arith.addf %add3A_1238, %exp3A : vector<16xf32>
      %div3A = arith.constant 1.000000e+00 : f32
      %div3A_1240 = vector.broadcast %div3A : f32 to vector<16xf32>
      %div3A_1241 = arith.divf %div3A_1240, %add3A_1239 : vector<16xf32>
      %get3A_1242 = arith.index_cast %scan3A_1220 : i32 to index
      %get3A_1243 = arith.constant 0 : index
      %get3A_1244 = tpu.vector_load %arg23[%get3A_1242, %get3A_1243] {strides = array<i32>} : memref<32x128xf32, #tpu.memory_space<vmem>>, vector<1x16xf32>,
      %get3A_1245 = vector.shape_cast %get3A_1244 : vector<1x16xf32> to vector<16xf32>
      %mul3A_1246 = arith.mulf %div3A_1241, %get3A_1245 : vector<16xf32>
      %mul3A_1247 = arith.mulf %mul3A_1246, %get3A_1225 : vector<16xf32>
      %swap3A_1248 = arith.index_cast %scan3A_1220 : i32 to index
      %swap3A_1249 = arith.constant 0 : index
      %swap3A_1250 = tpu.vector_load %arg25[%swap3A_1248, %swap3A_1249] {strides = array<i32>} : memref<32x128xf32, #tpu.memory_space<vmem>>, vector<1x16xf32>,
      %swap3A_1251 = vector.shape_cast %swap3A_1250 : vector<1x16xf32> to vector<16xf32>
      %swap3A_1252 = vector.shape_cast %mul3A_1247 : vector<16xf32> to vector<1x16xf32>
      tpu.vector_store %arg25[%swap3A_1248, %swap3A_1249], %swap3A_1252 {strides = array<i32>} : memref<32x128xf32, #tpu.memory_space<vmem>>, vector<1x16xf32>,
      %get3A_1253 = arith.index_cast %scan3A_1220 : i32 to index
      %get3A_1254 = arith.constant 16 : index
      %get3A_1255 = tpu.vector_load %arg19[%get3A_1253, %get3A_1254] {strides = array<i32>} : memref<32x128xf32, #tpu.memory_space<vmem>>, vector<1x16xf32>,
      %get3A_1256 = vector.shape_cast %get3A_1255 : vector<1x16xf32> to vector<16xf32>
      %get3A_1257 = arith.index_cast %scan3A_1220 : i32 to index
      %get3A_1258 = arith.constant 16 : index
      %get3A_1259 = tpu.vector_load %arg21[%get3A_1257, %get3A_1258] {strides = array<i32>} : memref<32x128xf32, #tpu.memory_space<vmem>>, vector<1x16xf32>,
      %get3A_1260 = vector.shape_cast %get3A_1259 : vector<1x16xf32> to vector<16xf32>
      %add3A_1261 = arith.addf %get3A_1256, %get3A_1260 : vector<16xf32>
      %neg3A_1262 = arith.constant 0.000000e+00 : f32
      %neg3A_1263 = vector.broadcast %neg3A_1262 : f32 to vector<16xf32>
      %neg3A_1264 = arith.subf %neg3A_1263, %add3A_1261 : vector<16xf32>
      %exp3A_1265 = math.exp %neg3A_1264 : vector<16xf32>
      %add3A_1266 = arith.constant 1.000000e+00 : f32
      %add3A_1267 = vector.broadcast %add3A_1266 : f32 to vector<16xf32>
      %add3A_1268 = arith.addf %add3A_1267, %exp3A_1265 : vector<16xf32>
      %div3A_1269 = arith.constant 1.000000e+00 : f32
      %div3A_1270 = vector.broadcast %div3A_1269 : f32 to vector<16xf32>
      %div3A_1271 = arith.divf %div3A_1270, %add3A_1268 : vector<16xf32>
      %get3A_1272 = arith.index_cast %scan3A_1220 : i32 to index
      %get3A_1273 = arith.constant 16 : index
      %get3A_1274 = tpu.vector_load %arg23[%get3A_1272, %get3A_1273] {strides = array<i32>} : memref<32x128xf32, #tpu.memory_space<vmem>>, vector<1x16xf32>,
      %get3A_1275 = vector.shape_cast %get3A_1274 : vector<1x16xf32> to vector<16xf32>
      %mul3A_1276 = arith.mulf %div3A_1271, %get3A_1275 : vector<16xf32>
      %mul3A_1277 = arith.mulf %mul3A_1276, %get3A_1225 : vector<16xf32>
      %swap3A_1278 = arith.index_cast %scan3A_1220 : i32 to index
      %swap3A_1279 = arith.constant 16 : index
      %swap3A_1280 = tpu.vector_load %arg25[%swap3A_1278, %swap3A_1279] {strides = array<i32>} : memref<32x128xf32, #tpu.memory_space<vmem>>, vector<1x16xf32>,
      %swap3A_1281 = vector.shape_cast %swap3A_1280 : vector<1x16xf32> to vector<16xf32>
      %swap3A_1282 = vector.shape_cast %mul3A_1277 : vector<16xf32> to vector<1x16xf32>
      tpu.vector_store %arg25[%swap3A_1278, %swap3A_1279], %swap3A_1282 {strides = array<i32>} : memref<32x128xf32, #tpu.memory_space<vmem>>, vector<1x16xf32>,
      %get3A_1283 = arith.index_cast %scan3A_1220 : i32 to index
      %get3A_1284 = arith.constant 32 : index
      %get3A_1285 = tpu.vector_load %arg19[%get3A_1283, %get3A_1284] {strides = array<i32>} : memref<32x128xf32, #tpu.memory_space<vmem>>, vector<1x16xf32>,
      %get3A_1286 = vector.shape_cast %get3A_1285 : vector<1x16xf32> to vector<16xf32>
      %get3A_1287 = arith.index_cast %scan3A_1220 : i32 to index
      %get3A_1288 = arith.constant 32 : index
      %get3A_1289 = tpu.vector_load %arg21[%get3A_1287, %get3A_1288] {strides = array<i32>} : memref<32x128xf32, #tpu.memory_space<vmem>>, vector<1x16xf32>,
      %get3A_1290 = vector.shape_cast %get3A_1289 : vector<1x16xf32> to vector<16xf32>
      %add3A_1291 = arith.addf %get3A_1286, %get3A_1290 : vector<16xf32>
      %neg3A_1292 = arith.constant 0.000000e+00 : f32
      %neg3A_1293 = vector.broadcast %neg3A_1292 : f32 to vector<16xf32>
      %neg3A_1294 = arith.subf %neg3A_1293, %add3A_1291 : vector<16xf32>
      %exp3A_1295 = math.exp %neg3A_1294 : vector<16xf32>
      %add3A_1296 = arith.constant 1.000000e+00 : f32
      %add3A_1297 = vector.broadcast %add3A_1296 : f32 to vector<16xf32>
      %add3A_1298 = arith.addf %add3A_1297, %exp3A_1295 : vector<16xf32>
      %div3A_1299 = arith.constant 1.000000e+00 : f32
      %div3A_1300 = vector.broadcast %div3A_1299 : f32 to vector<16xf32>
      %div3A_1301 = arith.divf %div3A_1300, %add3A_1298 : vector<16xf32>
      %get3A_1302 = arith.index_cast %scan3A_1220 : i32 to index
      %get3A_1303 = arith.constant 32 : index
      %get3A_1304 = tpu.vector_load %arg23[%get3A_1302, %get3A_1303] {strides = array<i32>} : memref<32x128xf32, #tpu.memory_space<vmem>>, vector<1x16xf32>,
      %get3A_1305 = vector.shape_cast %get3A_1304 : vector<1x16xf32> to vector<16xf32>
      %mul3A_1306 = arith.mulf %div3A_1301, %get3A_1305 : vector<16xf32>
      %mul3A_1307 = arith.mulf %mul3A_1306, %get3A_1225 : vector<16xf32>
      %swap3A_1308 = arith.index_cast %scan3A_1220 : i32 to index
      %swap3A_1309 = arith.constant 32 : index
      %swap3A_1310 = tpu.vector_load %arg25[%swap3A_1308, %swap3A_1309] {strides = array<i32>} : memref<32x128xf32, #tpu.memory_space<vmem>>, vector<1x16xf32>,
      %swap3A_1311 = vector.shape_cast %swap3A_1310 : vector<1x16xf32> to vector<16xf32>
      %swap3A_1312 = vector.shape_cast %mul3A_1307 : vector<16xf32> to vector<1x16xf32>
      tpu.vector_store %arg25[%swap3A_1308, %swap3A_1309], %swap3A_1312 {strides = array<i32>} : memref<32x128xf32, #tpu.memory_space<vmem>>, vector<1x16xf32>,
      %get3A_1313 = arith.index_cast %scan3A_1220 : i32 to index
      %get3A_1314 = arith.constant 48 : index
      %get3A_1315 = tpu.vector_load %arg19[%get3A_1313, %get3A_1314] {strides = array<i32>} : memref<32x128xf32, #tpu.memory_space<vmem>>, vector<1x16xf32>,
      %get3A_1316 = vector.shape_cast %get3A_1315 : vector<1x16xf32> to vector<16xf32>
      %get3A_1317 = arith.index_cast %scan3A_1220 : i32 to index
      %get3A_1318 = arith.constant 48 : index
      %get3A_1319 = tpu.vector_load %arg21[%get3A_1317, %get3A_1318] {strides = array<i32>} : memref<32x128xf32, #tpu.memory_space<vmem>>, vector<1x16xf32>,
      %get3A_1320 = vector.shape_cast %get3A_1319 : vector<1x16xf32> to vector<16xf32>
      %add3A_1321 = arith.addf %get3A_1316, %get3A_1320 : vector<16xf32>
      %neg3A_1322 = arith.constant 0.000000e+00 : f32
      %neg3A_1323 = vector.broadcast %neg3A_1322 : f32 to vector<16xf32>
      %neg3A_1324 = arith.subf %neg3A_1323, %add3A_1321 : vector<16xf32>
      %exp3A_1325 = math.exp %neg3A_1324 : vector<16xf32>
      %add3A_1326 = arith.constant 1.000000e+00 : f32
      %add3A_1327 = vector.broadcast %add3A_1326 : f32 to vector<16xf32>
      %add3A_1328 = arith.addf %add3A_1327, %exp3A_1325 : vector<16xf32>
      %div3A_1329 = arith.constant 1.000000e+00 : f32
      %div3A_1330 = vector.broadcast %div3A_1329 : f32 to vector<16xf32>
      %div3A_1331 = arith.divf %div3A_1330, %add3A_1328 : vector<16xf32>
      %get3A_1332 = arith.index_cast %scan3A_1220 : i32 to index
      %get3A_1333 = arith.constant 48 : index
      %get3A_1334 = tpu.vector_load %arg23[%get3A_1332, %get3A_1333] {strides = array<i32>} : memref<32x128xf32, #tpu.memory_space<vmem>>, vector<1x16xf32>,
      %get3A_1335 = vector.shape_cast %get3A_1334 : vector<1x16xf32> to vector<16xf32>
      %mul3A_1336 = arith.mulf %div3A_1331, %get3A_1335 : vector<16xf32>
      %mul3A_1337 = arith.mulf %mul3A_1336, %get3A_1225 : vector<16xf32>
      %swap3A_1338 = arith.index_cast %scan3A_1220 : i32 to index
      %swap3A_1339 = arith.constant 48 : index
      %swap3A_1340 = tpu.vector_load %arg25[%swap3A_1338, %swap3A_1339] {strides = array<i32>} : memref<32x128xf32, #tpu.memory_space<vmem>>, vector<1x16xf32>,
      %swap3A_1341 = vector.shape_cast %swap3A_1340 : vector<1x16xf32> to vector<16xf32>
      %swap3A_1342 = vector.shape_cast %mul3A_1337 : vector<16xf32> to vector<1x16xf32>
      tpu.vector_store %arg25[%swap3A_1338, %swap3A_1339], %swap3A_1342 {strides = array<i32>} : memref<32x128xf32, #tpu.memory_space<vmem>>, vector<1x16xf32>,
      %get3A_1343 = arith.index_cast %scan3A_1220 : i32 to index
      %get3A_1344 = arith.constant 64 : index
      %get3A_1345 = tpu.vector_load %arg19[%get3A_1343, %get3A_1344] {strides = array<i32>} : memref<32x128xf32, #tpu.memory_space<vmem>>, vector<1x16xf32>,
      %get3A_1346 = vector.shape_cast %get3A_1345 : vector<1x16xf32> to vector<16xf32>
      %get3A_1347 = arith.index_cast %scan3A_1220 : i32 to index
      %get3A_1348 = arith.constant 64 : index
      %get3A_1349 = tpu.vector_load %arg21[%get3A_1347, %get3A_1348] {strides = array<i32>} : memref<32x128xf32, #tpu.memory_space<vmem>>, vector<1x16xf32>,
      %get3A_1350 = vector.shape_cast %get3A_1349 : vector<1x16xf32> to vector<16xf32>
      %add3A_1351 = arith.addf %get3A_1346, %get3A_1350 : vector<16xf32>
      %neg3A_1352 = arith.constant 0.000000e+00 : f32
      %neg3A_1353 = vector.broadcast %neg3A_1352 : f32 to vector<16xf32>
      %neg3A_1354 = arith.subf %neg3A_1353, %add3A_1351 : vector<16xf32>
      %exp3A_1355 = math.exp %neg3A_1354 : vector<16xf32>
      %add3A_1356 = arith.constant 1.000000e+00 : f32
      %add3A_1357 = vector.broadcast %add3A_1356 : f32 to vector<16xf32>
      %add3A_1358 = arith.addf %add3A_1357, %exp3A_1355 : vector<16xf32>
      %div3A_1359 = arith.constant 1.000000e+00 : f32
      %div3A_1360 = vector.broadcast %div3A_1359 : f32 to vector<16xf32>
      %div3A_1361 = arith.divf %div3A_1360, %add3A_1358 : vector<16xf32>
      %get3A_1362 = arith.index_cast %scan3A_1220 : i32 to index
      %get3A_1363 = arith.constant 64 : index
      %get3A_1364 = tpu.vector_load %arg23[%get3A_1362, %get3A_1363] {strides = array<i32>} : memref<32x128xf32, #tpu.memory_space<vmem>>, vector<1x16xf32>,
      %get3A_1365 = vector.shape_cast %get3A_1364 : vector<1x16xf32> to vector<16xf32>
      %mul3A_1366 = arith.mulf %div3A_1361, %get3A_1365 : vector<16xf32>
      %mul3A_1367 = arith.mulf %mul3A_1366, %get3A_1225 : vector<16xf32>
      %swap3A_1368 = arith.index_cast %scan3A_1220 : i32 to index
      %swap3A_1369 = arith.constant 64 : index
      %swap3A_1370 = tpu.vector_load %arg25[%swap3A_1368, %swap3A_1369] {strides = array<i32>} : memref<32x128xf32, #tpu.memory_space<vmem>>, vector<1x16xf32>,
      %swap3A_1371 = vector.shape_cast %swap3A_1370 : vector<1x16xf32> to vector<16xf32>
      %swap3A_1372 = vector.shape_cast %mul3A_1367 : vector<16xf32> to vector<1x16xf32>
      tpu.vector_store %arg25[%swap3A_1368, %swap3A_1369], %swap3A_1372 {strides = array<i32>} : memref<32x128xf32, #tpu.memory_space<vmem>>, vector<1x16xf32>,
      %get3A_1373 = arith.index_cast %scan3A_1220 : i32 to index
      %get3A_1374 = arith.constant 80 : index
      %get3A_1375 = tpu.vector_load %arg19[%get3A_1373, %get3A_1374] {strides = array<i32>} : memref<32x128xf32, #tpu.memory_space<vmem>>, vector<1x16xf32>,
      %get3A_1376 = vector.shape_cast %get3A_1375 : vector<1x16xf32> to vector<16xf32>
      %get3A_1377 = arith.index_cast %scan3A_1220 : i32 to index
      %get3A_1378 = arith.constant 80 : index
      %get3A_1379 = tpu.vector_load %arg21[%get3A_1377, %get3A_1378] {strides = array<i32>} : memref<32x128xf32, #tpu.memory_space<vmem>>, vector<1x16xf32>,
      %get3A_1380 = vector.shape_cast %get3A_1379 : vector<1x16xf32> to vector<16xf32>
      %add3A_1381 = arith.addf %get3A_1376, %get3A_1380 : vector<16xf32>
      %neg3A_1382 = arith.constant 0.000000e+00 : f32
      %neg3A_1383 = vector.broadcast %neg3A_1382 : f32 to vector<16xf32>
      %neg3A_1384 = arith.subf %neg3A_1383, %add3A_1381 : vector<16xf32>
      %exp3A_1385 = math.exp %neg3A_1384 : vector<16xf32>
      %add3A_1386 = arith.constant 1.000000e+00 : f32
      %add3A_1387 = vector.broadcast %add3A_1386 : f32 to vector<16xf32>
      %add3A_1388 = arith.addf %add3A_1387, %exp3A_1385 : vector<16xf32>
      %div3A_1389 = arith.constant 1.000000e+00 : f32
      %div3A_1390 = vector.broadcast %div3A_1389 : f32 to vector<16xf32>
      %div3A_1391 = arith.divf %div3A_1390, %add3A_1388 : vector<16xf32>
      %get3A_1392 = arith.index_cast %scan3A_1220 : i32 to index
      %get3A_1393 = arith.constant 80 : index
      %get3A_1394 = tpu.vector_load %arg23[%get3A_1392, %get3A_1393] {strides = array<i32>} : memref<32x128xf32, #tpu.memory_space<vmem>>, vector<1x16xf32>,
      %get3A_1395 = vector.shape_cast %get3A_1394 : vector<1x16xf32> to vector<16xf32>
      %mul3A_1396 = arith.mulf %div3A_1391, %get3A_1395 : vector<16xf32>
      %mul3A_1397 = arith.mulf %mul3A_1396, %get3A_1225 : vector<16xf32>
      %swap3A_1398 = arith.index_cast %scan3A_1220 : i32 to index
      %swap3A_1399 = arith.constant 80 : index
      %swap3A_1400 = tpu.vector_load %arg25[%swap3A_1398, %swap3A_1399] {strides = array<i32>} : memref<32x128xf32, #tpu.memory_space<vmem>>, vector<1x16xf32>,
      %swap3A_1401 = vector.shape_cast %swap3A_1400 : vector<1x16xf32> to vector<16xf32>
      %swap3A_1402 = vector.shape_cast %mul3A_1397 : vector<16xf32> to vector<1x16xf32>
      tpu.vector_store %arg25[%swap3A_1398, %swap3A_1399], %swap3A_1402 {strides = array<i32>} : memref<32x128xf32, #tpu.memory_space<vmem>>, vector<1x16xf32>,
      %get3A_1403 = arith.index_cast %scan3A_1220 : i32 to index
      %get3A_1404 = arith.constant 96 : index
      %get3A_1405 = tpu.vector_load %arg19[%get3A_1403, %get3A_1404] {strides = array<i32>} : memref<32x128xf32, #tpu.memory_space<vmem>>, vector<1x16xf32>,
      %get3A_1406 = vector.shape_cast %get3A_1405 : vector<1x16xf32> to vector<16xf32>
      %get3A_1407 = arith.index_cast %scan3A_1220 : i32 to index
      %get3A_1408 = arith.constant 96 : index
      %get3A_1409 = tpu.vector_load %arg21[%get3A_1407, %get3A_1408] {strides = array<i32>} : memref<32x128xf32, #tpu.memory_space<vmem>>, vector<1x16xf32>,
      %get3A_1410 = vector.shape_cast %get3A_1409 : vector<1x16xf32> to vector<16xf32>
      %add3A_1411 = arith.addf %get3A_1406, %get3A_1410 : vector<16xf32>
      %neg3A_1412 = arith.constant 0.000000e+00 : f32
      %neg3A_1413 = vector.broadcast %neg3A_1412 : f32 to vector<16xf32>
      %neg3A_1414 = arith.subf %neg3A_1413, %add3A_1411 : vector<16xf32>
      %exp3A_1415 = math.exp %neg3A_1414 : vector<16xf32>
      %add3A_1416 = arith.constant 1.000000e+00 : f32
      %add3A_1417 = vector.broadcast %add3A_1416 : f32 to vector<16xf32>
      %add3A_1418 = arith.addf %add3A_1417, %exp3A_1415 : vector<16xf32>
      %div3A_1419 = arith.constant 1.000000e+00 : f32
      %div3A_1420 = vector.broadcast %div3A_1419 : f32 to vector<16xf32>
      %div3A_1421 = arith.divf %div3A_1420, %add3A_1418 : vector<16xf32>
      %get3A_1422 = arith.index_cast %scan3A_1220 : i32 to index
      %get3A_1423 = arith.constant 96 : index
      %get3A_1424 = tpu.vector_load %arg23[%get3A_1422, %get3A_1423] {strides = array<i32>} : memref<32x128xf32, #tpu.memory_space<vmem>>, vector<1x16xf32>,
      %get3A_1425 = vector.shape_cast %get3A_1424 : vector<1x16xf32> to vector<16xf32>
      %mul3A_1426 = arith.mulf %div3A_1421, %get3A_1425 : vector<16xf32>
      %mul3A_1427 = arith.mulf %mul3A_1426, %get3A_1225 : vector<16xf32>
      %swap3A_1428 = arith.index_cast %scan3A_1220 : i32 to index
      %swap3A_1429 = arith.constant 96 : index
      %swap3A_1430 = tpu.vector_load %arg25[%swap3A_1428, %swap3A_1429] {strides = array<i32>} : memref<32x128xf32, #tpu.memory_space<vmem>>, vector<1x16xf32>,
      %swap3A_1431 = vector.shape_cast %swap3A_1430 : vector<1x16xf32> to vector<16xf32>
      %swap3A_1432 = vector.shape_cast %mul3A_1427 : vector<16xf32> to vector<1x16xf32>
      tpu.vector_store %arg25[%swap3A_1428, %swap3A_1429], %swap3A_1432 {strides = array<i32>} : memref<32x128xf32, #tpu.memory_space<vmem>>, vector<1x16xf32>,
      %get3A_1433 = arith.index_cast %scan3A_1220 : i32 to index
      %get3A_1434 = arith.constant 112 : index
      %get3A_1435 = tpu.vector_load %arg19[%get3A_1433, %get3A_1434] {strides = array<i32>} : memref<32x128xf32, #tpu.memory_space<vmem>>, vector<1x16xf32>,
      %get3A_1436 = vector.shape_cast %get3A_1435 : vector<1x16xf32> to vector<16xf32>
      %get3A_1437 = arith.index_cast %scan3A_1220 : i32 to index
      %get3A_1438 = arith.constant 112 : index
      %get3A_1439 = tpu.vector_load %arg21[%get3A_1437, %get3A_1438] {strides = array<i32>} : memref<32x128xf32, #tpu.memory_space<vmem>>, vector<1x16xf32>,
      %get3A_1440 = vector.shape_cast %get3A_1439 : vector<1x16xf32> to vector<16xf32>
      %add3A_1441 = arith.addf %get3A_1436, %get3A_1440 : vector<16xf32>
      %neg3A_1442 = arith.constant 0.000000e+00 : f32
      %neg3A_1443 = vector.broadcast %neg3A_1442 : f32 to vector<16xf32>
      %neg3A_1444 = arith.subf %neg3A_1443, %add3A_1441 : vector<16xf32>
      %exp3A_1445 = math.exp %neg3A_1444 : vector<16xf32>
      %add3A_1446 = arith.constant 1.000000e+00 : f32
      %add3A_1447 = vector.broadcast %add3A_1446 : f32 to vector<16xf32>
      %add3A_1448 = arith.addf %add3A_1447, %exp3A_1445 : vector<16xf32>
      %div3A_1449 = arith.constant 1.000000e+00 : f32
      %div3A_1450 = vector.broadcast %div3A_1449 : f32 to vector<16xf32>
      %div3A_1451 = arith.divf %div3A_1450, %add3A_1448 : vector<16xf32>
      %get3A_1452 = arith.index_cast %scan3A_1220 : i32 to index
      %get3A_1453 = arith.constant 112 : index
      %get3A_1454 = tpu.vector_load %arg23[%get3A_1452, %get3A_1453] {strides = array<i32>} : memref<32x128xf32, #tpu.memory_space<vmem>>, vector<1x16xf32>,
      %get3A_1455 = vector.shape_cast %get3A_1454 : vector<1x16xf32> to vector<16xf32>
      %mul3A_1456 = arith.mulf %div3A_1451, %get3A_1455 : vector<16xf32>
      %mul3A_1457 = arith.mulf %mul3A_1456, %get3A_1225 : vector<16xf32>
      %swap3A_1458 = arith.index_cast %scan3A_1220 : i32 to index
      %swap3A_1459 = arith.constant 112 : index
      %swap3A_1460 = tpu.vector_load %arg25[%swap3A_1458, %swap3A_1459] {strides = array<i32>} : memref<32x128xf32, #tpu.memory_space<vmem>>, vector<1x16xf32>,
      %swap3A_1461 = vector.shape_cast %swap3A_1460 : vector<1x16xf32> to vector<16xf32>
      %swap3A_1462 = vector.shape_cast %mul3A_1457 : vector<16xf32> to vector<1x16xf32>
      tpu.vector_store %arg25[%swap3A_1458, %swap3A_1459], %swap3A_1462 {strides = array<i32>} : memref<32x128xf32, #tpu.memory_space<vmem>>, vector<1x16xf32>,
    }
    %scan3A_1209 = arith.constant 32 : i32
    %dma_start3A_1210 = arith.constant 0 : i32
    %dma_start3A_1211 = arith.constant 0 : i32
    %dma_start3A_1212 = tpu.memref_slice %arg33[%dma_start3A_1210, %dma_start3A_1211] : memref<10112x128xf32, #tpu.memory_space<vmem_shared>> -> memref<10112x128xf32, #tpu.memory_space<vmem_shared>>
    tpu.enqueue_indirect_dma source(%arg25 : memref<32x128xf32, #tpu.memory_space<vmem>>) target(%dma_start3A_1212 : memref<10112x128xf32, #tpu.memory_space<vmem_shared>>) offsets(%arg15 : memref<32xi32, #tpu.memory_space<vmem>>) semaphore(%arg32 : memref<!tpu.dma_semaphore, #tpu.memory_space<semaphore_mem>>) {add = true}
    %dma_wait3A_1213 = arith.constant 0 : i32
    %dma_wait3A_1214 = arith.constant 0 : i32
    %dma_wait3A_1215 = tpu.memref_slice %arg33[%dma_wait3A_1213, %dma_wait3A_1214] : memref<10112x128xf32, #tpu.memory_space<vmem_shared>> -> memref<10112x128xf32, #tpu.memory_space<vmem_shared>>
    tpu.wait_indirect_dma semaphore(%arg31 : memref<!tpu.dma_semaphore, #tpu.memory_space<semaphore_mem>>) src(%arg24 : memref<32x128xf32, #tpu.memory_space<vmem>>) dst(%dma_wait3A_1215 : memref<10112x128xf32, #tpu.memory_space<vmem_shared>>)
    %dma_wait3A_1216 = arith.constant 0 : i32
    %dma_wait3A_1217 = arith.constant 0 : i32
    %dma_wait3A_1218 = tpu.memref_slice %arg33[%dma_wait3A_1216, %dma_wait3A_1217] : memref<10112x128xf32, #tpu.memory_space<vmem_shared>> -> memref<10112x128xf32, #tpu.memory_space<vmem_shared>>
    tpu.wait_indirect_dma semaphore(%arg32 : memref<!tpu.dma_semaphore, #tpu.memory_space<semaphore_mem>>) src(%arg25 : memref<32x128xf32, #tpu.memory_space<vmem>>) dst(%dma_wait3A_1218 : memref<10112x128xf32, #tpu.memory_space<vmem_shared>>)
    %barrier3A_1219 = arith.constant 0 : index
    tpu.barrier barrier_id(%barrier3A_1219)
    "tpu.region"() ({
      %run_scoped3A = tpu.sem_alloc : memref<!tpu.dma_semaphore, #tpu.memory_space<semaphore_mem>>
      %dma_start3A_1220 = arith.constant 0 : i32
      %dma_start3A_1221 = tpu.memref_slice %arg9[%arg0, %mul3A_2, %dma_start3A_1220] : memref<2x10112x128xf32, #tpu.memory_space<hbm>> -> memref<1x632x128xf32, #tpu.memory_space<hbm>>
      %dma_start3A_1222 = tpu.memref_squeeze %dma_start3A_1221 : memref<1x632x128xf32, #tpu.memory_space<hbm>> -> memref<632x128xf32, #tpu.memory_space<hbm>>
      %dma_start3A_1223 = arith.constant 0 : i32
      %dma_start3A_1224 = tpu.memref_slice %arg33[%mul3A_2, %dma_start3A_1223] : memref<10112x128xf32, #tpu.memory_space<vmem_shared>> -> memref<632x128xf32, #tpu.memory_space<vmem_shared>>
      tpu.enqueue_dma source(%dma_start3A_1224 : memref<632x128xf32, #tpu.memory_space<vmem_shared>>) target(%dma_start3A_1222 : memref<632x128xf32, #tpu.memory_space<hbm>>) target_semaphore(%run_scoped3A : memref<!tpu.dma_semaphore, #tpu.memory_space<semaphore_mem>>)
      %dma_wait3A_1225 = arith.constant 0 : i32
      %dma_wait3A_1226 = tpu.memref_slice %arg9[%arg0, %mul3A_2, %dma_wait3A_1225] : memref<2x10112x128xf32, #tpu.memory_space<hbm>> -> memref<1x632x128xf32, #tpu.memory_space<hbm>>
      %dma_wait3A_1227 = tpu.memref_squeeze %dma_wait3A_1226 : memref<1x632x128xf32, #tpu.memory_space<hbm>> -> memref<632x128xf32, #tpu.memory_space<hbm>>
      %dma_wait3A_1228 = arith.constant 0 : i32
      %dma_wait3A_1229 = tpu.memref_slice %arg33[%mul3A_2, %dma_wait3A_1228] : memref<10112x128xf32, #tpu.memory_space<vmem_shared>> -> memref<632x128xf32, #tpu.memory_space<vmem_shared>>
      tpu.wait_dma2 semaphore(%run_scoped3A : memref<!tpu.dma_semaphore, #tpu.memory_space<semaphore_mem>>) src(%dma_wait3A_1229 : memref<632x128xf32, #tpu.memory_space<vmem_shared>>) dst(%dma_wait3A_1227 : memref<632x128xf32, #tpu.memory_space<hbm>>)
      tpu.yield
    }) : () -> ()
    return
  }
}

module attributes {stable_mosaic.version = 14 : i64} {
  func.func @_wrep_body(%arg0: i32, %arg1: memref<2512x128xf32, #tpu.memory_space<vmem>>, %arg2: memref<128x2048xf32, #tpu.memory_space<vmem>>, %arg3: memref<2512x2048xf32, #tpu.memory_space<vmem>>) attributes {dimension_semantics = [#tpu.dimension_semantics<arbitrary>], iteration_bounds = array<i64: 1>, scalar_prefetch = 0 : i64, scratch_operands = 0 : i64, tpu.core_type = #tpu.core_type<tc>, window_params = [{pipeline_mode = #tpu.pipeline_mode<synchronous>, transform_indices = @transform_0, window_bounds = array<i64: 2512, 128>}, {pipeline_mode = #tpu.pipeline_mode<synchronous>, transform_indices = @transform_1, window_bounds = array<i64: 128, 2048>}, {pipeline_mode = #tpu.pipeline_mode<synchronous>, transform_indices = @transform_2, window_bounds = array<i64: 2512, 2048>}]} {
    %get3A = arith.constant 0 : index
    %get3A_0 = arith.constant 0 : index
    %get3A_1 = vector.load %arg1[%get3A, %get3A_0] : memref<2512x128xf32, #tpu.memory_space<vmem>>, vector<2512x128xf32>
    %get3A_2 = arith.constant 0 : index
    %get3A_3 = arith.constant 0 : index
    %get3A_4 = vector.load %arg2[%get3A_2, %get3A_3] : memref<128x2048xf32, #tpu.memory_space<vmem>>, vector<128x2048xf32>
    %dot_general3A = arith.constant dense<0.000000e+00> : vector<2512x2048xf32>
    %dot_general3A_5 = tpu.matmul %get3A_1, %get3A_4, %dot_general3A {dimension_numbers = #tpu.dot_dimension_numbers<[1], [0], [0], [1], [0, 0, 1, 1], [], []>, precision = #tpu.contract_precision<fp32>, transpose_lhs_hint = false} : vector<2512x128xf32>, vector<128x2048xf32>, vector<2512x2048xf32> -> vector<2512x2048xf32>
    %swap3A = arith.constant 0 : index
    %swap3A_6 = arith.constant 0 : index
    %swap3A_7 = vector.load %arg3[%swap3A, %swap3A_6] : memref<2512x2048xf32, #tpu.memory_space<vmem>>, vector<2512x2048xf32>
    tpu.vector_store %arg3[%swap3A, %swap3A_6], %dot_general3A_5 {strides = array<i32>} : memref<2512x2048xf32, #tpu.memory_space<vmem>>, vector<2512x2048xf32>,
    return
  }
  func.func @transform_0(%arg0: i32) -> (i32, i32) {
    %c0_i32 = arith.constant 0 : i32
    %c0_i32_0 = arith.constant 0 : i32
    %c0_i32_1 = arith.constant 0 : i32
    return %c0_i32, %c0_i32_0 : i32, i32
  }
  func.func @transform_1(%arg0: i32) -> (i32, i32) {
    %c0_i32 = arith.constant 0 : i32
    %c0_i32_0 = arith.constant 0 : i32
    %c0_i32_1 = arith.constant 0 : i32
    return %c0_i32, %c0_i32_0 : i32, i32
  }
  func.func @transform_2(%arg0: i32) -> (i32, i32) {
    %c0_i32 = arith.constant 0 : i32
    %c0_i32_0 = arith.constant 0 : i32
    %c0_i32_1 = arith.constant 0 : i32
    return %c0_i32, %c0_i32_0 : i32, i32
  }
}

module attributes {stable_mosaic.version = 14 : i64} {
  func.func @_mm3_body(%arg0: i32, %arg1: memref<1264x128xf32, #tpu.memory_space<vmem>>, %arg2: memref<128x128xf32, #tpu.memory_space<vmem>>, %arg3: memref<128x128xf32, #tpu.memory_space<vmem>>, %arg4: memref<128x128xf32, #tpu.memory_space<vmem>>, %arg5: memref<1264x128xf32, #tpu.memory_space<vmem>>, %arg6: memref<1264x128xf32, #tpu.memory_space<vmem>>, %arg7: memref<1264x128xf32, #tpu.memory_space<vmem>>) attributes {dimension_semantics = [#tpu.dimension_semantics<arbitrary>], iteration_bounds = array<i64: 8>, scalar_prefetch = 0 : i64, scratch_operands = 0 : i64, tpu.core_type = #tpu.core_type<tc>, window_params = [{transform_indices = @transform_0, window_bounds = array<i64: 1264, 128>}, {pipeline_mode = #tpu.pipeline_mode<synchronous>, transform_indices = @transform_1, window_bounds = array<i64: 128, 128>}, {pipeline_mode = #tpu.pipeline_mode<synchronous>, transform_indices = @transform_2, window_bounds = array<i64: 128, 128>}, {pipeline_mode = #tpu.pipeline_mode<synchronous>, transform_indices = @transform_3, window_bounds = array<i64: 128, 128>}, {transform_indices = @transform_4, window_bounds = array<i64: 1264, 128>}, {transform_indices = @transform_5, window_bounds = array<i64: 1264, 128>}, {transform_indices = @transform_6, window_bounds = array<i64: 1264, 128>}]} {
    %get3A = arith.constant 0 : index
    %get3A_0 = arith.constant 0 : index
    %get3A_1 = vector.load %arg1[%get3A, %get3A_0] : memref<1264x128xf32, #tpu.memory_space<vmem>>, vector<1264x128xf32>
    %get3A_2 = arith.constant 0 : index
    %get3A_3 = arith.constant 0 : index
    %get3A_4 = vector.load %arg2[%get3A_2, %get3A_3] : memref<128x128xf32, #tpu.memory_space<vmem>>, vector<128x128xf32>
    %dot_general3A = arith.constant dense<0.000000e+00> : vector<1264x128xf32>
    %dot_general3A_5 = tpu.matmul %get3A_1, %get3A_4, %dot_general3A {dimension_numbers = #tpu.dot_dimension_numbers<[1], [0], [0], [1], [0, 0, 1, 1], [], []>, transpose_lhs_hint = false} : vector<1264x128xf32>, vector<128x128xf32>, vector<1264x128xf32> -> vector<1264x128xf32>
    %swap3A = arith.constant 0 : index
    %swap3A_6 = arith.constant 0 : index
    %swap3A_7 = vector.load %arg5[%swap3A, %swap3A_6] : memref<1264x128xf32, #tpu.memory_space<vmem>>, vector<1264x128xf32>
    tpu.vector_store %arg5[%swap3A, %swap3A_6], %dot_general3A_5 {strides = array<i32>} : memref<1264x128xf32, #tpu.memory_space<vmem>>, vector<1264x128xf32>,
    %get3A_8 = arith.constant 0 : index
    %get3A_9 = arith.constant 0 : index
    %get3A_10 = vector.load %arg3[%get3A_8, %get3A_9] : memref<128x128xf32, #tpu.memory_space<vmem>>, vector<128x128xf32>
    %dot_general3A_11 = arith.constant dense<0.000000e+00> : vector<1264x128xf32>
    %dot_general3A_12 = tpu.matmul %get3A_1, %get3A_10, %dot_general3A_11 {dimension_numbers = #tpu.dot_dimension_numbers<[1], [0], [0], [1], [0, 0, 1, 1], [], []>, transpose_lhs_hint = false} : vector<1264x128xf32>, vector<128x128xf32>, vector<1264x128xf32> -> vector<1264x128xf32>
    %swap3A_13 = arith.constant 0 : index
    %swap3A_14 = arith.constant 0 : index
    %swap3A_15 = vector.load %arg6[%swap3A_13, %swap3A_14] : memref<1264x128xf32, #tpu.memory_space<vmem>>, vector<1264x128xf32>
    tpu.vector_store %arg6[%swap3A_13, %swap3A_14], %dot_general3A_12 {strides = array<i32>} : memref<1264x128xf32, #tpu.memory_space<vmem>>, vector<1264x128xf32>,
    %get3A_16 = arith.constant 0 : index
    %get3A_17 = arith.constant 0 : index
    %get3A_18 = vector.load %arg4[%get3A_16, %get3A_17] : memref<128x128xf32, #tpu.memory_space<vmem>>, vector<128x128xf32>
    %dot_general3A_19 = arith.constant dense<0.000000e+00> : vector<1264x128xf32>
    %dot_general3A_20 = tpu.matmul %get3A_1, %get3A_18, %dot_general3A_19 {dimension_numbers = #tpu.dot_dimension_numbers<[1], [0], [0], [1], [0, 0, 1, 1], [], []>, transpose_lhs_hint = false} : vector<1264x128xf32>, vector<128x128xf32>, vector<1264x128xf32> -> vector<1264x128xf32>
    %swap3A_21 = arith.constant 0 : index
    %swap3A_22 = arith.constant 0 : index
    %swap3A_23 = vector.load %arg7[%swap3A_21, %swap3A_22] : memref<1264x128xf32, #tpu.memory_space<vmem>>, vector<1264x128xf32>
    tpu.vector_store %arg7[%swap3A_21, %swap3A_22], %dot_general3A_20 {strides = array<i32>} : memref<1264x128xf32, #tpu.memory_space<vmem>>, vector<1264x128xf32>,
    return
  }
  func.func @transform_0(%arg0: i32) -> (i32, i32) {
    %c0_i32 = arith.constant 0 : i32
    %c0_i32_0 = arith.constant 0 : i32
    return %arg0, %c0_i32 : i32, i32
  }
  func.func @transform_1(%arg0: i32) -> (i32, i32) {
    %c0_i32 = arith.constant 0 : i32
    %c0_i32_0 = arith.constant 0 : i32
    %c0_i32_1 = arith.constant 0 : i32
    return %c0_i32, %c0_i32_0 : i32, i32
  }
  func.func @transform_2(%arg0: i32) -> (i32, i32) {
    %c0_i32 = arith.constant 0 : i32
    %c0_i32_0 = arith.constant 0 : i32
    %c0_i32_1 = arith.constant 0 : i32
    return %c0_i32, %c0_i32_0 : i32, i32
  }
  func.func @transform_3(%arg0: i32) -> (i32, i32) {
    %c0_i32 = arith.constant 0 : i32
    %c0_i32_0 = arith.constant 0 : i32
    %c0_i32_1 = arith.constant 0 : i32
    return %c0_i32, %c0_i32_0 : i32, i32
  }
  func.func @transform_4(%arg0: i32) -> (i32, i32) {
    %c0_i32 = arith.constant 0 : i32
    %c0_i32_0 = arith.constant 0 : i32
    return %arg0, %c0_i32 : i32, i32
  }
  func.func @transform_5(%arg0: i32) -> (i32, i32) {
    %c0_i32 = arith.constant 0 : i32
    %c0_i32_0 = arith.constant 0 : i32
    return %arg0, %c0_i32 : i32, i32
  }
  func.func @transform_6(%arg0: i32) -> (i32, i32) {
    %c0_i32 = arith.constant 0 : i32
    %c0_i32_0 = arith.constant 0 : i32
    return %arg0, %c0_i32 : i32, i32
  }
}

module attributes {stable_mosaic.version = 14 : i64} {
  func.func @_finish_body(%arg0: i32, %arg1: memref<1264x128xf32, #tpu.memory_space<vmem>>, %arg2: memref<128x128xf32, #tpu.memory_space<vmem>>, %arg3: memref<1264x128xf32, #tpu.memory_space<vmem>>, %arg4: memref<1264x128xf32, #tpu.memory_space<vmem>>, %arg5: memref<1264x128xf32, #tpu.memory_space<vmem>>) attributes {dimension_semantics = [#tpu.dimension_semantics<arbitrary>], iteration_bounds = array<i64: 8>, scalar_prefetch = 0 : i64, scratch_operands = 0 : i64, tpu.core_type = #tpu.core_type<tc>, window_params = [{transform_indices = @transform_0, window_bounds = array<i64: 1264, 128>}, {pipeline_mode = #tpu.pipeline_mode<synchronous>, transform_indices = @transform_1, window_bounds = array<i64: 128, 128>}, {transform_indices = @transform_2, window_bounds = array<i64: 1264, 128>}, {transform_indices = @transform_3, window_bounds = array<i64: 1264, 128>}, {transform_indices = @transform_4, window_bounds = array<i64: 1264, 128>}]} {
    %get3A = arith.constant 0 : index
    %get3A_0 = arith.constant 0 : index
    %get3A_1 = vector.load %arg1[%get3A, %get3A_0] : memref<1264x128xf32, #tpu.memory_space<vmem>>, vector<1264x128xf32>
    %get3A_2 = arith.constant 0 : index
    %get3A_3 = arith.constant 0 : index
    %get3A_4 = vector.load %arg2[%get3A_2, %get3A_3] : memref<128x128xf32, #tpu.memory_space<vmem>>, vector<128x128xf32>
    %dot_general3A = arith.constant dense<0.000000e+00> : vector<1264x128xf32>
    %dot_general3A_5 = tpu.matmul %get3A_1, %get3A_4, %dot_general3A {dimension_numbers = #tpu.dot_dimension_numbers<[1], [0], [0], [1], [0, 0, 1, 1], [], []>, transpose_lhs_hint = false} : vector<1264x128xf32>, vector<128x128xf32>, vector<1264x128xf32> -> vector<1264x128xf32>
    %get3A_6 = arith.constant 0 : index
    %get3A_7 = arith.constant 0 : index
    %get3A_8 = vector.load %arg3[%get3A_6, %get3A_7] : memref<1264x128xf32, #tpu.memory_space<vmem>>, vector<1264x128xf32>
    %add3A = arith.addf %dot_general3A_5, %get3A_8 : vector<1264x128xf32>
    %get3A_9 = arith.constant 0 : index
    %get3A_10 = arith.constant 0 : index
    %get3A_11 = vector.load %arg4[%get3A_9, %get3A_10] : memref<1264x128xf32, #tpu.memory_space<vmem>>, vector<1264x128xf32>
    %add3A_12 = arith.addf %add3A, %get3A_11 : vector<1264x128xf32>
    %tanh3A = math.tanh %add3A_12 : vector<1264x128xf32>
    %swap3A = arith.constant 0 : index
    %swap3A_13 = arith.constant 0 : index
    %swap3A_14 = vector.load %arg5[%swap3A, %swap3A_13] : memref<1264x128xf32, #tpu.memory_space<vmem>>, vector<1264x128xf32>
    tpu.vector_store %arg5[%swap3A, %swap3A_13], %tanh3A {strides = array<i32>} : memref<1264x128xf32, #tpu.memory_space<vmem>>, vector<1264x128xf32>,
    return
  }
  func.func @transform_0(%arg0: i32) -> (i32, i32) {
    %c0_i32 = arith.constant 0 : i32
    %c0_i32_0 = arith.constant 0 : i32
    return %arg0, %c0_i32 : i32, i32
  }
  func.func @transform_1(%arg0: i32) -> (i32, i32) {
    %c0_i32 = arith.constant 0 : i32
    %c0_i32_0 = arith.constant 0 : i32
    %c0_i32_1 = arith.constant 0 : i32
    return %c0_i32, %c0_i32_0 : i32, i32
  }
  func.func @transform_2(%arg0: i32) -> (i32, i32) {
    %c0_i32 = arith.constant 0 : i32
    %c0_i32_0 = arith.constant 0 : i32
    return %arg0, %c0_i32 : i32, i32
  }
  func.func @transform_3(%arg0: i32) -> (i32, i32) {
    %c0_i32 = arith.constant 0 : i32
    %c0_i32_0 = arith.constant 0 : i32
    return %arg0, %c0_i32 : i32, i32
  }
  func.func @transform_4(%arg0: i32) -> (i32, i32) {
    %c0_i32 = arith.constant 0 : i32
    %c0_i32_0 = arith.constant 0 : i32
    return %arg0, %c0_i32 : i32, i32
  }
}

</mosaic_0001>

<sc_bundles>
// kernel: kernel.6.cloned.1.call-start
scs
__scs_entry_jumppad:
0x0: {  	(pc) =	sbr.rel $0x88, $3  }
0x1: {  	(tag) =	ssettag $0x0;
	lr =	simm.s32 $0x1  }
0x2: {  	[smem:$0x3F9A] =	sst lr;
	_ =	strace $0xD0000000  }
0x3: {  	_ = 	snop  }
0x4: {  	_ = 	snop  }
0x5: {  	_ = 	snop  }
0x6: {  	_ = 	snop  }
0x7: {  	_ = 	snop  }
__scs_overlays_trampoline_lowered:
0x8: {  	[smem:$0x3FA9] =	sst s0  }
0x9: {  	[smem:$0x3FAA] =	sst s1  }
0xa: {  	[smem:$0x3FAB] =	sst s2  }
0xb: {  	[smem:$0x3FAC] =	sst s3  }
0xc: {  	[smem:$0x3FAD] =	sst s4  }
0xd: {  	[smem:$0x3FAE] =	sst s5  }
0xe: {  	[smem:$0x3FAF] =	sst s6  }
0xf: {  	[smem:$0x3FB0] =	sst s7  }
0x10: {  	[smem:$0x3FB1] =	sst s8  }
0x11: {  	[smem:$0x3FB2] =	sst s9;
	s0 =	simm.s32 @!p0 $0x0  }
0x12: {  	s1 =	sld [smem:$0x3F98];
	s0 =	simm.s32 @p0 $0x1  }
0x13: {  	[smem:$0x3FB3] =	sst s0;
	s0 =	simm.s32 @!p1 $0x0  }
0x14: {  	s2 =	sld [smem:$0x3F97];
	s0 =	simm.s32 @p1 $0x1  }
0x15: {  	[smem:$0x3FB4] =	sst s0;
	s0 =	simm.s32 @!p2 $0x0  }
0x16: {  	s3 =	sld [smem:$0x3FDB];
	s0 =	simm.s32 @p2 $0x1  }
0x17: {  	s4 =	simm.s32 $0x1BF5;
	[smem:$0x3FB6] =	sst s0  }
0x18: {  	s0 =	sld [smem:$0x3F99];
	_ =	swait.ge [sflag:s4], $0x0  }
0x19: {  	s7 =	sld [smem:$0x3F9A]  }
0x1a: {  	s8 =	sadd.s32 $0xFFFFE003, lr  }
0x1b: {  	s9 =	sadd.s32 $0xFFFFFEF7, lr;
	s5 =	simm.s32 $0xFFFFFFFF;
	p2 =	slt.u32 s8, $0xFFFFF086  }
0x1c: {  	p1 =	slt.u32 s9, $0xF7A;
	s5 =	simm.s32 @!p2 $0x0  }
0x1d: {  	s5 =	simm.s32 @p1 $0x1;
	p0 =	seq.s32 s7, s2  }
0x1e: {  	s7 =	smul.u32 @!p0 $0xF7A, s2;
	p2 =	seq.s32 @!p0 s5, $0x0  }
0x1f: {  	s9 =	smul.u32 $0xF7A, s1;
	s8 =	simm.s32 @!p0 $0x1BF5;
	p2 =	por !p2, p0  }
0x20: {  	[sflag:s8] =	ssyncset.s32 @!p0 $0xFFFFF086;
	s6 =	sadd.s32 @!p0 s3, s7;
	s7 =	simm.s32 @!p0 $0x108  }
0x21: {  	s3 =	sadd.s32 s3, s9;
	s6 =	sadd.s32 @!p0 $0x88, s6;
	s7 =	simm.s32 @p2 $0x1082  }
0x22: {  	[simem:s7], [sflag:s8] =	dma.local @!p0 [hbm:s6], $0xF7A  }
0x23: {  	s9 =	sor.u32 $0xD0000000, s2;
	s6 =	simm.s32 $0x108;
	_ =	swait.ge @!p0 [sflag:s8], $0x0  }
0x24: {  	s3 =	sadd.s32 $0x88, s3;
	s6 =	simm.s32 @!p1 $0x1082;
	[sflag:s4] =	ssyncset.s32 $0xFFFFF086  }
0x25: {  	[simem:s6], [sflag:s4] =	dma.local [hbm:s3], $0xF7A  }
0x26: {  	[smem:$0x3F9A] =	sst s1;
	(tag) =	ssettag s2;
	_ =	strace s9  }
0x27: {  	s1 =	sld [smem:$0x3FAA]  }
0x28: {  	s2 =	sld [smem:$0x3FAB]  }
0x29: {  	s4 =	sld [smem:$0x3FAD]  }
0x2a: {  	p0 =	seq.s32 s5, $0x0;
	s5 =	sld [smem:$0x3FAE]  }
0x2b: {  	s6 =	sld [smem:$0x3FAF]  }
0x2c: {  	s7 =	sld [smem:$0x3FB0]  }
0x2d: {  	s3 =	simm.s32 $0x108;
	s8 =	sld [smem:$0x3FB1]  }
0x2e: {  	s3 =	simm.s32 @!p0 $0x1082;
	s9 =	sld [smem:$0x3FB2]  }
0x2f: {  	lr =	sadd.s32 s0, s3;
	s0 =	sld [smem:$0x3FA9]  }
0x30: {  	s3 =	sld [smem:$0x3FAC]  }
0x31: {  	[smem:$0x3FB5] =	sst s10  }
0x32: {  	s10 =	sld [smem:$0x3FB3];
	_ =	sdelay $0x3  }
0x33: {  	p0 =	seq.s32 s10, $0x1;
	s10 =	sld [smem:$0x3FB5];
	_ =	sdelay $0x3  }
0x34: {  	[smem:$0x3FB5] =	sst s10  }
0x35: {  	s10 =	sld [smem:$0x3FB4];
	_ =	sdelay $0x3  }
0x36: {  	p1 =	seq.s32 s10, $0x1;
	s10 =	sld [smem:$0x3FB5];
	_ =	sdelay $0x3  }
0x37: {  	[smem:$0x3FB5] =	sst s10  }
0x38: {  	s10 =	sld [smem:$0x3FB6]  }
0x39: {  	_ = 	snop;
	(pc) =	sbr.ind lr, $3  }
0x3a: {  	_ = 	snop  }
0x3b: {  	_ = 	snop  }
0x3c: {  	p2 =	seq.s32 s10, $0x1;
	s10 =	sld [smem:$0x3FB5]  }
0x3d: {  	_ =	shalt  }
0x3e: {  	_ =	shalt  }
0x3f: {  	_ =	shalt  }
0x40: {  	_ =	shalt  }
0x41: {  	_ =	shalt  }
0x42: {  	_ =	shalt  }
0x43: {  	_ =	shalt  }
0x44: {  	_ =	shalt  }
0x45: {  	_ =	shalt  }
0x46: {  	_ =	shalt  }
0x47: {  	_ =	shalt  }
0x48: {  	_ =	shalt  }
0x49: {  	_ =	shalt  }
0x4a: {  	_ =	shalt  }
0x4b: {  	_ =	shalt  }
0x4c: {  	_ =	shalt  }
0x4d: {  	_ =	shalt  }
0x4e: {  	_ =	shalt  }
0x4f: {  	_ =	shalt  }
0x50: {  	_ =	shalt  }
0x51: {  	_ =	shalt  }
0x52: {  	_ =	shalt  }
0x53: {  	_ =	shalt  }
0x54: {  	_ =	shalt  }
0x55: {  	_ =	shalt  }
0x56: {  	_ =	shalt  }
0x57: {  	_ =	shalt  }
0x58: {  	_ =	shalt  }
0x59: {  	_ =	shalt  }
0x5a: {  	_ =	shalt  }
0x5b: {  	_ =	shalt  }
0x5c: {  	_ =	shalt  }
0x5d: {  	_ =	shalt  }
0x5e: {  	_ =	shalt  }
0x5f: {  	_ =	shalt  }
0x60: {  	_ =	shalt  }
0x61: {  	_ =	shalt  }
0x62: {  	_ =	shalt  }
0x63: {  	_ =	shalt  }
0x64: {  	_ =	shalt  }
0x65: {  	_ =	shalt  }
0x66: {  	_ =	shalt  }
0x67: {  	_ =	shalt  }
0x68: {  	_ =	shalt  }
0x69: {  	_ =	shalt  }
0x6a: {  	_ =	shalt  }
0x6b: {  	_ =	shalt  }
0x6c: {  	_ =	shalt  }
0x6d: {  	_ =	shalt  }
0x6e: {  	_ =	shalt  }
0x6f: {  	_ =	shalt  }
0x70: {  	_ =	shalt  }
0x71: {  	_ =	shalt  }
0x72: {  	_ =	shalt  }
0x73: {  	_ =	shalt  }
0x74: {  	_ =	shalt  }
0x75: {  	_ =	shalt  }
0x76: {  	_ =	shalt  }
0x77: {  	_ =	shalt  }
0x78: {  	_ =	shalt  }
0x79: {  	_ =	shalt  }
0x7a: {  	_ =	shalt  }
0x7b: {  	_ =	shalt  }
0x7c: {  	_ =	shalt  }
0x7d: {  	_ =	shalt  }
0x7e: {  	_ =	shalt  }
0x7f: {  	_ =	shalt  }
0x80: {  	_ =	shalt  }
0x81: {  	_ =	shalt  }
0x82: {  	_ =	shalt  }
0x83: {  	_ =	shalt  }
0x84: {  	_ =	shalt  }
0x85: {  	_ =	shalt  }
0x86: {  	_ =	shalt  }
0x87: {  	_ =	shalt  }
.Lfunc_end0:
.L_simem_size_0:
called_computation_lowered:
.L_overlay_start_0:
0x88: {  	s2 =	sld [smem:$0x3FD9]  }
0x89: {  	s3 =	sld [smem:$0x3FFE];
	_ =	sdelay $0x1  }
0x8a: {  	s1 =	srdreg.scid  }
0x8b: {  	s0 =	sand.u32 $0x1, s1  }
0x8c: {  	s17 =	sshll.u32 s0, $0xA;
	s2 =	sadd.s32 s3, s2  }
0x8d: {  	s2 =	sadd.s32 s2, s17  }
0x8e: {  	[smem:$0x3FC1] =	sst s2  }
0x8f: {  	_ = 	snop  }
0x90: {  	s2 =	sld [smem:$0x3FD0];
	(tm) =	ssettm $0x1  }
0x91: {  	s18 =	sld [smem:$0x3FFB];
	_ =	sdelay $0x3  }
0x92: {  	_ =	strace s18  }
0x93: {  	s3 =	sld [smem:$0x3FFC];
	_ =	sdelay $0x3  }
0x94: {  	_ =	strace s3  }
0x95: {  	s3 =	sld [smem:$0x3FFD];
	_ =	sdelay $0x3  }
0x96: {  	_ =	strace s3  }
0x97: {  	_ =	strace $0x8FFFFFFF  }
0x98: {  	s19 =	sld [smem:$0x3FDB];
	_ =	sdelay $0x1  }
0x99: {  	s4 =	simm.s32 $_scs_section_size  }
0x9a: {  	s5 =	simm.s32 $_size__tile_overlayer_lowered;
	s6 =	simm.s32 $_tile_overlayer_lowered  }
0x9b: {  	s22 =	simm.s32 $0x1BFF;
	s21 =	sshll.u32 s6, $0x1;
	s3 =	sadd.s32 s4, s19  }
0x9c: {  	s7 =	simm.s32 $0x0;
	s20 =	sshll.u32 s5, $0x1;
	s5 =	sadd.s32 s21, s3  }
0x9d: {  	[timem:s7], [sflag:s22] =	dma.local [hbm:s5], s20  }
0x9e: {  	_ =	swait.ge [sflag:s22], s20  }
0x9f: {  	s4 =	ssub.s32 $0x0, s20;
	[sflag:s22] =	ssyncset.done $0x0  }
0xa0: {  	[sflag:s22] =	ssyncadd.s32 s4;
	_ =	sdelay $0x1  }
0xa1: {  	s23 =	simm.s32 $0x1B8B  }
0xa2: {  	_ =	swait.ge [sflag:s23], $0x1  }
0xa3: {  	[sflag:s23] =	ssyncset.done $0x0  }
0xa4: {  	s25 =	simm.s32 $0x1B8E;
	s24 =	sld [smem:$0x3FFE];
	[sflag:s23] =	ssyncadd.s32 $0xFFFFFFFF  }
0xa5: {  	s26 =	simm.s32 $execute0_lowered;
	[smem:$0x3FD2] =	sst s25  }
0xa6: {  	s5 =	sshll.u32 s26, $0x1;
	_ =	strace $0x80000046;
	[dreg:$0x1] =	wrdreg $0xFFFFFFFF  }
0xa7: {  	s28 =	simm.s32 $_size_execute0_lowered;
	s3 =	sadd.s32 s3, s5;
	[dreg:$0x0] =	wrdreg $0x0  }
0xa8: {  	s5 =	sshll.u32 s28, $0x1;
	[dreg:$0x2] =	wrdreg s3  }
0xa9: {  	[dreg:$0x3] =	wrdreg s5  }
0xaa: {  	[dreg:$0x4] =	wrdreg $0xC0  }
0xab: {  	_ =	task [dreg:s7], $0x5FFFF  }
0xac: {  	[dreg:$0x1] =	wrdreg $0xFFFFFFFF  }
0xad: {  	[dreg:$0x0] =	wrdreg $0x60  }
0xae: {  	[dreg:$0x2] =	wrdreg s24  }
0xaf: {  	[dreg:$0x3] =	wrdreg s2  }
0xb0: {  	[dreg:$0x4] =	wrdreg $0x89000  }
0xb1: {  	[dreg:$0x5] =	wrdreg $0x9  }
0xb2: {  	_ =	task.clear_ibuf [dreg:s7], $0x6FFFF;
	_ =	strace $0x90000046  }
0xb3: {  	s29 =	simm.s32 $0x9;
	_ =	strace $0x80000048  }
0xb4: {  	_ =	swait.ge [sflag:s29], $0x1  }
0xb5: {  	[sflag:s29] =	ssyncadd.s32 $0xFFFFFFFF  }
0xb6: {  	_ =	strace $0x90000048  }
0xb7: {  	_ =	sfence  }
0xb8: {  	s30 =	sld [smem:$0x0];
	_ =	sdelay $0x2  }
0xb9: {  	s31 =	sshll.u32 s1, $0xD;
	s1 =	sshrl.u32 s1, $0x2  }
0xba: {  	s3 =	sand.u32 $0x4000, s31;
	s1 =	sadd.s32 s1, s30  }
0xbb: {  	s0 =	sor.u32 s3, s0;
	s1 =	sshll.u32 s1, $0x11  }
0xbc: {  	s0 =	sor.u32 s1, s0  }
0xbd: {  	s0 =	sadd.s32 $0x8F2B, s0  }
0xbe: {  	[sflag:s0] =	ssyncadd.remote.s32 $0x1  }
0xbf: {  	_ =	sfence.sel $0xFFFF  }
0xc0: {  	[dreg:$0x0] =	wrdreg $0xFFFFFFFF;
	(pc) =	sbr.abs _section_cstart, $3  }
0xc1: {  	[dreg:$0x1] =	wrdreg $0xFFFFFFFF  }
0xc2: {  	_ =	task.clear_ibuf [dreg:s7], $0x2FFFF;
	_ =	strace $0x9FFFFFFF  }
0xc3: {  	(tm) =	ssettm $0x7FFFFFFF  }
tec
execute0_lowered:
.L_overlay_start_1:
0x0: {  	(tag) =	ssettag $0x1  }
0x1: {  	s0 =	rddreg [dreg:$0x0]  }
0x2: {  	s1 =	rddreg [dreg:$0x1]  }
0x3: {  	s3 =	rddreg [dreg:$0x2];
	s2 =	simm.s32 $0x0  }
0x4: {  	s14 =	stileid.u32;
	s18 =	srdreg.scid;
	s31 =	simm.s32 $0x100  }
0x5: {  	s28 =	simm.s32 $0x4;
	s29 =	simm.s32 $0x280;
	s30 =	simm.s32 $0x5  }
0x6: {  	[smem:$0x7FF] =	sst s2;
	s4 =	smul.u32 $0x13C00, s14;
	s2 =	sand.u32 $0x1, s18  }
0x7: {  	s5 =	sadd.s32 $0xF7800, s0;
	s6 =	sadd.s32 $0xA8800, s0;
	s7 =	sadd.s32 $0xD0000, s0  }
0x8: {  	s8 =	sadd.s32 $0x9EA00, s0;
	s9 =	sadd.s32 $0x1A00, s0;
	s19 =	smul.u32 $0x4F000, s14  }
0x9: {  	s12 =	sshll.u32 s14, $0x1;
	s23 =	sshll.u32 s14, $0x6;
	_ =	strace $0x80000047  }
0xa: {  	s10 =	smul.u32 $0x13C000, s2;
	s20 =	ssub.s32 $0x2, s2;
	s2 =	sor.u32 s2, s12  }
0xb: {  	s15 =	sor.u32 $0x1C07, s23;
	s11 =	sshrl.u32 s4, $0x3;
	s13 =	smul.u32 $0x2740, s2  }
0xc: {  	s21 =	sshrl.u32 s20, $0x1;
	s2 =	smul.u32 $0x4E80, s2;
	[dreg:$0x6] =	wrdreg s15  }
0xd: {  	s11 =	sadd.s32 s11, s0;
	s4 =	sadd.s32 s4, s10;
	s10 =	sshrl.u32 s19, $0x2  }
0xe: {  	s4 =	sshrl.u32 s4, $0x3;
	s10 =	sadd.s32 s10, s3;
	s22 =	sadd.s32 $0x11F000, s11  }
0xf: {  	s24 =	sshrl.u32 s13, $0x3;
	s26 =	sor.u32 $0x20, s13;
	s2 =	sadd.s32 s9, s2  }
0x10: {  	s17 =	sadd.s32 $0x40, s13;
	s0 =	sadd.s32 s4, s0;
	[dreg:$0x4] =	wrdreg s10  }
0x11: {  	s4 =	ssub.s32 s20, s21;
	[dreg:$0x5] =	wrdreg s22;
	s25 =	sadd.s32 s8, s24  }
0x12: {  	s11 =	sadd.s32 s1, s24;
	[dreg:$0x9] =	wrdreg s2;
	s12 =	sshrl.u32 s26, $0x3  }
0x13: {  	s10 =	sshll.u32 s26, $0x1;
	s18 =	sshrl.u32 s17, $0x3;
	s20 =	sshll.u32 s17, $0x1  }
0x14: {  	s21 =	sadd.s32 $0x60, s13;
	s13 =	simm.s32 $0x1;
	[dreg:$0x7] =	wrdreg s25  }
0x15: {  	[dreg:$0x8] =	wrdreg s11;
	s14 =	sadd.s32 s8, s12;
	s2 =	sadd.s32 s1, s12  }
0x16: {  	s16 =	sadd.s32 s9, s10;
	s19 =	sadd.s32 s8, s18;
	[dreg:$0xa] =	wrdreg s14  }
0x17: {  	s22 =	sadd.s32 s9, s20;
	s23 =	sshrl.u32 s21, $0x3;
	[dreg:$0xb] =	wrdreg s2  }
0x18: {  	s25 =	sshll.u32 s21, $0x1;
	s0 =	sadd.s32 $0x146800, s0;
	[dreg:$0xc] =	wrdreg s16  }
0x19: {  	s26 =	smax.u32 s4, $0x1;
	s11 =	simm.s32 $0x7;
	[dreg:$0xd] =	wrdreg s19  }
0x1a: {  	s10 =	simm.s32 $0x180;
	s12 =	simm.s32 $0x7700;
	[dreg:$0xf] =	wrdreg s22  }
0x1b: {  	s4 =	simm.s32 $0x6;
	s2 =	sadd.s32 s1, s18;
	[dreg:$0x13] =	wrdreg s0  }
0x1c: {  	s24 =	sadd.s32 s8, s23;
	[dreg:$0x14] =	wrdreg s26;
	s14 =	simm.s32 $0x20  }
0x1d: {  	s19 =	simm.s32 $0x2;
	s26 =	simm.s32 $0x6700;
	[dreg:$0xe] =	wrdreg s2  }
0x1e: {  	s16 =	simm.s32 $0x0;
	[dreg:$0x10] =	wrdreg s24;
	s2 =	sadd.s32 s1, s23  }
0x1f: {  	s24 =	simm.s32 $0x3;
	[dreg:$0x11] =	wrdreg s2;
	s2 =	sadd.s32 s9, s25  }
0x20: {  	s25 =	simm.s32 $0x300;
	[dreg:$0x12] =	wrdreg s2;
	s2 =	simm.s32 $0x80  }
.LBB2_1:
0x21: {  	[dreg:$0x15] =	wrdreg s16  }
0x22: {  	s0 =	rddreg [dreg:$0x4]  }
0x23: {  	s22 =	rddreg [dreg:$0x5];
	s20 =	sshrl.u32 s0, $0x3  }
0x24: {  	[dreg:$0x16] =	wrdreg s20  }
0x25: {  	[spmem:s20], [sflag:s15] =	dma.local [hbm:s22], $0x2780  }
0x26: {  	_ =	swait.ge [sflag:s11], $0x2780  }
0x27: {  	[sflag:s11] =	ssyncset.done $0x0  }
0x28: {  	[sflag:s11] =	ssyncadd.s32 $0xFFFFD880  }
0x29: {  	[bflag:$0x0] =	sbarrier.arrive $0xFFFF  }
0x2a: {  	s0 =	simm.s32 $0x0;
	s23 =	rddreg [dreg:$0x7]  }
0x2b: {  	[tilespmem:s0], [sflag:$0x1] =	stream.linear.gather [hbm4b:s23+s0], $0x20, $0x38;
	[tilespmem:$0x1C500] =	vst v63  }
0x2c: {  	s15 =	rddreg [dreg:$0x8]  }
0x2d: {  	[tilespmem:s31], [sflag:$0x1] =	stream.linear.gather [hbm4b:s15+s0], $0x20, $0x38;
	[tilespmem:$0x1C500] =	vst v63  }
0x2e: {  	s16 =	rddreg [dreg:$0x9];
	s15 =	simm.s32 $0x300  }
0x2f: {  	[tilespmem:s15], [sflag:$0x1] =	stream.linear.gather [hbm4b:s16+s0], $0x200, $0x38;
	[tilespmem:$0x1C500] =	vst v63  }
0x30: {  	s18 =	rddreg [dreg:$0xa]  }
0x31: {  	[tilespmem:s2], [sflag:$0x2] =	stream.linear.gather [hbm4b:s18+s0], $0x20, $0x38;
	[tilespmem:$0x1C500] =	vst v63  }
0x32: {  	s20 =	rddreg [dreg:$0xb]  }
0x33: {  	[tilespmem:s10], [sflag:$0x2] =	stream.linear.gather [hbm4b:s20+s0], $0x20, $0x38;
	[tilespmem:$0x1C500] =	vst v63  }
0x34: {  	s22 =	rddreg [dreg:$0xc];
	s23 =	simm.s32 $0x500  }
0x35: {  	[tilespmem:s23], [sflag:$0x2] =	stream.linear.gather [hbm4b:s22+s0], $0x200, $0x38;
	[tilespmem:$0x1C500] =	vst v63  }
0x36: {  	_ =	swait.ge [sflag:s13], $0x20  }
0x37: {  	[sflag:s13] =	ssyncset.done $0x0  }
0x38: {  	[sflag:s13] =	ssyncadd.s32 $0xFFFFFFE0  }
0x39: {  	_ =	swait.ge [sflag:s13], $0x20  }
0x3a: {  	[sflag:s13] =	ssyncset.done $0x0  }
0x3b: {  	[sflag:s13] =	ssyncadd.s32 $0xFFFFFFE0  }
0x3c: {  	_ =	swait.ge [sflag:s13], $0x200  }
0x3d: {  	[sflag:s13] =	ssyncset.done $0x0  }
0x3e: {  	s18 =	simm.s32 $0x700;
	[sflag:s13] =	ssyncadd.s32 $0xFFFFFE00  }
0x3f: {  	[tilespmem:s18], [sflag:$0x3] =	stream.indirect.gather [hbm4b:s5+s14], $0x80, s31, s14, $0xb8;
	[tilespmem:$0x1C500] =	vst v63  }
0x40: {  	s20 =	simm.s32 $0x2700  }
0x41: {  	[tilespmem:s20], [sflag:$0x3] =	stream.indirect.gather [hbm4b:s6+s14], $0x80, s0, s14, $0xb8;
	[tilespmem:$0x1C500] =	vst v63  }
0x42: {  	s22 =	simm.s32 $0x4700  }
0x43: {  	[tilespmem:s22], [sflag:$0x3] =	stream.indirect.gather [hbm4b:s7+s14], $0x80, s0, s14, $0xb8;
	[tilespmem:$0x1C500] =	vst v63  }
0x44: {  	_ =	swait.ge [sflag:s19], $0x20  }
0x45: {  	[sflag:s19] =	ssyncset.done $0x0  }
0x46: {  	[sflag:s19] =	ssyncadd.s32 $0xFFFFFFE0  }
0x47: {  	_ =	swait.ge [sflag:s19], $0x20  }
0x48: {  	[sflag:s19] =	ssyncset.done $0x0  }
0x49: {  	[sflag:s19] =	ssyncadd.s32 $0xFFFFFFE0  }
0x4a: {  	_ =	swait.ge [sflag:s19], $0x200  }
0x4b: {  	[sflag:s19] =	ssyncset.done $0x0  }
0x4c: {  	s23 =	simm.s32 $0x1700;
	[sflag:s19] =	ssyncadd.s32 $0xFFFFFE00  }
0x4d: {  	[tilespmem:s23], [sflag:$0x4] =	stream.indirect.gather [hbm4b:s5+s14], $0x80, s10, s14, $0xb8;
	[tilespmem:$0x1C500] =	vst v63  }
0x4e: {  	s16 =	simm.s32 $0x3700  }
0x4f: {  	[tilespmem:s16], [sflag:$0x4] =	stream.indirect.gather [hbm4b:s6+s14], $0x80, s2, s14, $0xb8;
	[tilespmem:$0x1C500] =	vst v63  }
0x50: {  	s18 =	simm.s32 $0x5700  }
0x51: {  	[tilespmem:s18], [sflag:$0x4] =	stream.indirect.gather [hbm4b:s7+s14], $0x80, s2, s14, $0xb8;
	[tilespmem:$0x1C500] =	vst v63  }
0x52: {  	_ =	swait.ge [sflag:s24], $0x1000  }
0x53: {  	[sflag:s24] =	ssyncset.done $0x0  }
0x54: {  	[sflag:s24] =	ssyncadd.s32 $0xFFFFF000  }
0x55: {  	_ =	swait.ge [sflag:s24], $0x1000  }
0x56: {  	[sflag:s24] =	ssyncset.done $0x0  }
0x57: {  	[sflag:s24] =	ssyncadd.s32 $0xFFFFF000  }
0x58: {  	_ =	swait.ge [sflag:s24], $0x1000  }
0x59: {  	[sflag:s24] =	ssyncset.done $0x0  }
0x5a: {  	[sflag:s24] =	ssyncadd.s32 $0xFFFFF000  }
0x5b: {  	v0 =	vld [tilespmem:$0x100]  }
0x5c: {  	v1 =	vld [tilespmem:$0x110]  }
0x5d: {  	v2 =	vld [tilespmem:$0x300]  }
0x5e: {  	v3 =	vld [tilespmem:$0x310]  }
0x5f: {  	v4 =	vld [tilespmem:$0x320]  }
0x60: {  	[tilespmem:$0x200] =	vst v0;
	v0 =	vld [tilespmem:$0x330]  }
0x61: {  	[tilespmem:$0x210] =	vst v1;
	v1 =	vld [tilespmem:$0x340]  }
0x62: {  	[tilespmem:$0x8700] =	vst v2;
	v2 =	vld [tilespmem:$0x350]  }
0x63: {  	[tilespmem:$0x8710] =	vst v3;
	v3 =	vld [tilespmem:$0x360]  }
0x64: {  	[tilespmem:$0x8720] =	vst v4;
	v4 =	vld [tilespmem:$0x370]  }
0x65: {  	[tilespmem:$0x8730] =	vst v0;
	v0 =	vld [tilespmem:$0x380]  }
0x66: {  	[tilespmem:$0x8740] =	vst v1;
	v1 =	vld [tilespmem:$0x390]  }
0x67: {  	[tilespmem:$0x8750] =	vst v2;
	v2 =	vld [tilespmem:$0x3A0]  }
0x68: {  	[tilespmem:$0x8760] =	vst v3;
	v3 =	vld [tilespmem:$0x3B0]  }
0x69: {  	[tilespmem:$0x8770] =	vst v4;
	v4 =	vld [tilespmem:$0x3C0]  }
0x6a: {  	[tilespmem:$0x8780] =	vst v0;
	v0 =	vld [tilespmem:$0x3D0]  }
0x6b: {  	[tilespmem:$0x8790] =	vst v1;
	v1 =	vld [tilespmem:$0x3E0]  }
0x6c: {  	[tilespmem:$0x87A0] =	vst v2;
	v2 =	vld [tilespmem:$0x3F0]  }
0x6d: {  	[tilespmem:$0x87B0] =	vst v3;
	v3 =	vld [tilespmem:$0x400]  }
0x6e: {  	[tilespmem:$0x87C0] =	vst v4;
	v4 =	vld [tilespmem:$0x410]  }
0x6f: {  	[tilespmem:$0x87D0] =	vst v0;
	v0 =	vld [tilespmem:$0x420]  }
0x70: {  	[tilespmem:$0x87E0] =	vst v1;
	v1 =	vld [tilespmem:$0x430]  }
0x71: {  	[tilespmem:$0x87F0] =	vst v2;
	v2 =	vld [tilespmem:$0x440]  }
0x72: {  	[tilespmem:$0x8800] =	vst v3;
	v3 =	vld [tilespmem:$0x450]  }
0x73: {  	[tilespmem:$0x8810] =	vst v4;
	v4 =	vld [tilespmem:$0x460]  }
0x74: {  	[tilespmem:$0x8820] =	vst v0;
	v0 =	vld [tilespmem:$0x470]  }
0x75: {  	[tilespmem:$0x8830] =	vst v1;
	v1 =	vld [tilespmem:$0x480]  }
0x76: {  	[tilespmem:$0x8840] =	vst v2;
	v2 =	vld [tilespmem:$0x490]  }
0x77: {  	[tilespmem:$0x8850] =	vst v3;
	v3 =	vld [tilespmem:$0x4A0]  }
0x78: {  	[tilespmem:$0x8860] =	vst v4;
	v4 =	vld [tilespmem:$0x4B0]  }
0x79: {  	[tilespmem:$0x8870] =	vst v0;
	v0 =	vld [tilespmem:$0x4C0]  }
0x7a: {  	[tilespmem:$0x8880] =	vst v1;
	v1 =	vld [tilespmem:$0x4D0]  }
0x7b: {  	[tilespmem:$0x8890] =	vst v2;
	v2 =	vld [tilespmem:$0x4E0]  }
0x7c: {  	[tilespmem:$0x88A0] =	vst v3;
	v3 =	vld [tilespmem:$0x4F0]  }
0x7d: {  	[tilespmem:$0x88B0] =	vst v4  }
0x7e: {  	[tilespmem:$0x88C0] =	vst v0  }
0x7f: {  	[tilespmem:$0x88D0] =	vst v1  }
0x80: {  	[tilespmem:$0x88E0] =	vst v2  }
0x81: {  	s20 =	rddreg [dreg:$0xd];
	[tilespmem:$0x88F0] =	vst v3  }
0x82: {  	[tilespmem:s0], [sflag:$0x1] =	stream.linear.gather [hbm4b:s20+s0], $0x20, $0x38;
	[tilespmem:$0x1C500] =	vst v63  }
0x83: {  	s22 =	rddreg [dreg:$0xe]  }
0x84: {  	[tilespmem:s31], [sflag:$0x1] =	stream.linear.gather [hbm4b:s22+s0], $0x20, $0x38;
	[tilespmem:$0x1C500] =	vst v63  }
0x85: {  	s23 =	rddreg [dreg:$0xf]  }
0x86: {  	[tilespmem:s15], [sflag:$0x1] =	stream.linear.gather [hbm4b:s23+s0], $0x200, $0x38;
	[tilespmem:$0x1C500] =	vst v63  }
0x87: {  	s0 =	simm.s32 $0x0  }
0x88: {  	v0 =	vld [tilespmem:s0+$0x740]  }
0x89: {  	v1 =	vld [tilespmem:s0+$0x2730]  }
0x8a: {  	v2 =	vld [tilespmem:s0+$0x730]  }
0x8b: {  	v3 =	vld [tilespmem:s0+$0x2710]  }
0x8c: {  	v4 =	vld [tilespmem:s0+$0x710]  }
0x8d: {  	v5 =	vld [tilespmem:s0+$0x770]  }
0x8e: {  	v6 =	vld [tilespmem:s0+$0x2770]  }
0x8f: {  	v7 =	vld [tilespmem:s0+$0x2760]  }
0x90: {  	v9 =	vld [tilespmem:s0+$0x750]  }
0x91: {  	v10 =	vld [tilespmem:s0+$0x2750]  }
0x92: {  	v8 =	vld [tilespmem:s0+$0x2740]  }
0x93: {  	v11 =	vld [tilespmem:s0+$0x760]  }
0x94: {  	v3 =	vadd.f32 v3, v4;
	v1 =	vadd.f32 v1, v2;
	v2 =	vld [tilespmem:s0+$0x700]  }
0x95: {  	v4 =	vadd.f32 v6, v5;
	v5 =	vld [tilespmem:s0+$0x2700]  }
0x96: {  	v6 =	vadd.f32 v10, v9;
	v3 =	vsub.f32 $0.0e+00, v3  }
0x97: {  	v1 =	vsub.f32 $0.0e+00, v1;
	v4 =	vsub.f32 $0.0e+00, v4  }
0x98: {  	v0 =	vadd.f32 v8, v0;
	v7 =	vadd.f32 v7, v11;
	v3 =	vmul.f32 $1.442695020e+00, v3  }
0x99: {  	v8 =	vld [tilespmem:s0+$0x720];
	v6 =	vsub.f32 $0.0e+00, v6;
	v1 =	vmul.f32 $1.442695020e+00, v1;
	v4 =	vmul.f32 $1.442695020e+00, v4  }
0x9a: {  	v9 =	vld [tilespmem:s0+$0x2720];
	v2 =	vadd.f32 v5, v2;
	(erf) = vpow2.f32 v3;
	v3 =	vsub.f32 $0.0e+00, v7  }
0x9b: {  	s11 =	simm.s32 $0x80;
	v6 =	vmul.f32 $1.442695020e+00, v6;
	v5 =	vsub.f32 $0.0e+00, v0;
	(erf) = vpow2.f32 v1  }
0x9c: {  	v15 =	vld [tilespmem:s11+$0x750];
	v1 =	vsub.f32 $0.0e+00, v2;
	v2 =	vmul.f32 $1.442695020e+00, v3;
	(erf) = vpow2.f32 v4  }
0x9d: {  	v19 =	vld [tilespmem:s0+$0x4750];
	v3 =	vmul.f32 $1.442695020e+00, v5;
	(erf) = vpow2.f32 v6  }
0x9e: {  	v11 =	vld [tilespmem:s11+$0x770];
	v1 =	vmul.f32 $1.442695020e+00, v1;
	(erf) = vpow2.f32 v2  }
0x9f: {  	v7 =	vld [tilespmem:s11+$0x720];
	v2 =	vadd.f32 v9, v8;
	(erf) = vpow2.f32 v3  }
0xa0: {  	v9 =	vld [tilespmem:s11+$0x710];
	(erf) = vpow2.f32 v1  }
0xa1: {  	v1 =	vsub.f32 $0.0e+00, v2;
	v2 =	vld [tilespmem:s11+$0x2710]  }
0xa2: {  	v6 =	vld [tilespmem:s11+$0x2730]  }
0xa3: {  	v3 =	vld [tilespmem:s11+$0x730];
	v1 =	vmul.f32 $1.442695020e+00, v1;
	v8 =	vpop (erf)  }
0xa4: {  	v5 =	vld [tilespmem:s11+$0x740];
	v8 =	vadd.f32 $1.000000000e+00, v8;
	v10 =	vpop (erf)  }
0xa5: {  	(erf) = vpow2.f32 v1;
	v1 =	vadd.f32 $1.000000000e+00, v10;
	v10 =	vld [tilespmem:s11+$0x2770];
	v12 =	vpop (erf)  }
0xa6: {  	v2 =	vadd.f32 v2, v9;
	v9 =	vld [tilespmem:s11+$0x760];
	(erf) = vrcp.f32 v8;
	v12 =	vadd.f32 $1.000000000e+00, v12;
	v13 =	vpop (erf)  }
0xa7: {  	(erf) = vrcp.f32 v1;
	v1 =	vld [tilespmem:s11+$0x2740];
	v13 =	vadd.f32 $1.000000000e+00, v13;
	v14 =	vpop (erf)  }
0xa8: {  	v3 =	vadd.f32 v6, v3;
	v8 =	vld [tilespmem:s11+$0x2760];
	v14 =	vadd.f32 $1.000000000e+00, v14;
	v16 =	vpop (erf);
	(erf) = vrcp.f32 v12  }
0xa9: {  	v12 =	vld [tilespmem:s11+$0x2750];
	v16 =	vadd.f32 $1.000000000e+00, v16;
	v17 =	vpop (erf);
	(erf) = vrcp.f32 v13  }
0xaa: {  	v3 =	vsub.f32 $0.0e+00, v3;
	v13 =	vadd.f32 $1.000000000e+00, v17;
	(erf) = vrcp.f32 v14;
	v14 =	vld [tilespmem:s11+$0x700]  }
0xab: {  	v2 =	vsub.f32 $0.0e+00, v2;
	v6 =	vadd.f32 v10, v11;
	v11 =	vld [tilespmem:s11+$0x2700];
	(erf) = vrcp.f32 v16  }
0xac: {  	(erf) = vrcp.f32 v13;
	v1 =	vadd.f32 v1, v5;
	v13 =	vld [tilespmem:s11+$0x2720]  }
0xad: {  	v4 =	vld [tilespmem:s0+$0x4710];
	v10 =	vmul.f32 $1.442695020e+00, v2;
	v6 =	vsub.f32 $0.0e+00, v6  }
0xae: {  	v21 =	vld [tilespmem:s0+$0x4740];
	v16 =	vmul.f32 $1.442695020e+00, v3;
	v5 =	vpop (erf);
	v1 =	vsub.f32 $0.0e+00, v1  }
0xaf: {  	v0 =	vld [tilespmem:s0+$0x4700];
	v8 =	vadd.f32 v8, v9;
	v12 =	vadd.f32 v12, v15;
	(erf) = vpow2.f32 v10;
	v3 =	vpop (erf)  }
0xb0: {  	v2 =	vld [tilespmem:s11+$0x4700];
	v18 =	vadd.f32 $1.000000000e+00, v5;
	v20 =	vmul.f32 $1.442695020e+00, v6;
	v11 =	vadd.f32 v11, v14;
	v5 =	vpop (erf)  }
0xb1: {  	v10 =	vld [tilespmem:s0+$0x4760];
	v9 =	vsub.f32 $0.0e+00, v12;
	(erf) = vpow2.f32 v16;
	v6 =	vpop (erf);
	v13 =	vadd.f32 v13, v7  }
0xb2: {  	v12 =	vsub.f32 $0.0e+00, v8;
	v3 =	vmul.f32 v3, v4;
	v8 =	vmul.f32 $1.442695020e+00, v1;
	v4 =	vld [tilespmem:s0+$0x4720];
	v1 =	vpop (erf)  }
0xb3: {  	(erf) = vrcp.f32 v18;
	v15 =	vmul.f32 $1.442695020e+00, v9;
	v9 =	vld [tilespmem:s0+$0x4730];
	v17 =	vpop (erf)  }
0xb4: {  	v14 =	vmul.f32 $1.442695020e+00, v12;
	v16 =	vsub.f32 $0.0e+00, v11;
	v12 =	vld [tilespmem:s0+$0x4770];
	(erf) = vpow2.f32 v20;
	v11 =	vpop (erf)  }
0xb5: {  	s20 =	simm.s32 $0x400;
	s15 =	simm.s32 $0x8700;
	v7 =	vmul.f32 v1, v19;
	v18 =	vsub.f32 $0.0e+00, v13;
	v1 =	vld [tilespmem:s11+$0x4710];
	v11 =	vmul.f32 v11, v21;
	v13 =	vpop (erf)  }
.LBB2_2:
0xb6: {  	s16 =	smov.u32 s20  }
0xb7: {  	s18 =	sshra.s32 s20, $0x2;
	(erf) = vpow2.f32 v15;
	v15 =	vld [tilespmem:s15+$0x0];
	v10 =	vmul.f32 v17, v10;
	s15 =	sadd.s32 $0x10, s15;
	s16 =	sadd.s32 $0x200, s20  }
0xb8: {  	p0 =	sne.s32 s20, $0x3E00;
	v19 =	vmul.f32 $1.442695020e+00, v16;
	v17 =	vld [tilespmem:s18+$0x740];
	(erf) = vpow2.f32 v14  }
0xb9: {  	v18 =	vmul.f32 $1.442695020e+00, v18;
	v14 =	vld [tilespmem:s18+$0x2730];
	(erf) = vpow2.f32 v8  }
0xba: {  	v6 =	vmul.f32 v6, v12;
	v8 =	vld [tilespmem:s18+$0x730];
	(erf) = vpow2.f32 v19;
	v16 =	vpop (erf)  }
0xbb: {  	v5 =	vmul.f32 v5, v9;
	v12 =	vld [tilespmem:s18+$0x720];
	v16 =	vadd.f32 $1.000000000e+00, v16;
	(erf) = vpow2.f32 v18  }
0xbc: {  	v13 =	vmul.f32 v13, v0;
	v0 =	vmov v2;
	v7 =	vmul.f32 v7, v15;
	v9 =	vld [tilespmem:s18+$0x2710]  }
0xbd: {  	v5 =	vmul.f32 v5, v15;
	v11 =	vmul.f32 v11, v15;
	v2 =	vld [tilespmem:s18+$0x710];
	v18 =	vpop (erf)  }
0xbe: {  	v13 =	vmul.f32 v13, v15;
	v6 =	vmul.f32 v6, v15;
	v19 =	vld [tilespmem:s18+$0x770];
	v22 =	vadd.f32 $1.000000000e+00, v18;
	v20 =	vpop (erf)  }
0xbf: {  	v21 =	vld [tilespmem:s18+$0x2770];
	(erf) = vrcp.f32 v16;
	v16 =	vpop (erf);
	v4 =	vmul.f32 v20, v4;
	[tilespmem:s0+$0x6730] =	vst v5  }
0xc0: {  	v10 =	vmul.f32 v10, v15;
	v5 =	vld [tilespmem:s18+$0x2760];
	v23 =	vadd.f32 $1.000000000e+00, v16;
	(erf) = vrcp.f32 v22;
	v18 =	vpop (erf);
	[tilespmem:s0+$0x6740] =	vst v11  }
0xc1: {  	v3 =	vmul.f32 v3, v15;
	v11 =	vld [tilespmem:s18+$0x2740];
	v18 =	vadd.f32 $1.000000000e+00, v18;
	v20 =	vpop (erf);
	v4 =	vmul.f32 v4, v15;
	[tilespmem:s0+$0x6750] =	vst v7  }
0xc2: {  	v2 =	vadd.f32 v9, v2;
	v7 =	vld [tilespmem:s18+$0x750];
	v9 =	vadd.f32 $1.000000000e+00, v20;
	v15 =	vpop (erf);
	(erf) = vrcp.f32 v23;
	[tilespmem:s0+$0x6700] =	vst v13  }
0xc3: {  	v13 =	vld [tilespmem:s18+$0x2750];
	v15 =	vadd.f32 $1.000000000e+00, v15;
	v16 =	vpop (erf);
	(erf) = vrcp.f32 v18;
	[tilespmem:s0+$0x6760] =	vst v10  }
0xc4: {  	v8 =	vadd.f32 v14, v8;
	v10 =	vld [tilespmem:s18+$0x760];
	v14 =	vadd.f32 $1.000000000e+00, v16;
	v16 =	vpop (erf);
	(erf) = vrcp.f32 v9;
	[tilespmem:s0+$0x6720] =	vst v4  }
0xc5: {  	v2 =	vsub.f32 $0.0e+00, v2;
	v9 =	vadd.f32 v21, v19;
	v4 =	vld [tilespmem:s18+$0x700];
	(erf) = vrcp.f32 v15;
	[tilespmem:s0+$0x6710] =	vst v3  }
0xc6: {  	v3 =	vsub.f32 $0.0e+00, v8;
	v15 =	vld [tilespmem:s18+$0x2700];
	v8 =	vadd.f32 v11, v17;
	(erf) = vrcp.f32 v14;
	[tilespmem:s0+$0x6770] =	vst v6;
	s0 =	smov.u32 s11;
	s11 =	smov.u32 s18  }
0xc7: {  	v6 =	vmul.f32 $1.442695020e+00, v2;
	v9 =	vsub.f32 $0.0e+00, v9;
	v11 =	vld [tilespmem:s11+$0x2720]  }
0xc8: {  	v17 =	vmul.f32 $1.442695020e+00, v3;
	v2 =	vld [tilespmem:s11+$0x4700];
	v3 =	vadd.f32 v13, v7;
	v13 =	vadd.f32 $1.000000000e+00, v16;
	v7 =	vpop (erf)  }
0xc9: {  	v8 =	vsub.f32 $0.0e+00, v8;
	v19 =	vmul.f32 $1.442695020e+00, v9;
	v10 =	vadd.f32 v5, v10;
	v20 =	vld [tilespmem:s0+$0x4750];
	v5 =	vpop (erf)  }
0xca: {  	v9 =	vsub.f32 $0.0e+00, v3;
	(erf) = vpow2.f32 v6;
	v3 =	vmul.f32 v7, v1;
	v21 =	vld [tilespmem:s0+$0x4740]  }
.Ltmp0:
0xcb: {  	v1 =	vadd.f32 v15, v4;
	v7 =	vsub.f32 $0.0e+00, v10;
	v10 =	vld [tilespmem:s0+$0x4760];
	v6 =	vpop (erf);
	(pc) =	sbr.rel @p0 .LBB2_2-.Ltmp0, $4  }
0xcc: {  	v8 =	vmul.f32 $1.442695020e+00, v8;
	v22 =	vadd.f32 v11, v12;
	v15 =	vmul.f32 $1.442695020e+00, v9;
	v4 =	vld [tilespmem:s0+$0x4720];
	v12 =	vpop (erf)  }
0xcd: {  	v16 =	vsub.f32 $0.0e+00, v1;
	v14 =	vmul.f32 $1.442695020e+00, v7;
	(erf) = vpow2.f32 v17;
	v9 =	vld [tilespmem:s0+$0x4730];
	v17 =	vpop (erf)  }
0xce: {  	v18 =	vsub.f32 $0.0e+00, v22;
	v7 =	vmul.f32 v12, v20;
	v12 =	vld [tilespmem:s0+$0x4770];
	(erf) = vrcp.f32 v13;
	v11 =	vpop (erf)  }
0xcf: {  	s20 =	smov.u32 s16;
	v1 =	vld [tilespmem:s11+$0x4710];
	(erf) = vpow2.f32 v19;
	v11 =	vmul.f32 v11, v21;
	v13 =	vpop (erf)  }
0xd0: {  	(erf) = vpow2.f32 v15;
	v15 =	vmul.f32 $1.442695020e+00, v16  }
0xd1: {  	(erf) = vpow2.f32 v14  }
0xd2: {  	(erf) = vpow2.f32 v8;
	v8 =	vmul.f32 $1.442695020e+00, v18  }
0xd3: {  	v14 =	vld [tilespmem:s15+$0x0]  }
0xd4: {  	(erf) = vpow2.f32 v15;
	v15 =	vpop (erf)  }
0xd5: {  	v5 =	vmul.f32 v5, v9;
	v9 =	vadd.f32 $1.000000000e+00, v15  }
0xd6: {  	v10 =	vmul.f32 v17, v10;
	(erf) = vpow2.f32 v8;
	v8 =	vpop (erf)  }
0xd7: {  	v0 =	vmul.f32 v13, v0;
	v6 =	vmul.f32 v6, v12;
	v12 =	vpop (erf)  }
0xd8: {  	v5 =	vmul.f32 v5, v14;
	v7 =	vmul.f32 v7, v14;
	v8 =	vadd.f32 $1.000000000e+00, v8;
	v13 =	vpop (erf)  }
0xd9: {  	v0 =	vmul.f32 v0, v14;
	(erf) = vrcp.f32 v9;
	v9 =	vpop (erf)  }
0xda: {  	[tilespmem:s0+$0x6730] =	vst v5;
	v5 =	vadd.f32 $1.000000000e+00, v13;
	(erf) = vrcp.f32 v8;
	v8 =	vadd.f32 $1.000000000e+00, v9;
	v9 =	vpop (erf)  }
0xdb: {  	v11 =	vmul.f32 v11, v14;
	[tilespmem:s0+$0x6750] =	vst v7;
	v7 =	vadd.f32 $1.000000000e+00, v9;
	v9 =	vpop (erf)  }
0xdc: {  	v10 =	vmul.f32 v10, v14;
	v3 =	vmul.f32 v3, v14;
	[tilespmem:s0+$0x6700] =	vst v0;
	v0 =	vadd.f32 $1.000000000e+00, v9  }
0xdd: {  	v4 =	vmul.f32 v12, v4;
	[tilespmem:s0+$0x6740] =	vst v11;
	(erf) = vrcp.f32 v5  }
0xde: {  	v6 =	vmul.f32 v6, v14;
	[tilespmem:s0+$0x6760] =	vst v10;
	(erf) = vrcp.f32 v8;
	v5 =	vpop (erf)  }
0xdf: {  	[tilespmem:s0+$0x6710] =	vst v3;
	v4 =	vmul.f32 v4, v14;
	(erf) = vrcp.f32 v7;
	v5 =	vadd.f32 $1.000000000e+00, v5  }
0xe0: {  	[tilespmem:s0+$0x6770] =	vst v6;
	(erf) = vrcp.f32 v0;
	v0 =	vpop (erf)  }
0xe1: {  	[tilespmem:s0+$0x6720] =	vst v4;
	(erf) = vrcp.f32 v5;
	v0 =	vadd.f32 $1.000000000e+00, v0  }
0xe2: {  	v3 =	vld [tilespmem:s11+$0x4750]  }
0xe3: {  	v5 =	vld [tilespmem:s11+$0x4730];
	(erf) = vrcp.f32 v0  }
0xe4: {  	s22 =	sadd.s32 $0x10, s15;
	v6 =	vld [tilespmem:s11+$0x4740];
	v4 =	vpop (erf)  }
0xe5: {  	v8 =	vld [tilespmem:s22+$0x0];
	v0 =	vpop (erf)  }
0xe6: {  	v7 =	vpop (erf)  }
0xe7: {  	v10 =	vld [tilespmem:s11+$0x4760];
	v9 =	vpop (erf)  }
0xe8: {  	v12 =	vld [tilespmem:s11+$0x4720];
	v0 =	vmul.f32 v0, v5;
	v11 =	vpop (erf)  }
0xe9: {  	v3 =	vmul.f32 v9, v3;
	v13 =	vpop (erf)  }
0xea: {  	v0 =	vmul.f32 v0, v8;
	v5 =	vmul.f32 v13, v6;
	v6 =	vld [tilespmem:s11+$0x4770];
	v9 =	vpop (erf)  }
0xeb: {  	v3 =	vmul.f32 v3, v8;
	v2 =	vmul.f32 v9, v2  }
0xec: {  	[tilespmem:s11+$0x6730] =	vst v0;
	v9 =	vmul.f32 v11, v10;
	v5 =	vmul.f32 v5, v8;
	v10 =	vpop (erf)  }
0xed: {  	[tilespmem:s11+$0x6750] =	vst v3;
	v0 =	vmul.f32 v2, v8;
	v2 =	vmul.f32 v10, v12  }
0xee: {  	v1 =	vmul.f32 v4, v1;
	v4 =	vmul.f32 v9, v8;
	[tilespmem:s11+$0x6740] =	vst v5  }
0xef: {  	v3 =	vmul.f32 v7, v6;
	v2 =	vmul.f32 v2, v8;
	[tilespmem:s11+$0x6700] =	vst v0  }
0xf0: {  	v0 =	vmul.f32 v1, v8;
	[tilespmem:s11+$0x6760] =	vst v4  }
0xf1: {  	v1 =	vmul.f32 v3, v8;
	[tilespmem:s11+$0x6720] =	vst v2  }
0xf2: {  	[tilespmem:s11+$0x6710] =	vst v0  }
0xf3: {  	s23 =	simm.s32 $0x200;
	[tilespmem:s11+$0x6770] =	vst v1  }
0xf4: {  	[spmem:s3] =	stream.indirect.scatter.add.f32 [tilespmem:s26], [sflag:$0x5], $0x80, s23, s14, $0xb8;
	[tilespmem:$0x1C500] =	vst v63  }
0xf5: {  	_ =	swait.ge [sflag:s13], $0x20  }
0xf6: {  	[sflag:s13] =	ssyncset.done $0x0  }
0xf7: {  	[sflag:s13] =	ssyncadd.s32 $0xFFFFFFE0  }
0xf8: {  	_ =	swait.ge [sflag:s13], $0x20  }
0xf9: {  	[sflag:s13] =	ssyncset.done $0x0  }
0xfa: {  	[sflag:s13] =	ssyncadd.s32 $0xFFFFFFE0  }
0xfb: {  	_ =	swait.ge [sflag:s13], $0x200  }
0xfc: {  	[sflag:s13] =	ssyncset.done $0x0  }
0xfd: {  	s11 =	simm.s32 $0x700;
	[sflag:s13] =	ssyncadd.s32 $0xFFFFFE00  }
0xfe: {  	[tilespmem:s11], [sflag:$0x3] =	stream.indirect.gather [hbm4b:s5+s14], $0x80, s31, s14, $0xb8;
	[tilespmem:$0x1C500] =	vst v63  }
0xff: {  	s15 =	simm.s32 $0x2700;
	s0 =	simm.s32 $0x0  }
0x100: {  	[tilespmem:s15], [sflag:$0x3] =	stream.indirect.gather [hbm4b:s6+s14], $0x80, s0, s14, $0xb8;
	[tilespmem:$0x1C500] =	vst v63  }
0x101: {  	s16 =	simm.s32 $0x4700  }
0x102: {  	[tilespmem:s16], [sflag:$0x3] =	stream.indirect.gather [hbm4b:s7+s14], $0x80, s0, s14, $0xb8;
	[tilespmem:$0x1C500] =	vst v63  }
0x103: {  	_ =	swait.ge [sflag:s28], $0x1000  }
0x104: {  	[sflag:s28] =	ssyncset.done $0x0  }
0x105: {  	[sflag:s28] =	ssyncadd.s32 $0xFFFFF000  }
0x106: {  	_ =	swait.ge [sflag:s28], $0x1000  }
0x107: {  	[sflag:s28] =	ssyncset.done $0x0  }
0x108: {  	[sflag:s28] =	ssyncadd.s32 $0xFFFFF000  }
0x109: {  	_ =	swait.ge [sflag:s28], $0x1000  }
0x10a: {  	[sflag:s28] =	ssyncset.done $0x0  }
0x10b: {  	[sflag:s28] =	ssyncadd.s32 $0xFFFFF000  }
0x10c: {  	v0 =	vld [tilespmem:$0x180]  }
0x10d: {  	v1 =	vld [tilespmem:$0x190]  }
0x10e: {  	v2 =	vld [tilespmem:$0x500]  }
0x10f: {  	v3 =	vld [tilespmem:$0x510]  }
0x110: {  	v4 =	vld [tilespmem:$0x520]  }
0x111: {  	[tilespmem:$0x280] =	vst v0;
	v0 =	vld [tilespmem:$0x530]  }
0x112: {  	[tilespmem:$0x290] =	vst v1;
	v1 =	vld [tilespmem:$0x540]  }
0x113: {  	[tilespmem:$0x8700] =	vst v2;
	v2 =	vld [tilespmem:$0x550]  }
0x114: {  	[tilespmem:$0x8710] =	vst v3;
	v3 =	vld [tilespmem:$0x560]  }
0x115: {  	[tilespmem:$0x8720] =	vst v4;
	v4 =	vld [tilespmem:$0x570]  }
0x116: {  	[tilespmem:$0x8730] =	vst v0;
	v0 =	vld [tilespmem:$0x580]  }
0x117: {  	[tilespmem:$0x8740] =	vst v1;
	v1 =	vld [tilespmem:$0x590]  }
0x118: {  	[tilespmem:$0x8750] =	vst v2;
	v2 =	vld [tilespmem:$0x5A0]  }
0x119: {  	[tilespmem:$0x8760] =	vst v3;
	v3 =	vld [tilespmem:$0x5B0]  }
0x11a: {  	[tilespmem:$0x8770] =	vst v4;
	v4 =	vld [tilespmem:$0x5C0]  }
0x11b: {  	[tilespmem:$0x8780] =	vst v0;
	v0 =	vld [tilespmem:$0x5D0]  }
0x11c: {  	[tilespmem:$0x8790] =	vst v1;
	v1 =	vld [tilespmem:$0x5E0]  }
0x11d: {  	[tilespmem:$0x87A0] =	vst v2;
	v2 =	vld [tilespmem:$0x5F0]  }
0x11e: {  	[tilespmem:$0x87B0] =	vst v3;
	v3 =	vld [tilespmem:$0x600]  }
0x11f: {  	[tilespmem:$0x87C0] =	vst v4;
	v4 =	vld [tilespmem:$0x610]  }
0x120: {  	[tilespmem:$0x87D0] =	vst v0;
	v0 =	vld [tilespmem:$0x620]  }
0x121: {  	[tilespmem:$0x87E0] =	vst v1;
	v1 =	vld [tilespmem:$0x630]  }
0x122: {  	[tilespmem:$0x87F0] =	vst v2;
	v2 =	vld [tilespmem:$0x640]  }
0x123: {  	[tilespmem:$0x8800] =	vst v3;
	v3 =	vld [tilespmem:$0x650]  }
0x124: {  	[tilespmem:$0x8810] =	vst v4;
	v4 =	vld [tilespmem:$0x660]  }
0x125: {  	[tilespmem:$0x8820] =	vst v0;
	v0 =	vld [tilespmem:$0x670]  }
0x126: {  	[tilespmem:$0x8830] =	vst v1;
	v1 =	vld [tilespmem:$0x680]  }
0x127: {  	[tilespmem:$0x8840] =	vst v2;
	v2 =	vld [tilespmem:$0x690]  }
0x128: {  	[tilespmem:$0x8850] =	vst v3;
	v3 =	vld [tilespmem:$0x6A0]  }
0x129: {  	[tilespmem:$0x8860] =	vst v4;
	v4 =	vld [tilespmem:$0x6B0]  }
0x12a: {  	[tilespmem:$0x8870] =	vst v0;
	v0 =	vld [tilespmem:$0x6C0]  }
0x12b: {  	[tilespmem:$0x8880] =	vst v1;
	v1 =	vld [tilespmem:$0x6D0]  }
0x12c: {  	[tilespmem:$0x8890] =	vst v2;
	v2 =	vld [tilespmem:$0x6E0]  }
0x12d: {  	[tilespmem:$0x88A0] =	vst v3;
	v3 =	vld [tilespmem:$0x6F0]  }
0x12e: {  	[tilespmem:$0x88B0] =	vst v4  }
0x12f: {  	[tilespmem:$0x88C0] =	vst v0  }
0x130: {  	[tilespmem:$0x88D0] =	vst v1  }
0x131: {  	[tilespmem:$0x88E0] =	vst v2  }
0x132: {  	s18 =	rddreg [dreg:$0x10];
	[tilespmem:$0x88F0] =	vst v3  }
0x133: {  	[tilespmem:s2], [sflag:$0x2] =	stream.linear.gather [hbm4b:s18+s0], $0x20, $0x38;
	[tilespmem:$0x1C500] =	vst v63  }
0x134: {  	s20 =	rddreg [dreg:$0x11]  }
0x135: {  	[tilespmem:s10], [sflag:$0x2] =	stream.linear.gather [hbm4b:s20+s0], $0x20, $0x38;
	[tilespmem:$0x1C500] =	vst v63  }
0x136: {  	s23 =	simm.s32 $0x500;
	s22 =	rddreg [dreg:$0x12]  }
0x137: {  	[tilespmem:s23], [sflag:$0x2] =	stream.linear.gather [hbm4b:s22+s0], $0x200, $0x38;
	[tilespmem:$0x1C500] =	vst v63  }
0x138: {  	s0 =	simm.s32 $0x0  }
0x139: {  	v0 =	vld [tilespmem:s0+$0x1740]  }
0x13a: {  	v1 =	vld [tilespmem:s0+$0x3730]  }
0x13b: {  	v2 =	vld [tilespmem:s0+$0x1730]  }
0x13c: {  	v3 =	vld [tilespmem:s0+$0x3710]  }
0x13d: {  	v4 =	vld [tilespmem:s0+$0x1710]  }
0x13e: {  	v5 =	vld [tilespmem:s0+$0x1770]  }
0x13f: {  	v6 =	vld [tilespmem:s0+$0x3770]  }
0x140: {  	v7 =	vld [tilespmem:s0+$0x3760]  }
0x141: {  	v9 =	vld [tilespmem:s0+$0x1750]  }
0x142: {  	v10 =	vld [tilespmem:s0+$0x3750]  }
0x143: {  	v8 =	vld [tilespmem:s0+$0x3740]  }
0x144: {  	v11 =	vld [tilespmem:s0+$0x1760]  }
0x145: {  	v3 =	vadd.f32 v3, v4;
	v1 =	vadd.f32 v1, v2;
	v2 =	vld [tilespmem:s0+$0x1700]  }
0x146: {  	v4 =	vadd.f32 v6, v5;
	v5 =	vld [tilespmem:s0+$0x3700]  }
0x147: {  	v6 =	vadd.f32 v10, v9;
	v3 =	vsub.f32 $0.0e+00, v3  }
0x148: {  	v1 =	vsub.f32 $0.0e+00, v1;
	v4 =	vsub.f32 $0.0e+00, v4  }
0x149: {  	v0 =	vadd.f32 v8, v0;
	v7 =	vadd.f32 v7, v11;
	v3 =	vmul.f32 $1.442695020e+00, v3  }
0x14a: {  	v8 =	vld [tilespmem:s0+$0x1720];
	v6 =	vsub.f32 $0.0e+00, v6;
	v1 =	vmul.f32 $1.442695020e+00, v1;
	v4 =	vmul.f32 $1.442695020e+00, v4  }
0x14b: {  	v9 =	vld [tilespmem:s0+$0x3720];
	v2 =	vadd.f32 v5, v2;
	(erf) = vpow2.f32 v3;
	v3 =	vsub.f32 $0.0e+00, v7  }
0x14c: {  	s11 =	simm.s32 $0x80;
	v6 =	vmul.f32 $1.442695020e+00, v6;
	v5 =	vsub.f32 $0.0e+00, v0;
	(erf) = vpow2.f32 v1  }
0x14d: {  	v15 =	vld [tilespmem:s11+$0x1750];
	v1 =	vsub.f32 $0.0e+00, v2;
	v2 =	vmul.f32 $1.442695020e+00, v3;
	(erf) = vpow2.f32 v4  }
0x14e: {  	v19 =	vld [tilespmem:s0+$0x5750];
	v3 =	vmul.f32 $1.442695020e+00, v5;
	(erf) = vpow2.f32 v6  }
0x14f: {  	v11 =	vld [tilespmem:s11+$0x1770];
	v1 =	vmul.f32 $1.442695020e+00, v1;
	(erf) = vpow2.f32 v2  }
0x150: {  	v7 =	vld [tilespmem:s11+$0x1720];
	v2 =	vadd.f32 v9, v8;
	(erf) = vpow2.f32 v3  }
0x151: {  	v9 =	vld [tilespmem:s11+$0x1710];
	(erf) = vpow2.f32 v1  }
0x152: {  	v1 =	vsub.f32 $0.0e+00, v2;
	v2 =	vld [tilespmem:s11+$0x3710]  }
0x153: {  	v6 =	vld [tilespmem:s11+$0x3730]  }
0x154: {  	v3 =	vld [tilespmem:s11+$0x1730];
	v1 =	vmul.f32 $1.442695020e+00, v1;
	v8 =	vpop (erf)  }
0x155: {  	v5 =	vld [tilespmem:s11+$0x1740];
	v8 =	vadd.f32 $1.000000000e+00, v8;
	v10 =	vpop (erf)  }
0x156: {  	(erf) = vpow2.f32 v1;
	v1 =	vadd.f32 $1.000000000e+00, v10;
	v10 =	vld [tilespmem:s11+$0x3770];
	v12 =	vpop (erf)  }
0x157: {  	v2 =	vadd.f32 v2, v9;
	v9 =	vld [tilespmem:s11+$0x1760];
	(erf) = vrcp.f32 v8;
	v12 =	vadd.f32 $1.000000000e+00, v12;
	v13 =	vpop (erf)  }
0x158: {  	(erf) = vrcp.f32 v1;
	v1 =	vld [tilespmem:s11+$0x3740];
	v13 =	vadd.f32 $1.000000000e+00, v13;
	v14 =	vpop (erf)  }
0x159: {  	v3 =	vadd.f32 v6, v3;
	v8 =	vld [tilespmem:s11+$0x3760];
	v14 =	vadd.f32 $1.000000000e+00, v14;
	v16 =	vpop (erf);
	(erf) = vrcp.f32 v12  }
0x15a: {  	v12 =	vld [tilespmem:s11+$0x3750];
	v16 =	vadd.f32 $1.000000000e+00, v16;
	v17 =	vpop (erf);
	(erf) = vrcp.f32 v13  }
0x15b: {  	v3 =	vsub.f32 $0.0e+00, v3;
	v13 =	vadd.f32 $1.000000000e+00, v17;
	(erf) = vrcp.f32 v14;
	v14 =	vld [tilespmem:s11+$0x1700]  }
0x15c: {  	v2 =	vsub.f32 $0.0e+00, v2;
	v6 =	vadd.f32 v10, v11;
	v11 =	vld [tilespmem:s11+$0x3700];
	(erf) = vrcp.f32 v16  }
0x15d: {  	(erf) = vrcp.f32 v13;
	v1 =	vadd.f32 v1, v5;
	v13 =	vld [tilespmem:s11+$0x3720]  }
0x15e: {  	v4 =	vld [tilespmem:s0+$0x5710];
	v10 =	vmul.f32 $1.442695020e+00, v2;
	v6 =	vsub.f32 $0.0e+00, v6  }
0x15f: {  	v21 =	vld [tilespmem:s0+$0x5740];
	v16 =	vmul.f32 $1.442695020e+00, v3;
	v5 =	vpop (erf);
	v1 =	vsub.f32 $0.0e+00, v1  }
0x160: {  	v0 =	vld [tilespmem:s0+$0x5700];
	v8 =	vadd.f32 v8, v9;
	v12 =	vadd.f32 v12, v15;
	(erf) = vpow2.f32 v10;
	v3 =	vpop (erf)  }
0x161: {  	v2 =	vld [tilespmem:s11+$0x5700];
	v18 =	vadd.f32 $1.000000000e+00, v5;
	v20 =	vmul.f32 $1.442695020e+00, v6;
	v11 =	vadd.f32 v11, v14;
	v5 =	vpop (erf)  }
0x162: {  	v10 =	vld [tilespmem:s0+$0x5760];
	v9 =	vsub.f32 $0.0e+00, v12;
	(erf) = vpow2.f32 v16;
	v6 =	vpop (erf);
	v13 =	vadd.f32 v13, v7  }
0x163: {  	v12 =	vsub.f32 $0.0e+00, v8;
	v3 =	vmul.f32 v3, v4;
	v8 =	vmul.f32 $1.442695020e+00, v1;
	v4 =	vld [tilespmem:s0+$0x5720];
	v1 =	vpop (erf)  }
0x164: {  	(erf) = vrcp.f32 v18;
	v15 =	vmul.f32 $1.442695020e+00, v9;
	v9 =	vld [tilespmem:s0+$0x5730];
	v17 =	vpop (erf)  }
0x165: {  	v14 =	vmul.f32 $1.442695020e+00, v12;
	v16 =	vsub.f32 $0.0e+00, v11;
	v12 =	vld [tilespmem:s0+$0x5770];
	(erf) = vpow2.f32 v20;
	v11 =	vpop (erf)  }
0x166: {  	s15 =	simm.s32 $0x8700;
	s20 =	simm.s32 $0x400;
	v7 =	vmul.f32 v1, v19;
	v18 =	vsub.f32 $0.0e+00, v13;
	v1 =	vld [tilespmem:s11+$0x5710];
	v11 =	vmul.f32 v11, v21;
	v13 =	vpop (erf)  }
.LBB2_4:
0x167: {  	s16 =	smov.u32 s20  }
0x168: {  	s18 =	sshra.s32 s20, $0x2;
	(erf) = vpow2.f32 v15;
	v15 =	vld [tilespmem:s15+$0x0];
	v10 =	vmul.f32 v17, v10;
	s15 =	sadd.s32 $0x10, s15;
	s16 =	sadd.s32 $0x200, s20  }
0x169: {  	p0 =	sne.s32 s20, $0x3E00;
	v19 =	vmul.f32 $1.442695020e+00, v16;
	v17 =	vld [tilespmem:s18+$0x1740];
	(erf) = vpow2.f32 v14  }
0x16a: {  	v18 =	vmul.f32 $1.442695020e+00, v18;
	v14 =	vld [tilespmem:s18+$0x3730];
	(erf) = vpow2.f32 v8  }
0x16b: {  	v6 =	vmul.f32 v6, v12;
	v8 =	vld [tilespmem:s18+$0x1730];
	(erf) = vpow2.f32 v19;
	v16 =	vpop (erf)  }
0x16c: {  	v5 =	vmul.f32 v5, v9;
	v12 =	vld [tilespmem:s18+$0x1720];
	v16 =	vadd.f32 $1.000000000e+00, v16;
	(erf) = vpow2.f32 v18  }
0x16d: {  	v13 =	vmul.f32 v13, v0;
	v0 =	vmov v2;
	v7 =	vmul.f32 v7, v15;
	v9 =	vld [tilespmem:s18+$0x3710]  }
0x16e: {  	v5 =	vmul.f32 v5, v15;
	v11 =	vmul.f32 v11, v15;
	v2 =	vld [tilespmem:s18+$0x1710];
	v18 =	vpop (erf)  }
0x16f: {  	v13 =	vmul.f32 v13, v15;
	v6 =	vmul.f32 v6, v15;
	v19 =	vld [tilespmem:s18+$0x1770];
	v22 =	vadd.f32 $1.000000000e+00, v18;
	v20 =	vpop (erf)  }
0x170: {  	v21 =	vld [tilespmem:s18+$0x3770];
	(erf) = vrcp.f32 v16;
	v16 =	vpop (erf);
	v4 =	vmul.f32 v20, v4;
	[tilespmem:s0+$0x7730] =	vst v5  }
0x171: {  	v10 =	vmul.f32 v10, v15;
	v5 =	vld [tilespmem:s18+$0x3760];
	v23 =	vadd.f32 $1.000000000e+00, v16;
	(erf) = vrcp.f32 v22;
	v18 =	vpop (erf);
	[tilespmem:s0+$0x7740] =	vst v11  }
0x172: {  	v3 =	vmul.f32 v3, v15;
	v11 =	vld [tilespmem:s18+$0x3740];
	v18 =	vadd.f32 $1.000000000e+00, v18;
	v20 =	vpop (erf);
	v4 =	vmul.f32 v4, v15;
	[tilespmem:s0+$0x7750] =	vst v7  }
0x173: {  	v2 =	vadd.f32 v9, v2;
	v7 =	vld [tilespmem:s18+$0x1750];
	v9 =	vadd.f32 $1.000000000e+00, v20;
	v15 =	vpop (erf);
	(erf) = vrcp.f32 v23;
	[tilespmem:s0+$0x7700] =	vst v13  }
0x174: {  	v13 =	vld [tilespmem:s18+$0x3750];
	v15 =	vadd.f32 $1.000000000e+00, v15;
	v16 =	vpop (erf);
	(erf) = vrcp.f32 v18;
	[tilespmem:s0+$0x7760] =	vst v10  }
0x175: {  	v8 =	vadd.f32 v14, v8;
	v10 =	vld [tilespmem:s18+$0x1760];
	v14 =	vadd.f32 $1.000000000e+00, v16;
	v16 =	vpop (erf);
	(erf) = vrcp.f32 v9;
	[tilespmem:s0+$0x7720] =	vst v4  }
0x176: {  	v2 =	vsub.f32 $0.0e+00, v2;
	v9 =	vadd.f32 v21, v19;
	v4 =	vld [tilespmem:s18+$0x1700];
	(erf) = vrcp.f32 v15;
	[tilespmem:s0+$0x7710] =	vst v3  }
0x177: {  	v3 =	vsub.f32 $0.0e+00, v8;
	v15 =	vld [tilespmem:s18+$0x3700];
	v8 =	vadd.f32 v11, v17;
	(erf) = vrcp.f32 v14;
	[tilespmem:s0+$0x7770] =	vst v6;
	s0 =	smov.u32 s11;
	s11 =	smov.u32 s18  }
0x178: {  	v6 =	vmul.f32 $1.442695020e+00, v2;
	v9 =	vsub.f32 $0.0e+00, v9;
	v11 =	vld [tilespmem:s11+$0x3720]  }
0x179: {  	v17 =	vmul.f32 $1.442695020e+00, v3;
	v2 =	vld [tilespmem:s11+$0x5700];
	v3 =	vadd.f32 v13, v7;
	v13 =	vadd.f32 $1.000000000e+00, v16;
	v7 =	vpop (erf)  }
0x17a: {  	v8 =	vsub.f32 $0.0e+00, v8;
	v19 =	vmul.f32 $1.442695020e+00, v9;
	v10 =	vadd.f32 v5, v10;
	v20 =	vld [tilespmem:s0+$0x5750];
	v5 =	vpop (erf)  }
0x17b: {  	v9 =	vsub.f32 $0.0e+00, v3;
	(erf) = vpow2.f32 v6;
	v3 =	vmul.f32 v7, v1;
	v21 =	vld [tilespmem:s0+$0x5740]  }
.Ltmp1:
0x17c: {  	v1 =	vadd.f32 v15, v4;
	v7 =	vsub.f32 $0.0e+00, v10;
	v10 =	vld [tilespmem:s0+$0x5760];
	v6 =	vpop (erf);
	(pc) =	sbr.rel @p0 .LBB2_4-.Ltmp1, $4  }
0x17d: {  	v8 =	vmul.f32 $1.442695020e+00, v8;
	v22 =	vadd.f32 v11, v12;
	v15 =	vmul.f32 $1.442695020e+00, v9;
	v4 =	vld [tilespmem:s0+$0x5720];
	v12 =	vpop (erf)  }
0x17e: {  	v16 =	vsub.f32 $0.0e+00, v1;
	v14 =	vmul.f32 $1.442695020e+00, v7;
	(erf) = vpow2.f32 v17;
	v9 =	vld [tilespmem:s0+$0x5730];
	v17 =	vpop (erf)  }
0x17f: {  	v18 =	vsub.f32 $0.0e+00, v22;
	v7 =	vmul.f32 v12, v20;
	v12 =	vld [tilespmem:s0+$0x5770];
	(erf) = vrcp.f32 v13;
	v11 =	vpop (erf)  }
0x180: {  	s20 =	smov.u32 s16;
	v1 =	vld [tilespmem:s11+$0x5710];
	(erf) = vpow2.f32 v19;
	v11 =	vmul.f32 v11, v21;
	v13 =	vpop (erf)  }
0x181: {  	v27 =	vld [tilespmem:s15+$0x0]  }
0x182: {  	(erf) = vpow2.f32 v15;
	v28 =	vmul.f32 $1.442695020e+00, v16  }
0x183: {  	v29 =	vmul.f32 $1.442695020e+00, v18;
	(erf) = vpow2.f32 v14  }
0x184: {  	(erf) = vpow2.f32 v8;
	v5 =	vmul.f32 v5, v9  }
0x185: {  	(erf) = vpow2.f32 v28  }
0x186: {  	v30 =	vpop (erf);
	(erf) = vpow2.f32 v29;
	v5 =	vmul.f32 v5, v27  }
0x187: {  	v0 =	vmul.f32 v13, v0;
	v32 =	vadd.f32 $1.000000000e+00, v30;
	v11 =	vmul.f32 v11, v27  }
0x188: {  	v10 =	vmul.f32 v17, v10;
	v7 =	vmul.f32 v7, v27;
	v31 =	vpop (erf);
	[tilespmem:s0+$0x7730] =	vst v5  }
0x189: {  	v0 =	vmul.f32 v0, v27;
	(erf) = vrcp.f32 v32;
	v33 =	vpop (erf);
	[tilespmem:s0+$0x7740] =	vst v11  }
0x18a: {  	v6 =	vmul.f32 v6, v12;
	v10 =	vmul.f32 v10, v27;
	v8 =	vadd.f32 $1.000000000e+00, v31;
	[tilespmem:s0+$0x7750] =	vst v7;
	v34 =	vpop (erf)  }
0x18b: {  	v3 =	vmul.f32 v3, v27;
	[tilespmem:s0+$0x7700] =	vst v0;
	v4 =	vmul.f32 v33, v4;
	v35 =	vadd.f32 $1.000000000e+00, v34;
	v36 =	vpop (erf)  }
0x18c: {  	v6 =	vmul.f32 v6, v27;
	[tilespmem:s0+$0x7760] =	vst v10;
	(erf) = vrcp.f32 v8;
	v37 =	vadd.f32 $1.000000000e+00, v36;
	v38 =	vpop (erf)  }
0x18d: {  	[tilespmem:s0+$0x7710] =	vst v3;
	v4 =	vmul.f32 v4, v27;
	v39 =	vadd.f32 $1.000000000e+00, v38;
	v40 =	vpop (erf);
	(erf) = vrcp.f32 v35  }
0x18e: {  	[tilespmem:s0+$0x7770] =	vst v6;
	v41 =	vadd.f32 $1.000000000e+00, v40;
	(erf) = vrcp.f32 v37;
	v42 =	vpop (erf)  }
0x18f: {  	[tilespmem:s0+$0x7720] =	vst v4;
	(erf) = vrcp.f32 v39;
	v5 =	vadd.f32 $1.000000000e+00, v42;
	v43 =	vpop (erf)  }
0x190: {  	s23 =	sadd.s32 $0x10, s15;
	v45 =	vld [tilespmem:s11+$0x5730];
	(erf) = vrcp.f32 v41;
	v0 =	vadd.f32 $1.000000000e+00, v43  }
0x191: {  	v48 =	vld [tilespmem:s23+$0x0];
	(erf) = vrcp.f32 v5  }
0x192: {  	v54 =	vld [tilespmem:s11+$0x5770];
	v44 =	vpop (erf);
	(erf) = vrcp.f32 v0  }
0x193: {  	v3 =	vld [tilespmem:s11+$0x5750]  }
0x194: {  	v10 =	vld [tilespmem:s11+$0x5760]  }
0x195: {  	v6 =	vld [tilespmem:s11+$0x5740];
	v1 =	vmul.f32 v44, v1;
	v46 =	vpop (erf)  }
0x196: {  	v0 =	vmul.f32 v46, v45;
	v47 =	vpop (erf)  }
0x197: {  	v51 =	vld [tilespmem:s11+$0x5720];
	v62 =	vmul.f32 v1, v48;
	v49 =	vpop (erf);
	v61 =	vmul.f32 v47, v54  }
0x198: {  	v0 =	vmul.f32 v0, v48;
	v50 =	vpop (erf);
	v3 =	vmul.f32 v49, v3  }
0x199: {  	[tilespmem:s11+$0x7710] =	vst v62;
	v52 =	vpop (erf);
	v56 =	vmul.f32 v50, v10;
	v63 =	vmul.f32 v61, v48  }
0x19a: {  	[tilespmem:s11+$0x7730] =	vst v0;
	v53 =	vmul.f32 v52, v6;
	v55 =	vpop (erf);
	v3 =	vmul.f32 v3, v48  }
0x19b: {  	v2 =	vmul.f32 v55, v2;
	v57 =	vpop (erf);
	v60 =	vmul.f32 v56, v48;
	[tilespmem:s11+$0x7770] =	vst v63  }
0x19c: {  	v5 =	vmul.f32 v53, v48;
	v59 =	vmul.f32 v57, v51;
	[tilespmem:s11+$0x7750] =	vst v3  }
0x19d: {  	v58 =	vmul.f32 v2, v48;
	[tilespmem:s11+$0x7760] =	vst v60  }
0x19e: {  	[tilespmem:s11+$0x7740] =	vst v5;
	v2 =	vmul.f32 v59, v48  }
0x19f: {  	[tilespmem:s11+$0x7700] =	vst v58  }
0x1a0: {  	s0 =	simm.s32 $0x1;
	[tilespmem:s11+$0x7720] =	vst v2  }
0x1a1: {  	[spmem:s3] =	stream.indirect.scatter.add.f32 [tilespmem:s12], [sflag:$0x6], $0x80, s29, s14, $0xb8;
	[tilespmem:$0x1C500] =	vst v63  }
.LBB2_6:
0x1a2: {  	_ =	swait.ge [sflag:s19], $0x20  }
0x1a3: {  	[sflag:s19] =	ssyncset.done $0x0  }
0x1a4: {  	[sflag:s19] =	ssyncadd.s32 $0xFFFFFFE0  }
0x1a5: {  	_ =	swait.ge [sflag:s19], $0x20  }
0x1a6: {  	[sflag:s19] =	ssyncset.done $0x0  }
0x1a7: {  	[sflag:s19] =	ssyncadd.s32 $0xFFFFFFE0  }
0x1a8: {  	_ =	swait.ge [sflag:s19], $0x200  }
0x1a9: {  	[sflag:s19] =	ssyncset.done $0x0  }
0x1aa: {  	s11 =	simm.s32 $0x1700;
	[sflag:s19] =	ssyncadd.s32 $0xFFFFFE00  }
0x1ab: {  	[tilespmem:s11], [sflag:$0x4] =	stream.indirect.gather [hbm4b:s5+s14], $0x80, s10, s14, $0xb8;
	[tilespmem:$0x1C500] =	vst v63  }
0x1ac: {  	s22 =	simm.s32 $0x3700  }
0x1ad: {  	[tilespmem:s22], [sflag:$0x4] =	stream.indirect.gather [hbm4b:s6+s14], $0x80, s2, s14, $0xb8;
	[tilespmem:$0x1C500] =	vst v63  }
0x1ae: {  	s23 =	simm.s32 $0x5700  }
0x1af: {  	[tilespmem:s23], [sflag:$0x4] =	stream.indirect.gather [hbm4b:s7+s14], $0x80, s2, s14, $0xb8;
	[tilespmem:$0x1C500] =	vst v63  }
0x1b0: {  	_ =	swait.ge [sflag:s24], $0x1000  }
0x1b1: {  	[sflag:s24] =	ssyncset.done $0x0  }
0x1b2: {  	[sflag:s24] =	ssyncadd.s32 $0xFFFFF000  }
0x1b3: {  	_ =	swait.ge [sflag:s24], $0x1000  }
0x1b4: {  	[sflag:s24] =	ssyncset.done $0x0  }
0x1b5: {  	[sflag:s24] =	ssyncadd.s32 $0xFFFFF000  }
0x1b6: {  	_ =	swait.ge [sflag:s24], $0x1000  }
0x1b7: {  	[sflag:s24] =	ssyncset.done $0x0  }
0x1b8: {  	[sflag:s24] =	ssyncadd.s32 $0xFFFFF000  }
0x1b9: {  	_ =	swait.ge [sflag:s30], $0x1000  }
0x1ba: {  	[sflag:s30] =	ssyncset.done $0x0  }
0x1bb: {  	[sflag:s30] =	ssyncadd.s32 $0xFFFFF000  }
0x1bc: {  	v0 =	vld [tilespmem:$0x100]  }
0x1bd: {  	v1 =	vld [tilespmem:$0x110]  }
0x1be: {  	v2 =	vld [tilespmem:$0x300]  }
0x1bf: {  	v3 =	vld [tilespmem:$0x310]  }
0x1c0: {  	v4 =	vld [tilespmem:$0x320]  }
0x1c1: {  	[tilespmem:$0x200] =	vst v0;
	v0 =	vld [tilespmem:$0x330]  }
0x1c2: {  	[tilespmem:$0x210] =	vst v1;
	v1 =	vld [tilespmem:$0x340]  }
0x1c3: {  	[tilespmem:$0x8700] =	vst v2;
	v2 =	vld [tilespmem:$0x350]  }
0x1c4: {  	[tilespmem:$0x8710] =	vst v3;
	v3 =	vld [tilespmem:$0x360]  }
0x1c5: {  	[tilespmem:$0x8720] =	vst v4;
	v4 =	vld [tilespmem:$0x370]  }
0x1c6: {  	[tilespmem:$0x8730] =	vst v0;
	v0 =	vld [tilespmem:$0x380]  }
0x1c7: {  	[tilespmem:$0x8740] =	vst v1;
	v1 =	vld [tilespmem:$0x390]  }
0x1c8: {  	[tilespmem:$0x8750] =	vst v2;
	v2 =	vld [tilespmem:$0x3A0]  }
0x1c9: {  	[tilespmem:$0x8760] =	vst v3;
	v3 =	vld [tilespmem:$0x3B0]  }
0x1ca: {  	[tilespmem:$0x8770] =	vst v4;
	v4 =	vld [tilespmem:$0x3C0]  }
0x1cb: {  	[tilespmem:$0x8780] =	vst v0;
	v0 =	vld [tilespmem:$0x3D0]  }
0x1cc: {  	[tilespmem:$0x8790] =	vst v1;
	v1 =	vld [tilespmem:$0x3E0]  }
0x1cd: {  	[tilespmem:$0x87A0] =	vst v2;
	v2 =	vld [tilespmem:$0x3F0]  }
0x1ce: {  	[tilespmem:$0x87B0] =	vst v3;
	v3 =	vld [tilespmem:$0x400]  }
0x1cf: {  	[tilespmem:$0x87C0] =	vst v4;
	v4 =	vld [tilespmem:$0x410]  }
0x1d0: {  	[tilespmem:$0x87D0] =	vst v0;
	v0 =	vld [tilespmem:$0x420]  }
0x1d1: {  	[tilespmem:$0x87E0] =	vst v1;
	v1 =	vld [tilespmem:$0x430]  }
0x1d2: {  	[tilespmem:$0x87F0] =	vst v2;
	v2 =	vld [tilespmem:$0x440]  }
0x1d3: {  	[tilespmem:$0x8800] =	vst v3;
	v3 =	vld [tilespmem:$0x450]  }
0x1d4: {  	[tilespmem:$0x8810] =	vst v4;
	v4 =	vld [tilespmem:$0x460]  }
0x1d5: {  	[tilespmem:$0x8820] =	vst v0;
	v0 =	vld [tilespmem:$0x470]  }
0x1d6: {  	[tilespmem:$0x8830] =	vst v1;
	v1 =	vld [tilespmem:$0x480]  }
0x1d7: {  	[tilespmem:$0x8840] =	vst v2;
	v2 =	vld [tilespmem:$0x490]  }
0x1d8: {  	[tilespmem:$0x8850] =	vst v3;
	v3 =	vld [tilespmem:$0x4A0]  }
0x1d9: {  	[tilespmem:$0x8860] =	vst v4;
	v4 =	vld [tilespmem:$0x4B0]  }
0x1da: {  	[tilespmem:$0x8870] =	vst v0;
	v0 =	vld [tilespmem:$0x4C0]  }
0x1db: {  	[tilespmem:$0x8880] =	vst v1;
	v1 =	vld [tilespmem:$0x4D0]  }
0x1dc: {  	[tilespmem:$0x8890] =	vst v2;
	v2 =	vld [tilespmem:$0x4E0]  }
0x1dd: {  	[tilespmem:$0x88A0] =	vst v3;
	v3 =	vld [tilespmem:$0x4F0]  }
0x1de: {  	[tilespmem:$0x88B0] =	vst v4  }
0x1df: {  	s11 =	sshll.u32 s0, $0x6;
	[tilespmem:$0x88C0] =	vst v0  }
0x1e0: {  	s15 =	sadd.s32 s11, s17;
	[tilespmem:$0x88D0] =	vst v1  }
0x1e1: {  	s16 =	sshrl.u32 s15, $0x3;
	[tilespmem:$0x88E0] =	vst v2  }
0x1e2: {  	s20 =	simm.s32 $0x0;
	s15 =	sshll.u32 s15, $0x1;
	s18 =	sadd.s32 s8, s16;
	[tilespmem:$0x88F0] =	vst v3  }
0x1e3: {  	[tilespmem:s20], [sflag:$0x1] =	stream.linear.gather [hbm4b:s18+s20], $0x20, $0x38;
	[tilespmem:$0x1C500] =	vst v63  }
0x1e4: {  	s16 =	sadd.s32 s1, s16;
	s15 =	sand.u32 $0x1FFFFF80, s15  }
0x1e5: {  	[tilespmem:s31], [sflag:$0x1] =	stream.linear.gather [hbm4b:s16+s20], $0x20, $0x38;
	[tilespmem:$0x1C500] =	vst v63  }
0x1e6: {  	s15 =	sadd.s32 s9, s15  }
0x1e7: {  	[tilespmem:s25], [sflag:$0x1] =	stream.linear.gather [hbm4b:s15+s20], $0x200, $0x38;
	[tilespmem:$0x1C500] =	vst v63  }
0x1e8: {  	s15 =	simm.s32 $0x0  }
0x1e9: {  	v0 =	vld [tilespmem:s15+$0x740]  }
0x1ea: {  	v1 =	vld [tilespmem:s15+$0x2730]  }
0x1eb: {  	v2 =	vld [tilespmem:s15+$0x730]  }
0x1ec: {  	v3 =	vld [tilespmem:s15+$0x2710]  }
0x1ed: {  	v4 =	vld [tilespmem:s15+$0x710]  }
0x1ee: {  	v5 =	vld [tilespmem:s15+$0x770]  }
0x1ef: {  	v6 =	vld [tilespmem:s15+$0x2770]  }
0x1f0: {  	v7 =	vld [tilespmem:s15+$0x2760]  }
0x1f1: {  	v9 =	vld [tilespmem:s15+$0x750]  }
0x1f2: {  	v10 =	vld [tilespmem:s15+$0x2750]  }
0x1f3: {  	v8 =	vld [tilespmem:s15+$0x2740]  }
0x1f4: {  	v11 =	vld [tilespmem:s15+$0x760]  }
0x1f5: {  	v3 =	vadd.f32 v3, v4;
	v1 =	vadd.f32 v1, v2;
	v2 =	vld [tilespmem:s15+$0x700]  }
0x1f6: {  	v4 =	vadd.f32 v6, v5;
	v5 =	vld [tilespmem:s15+$0x2700]  }
0x1f7: {  	v6 =	vadd.f32 v10, v9;
	v3 =	vsub.f32 $0.0e+00, v3  }
0x1f8: {  	v1 =	vsub.f32 $0.0e+00, v1;
	v4 =	vsub.f32 $0.0e+00, v4  }
0x1f9: {  	v0 =	vadd.f32 v8, v0;
	v7 =	vadd.f32 v7, v11;
	v3 =	vmul.f32 $1.442695020e+00, v3  }
0x1fa: {  	v8 =	vld [tilespmem:s15+$0x720];
	v6 =	vsub.f32 $0.0e+00, v6;
	v1 =	vmul.f32 $1.442695020e+00, v1;
	v4 =	vmul.f32 $1.442695020e+00, v4  }
0x1fb: {  	v9 =	vld [tilespmem:s15+$0x2720];
	v2 =	vadd.f32 v5, v2;
	(erf) = vpow2.f32 v3;
	v3 =	vsub.f32 $0.0e+00, v7  }
0x1fc: {  	s16 =	simm.s32 $0x80;
	v6 =	vmul.f32 $1.442695020e+00, v6;
	v5 =	vsub.f32 $0.0e+00, v0;
	(erf) = vpow2.f32 v1  }
0x1fd: {  	v15 =	vld [tilespmem:s16+$0x750];
	v1 =	vsub.f32 $0.0e+00, v2;
	v2 =	vmul.f32 $1.442695020e+00, v3;
	(erf) = vpow2.f32 v4  }
0x1fe: {  	v19 =	vld [tilespmem:s15+$0x4750];
	v3 =	vmul.f32 $1.442695020e+00, v5;
	(erf) = vpow2.f32 v6  }
0x1ff: {  	v11 =	vld [tilespmem:s16+$0x770];
	v1 =	vmul.f32 $1.442695020e+00, v1;
	(erf) = vpow2.f32 v2  }
0x200: {  	v7 =	vld [tilespmem:s16+$0x720];
	v2 =	vadd.f32 v9, v8;
	(erf) = vpow2.f32 v3  }
0x201: {  	v9 =	vld [tilespmem:s16+$0x710];
	(erf) = vpow2.f32 v1  }
0x202: {  	v1 =	vsub.f32 $0.0e+00, v2;
	v2 =	vld [tilespmem:s16+$0x2710]  }
0x203: {  	v6 =	vld [tilespmem:s16+$0x2730]  }
0x204: {  	v3 =	vld [tilespmem:s16+$0x730];
	v1 =	vmul.f32 $1.442695020e+00, v1;
	v8 =	vpop (erf)  }
0x205: {  	v5 =	vld [tilespmem:s16+$0x740];
	v8 =	vadd.f32 $1.000000000e+00, v8;
	v10 =	vpop (erf)  }
0x206: {  	(erf) = vpow2.f32 v1;
	v1 =	vadd.f32 $1.000000000e+00, v10;
	v10 =	vld [tilespmem:s16+$0x2770];
	v12 =	vpop (erf)  }
0x207: {  	v2 =	vadd.f32 v2, v9;
	v9 =	vld [tilespmem:s16+$0x760];
	(erf) = vrcp.f32 v8;
	v12 =	vadd.f32 $1.000000000e+00, v12;
	v13 =	vpop (erf)  }
0x208: {  	(erf) = vrcp.f32 v1;
	v1 =	vld [tilespmem:s16+$0x2740];
	v13 =	vadd.f32 $1.000000000e+00, v13;
	v14 =	vpop (erf)  }
0x209: {  	v3 =	vadd.f32 v6, v3;
	v8 =	vld [tilespmem:s16+$0x2760];
	v14 =	vadd.f32 $1.000000000e+00, v14;
	v16 =	vpop (erf);
	(erf) = vrcp.f32 v12  }
0x20a: {  	v12 =	vld [tilespmem:s16+$0x2750];
	v16 =	vadd.f32 $1.000000000e+00, v16;
	v17 =	vpop (erf);
	(erf) = vrcp.f32 v13  }
0x20b: {  	v3 =	vsub.f32 $0.0e+00, v3;
	v13 =	vadd.f32 $1.000000000e+00, v17;
	(erf) = vrcp.f32 v14;
	v14 =	vld [tilespmem:s16+$0x700]  }
0x20c: {  	v2 =	vsub.f32 $0.0e+00, v2;
	v6 =	vadd.f32 v10, v11;
	v11 =	vld [tilespmem:s16+$0x2700];
	(erf) = vrcp.f32 v16  }
0x20d: {  	(erf) = vrcp.f32 v13;
	v1 =	vadd.f32 v1, v5;
	v13 =	vld [tilespmem:s16+$0x2720]  }
0x20e: {  	v4 =	vld [tilespmem:s15+$0x4710];
	v10 =	vmul.f32 $1.442695020e+00, v2;
	v6 =	vsub.f32 $0.0e+00, v6  }
0x20f: {  	v21 =	vld [tilespmem:s15+$0x4740];
	v16 =	vmul.f32 $1.442695020e+00, v3;
	v5 =	vpop (erf);
	v1 =	vsub.f32 $0.0e+00, v1  }
0x210: {  	v0 =	vld [tilespmem:s15+$0x4700];
	v8 =	vadd.f32 v8, v9;
	v12 =	vadd.f32 v12, v15;
	(erf) = vpow2.f32 v10;
	v3 =	vpop (erf)  }
0x211: {  	v2 =	vld [tilespmem:s16+$0x4700];
	v18 =	vadd.f32 $1.000000000e+00, v5;
	v20 =	vmul.f32 $1.442695020e+00, v6;
	v11 =	vadd.f32 v11, v14;
	v5 =	vpop (erf)  }
0x212: {  	v10 =	vld [tilespmem:s15+$0x4760];
	v9 =	vsub.f32 $0.0e+00, v12;
	(erf) = vpow2.f32 v16;
	v6 =	vpop (erf);
	v13 =	vadd.f32 v13, v7  }
0x213: {  	v12 =	vsub.f32 $0.0e+00, v8;
	v3 =	vmul.f32 v3, v4;
	v8 =	vmul.f32 $1.442695020e+00, v1;
	v4 =	vld [tilespmem:s15+$0x4720];
	v1 =	vpop (erf)  }
0x214: {  	(erf) = vrcp.f32 v18;
	v15 =	vmul.f32 $1.442695020e+00, v9;
	v9 =	vld [tilespmem:s15+$0x4730];
	v17 =	vpop (erf)  }
0x215: {  	v14 =	vmul.f32 $1.442695020e+00, v12;
	v16 =	vsub.f32 $0.0e+00, v11;
	v12 =	vld [tilespmem:s15+$0x4770];
	(erf) = vpow2.f32 v20;
	v11 =	vpop (erf)  }
0x216: {  	s18 =	simm.s32 $0x8700;
	s20 =	simm.s32 $0x400;
	v7 =	vmul.f32 v1, v19;
	v18 =	vsub.f32 $0.0e+00, v13;
	v1 =	vld [tilespmem:s16+$0x4710];
	v11 =	vmul.f32 v11, v21;
	v13 =	vpop (erf)  }
.LBB2_7:
0x217: {  	s23 =	smov.u32 s20  }
0x218: {  	s22 =	sshra.s32 s20, $0x2;
	(erf) = vpow2.f32 v15;
	v15 =	vld [tilespmem:s18+$0x0];
	v10 =	vmul.f32 v17, v10;
	s18 =	sadd.s32 $0x10, s18;
	s23 =	sadd.s32 $0x200, s20  }
0x219: {  	p0 =	sne.s32 s20, $0x3E00;
	v19 =	vmul.f32 $1.442695020e+00, v16;
	v17 =	vld [tilespmem:s22+$0x740];
	(erf) = vpow2.f32 v14  }
0x21a: {  	v18 =	vmul.f32 $1.442695020e+00, v18;
	v14 =	vld [tilespmem:s22+$0x2730];
	(erf) = vpow2.f32 v8  }
0x21b: {  	v6 =	vmul.f32 v6, v12;
	v8 =	vld [tilespmem:s22+$0x730];
	(erf) = vpow2.f32 v19;
	v16 =	vpop (erf)  }
0x21c: {  	v5 =	vmul.f32 v5, v9;
	v12 =	vld [tilespmem:s22+$0x720];
	v16 =	vadd.f32 $1.000000000e+00, v16;
	(erf) = vpow2.f32 v18  }
0x21d: {  	v13 =	vmul.f32 v13, v0;
	v0 =	vmov v2;
	v7 =	vmul.f32 v7, v15;
	v9 =	vld [tilespmem:s22+$0x2710]  }
0x21e: {  	v5 =	vmul.f32 v5, v15;
	v11 =	vmul.f32 v11, v15;
	v2 =	vld [tilespmem:s22+$0x710];
	v18 =	vpop (erf)  }
0x21f: {  	v13 =	vmul.f32 v13, v15;
	v6 =	vmul.f32 v6, v15;
	v19 =	vld [tilespmem:s22+$0x770];
	v22 =	vadd.f32 $1.000000000e+00, v18;
	v20 =	vpop (erf)  }
0x220: {  	v21 =	vld [tilespmem:s22+$0x2770];
	(erf) = vrcp.f32 v16;
	v16 =	vpop (erf);
	v4 =	vmul.f32 v20, v4;
	[tilespmem:s15+$0x6730] =	vst v5  }
0x221: {  	v10 =	vmul.f32 v10, v15;
	v5 =	vld [tilespmem:s22+$0x2760];
	v23 =	vadd.f32 $1.000000000e+00, v16;
	(erf) = vrcp.f32 v22;
	v18 =	vpop (erf);
	[tilespmem:s15+$0x6740] =	vst v11  }
0x222: {  	v3 =	vmul.f32 v3, v15;
	v11 =	vld [tilespmem:s22+$0x2740];
	v18 =	vadd.f32 $1.000000000e+00, v18;
	v20 =	vpop (erf);
	v4 =	vmul.f32 v4, v15;
	[tilespmem:s15+$0x6750] =	vst v7  }
0x223: {  	v2 =	vadd.f32 v9, v2;
	v7 =	vld [tilespmem:s22+$0x750];
	v9 =	vadd.f32 $1.000000000e+00, v20;
	v15 =	vpop (erf);
	(erf) = vrcp.f32 v23;
	[tilespmem:s15+$0x6700] =	vst v13  }
0x224: {  	v13 =	vld [tilespmem:s22+$0x2750];
	v15 =	vadd.f32 $1.000000000e+00, v15;
	v16 =	vpop (erf);
	(erf) = vrcp.f32 v18;
	[tilespmem:s15+$0x6760] =	vst v10  }
0x225: {  	v8 =	vadd.f32 v14, v8;
	v10 =	vld [tilespmem:s22+$0x760];
	v14 =	vadd.f32 $1.000000000e+00, v16;
	v16 =	vpop (erf);
	(erf) = vrcp.f32 v9;
	[tilespmem:s15+$0x6720] =	vst v4  }
0x226: {  	v2 =	vsub.f32 $0.0e+00, v2;
	v9 =	vadd.f32 v21, v19;
	v4 =	vld [tilespmem:s22+$0x700];
	(erf) = vrcp.f32 v15;
	[tilespmem:s15+$0x6710] =	vst v3  }
0x227: {  	v3 =	vsub.f32 $0.0e+00, v8;
	v15 =	vld [tilespmem:s22+$0x2700];
	v8 =	vadd.f32 v11, v17;
	(erf) = vrcp.f32 v14;
	[tilespmem:s15+$0x6770] =	vst v6;
	s15 =	smov.u32 s16;
	s16 =	smov.u32 s22  }
0x228: {  	v6 =	vmul.f32 $1.442695020e+00, v2;
	v9 =	vsub.f32 $0.0e+00, v9;
	v11 =	vld [tilespmem:s16+$0x2720]  }
0x229: {  	v17 =	vmul.f32 $1.442695020e+00, v3;
	v2 =	vld [tilespmem:s16+$0x4700];
	v3 =	vadd.f32 v13, v7;
	v13 =	vadd.f32 $1.000000000e+00, v16;
	v7 =	vpop (erf)  }
0x22a: {  	v8 =	vsub.f32 $0.0e+00, v8;
	v19 =	vmul.f32 $1.442695020e+00, v9;
	v10 =	vadd.f32 v5, v10;
	v20 =	vld [tilespmem:s15+$0x4750];
	v5 =	vpop (erf)  }
0x22b: {  	v9 =	vsub.f32 $0.0e+00, v3;
	(erf) = vpow2.f32 v6;
	v3 =	vmul.f32 v7, v1;
	v21 =	vld [tilespmem:s15+$0x4740]  }
.Ltmp2:
0x22c: {  	v1 =	vadd.f32 v15, v4;
	v7 =	vsub.f32 $0.0e+00, v10;
	v10 =	vld [tilespmem:s15+$0x4760];
	v6 =	vpop (erf);
	(pc) =	sbr.rel @p0 .LBB2_7-.Ltmp2, $4  }
0x22d: {  	v8 =	vmul.f32 $1.442695020e+00, v8;
	v22 =	vadd.f32 v11, v12;
	v15 =	vmul.f32 $1.442695020e+00, v9;
	v4 =	vld [tilespmem:s15+$0x4720];
	v12 =	vpop (erf)  }
0x22e: {  	v16 =	vsub.f32 $0.0e+00, v1;
	v14 =	vmul.f32 $1.442695020e+00, v7;
	(erf) = vpow2.f32 v17;
	v9 =	vld [tilespmem:s15+$0x4730];
	v17 =	vpop (erf)  }
0x22f: {  	v18 =	vsub.f32 $0.0e+00, v22;
	v7 =	vmul.f32 v12, v20;
	v12 =	vld [tilespmem:s15+$0x4770];
	(erf) = vrcp.f32 v13;
	v11 =	vpop (erf)  }
0x230: {  	s20 =	smov.u32 s23;
	v1 =	vld [tilespmem:s16+$0x4710];
	(erf) = vpow2.f32 v19;
	v11 =	vmul.f32 v11, v21;
	v13 =	vpop (erf)  }
0x231: {  	(erf) = vpow2.f32 v15;
	v15 =	vmul.f32 $1.442695020e+00, v16  }
0x232: {  	(erf) = vpow2.f32 v14  }
0x233: {  	(erf) = vpow2.f32 v8;
	v8 =	vmul.f32 $1.442695020e+00, v18  }
0x234: {  	v14 =	vld [tilespmem:s18+$0x0]  }
0x235: {  	(erf) = vpow2.f32 v15;
	v15 =	vpop (erf)  }
0x236: {  	v5 =	vmul.f32 v5, v9;
	v9 =	vadd.f32 $1.000000000e+00, v15  }
0x237: {  	v10 =	vmul.f32 v17, v10;
	(erf) = vpow2.f32 v8;
	v8 =	vpop (erf)  }
0x238: {  	v0 =	vmul.f32 v13, v0;
	v6 =	vmul.f32 v6, v12;
	v12 =	vpop (erf)  }
0x239: {  	v5 =	vmul.f32 v5, v14;
	v7 =	vmul.f32 v7, v14;
	v8 =	vadd.f32 $1.000000000e+00, v8;
	v13 =	vpop (erf)  }
0x23a: {  	v0 =	vmul.f32 v0, v14;
	(erf) = vrcp.f32 v9;
	v9 =	vpop (erf)  }
0x23b: {  	[tilespmem:s15+$0x6730] =	vst v5;
	v5 =	vadd.f32 $1.000000000e+00, v13;
	(erf) = vrcp.f32 v8;
	v8 =	vadd.f32 $1.000000000e+00, v9;
	v9 =	vpop (erf)  }
0x23c: {  	v11 =	vmul.f32 v11, v14;
	[tilespmem:s15+$0x6750] =	vst v7;
	v7 =	vadd.f32 $1.000000000e+00, v9;
	v9 =	vpop (erf)  }
0x23d: {  	v10 =	vmul.f32 v10, v14;
	v3 =	vmul.f32 v3, v14;
	[tilespmem:s15+$0x6700] =	vst v0;
	v0 =	vadd.f32 $1.000000000e+00, v9  }
0x23e: {  	v4 =	vmul.f32 v12, v4;
	[tilespmem:s15+$0x6740] =	vst v11;
	(erf) = vrcp.f32 v5  }
0x23f: {  	v6 =	vmul.f32 v6, v14;
	[tilespmem:s15+$0x6760] =	vst v10;
	(erf) = vrcp.f32 v8;
	v5 =	vpop (erf)  }
0x240: {  	[tilespmem:s15+$0x6710] =	vst v3;
	v4 =	vmul.f32 v4, v14;
	(erf) = vrcp.f32 v7;
	v5 =	vadd.f32 $1.000000000e+00, v5  }
0x241: {  	[tilespmem:s15+$0x6770] =	vst v6;
	(erf) = vrcp.f32 v0;
	v0 =	vpop (erf)  }
0x242: {  	[tilespmem:s15+$0x6720] =	vst v4;
	(erf) = vrcp.f32 v5;
	v0 =	vadd.f32 $1.000000000e+00, v0  }
0x243: {  	v3 =	vld [tilespmem:s16+$0x4750]  }
0x244: {  	v5 =	vld [tilespmem:s16+$0x4730];
	(erf) = vrcp.f32 v0  }
0x245: {  	s18 =	sadd.s32 $0x10, s18;
	v6 =	vld [tilespmem:s16+$0x4740];
	v4 =	vpop (erf)  }
0x246: {  	v8 =	vld [tilespmem:s18+$0x0];
	v0 =	vpop (erf)  }
0x247: {  	v7 =	vpop (erf)  }
0x248: {  	v10 =	vld [tilespmem:s16+$0x4760];
	v9 =	vpop (erf)  }
0x249: {  	v12 =	vld [tilespmem:s16+$0x4720];
	v0 =	vmul.f32 v0, v5;
	v11 =	vpop (erf)  }
0x24a: {  	v3 =	vmul.f32 v9, v3;
	v13 =	vpop (erf)  }
0x24b: {  	v0 =	vmul.f32 v0, v8;
	v5 =	vmul.f32 v13, v6;
	v6 =	vld [tilespmem:s16+$0x4770];
	v9 =	vpop (erf)  }
0x24c: {  	v3 =	vmul.f32 v3, v8;
	v2 =	vmul.f32 v9, v2  }
0x24d: {  	[tilespmem:s16+$0x6730] =	vst v0;
	v9 =	vmul.f32 v11, v10;
	v5 =	vmul.f32 v5, v8;
	v10 =	vpop (erf)  }
0x24e: {  	[tilespmem:s16+$0x6750] =	vst v3;
	v0 =	vmul.f32 v2, v8;
	v2 =	vmul.f32 v10, v12  }
0x24f: {  	v1 =	vmul.f32 v4, v1;
	v4 =	vmul.f32 v9, v8;
	[tilespmem:s16+$0x6740] =	vst v5  }
0x250: {  	v3 =	vmul.f32 v7, v6;
	v2 =	vmul.f32 v2, v8;
	[tilespmem:s16+$0x6700] =	vst v0  }
0x251: {  	v0 =	vmul.f32 v1, v8;
	[tilespmem:s16+$0x6760] =	vst v4  }
0x252: {  	v1 =	vmul.f32 v3, v8;
	[tilespmem:s16+$0x6720] =	vst v2  }
0x253: {  	[tilespmem:s16+$0x6710] =	vst v0  }
0x254: {  	s20 =	simm.s32 $0x200;
	[tilespmem:s16+$0x6770] =	vst v1  }
0x255: {  	[spmem:s3] =	stream.indirect.scatter.add.f32 [tilespmem:s26], [sflag:$0x5], $0x80, s20, s14, $0xb8;
	[tilespmem:$0x1C500] =	vst v63  }
0x256: {  	_ =	swait.ge [sflag:s13], $0x20  }
0x257: {  	[sflag:s13] =	ssyncset.done $0x0  }
0x258: {  	[sflag:s13] =	ssyncadd.s32 $0xFFFFFFE0  }
0x259: {  	_ =	swait.ge [sflag:s13], $0x20  }
0x25a: {  	[sflag:s13] =	ssyncset.done $0x0  }
0x25b: {  	[sflag:s13] =	ssyncadd.s32 $0xFFFFFFE0  }
0x25c: {  	_ =	swait.ge [sflag:s13], $0x200  }
0x25d: {  	[sflag:s13] =	ssyncset.done $0x0  }
0x25e: {  	s22 =	simm.s32 $0x700;
	[sflag:s13] =	ssyncadd.s32 $0xFFFFFE00  }
0x25f: {  	[tilespmem:s22], [sflag:$0x3] =	stream.indirect.gather [hbm4b:s5+s14], $0x80, s31, s14, $0xb8;
	[tilespmem:$0x1C500] =	vst v63  }
0x260: {  	s23 =	simm.s32 $0x2700;
	s15 =	simm.s32 $0x0  }
0x261: {  	[tilespmem:s23], [sflag:$0x3] =	stream.indirect.gather [hbm4b:s6+s14], $0x80, s15, s14, $0xb8;
	[tilespmem:$0x1C500] =	vst v63  }
0x262: {  	s18 =	simm.s32 $0x4700  }
0x263: {  	[tilespmem:s18], [sflag:$0x3] =	stream.indirect.gather [hbm4b:s7+s14], $0x80, s15, s14, $0xb8;
	[tilespmem:$0x1C500] =	vst v63  }
0x264: {  	_ =	swait.ge [sflag:s28], $0x1000  }
0x265: {  	[sflag:s28] =	ssyncset.done $0x0  }
0x266: {  	[sflag:s28] =	ssyncadd.s32 $0xFFFFF000  }
0x267: {  	_ =	swait.ge [sflag:s28], $0x1000  }
0x268: {  	[sflag:s28] =	ssyncset.done $0x0  }
0x269: {  	[sflag:s28] =	ssyncadd.s32 $0xFFFFF000  }
0x26a: {  	_ =	swait.ge [sflag:s28], $0x1000  }
0x26b: {  	[sflag:s28] =	ssyncset.done $0x0  }
0x26c: {  	[sflag:s28] =	ssyncadd.s32 $0xFFFFF000  }
0x26d: {  	_ =	swait.ge [sflag:s4], $0x1000  }
0x26e: {  	[sflag:s4] =	ssyncset.done $0x0  }
0x26f: {  	[sflag:s4] =	ssyncadd.s32 $0xFFFFF000  }
0x270: {  	v0 =	vld [tilespmem:$0x180]  }
0x271: {  	v1 =	vld [tilespmem:$0x190]  }
0x272: {  	v2 =	vld [tilespmem:$0x500]  }
0x273: {  	v3 =	vld [tilespmem:$0x510]  }
0x274: {  	v4 =	vld [tilespmem:$0x520]  }
0x275: {  	[tilespmem:$0x280] =	vst v0;
	v0 =	vld [tilespmem:$0x530]  }
0x276: {  	[tilespmem:$0x290] =	vst v1;
	v1 =	vld [tilespmem:$0x540]  }
0x277: {  	[tilespmem:$0x8700] =	vst v2;
	v2 =	vld [tilespmem:$0x550]  }
0x278: {  	[tilespmem:$0x8710] =	vst v3;
	v3 =	vld [tilespmem:$0x560]  }
0x279: {  	[tilespmem:$0x8720] =	vst v4;
	v4 =	vld [tilespmem:$0x570]  }
0x27a: {  	[tilespmem:$0x8730] =	vst v0;
	v0 =	vld [tilespmem:$0x580]  }
0x27b: {  	[tilespmem:$0x8740] =	vst v1;
	v1 =	vld [tilespmem:$0x590]  }
0x27c: {  	[tilespmem:$0x8750] =	vst v2;
	v2 =	vld [tilespmem:$0x5A0]  }
0x27d: {  	[tilespmem:$0x8760] =	vst v3;
	v3 =	vld [tilespmem:$0x5B0]  }
0x27e: {  	[tilespmem:$0x8770] =	vst v4;
	v4 =	vld [tilespmem:$0x5C0]  }
0x27f: {  	[tilespmem:$0x8780] =	vst v0;
	v0 =	vld [tilespmem:$0x5D0]  }
0x280: {  	[tilespmem:$0x8790] =	vst v1;
	v1 =	vld [tilespmem:$0x5E0]  }
0x281: {  	[tilespmem:$0x87A0] =	vst v2;
	v2 =	vld [tilespmem:$0x5F0]  }
0x282: {  	[tilespmem:$0x87B0] =	vst v3;
	v3 =	vld [tilespmem:$0x600]  }
0x283: {  	[tilespmem:$0x87C0] =	vst v4;
	v4 =	vld [tilespmem:$0x610]  }
0x284: {  	[tilespmem:$0x87D0] =	vst v0;
	v0 =	vld [tilespmem:$0x620]  }
0x285: {  	[tilespmem:$0x87E0] =	vst v1;
	v1 =	vld [tilespmem:$0x630]  }
0x286: {  	[tilespmem:$0x87F0] =	vst v2;
	v2 =	vld [tilespmem:$0x640]  }
0x287: {  	[tilespmem:$0x8800] =	vst v3;
	v3 =	vld [tilespmem:$0x650]  }
0x288: {  	[tilespmem:$0x8810] =	vst v4;
	v4 =	vld [tilespmem:$0x660]  }
0x289: {  	[tilespmem:$0x8820] =	vst v0;
	v0 =	vld [tilespmem:$0x670]  }
0x28a: {  	[tilespmem:$0x8830] =	vst v1;
	v1 =	vld [tilespmem:$0x680]  }
0x28b: {  	[tilespmem:$0x8840] =	vst v2;
	v2 =	vld [tilespmem:$0x690]  }
0x28c: {  	[tilespmem:$0x8850] =	vst v3;
	v3 =	vld [tilespmem:$0x6A0]  }
0x28d: {  	[tilespmem:$0x8860] =	vst v4;
	v4 =	vld [tilespmem:$0x6B0]  }
0x28e: {  	[tilespmem:$0x8870] =	vst v0;
	v0 =	vld [tilespmem:$0x6C0]  }
0x28f: {  	[tilespmem:$0x8880] =	vst v1;
	v1 =	vld [tilespmem:$0x6D0]  }
0x290: {  	[tilespmem:$0x8890] =	vst v2;
	v2 =	vld [tilespmem:$0x6E0]  }
0x291: {  	[tilespmem:$0x88A0] =	vst v3;
	v3 =	vld [tilespmem:$0x6F0]  }
0x292: {  	[tilespmem:$0x88B0] =	vst v4  }
0x293: {  	[tilespmem:$0x88C0] =	vst v0  }
0x294: {  	s11 =	sadd.s32 s11, s21;
	[tilespmem:$0x88D0] =	vst v1  }
0x295: {  	s20 =	sshrl.u32 s11, $0x3;
	[tilespmem:$0x88E0] =	vst v2  }
0x296: {  	s11 =	sshll.u32 s11, $0x1;
	s22 =	sadd.s32 s8, s20;
	[tilespmem:$0x88F0] =	vst v3  }
0x297: {  	[tilespmem:s2], [sflag:$0x2] =	stream.linear.gather [hbm4b:s22+s15], $0x20, $0x38;
	[tilespmem:$0x1C500] =	vst v63  }
0x298: {  	s16 =	sadd.s32 s1, s20;
	s11 =	sand.u32 $0x1FFFFFC0, s11  }
0x299: {  	[tilespmem:s10], [sflag:$0x2] =	stream.linear.gather [hbm4b:s16+s15], $0x20, $0x38;
	[tilespmem:$0x1C500] =	vst v63  }
0x29a: {  	s11 =	sadd.s32 s9, s11;
	s23 =	simm.s32 $0x500  }
0x29b: {  	[tilespmem:s23], [sflag:$0x2] =	stream.linear.gather [hbm4b:s11+s15], $0x200, $0x38;
	[tilespmem:$0x1C500] =	vst v63  }
0x29c: {  	s11 =	simm.s32 $0x0  }
0x29d: {  	v0 =	vld [tilespmem:s11+$0x1740]  }
0x29e: {  	v1 =	vld [tilespmem:s11+$0x3730]  }
0x29f: {  	v2 =	vld [tilespmem:s11+$0x1730]  }
0x2a0: {  	v3 =	vld [tilespmem:s11+$0x3710]  }
0x2a1: {  	v4 =	vld [tilespmem:s11+$0x1710]  }
0x2a2: {  	v5 =	vld [tilespmem:s11+$0x1770]  }
0x2a3: {  	v6 =	vld [tilespmem:s11+$0x3770]  }
0x2a4: {  	v7 =	vld [tilespmem:s11+$0x3760]  }
0x2a5: {  	v9 =	vld [tilespmem:s11+$0x1750]  }
0x2a6: {  	v10 =	vld [tilespmem:s11+$0x3750]  }
0x2a7: {  	v8 =	vld [tilespmem:s11+$0x3740]  }
0x2a8: {  	v11 =	vld [tilespmem:s11+$0x1760]  }
0x2a9: {  	v3 =	vadd.f32 v3, v4;
	v1 =	vadd.f32 v1, v2;
	v2 =	vld [tilespmem:s11+$0x1700]  }
0x2aa: {  	v4 =	vadd.f32 v6, v5;
	v5 =	vld [tilespmem:s11+$0x3700]  }
0x2ab: {  	v6 =	vadd.f32 v10, v9;
	v3 =	vsub.f32 $0.0e+00, v3  }
0x2ac: {  	v1 =	vsub.f32 $0.0e+00, v1;
	v4 =	vsub.f32 $0.0e+00, v4  }
0x2ad: {  	v0 =	vadd.f32 v8, v0;
	v7 =	vadd.f32 v7, v11;
	v3 =	vmul.f32 $1.442695020e+00, v3  }
0x2ae: {  	v8 =	vld [tilespmem:s11+$0x1720];
	v6 =	vsub.f32 $0.0e+00, v6;
	v1 =	vmul.f32 $1.442695020e+00, v1;
	v4 =	vmul.f32 $1.442695020e+00, v4  }
0x2af: {  	v9 =	vld [tilespmem:s11+$0x3720];
	v2 =	vadd.f32 v5, v2;
	(erf) = vpow2.f32 v3;
	v3 =	vsub.f32 $0.0e+00, v7  }
0x2b0: {  	s15 =	simm.s32 $0x80;
	v6 =	vmul.f32 $1.442695020e+00, v6;
	v5 =	vsub.f32 $0.0e+00, v0;
	(erf) = vpow2.f32 v1  }
0x2b1: {  	v15 =	vld [tilespmem:s15+$0x1750];
	v1 =	vsub.f32 $0.0e+00, v2;
	v2 =	vmul.f32 $1.442695020e+00, v3;
	(erf) = vpow2.f32 v4  }
0x2b2: {  	v19 =	vld [tilespmem:s11+$0x5750];
	v3 =	vmul.f32 $1.442695020e+00, v5;
	(erf) = vpow2.f32 v6  }
0x2b3: {  	v11 =	vld [tilespmem:s15+$0x1770];
	v1 =	vmul.f32 $1.442695020e+00, v1;
	(erf) = vpow2.f32 v2  }
0x2b4: {  	v7 =	vld [tilespmem:s15+$0x1720];
	v2 =	vadd.f32 v9, v8;
	(erf) = vpow2.f32 v3  }
0x2b5: {  	v9 =	vld [tilespmem:s15+$0x1710];
	(erf) = vpow2.f32 v1  }
0x2b6: {  	v1 =	vsub.f32 $0.0e+00, v2;
	v2 =	vld [tilespmem:s15+$0x3710]  }
0x2b7: {  	v6 =	vld [tilespmem:s15+$0x3730]  }
0x2b8: {  	v3 =	vld [tilespmem:s15+$0x1730];
	v1 =	vmul.f32 $1.442695020e+00, v1;
	v8 =	vpop (erf)  }
0x2b9: {  	v5 =	vld [tilespmem:s15+$0x1740];
	v8 =	vadd.f32 $1.000000000e+00, v8;
	v10 =	vpop (erf)  }
0x2ba: {  	(erf) = vpow2.f32 v1;
	v1 =	vadd.f32 $1.000000000e+00, v10;
	v10 =	vld [tilespmem:s15+$0x3770];
	v12 =	vpop (erf)  }
0x2bb: {  	v2 =	vadd.f32 v2, v9;
	v9 =	vld [tilespmem:s15+$0x1760];
	(erf) = vrcp.f32 v8;
	v12 =	vadd.f32 $1.000000000e+00, v12;
	v13 =	vpop (erf)  }
0x2bc: {  	(erf) = vrcp.f32 v1;
	v1 =	vld [tilespmem:s15+$0x3740];
	v13 =	vadd.f32 $1.000000000e+00, v13;
	v14 =	vpop (erf)  }
0x2bd: {  	v3 =	vadd.f32 v6, v3;
	v8 =	vld [tilespmem:s15+$0x3760];
	v14 =	vadd.f32 $1.000000000e+00, v14;
	v16 =	vpop (erf);
	(erf) = vrcp.f32 v12  }
0x2be: {  	v12 =	vld [tilespmem:s15+$0x3750];
	v16 =	vadd.f32 $1.000000000e+00, v16;
	v17 =	vpop (erf);
	(erf) = vrcp.f32 v13  }
0x2bf: {  	v3 =	vsub.f32 $0.0e+00, v3;
	v13 =	vadd.f32 $1.000000000e+00, v17;
	(erf) = vrcp.f32 v14;
	v14 =	vld [tilespmem:s15+$0x1700]  }
0x2c0: {  	v2 =	vsub.f32 $0.0e+00, v2;
	v6 =	vadd.f32 v10, v11;
	v11 =	vld [tilespmem:s15+$0x3700];
	(erf) = vrcp.f32 v16  }
0x2c1: {  	(erf) = vrcp.f32 v13;
	v1 =	vadd.f32 v1, v5;
	v13 =	vld [tilespmem:s15+$0x3720]  }
0x2c2: {  	v4 =	vld [tilespmem:s11+$0x5710];
	v10 =	vmul.f32 $1.442695020e+00, v2;
	v6 =	vsub.f32 $0.0e+00, v6  }
0x2c3: {  	v21 =	vld [tilespmem:s11+$0x5740];
	v16 =	vmul.f32 $1.442695020e+00, v3;
	v5 =	vpop (erf);
	v1 =	vsub.f32 $0.0e+00, v1  }
0x2c4: {  	v0 =	vld [tilespmem:s11+$0x5700];
	v8 =	vadd.f32 v8, v9;
	v12 =	vadd.f32 v12, v15;
	(erf) = vpow2.f32 v10;
	v3 =	vpop (erf)  }
0x2c5: {  	v2 =	vld [tilespmem:s15+$0x5700];
	v18 =	vadd.f32 $1.000000000e+00, v5;
	v20 =	vmul.f32 $1.442695020e+00, v6;
	v11 =	vadd.f32 v11, v14;
	v5 =	vpop (erf)  }
0x2c6: {  	v10 =	vld [tilespmem:s11+$0x5760];
	v9 =	vsub.f32 $0.0e+00, v12;
	(erf) = vpow2.f32 v16;
	v6 =	vpop (erf);
	v13 =	vadd.f32 v13, v7  }
0x2c7: {  	v12 =	vsub.f32 $0.0e+00, v8;
	v3 =	vmul.f32 v3, v4;
	v8 =	vmul.f32 $1.442695020e+00, v1;
	v4 =	vld [tilespmem:s11+$0x5720];
	v1 =	vpop (erf)  }
0x2c8: {  	(erf) = vrcp.f32 v18;
	v15 =	vmul.f32 $1.442695020e+00, v9;
	v9 =	vld [tilespmem:s11+$0x5730];
	v17 =	vpop (erf)  }
0x2c9: {  	v14 =	vmul.f32 $1.442695020e+00, v12;
	v16 =	vsub.f32 $0.0e+00, v11;
	v12 =	vld [tilespmem:s11+$0x5770];
	(erf) = vpow2.f32 v20;
	v11 =	vpop (erf)  }
0x2ca: {  	s22 =	simm.s32 $0x400;
	s16 =	simm.s32 $0x8700;
	v7 =	vmul.f32 v1, v19;
	v18 =	vsub.f32 $0.0e+00, v13;
	v1 =	vld [tilespmem:s15+$0x5710];
	v11 =	vmul.f32 v11, v21;
	v13 =	vpop (erf)  }
.LBB2_9:
0x2cb: {  	s18 =	smov.u32 s22  }
0x2cc: {  	s20 =	sshra.s32 s22, $0x2;
	(erf) = vpow2.f32 v15;
	v15 =	vld [tilespmem:s16+$0x0];
	v10 =	vmul.f32 v17, v10;
	s16 =	sadd.s32 $0x10, s16;
	s18 =	sadd.s32 $0x200, s22  }
0x2cd: {  	p0 =	sne.s32 s22, $0x3E00;
	v19 =	vmul.f32 $1.442695020e+00, v16;
	v17 =	vld [tilespmem:s20+$0x1740];
	(erf) = vpow2.f32 v14  }
0x2ce: {  	v18 =	vmul.f32 $1.442695020e+00, v18;
	v14 =	vld [tilespmem:s20+$0x3730];
	(erf) = vpow2.f32 v8  }
0x2cf: {  	v6 =	vmul.f32 v6, v12;
	v8 =	vld [tilespmem:s20+$0x1730];
	(erf) = vpow2.f32 v19;
	v16 =	vpop (erf)  }
0x2d0: {  	v5 =	vmul.f32 v5, v9;
	v12 =	vld [tilespmem:s20+$0x1720];
	v16 =	vadd.f32 $1.000000000e+00, v16;
	(erf) = vpow2.f32 v18  }
0x2d1: {  	v13 =	vmul.f32 v13, v0;
	v0 =	vmov v2;
	v7 =	vmul.f32 v7, v15;
	v9 =	vld [tilespmem:s20+$0x3710]  }
0x2d2: {  	v5 =	vmul.f32 v5, v15;
	v11 =	vmul.f32 v11, v15;
	v2 =	vld [tilespmem:s20+$0x1710];
	v18 =	vpop (erf)  }
0x2d3: {  	v13 =	vmul.f32 v13, v15;
	v6 =	vmul.f32 v6, v15;
	v19 =	vld [tilespmem:s20+$0x1770];
	v22 =	vadd.f32 $1.000000000e+00, v18;
	v20 =	vpop (erf)  }
0x2d4: {  	v21 =	vld [tilespmem:s20+$0x3770];
	(erf) = vrcp.f32 v16;
	v16 =	vpop (erf);
	v4 =	vmul.f32 v20, v4;
	[tilespmem:s11+$0x7730] =	vst v5  }
0x2d5: {  	v10 =	vmul.f32 v10, v15;
	v5 =	vld [tilespmem:s20+$0x3760];
	v23 =	vadd.f32 $1.000000000e+00, v16;
	(erf) = vrcp.f32 v22;
	v18 =	vpop (erf);
	[tilespmem:s11+$0x7740] =	vst v11  }
0x2d6: {  	v3 =	vmul.f32 v3, v15;
	v11 =	vld [tilespmem:s20+$0x3740];
	v18 =	vadd.f32 $1.000000000e+00, v18;
	v20 =	vpop (erf);
	v4 =	vmul.f32 v4, v15;
	[tilespmem:s11+$0x7750] =	vst v7  }
0x2d7: {  	v2 =	vadd.f32 v9, v2;
	v7 =	vld [tilespmem:s20+$0x1750];
	v9 =	vadd.f32 $1.000000000e+00, v20;
	v15 =	vpop (erf);
	(erf) = vrcp.f32 v23;
	[tilespmem:s11+$0x7700] =	vst v13  }
0x2d8: {  	v13 =	vld [tilespmem:s20+$0x3750];
	v15 =	vadd.f32 $1.000000000e+00, v15;
	v16 =	vpop (erf);
	(erf) = vrcp.f32 v18;
	[tilespmem:s11+$0x7760] =	vst v10  }
0x2d9: {  	v8 =	vadd.f32 v14, v8;
	v10 =	vld [tilespmem:s20+$0x1760];
	v14 =	vadd.f32 $1.000000000e+00, v16;
	v16 =	vpop (erf);
	(erf) = vrcp.f32 v9;
	[tilespmem:s11+$0x7720] =	vst v4  }
0x2da: {  	v2 =	vsub.f32 $0.0e+00, v2;
	v9 =	vadd.f32 v21, v19;
	v4 =	vld [tilespmem:s20+$0x1700];
	(erf) = vrcp.f32 v15;
	[tilespmem:s11+$0x7710] =	vst v3  }
0x2db: {  	v3 =	vsub.f32 $0.0e+00, v8;
	v15 =	vld [tilespmem:s20+$0x3700];
	v8 =	vadd.f32 v11, v17;
	(erf) = vrcp.f32 v14;
	[tilespmem:s11+$0x7770] =	vst v6;
	s11 =	smov.u32 s15;
	s15 =	smov.u32 s20  }
0x2dc: {  	v6 =	vmul.f32 $1.442695020e+00, v2;
	v9 =	vsub.f32 $0.0e+00, v9;
	v11 =	vld [tilespmem:s15+$0x3720]  }
0x2dd: {  	v17 =	vmul.f32 $1.442695020e+00, v3;
	v2 =	vld [tilespmem:s15+$0x5700];
	v3 =	vadd.f32 v13, v7;
	v13 =	vadd.f32 $1.000000000e+00, v16;
	v7 =	vpop (erf)  }
0x2de: {  	v8 =	vsub.f32 $0.0e+00, v8;
	v19 =	vmul.f32 $1.442695020e+00, v9;
	v10 =	vadd.f32 v5, v10;
	v20 =	vld [tilespmem:s11+$0x5750];
	v5 =	vpop (erf)  }
0x2df: {  	v9 =	vsub.f32 $0.0e+00, v3;
	(erf) = vpow2.f32 v6;
	v3 =	vmul.f32 v7, v1;
	v21 =	vld [tilespmem:s11+$0x5740]  }
.Ltmp3:
0x2e0: {  	v1 =	vadd.f32 v15, v4;
	v7 =	vsub.f32 $0.0e+00, v10;
	v10 =	vld [tilespmem:s11+$0x5760];
	v6 =	vpop (erf);
	(pc) =	sbr.rel @p0 .LBB2_9-.Ltmp3, $4  }
0x2e1: {  	v8 =	vmul.f32 $1.442695020e+00, v8;
	v22 =	vadd.f32 v11, v12;
	v15 =	vmul.f32 $1.442695020e+00, v9;
	v4 =	vld [tilespmem:s11+$0x5720];
	v12 =	vpop (erf)  }
0x2e2: {  	v16 =	vsub.f32 $0.0e+00, v1;
	v14 =	vmul.f32 $1.442695020e+00, v7;
	(erf) = vpow2.f32 v17;
	v9 =	vld [tilespmem:s11+$0x5730];
	v17 =	vpop (erf)  }
0x2e3: {  	v18 =	vsub.f32 $0.0e+00, v22;
	v7 =	vmul.f32 v12, v20;
	v12 =	vld [tilespmem:s11+$0x5770];
	(erf) = vrcp.f32 v13;
	v11 =	vpop (erf)  }
0x2e4: {  	s22 =	smov.u32 s18;
	v1 =	vld [tilespmem:s15+$0x5710];
	(erf) = vpow2.f32 v19;
	v11 =	vmul.f32 v11, v21;
	v13 =	vpop (erf)  }
0x2e5: {  	v27 =	vld [tilespmem:s16+$0x0]  }
0x2e6: {  	(erf) = vpow2.f32 v15;
	v28 =	vmul.f32 $1.442695020e+00, v16  }
0x2e7: {  	v29 =	vmul.f32 $1.442695020e+00, v18;
	(erf) = vpow2.f32 v14  }
0x2e8: {  	(erf) = vpow2.f32 v8;
	v5 =	vmul.f32 v5, v9  }
0x2e9: {  	(erf) = vpow2.f32 v28  }
0x2ea: {  	v30 =	vpop (erf);
	(erf) = vpow2.f32 v29;
	v5 =	vmul.f32 v5, v27  }
0x2eb: {  	v0 =	vmul.f32 v13, v0;
	v32 =	vadd.f32 $1.000000000e+00, v30;
	v11 =	vmul.f32 v11, v27  }
0x2ec: {  	v10 =	vmul.f32 v17, v10;
	v7 =	vmul.f32 v7, v27;
	v31 =	vpop (erf);
	[tilespmem:s11+$0x7730] =	vst v5  }
0x2ed: {  	v0 =	vmul.f32 v0, v27;
	(erf) = vrcp.f32 v32;
	v33 =	vpop (erf);
	[tilespmem:s11+$0x7740] =	vst v11  }
0x2ee: {  	v6 =	vmul.f32 v6, v12;
	v10 =	vmul.f32 v10, v27;
	v8 =	vadd.f32 $1.000000000e+00, v31;
	[tilespmem:s11+$0x7750] =	vst v7;
	v34 =	vpop (erf)  }
0x2ef: {  	v3 =	vmul.f32 v3, v27;
	[tilespmem:s11+$0x7700] =	vst v0;
	v4 =	vmul.f32 v33, v4;
	v35 =	vadd.f32 $1.000000000e+00, v34;
	v36 =	vpop (erf)  }
0x2f0: {  	v6 =	vmul.f32 v6, v27;
	[tilespmem:s11+$0x7760] =	vst v10;
	(erf) = vrcp.f32 v8;
	v37 =	vadd.f32 $1.000000000e+00, v36;
	v38 =	vpop (erf)  }
0x2f1: {  	[tilespmem:s11+$0x7710] =	vst v3;
	v4 =	vmul.f32 v4, v27;
	v39 =	vadd.f32 $1.000000000e+00, v38;
	v40 =	vpop (erf);
	(erf) = vrcp.f32 v35  }
0x2f2: {  	[tilespmem:s11+$0x7770] =	vst v6;
	v41 =	vadd.f32 $1.000000000e+00, v40;
	(erf) = vrcp.f32 v37;
	v42 =	vpop (erf)  }
0x2f3: {  	[tilespmem:s11+$0x7720] =	vst v4;
	(erf) = vrcp.f32 v39;
	v5 =	vadd.f32 $1.000000000e+00, v42;
	v43 =	vpop (erf)  }
0x2f4: {  	s23 =	sadd.s32 $0x10, s16;
	v45 =	vld [tilespmem:s15+$0x5730];
	(erf) = vrcp.f32 v41;
	v0 =	vadd.f32 $1.000000000e+00, v43  }
0x2f5: {  	v48 =	vld [tilespmem:s23+$0x0];
	(erf) = vrcp.f32 v5  }
0x2f6: {  	v54 =	vld [tilespmem:s15+$0x5770];
	v44 =	vpop (erf);
	(erf) = vrcp.f32 v0  }
0x2f7: {  	v3 =	vld [tilespmem:s15+$0x5750]  }
0x2f8: {  	v10 =	vld [tilespmem:s15+$0x5760]  }
0x2f9: {  	v6 =	vld [tilespmem:s15+$0x5740];
	v1 =	vmul.f32 v44, v1;
	v46 =	vpop (erf)  }
0x2fa: {  	v0 =	vmul.f32 v46, v45;
	v47 =	vpop (erf)  }
0x2fb: {  	v51 =	vld [tilespmem:s15+$0x5720];
	v62 =	vmul.f32 v1, v48;
	v49 =	vpop (erf);
	v61 =	vmul.f32 v47, v54  }
0x2fc: {  	v0 =	vmul.f32 v0, v48;
	v50 =	vpop (erf);
	v3 =	vmul.f32 v49, v3  }
0x2fd: {  	[tilespmem:s15+$0x7710] =	vst v62;
	v52 =	vpop (erf);
	v56 =	vmul.f32 v50, v10;
	v63 =	vmul.f32 v61, v48  }
0x2fe: {  	[tilespmem:s15+$0x7730] =	vst v0;
	v53 =	vmul.f32 v52, v6;
	v55 =	vpop (erf);
	v3 =	vmul.f32 v3, v48  }
0x2ff: {  	s0 =	sadd.s32 $0x1, s0;
	v2 =	vmul.f32 v55, v2;
	v57 =	vpop (erf);
	v60 =	vmul.f32 v56, v48;
	[tilespmem:s15+$0x7770] =	vst v63  }
0x300: {  	p0 =	sne.s32 s0, $0x9C;
	v5 =	vmul.f32 v53, v48;
	v59 =	vmul.f32 v57, v51;
	[tilespmem:s15+$0x7750] =	vst v3  }
.Ltmp4:
0x301: {  	v58 =	vmul.f32 v2, v48;
	[tilespmem:s15+$0x7760] =	vst v60;
	(pc) =	sbr.rel @p0 .LBB2_6-.Ltmp4, $4  }
0x302: {  	[tilespmem:s15+$0x7740] =	vst v5;
	v2 =	vmul.f32 v59, v48  }
0x303: {  	[tilespmem:s15+$0x7700] =	vst v58  }
0x304: {  	[tilespmem:s15+$0x7720] =	vst v2  }
0x305: {  	[spmem:s3] =	stream.indirect.scatter.add.f32 [tilespmem:s12], [sflag:$0x6], $0x80, s29, s14, $0xb8;
	[tilespmem:$0x1C500] =	vst v63  }
0x306: {  	_ =	swait.ge [sflag:s19], $0x20  }
0x307: {  	[sflag:s19] =	ssyncset.done $0x0  }
0x308: {  	[sflag:s19] =	ssyncadd.s32 $0xFFFFFFE0  }
0x309: {  	_ =	swait.ge [sflag:s19], $0x20  }
0x30a: {  	[sflag:s19] =	ssyncset.done $0x0  }
0x30b: {  	[sflag:s19] =	ssyncadd.s32 $0xFFFFFFE0  }
0x30c: {  	_ =	swait.ge [sflag:s19], $0x200  }
0x30d: {  	[sflag:s19] =	ssyncset.done $0x0  }
0x30e: {  	s0 =	simm.s32 $0x1700;
	[sflag:s19] =	ssyncadd.s32 $0xFFFFFE00  }
0x30f: {  	[tilespmem:s0], [sflag:$0x4] =	stream.indirect.gather [hbm4b:s5+s14], $0x80, s10, s14, $0xb8;
	[tilespmem:$0x1C500] =	vst v63  }
0x310: {  	s22 =	simm.s32 $0x3700  }
0x311: {  	[tilespmem:s22], [sflag:$0x4] =	stream.indirect.gather [hbm4b:s6+s14], $0x80, s2, s14, $0xb8;
	[tilespmem:$0x1C500] =	vst v63  }
0x312: {  	s23 =	simm.s32 $0x5700  }
0x313: {  	[tilespmem:s23], [sflag:$0x4] =	stream.indirect.gather [hbm4b:s7+s14], $0x80, s2, s14, $0xb8;
	[tilespmem:$0x1C500] =	vst v63  }
0x314: {  	_ =	swait.ge [sflag:s24], $0x1000  }
0x315: {  	[sflag:s24] =	ssyncset.done $0x0  }
0x316: {  	[sflag:s24] =	ssyncadd.s32 $0xFFFFF000  }
0x317: {  	_ =	swait.ge [sflag:s24], $0x1000  }
0x318: {  	[sflag:s24] =	ssyncset.done $0x0  }
0x319: {  	[sflag:s24] =	ssyncadd.s32 $0xFFFFF000  }
0x31a: {  	_ =	swait.ge [sflag:s24], $0x1000  }
0x31b: {  	[sflag:s24] =	ssyncset.done $0x0  }
0x31c: {  	[sflag:s24] =	ssyncadd.s32 $0xFFFFF000  }
0x31d: {  	_ =	swait.ge [sflag:s30], $0x1000  }
0x31e: {  	[sflag:s30] =	ssyncset.done $0x0  }
0x31f: {  	[sflag:s30] =	ssyncadd.s32 $0xFFFFF000  }
0x320: {  	v0 =	vld [tilespmem:$0x100]  }
0x321: {  	v1 =	vld [tilespmem:$0x110]  }
0x322: {  	v2 =	vld [tilespmem:$0x300]  }
0x323: {  	v3 =	vld [tilespmem:$0x310]  }
0x324: {  	v4 =	vld [tilespmem:$0x320]  }
0x325: {  	[tilespmem:$0x200] =	vst v0;
	v0 =	vld [tilespmem:$0x330]  }
0x326: {  	[tilespmem:$0x210] =	vst v1;
	v1 =	vld [tilespmem:$0x340]  }
0x327: {  	[tilespmem:$0x8700] =	vst v2;
	v2 =	vld [tilespmem:$0x350]  }
0x328: {  	[tilespmem:$0x8710] =	vst v3;
	v3 =	vld [tilespmem:$0x360]  }
0x329: {  	[tilespmem:$0x8720] =	vst v4;
	v4 =	vld [tilespmem:$0x370]  }
0x32a: {  	[tilespmem:$0x8730] =	vst v0;
	v0 =	vld [tilespmem:$0x380]  }
0x32b: {  	[tilespmem:$0x8740] =	vst v1;
	v1 =	vld [tilespmem:$0x390]  }
0x32c: {  	[tilespmem:$0x8750] =	vst v2;
	v2 =	vld [tilespmem:$0x3A0]  }
0x32d: {  	[tilespmem:$0x8760] =	vst v3;
	v3 =	vld [tilespmem:$0x3B0]  }
0x32e: {  	[tilespmem:$0x8770] =	vst v4;
	v4 =	vld [tilespmem:$0x3C0]  }
0x32f: {  	[tilespmem:$0x8780] =	vst v0;
	v0 =	vld [tilespmem:$0x3D0]  }
0x330: {  	[tilespmem:$0x8790] =	vst v1;
	v1 =	vld [tilespmem:$0x3E0]  }
0x331: {  	[tilespmem:$0x87A0] =	vst v2;
	v2 =	vld [tilespmem:$0x3F0]  }
0x332: {  	[tilespmem:$0x87B0] =	vst v3;
	v3 =	vld [tilespmem:$0x400]  }
0x333: {  	[tilespmem:$0x87C0] =	vst v4;
	v4 =	vld [tilespmem:$0x410]  }
0x334: {  	[tilespmem:$0x87D0] =	vst v0;
	v0 =	vld [tilespmem:$0x420]  }
0x335: {  	[tilespmem:$0x87E0] =	vst v1;
	v1 =	vld [tilespmem:$0x430]  }
0x336: {  	[tilespmem:$0x87F0] =	vst v2;
	v2 =	vld [tilespmem:$0x440]  }
0x337: {  	[tilespmem:$0x8800] =	vst v3;
	v3 =	vld [tilespmem:$0x450]  }
0x338: {  	[tilespmem:$0x8810] =	vst v4;
	v4 =	vld [tilespmem:$0x460]  }
0x339: {  	[tilespmem:$0x8820] =	vst v0;
	v0 =	vld [tilespmem:$0x470]  }
0x33a: {  	[tilespmem:$0x8830] =	vst v1;
	v1 =	vld [tilespmem:$0x480]  }
0x33b: {  	[tilespmem:$0x8840] =	vst v2;
	v2 =	vld [tilespmem:$0x490]  }
0x33c: {  	[tilespmem:$0x8850] =	vst v3;
	v3 =	vld [tilespmem:$0x4A0]  }
0x33d: {  	[tilespmem:$0x8860] =	vst v4;
	v4 =	vld [tilespmem:$0x4B0]  }
0x33e: {  	[tilespmem:$0x8870] =	vst v0;
	v0 =	vld [tilespmem:$0x4C0]  }
0x33f: {  	[tilespmem:$0x8880] =	vst v1;
	v1 =	vld [tilespmem:$0x4D0]  }
0x340: {  	[tilespmem:$0x8890] =	vst v2;
	v2 =	vld [tilespmem:$0x4E0]  }
0x341: {  	[tilespmem:$0x88A0] =	vst v3;
	v3 =	vld [tilespmem:$0x4F0]  }
0x342: {  	[tilespmem:$0x88B0] =	vst v4  }
0x343: {  	[tilespmem:$0x88C0] =	vst v0  }
0x344: {  	[tilespmem:$0x88D0] =	vst v1  }
0x345: {  	[tilespmem:$0x88E0] =	vst v2  }
0x346: {  	s0 =	simm.s32 $0x0;
	[tilespmem:$0x88F0] =	vst v3  }
0x347: {  	v0 =	vld [tilespmem:s0+$0x740]  }
0x348: {  	v1 =	vld [tilespmem:s0+$0x2730]  }
0x349: {  	v2 =	vld [tilespmem:s0+$0x730]  }
0x34a: {  	v3 =	vld [tilespmem:s0+$0x2710]  }
0x34b: {  	v4 =	vld [tilespmem:s0+$0x710]  }
0x34c: {  	v5 =	vld [tilespmem:s0+$0x770]  }
0x34d: {  	v6 =	vld [tilespmem:s0+$0x2770]  }
0x34e: {  	v7 =	vld [tilespmem:s0+$0x2760]  }
0x34f: {  	v9 =	vld [tilespmem:s0+$0x750]  }
0x350: {  	v10 =	vld [tilespmem:s0+$0x2750]  }
0x351: {  	v8 =	vld [tilespmem:s0+$0x2740]  }
0x352: {  	v11 =	vld [tilespmem:s0+$0x760]  }
0x353: {  	v3 =	vadd.f32 v3, v4;
	v1 =	vadd.f32 v1, v2;
	v2 =	vld [tilespmem:s0+$0x700]  }
0x354: {  	v4 =	vadd.f32 v6, v5;
	v5 =	vld [tilespmem:s0+$0x2700]  }
0x355: {  	v6 =	vadd.f32 v10, v9;
	v3 =	vsub.f32 $0.0e+00, v3  }
0x356: {  	v1 =	vsub.f32 $0.0e+00, v1;
	v4 =	vsub.f32 $0.0e+00, v4  }
0x357: {  	v0 =	vadd.f32 v8, v0;
	v7 =	vadd.f32 v7, v11;
	v3 =	vmul.f32 $1.442695020e+00, v3  }
0x358: {  	v8 =	vld [tilespmem:s0+$0x720];
	v6 =	vsub.f32 $0.0e+00, v6;
	v1 =	vmul.f32 $1.442695020e+00, v1;
	v4 =	vmul.f32 $1.442695020e+00, v4  }
0x359: {  	v9 =	vld [tilespmem:s0+$0x2720];
	v2 =	vadd.f32 v5, v2;
	(erf) = vpow2.f32 v3;
	v3 =	vsub.f32 $0.0e+00, v7  }
0x35a: {  	s11 =	simm.s32 $0x80;
	v6 =	vmul.f32 $1.442695020e+00, v6;
	v5 =	vsub.f32 $0.0e+00, v0;
	(erf) = vpow2.f32 v1  }
0x35b: {  	v15 =	vld [tilespmem:s11+$0x750];
	v1 =	vsub.f32 $0.0e+00, v2;
	v2 =	vmul.f32 $1.442695020e+00, v3;
	(erf) = vpow2.f32 v4  }
0x35c: {  	v19 =	vld [tilespmem:s0+$0x4750];
	v3 =	vmul.f32 $1.442695020e+00, v5;
	(erf) = vpow2.f32 v6  }
0x35d: {  	v11 =	vld [tilespmem:s11+$0x770];
	v1 =	vmul.f32 $1.442695020e+00, v1;
	(erf) = vpow2.f32 v2  }
0x35e: {  	v7 =	vld [tilespmem:s11+$0x720];
	v2 =	vadd.f32 v9, v8;
	(erf) = vpow2.f32 v3  }
0x35f: {  	v9 =	vld [tilespmem:s11+$0x710];
	(erf) = vpow2.f32 v1  }
0x360: {  	v1 =	vsub.f32 $0.0e+00, v2;
	v2 =	vld [tilespmem:s11+$0x2710]  }
0x361: {  	v6 =	vld [tilespmem:s11+$0x2730]  }
0x362: {  	v3 =	vld [tilespmem:s11+$0x730];
	v1 =	vmul.f32 $1.442695020e+00, v1;
	v8 =	vpop (erf)  }
0x363: {  	v5 =	vld [tilespmem:s11+$0x740];
	v8 =	vadd.f32 $1.000000000e+00, v8;
	v10 =	vpop (erf)  }
0x364: {  	(erf) = vpow2.f32 v1;
	v1 =	vadd.f32 $1.000000000e+00, v10;
	v10 =	vld [tilespmem:s11+$0x2770];
	v12 =	vpop (erf)  }
0x365: {  	v2 =	vadd.f32 v2, v9;
	v9 =	vld [tilespmem:s11+$0x760];
	(erf) = vrcp.f32 v8;
	v12 =	vadd.f32 $1.000000000e+00, v12;
	v13 =	vpop (erf)  }
0x366: {  	(erf) = vrcp.f32 v1;
	v1 =	vld [tilespmem:s11+$0x2740];
	v13 =	vadd.f32 $1.000000000e+00, v13;
	v14 =	vpop (erf)  }
0x367: {  	v3 =	vadd.f32 v6, v3;
	v8 =	vld [tilespmem:s11+$0x2760];
	v14 =	vadd.f32 $1.000000000e+00, v14;
	v16 =	vpop (erf);
	(erf) = vrcp.f32 v12  }
0x368: {  	v12 =	vld [tilespmem:s11+$0x2750];
	v16 =	vadd.f32 $1.000000000e+00, v16;
	v17 =	vpop (erf);
	(erf) = vrcp.f32 v13  }
0x369: {  	v3 =	vsub.f32 $0.0e+00, v3;
	v13 =	vadd.f32 $1.000000000e+00, v17;
	(erf) = vrcp.f32 v14;
	v14 =	vld [tilespmem:s11+$0x700]  }
0x36a: {  	v2 =	vsub.f32 $0.0e+00, v2;
	v6 =	vadd.f32 v10, v11;
	v11 =	vld [tilespmem:s11+$0x2700];
	(erf) = vrcp.f32 v16  }
0x36b: {  	(erf) = vrcp.f32 v13;
	v1 =	vadd.f32 v1, v5;
	v13 =	vld [tilespmem:s11+$0x2720]  }
0x36c: {  	v4 =	vld [tilespmem:s0+$0x4710];
	v10 =	vmul.f32 $1.442695020e+00, v2;
	v6 =	vsub.f32 $0.0e+00, v6  }
0x36d: {  	v21 =	vld [tilespmem:s0+$0x4740];
	v16 =	vmul.f32 $1.442695020e+00, v3;
	v5 =	vpop (erf);
	v1 =	vsub.f32 $0.0e+00, v1  }
0x36e: {  	v0 =	vld [tilespmem:s0+$0x4700];
	v8 =	vadd.f32 v8, v9;
	v12 =	vadd.f32 v12, v15;
	(erf) = vpow2.f32 v10;
	v3 =	vpop (erf)  }
0x36f: {  	v2 =	vld [tilespmem:s11+$0x4700];
	v18 =	vadd.f32 $1.000000000e+00, v5;
	v20 =	vmul.f32 $1.442695020e+00, v6;
	v11 =	vadd.f32 v11, v14;
	v5 =	vpop (erf)  }
0x370: {  	v10 =	vld [tilespmem:s0+$0x4760];
	v9 =	vsub.f32 $0.0e+00, v12;
	(erf) = vpow2.f32 v16;
	v6 =	vpop (erf);
	v13 =	vadd.f32 v13, v7  }
0x371: {  	v12 =	vsub.f32 $0.0e+00, v8;
	v3 =	vmul.f32 v3, v4;
	v8 =	vmul.f32 $1.442695020e+00, v1;
	v4 =	vld [tilespmem:s0+$0x4720];
	v1 =	vpop (erf)  }
0x372: {  	(erf) = vrcp.f32 v18;
	v15 =	vmul.f32 $1.442695020e+00, v9;
	v9 =	vld [tilespmem:s0+$0x4730];
	v17 =	vpop (erf)  }
0x373: {  	v14 =	vmul.f32 $1.442695020e+00, v12;
	v16 =	vsub.f32 $0.0e+00, v11;
	v12 =	vld [tilespmem:s0+$0x4770];
	(erf) = vpow2.f32 v20;
	v11 =	vpop (erf)  }
0x374: {  	s15 =	simm.s32 $0x8700;
	s20 =	simm.s32 $0x400;
	v7 =	vmul.f32 v1, v19;
	v18 =	vsub.f32 $0.0e+00, v13;
	v1 =	vld [tilespmem:s11+$0x4710];
	v11 =	vmul.f32 v11, v21;
	v13 =	vpop (erf)  }
.LBB2_12:
0x375: {  	s16 =	smov.u32 s20  }
0x376: {  	s18 =	sshra.s32 s20, $0x2;
	(erf) = vpow2.f32 v15;
	v15 =	vld [tilespmem:s15+$0x0];
	v10 =	vmul.f32 v17, v10;
	s15 =	sadd.s32 $0x10, s15;
	s16 =	sadd.s32 $0x200, s20  }
0x377: {  	p0 =	sne.s32 s20, $0x3E00;
	v19 =	vmul.f32 $1.442695020e+00, v16;
	v17 =	vld [tilespmem:s18+$0x740];
	(erf) = vpow2.f32 v14  }
0x378: {  	v18 =	vmul.f32 $1.442695020e+00, v18;
	v14 =	vld [tilespmem:s18+$0x2730];
	(erf) = vpow2.f32 v8  }
0x379: {  	v6 =	vmul.f32 v6, v12;
	v8 =	vld [tilespmem:s18+$0x730];
	(erf) = vpow2.f32 v19;
	v16 =	vpop (erf)  }
0x37a: {  	v5 =	vmul.f32 v5, v9;
	v12 =	vld [tilespmem:s18+$0x720];
	v16 =	vadd.f32 $1.000000000e+00, v16;
	(erf) = vpow2.f32 v18  }
0x37b: {  	v13 =	vmul.f32 v13, v0;
	v0 =	vmov v2;
	v7 =	vmul.f32 v7, v15;
	v9 =	vld [tilespmem:s18+$0x2710]  }
0x37c: {  	v5 =	vmul.f32 v5, v15;
	v11 =	vmul.f32 v11, v15;
	v2 =	vld [tilespmem:s18+$0x710];
	v18 =	vpop (erf)  }
0x37d: {  	v13 =	vmul.f32 v13, v15;
	v6 =	vmul.f32 v6, v15;
	v19 =	vld [tilespmem:s18+$0x770];
	v22 =	vadd.f32 $1.000000000e+00, v18;
	v20 =	vpop (erf)  }
0x37e: {  	v21 =	vld [tilespmem:s18+$0x2770];
	(erf) = vrcp.f32 v16;
	v16 =	vpop (erf);
	v4 =	vmul.f32 v20, v4;
	[tilespmem:s0+$0x6730] =	vst v5  }
0x37f: {  	v10 =	vmul.f32 v10, v15;
	v5 =	vld [tilespmem:s18+$0x2760];
	v23 =	vadd.f32 $1.000000000e+00, v16;
	(erf) = vrcp.f32 v22;
	v18 =	vpop (erf);
	[tilespmem:s0+$0x6740] =	vst v11  }
0x380: {  	v3 =	vmul.f32 v3, v15;
	v11 =	vld [tilespmem:s18+$0x2740];
	v18 =	vadd.f32 $1.000000000e+00, v18;
	v20 =	vpop (erf);
	v4 =	vmul.f32 v4, v15;
	[tilespmem:s0+$0x6750] =	vst v7  }
0x381: {  	v2 =	vadd.f32 v9, v2;
	v7 =	vld [tilespmem:s18+$0x750];
	v9 =	vadd.f32 $1.000000000e+00, v20;
	v15 =	vpop (erf);
	(erf) = vrcp.f32 v23;
	[tilespmem:s0+$0x6700] =	vst v13  }
0x382: {  	v13 =	vld [tilespmem:s18+$0x2750];
	v15 =	vadd.f32 $1.000000000e+00, v15;
	v16 =	vpop (erf);
	(erf) = vrcp.f32 v18;
	[tilespmem:s0+$0x6760] =	vst v10  }
0x383: {  	v8 =	vadd.f32 v14, v8;
	v10 =	vld [tilespmem:s18+$0x760];
	v14 =	vadd.f32 $1.000000000e+00, v16;
	v16 =	vpop (erf);
	(erf) = vrcp.f32 v9;
	[tilespmem:s0+$0x6720] =	vst v4  }
0x384: {  	v2 =	vsub.f32 $0.0e+00, v2;
	v9 =	vadd.f32 v21, v19;
	v4 =	vld [tilespmem:s18+$0x700];
	(erf) = vrcp.f32 v15;
	[tilespmem:s0+$0x6710] =	vst v3  }
0x385: {  	v3 =	vsub.f32 $0.0e+00, v8;
	v15 =	vld [tilespmem:s18+$0x2700];
	v8 =	vadd.f32 v11, v17;
	(erf) = vrcp.f32 v14;
	[tilespmem:s0+$0x6770] =	vst v6;
	s0 =	smov.u32 s11;
	s11 =	smov.u32 s18  }
0x386: {  	v6 =	vmul.f32 $1.442695020e+00, v2;
	v9 =	vsub.f32 $0.0e+00, v9;
	v11 =	vld [tilespmem:s11+$0x2720]  }
0x387: {  	v17 =	vmul.f32 $1.442695020e+00, v3;
	v2 =	vld [tilespmem:s11+$0x4700];
	v3 =	vadd.f32 v13, v7;
	v13 =	vadd.f32 $1.000000000e+00, v16;
	v7 =	vpop (erf)  }
0x388: {  	v8 =	vsub.f32 $0.0e+00, v8;
	v19 =	vmul.f32 $1.442695020e+00, v9;
	v10 =	vadd.f32 v5, v10;
	v20 =	vld [tilespmem:s0+$0x4750];
	v5 =	vpop (erf)  }
0x389: {  	v9 =	vsub.f32 $0.0e+00, v3;
	(erf) = vpow2.f32 v6;
	v3 =	vmul.f32 v7, v1;
	v21 =	vld [tilespmem:s0+$0x4740]  }
.Ltmp5:
0x38a: {  	v1 =	vadd.f32 v15, v4;
	v7 =	vsub.f32 $0.0e+00, v10;
	v10 =	vld [tilespmem:s0+$0x4760];
	v6 =	vpop (erf);
	(pc) =	sbr.rel @p0 .LBB2_12-.Ltmp5, $4  }
0x38b: {  	v8 =	vmul.f32 $1.442695020e+00, v8;
	v22 =	vadd.f32 v11, v12;
	v15 =	vmul.f32 $1.442695020e+00, v9;
	v4 =	vld [tilespmem:s0+$0x4720];
	v12 =	vpop (erf)  }
0x38c: {  	v16 =	vsub.f32 $0.0e+00, v1;
	v14 =	vmul.f32 $1.442695020e+00, v7;
	(erf) = vpow2.f32 v17;
	v9 =	vld [tilespmem:s0+$0x4730];
	v17 =	vpop (erf)  }
0x38d: {  	v18 =	vsub.f32 $0.0e+00, v22;
	v7 =	vmul.f32 v12, v20;
	v12 =	vld [tilespmem:s0+$0x4770];
	(erf) = vrcp.f32 v13;
	v11 =	vpop (erf)  }
0x38e: {  	s20 =	smov.u32 s16;
	v1 =	vld [tilespmem:s11+$0x4710];
	(erf) = vpow2.f32 v19;
	v11 =	vmul.f32 v11, v21;
	v13 =	vpop (erf)  }
0x38f: {  	(erf) = vpow2.f32 v15;
	v15 =	vmul.f32 $1.442695020e+00, v16  }
0x390: {  	(erf) = vpow2.f32 v14  }
0x391: {  	(erf) = vpow2.f32 v8;
	v8 =	vmul.f32 $1.442695020e+00, v18  }
0x392: {  	v14 =	vld [tilespmem:s15+$0x0]  }
0x393: {  	(erf) = vpow2.f32 v15;
	v15 =	vpop (erf)  }
0x394: {  	v5 =	vmul.f32 v5, v9;
	v9 =	vadd.f32 $1.000000000e+00, v15  }
0x395: {  	v10 =	vmul.f32 v17, v10;
	(erf) = vpow2.f32 v8;
	v8 =	vpop (erf)  }
0x396: {  	v0 =	vmul.f32 v13, v0;
	v6 =	vmul.f32 v6, v12;
	v12 =	vpop (erf)  }
0x397: {  	v5 =	vmul.f32 v5, v14;
	v7 =	vmul.f32 v7, v14;
	v8 =	vadd.f32 $1.000000000e+00, v8;
	v13 =	vpop (erf)  }
0x398: {  	v0 =	vmul.f32 v0, v14;
	(erf) = vrcp.f32 v9;
	v9 =	vpop (erf)  }
0x399: {  	[tilespmem:s0+$0x6730] =	vst v5;
	v5 =	vadd.f32 $1.000000000e+00, v13;
	(erf) = vrcp.f32 v8;
	v8 =	vadd.f32 $1.000000000e+00, v9;
	v9 =	vpop (erf)  }
0x39a: {  	v11 =	vmul.f32 v11, v14;
	[tilespmem:s0+$0x6750] =	vst v7;
	v7 =	vadd.f32 $1.000000000e+00, v9;
	v9 =	vpop (erf)  }
0x39b: {  	v10 =	vmul.f32 v10, v14;
	v3 =	vmul.f32 v3, v14;
	[tilespmem:s0+$0x6700] =	vst v0;
	v0 =	vadd.f32 $1.000000000e+00, v9  }
0x39c: {  	v4 =	vmul.f32 v12, v4;
	[tilespmem:s0+$0x6740] =	vst v11;
	(erf) = vrcp.f32 v5  }
0x39d: {  	v6 =	vmul.f32 v6, v14;
	[tilespmem:s0+$0x6760] =	vst v10;
	(erf) = vrcp.f32 v8;
	v5 =	vpop (erf)  }
0x39e: {  	[tilespmem:s0+$0x6710] =	vst v3;
	v4 =	vmul.f32 v4, v14;
	(erf) = vrcp.f32 v7;
	v5 =	vadd.f32 $1.000000000e+00, v5  }
0x39f: {  	[tilespmem:s0+$0x6770] =	vst v6;
	(erf) = vrcp.f32 v0;
	v0 =	vpop (erf)  }
0x3a0: {  	[tilespmem:s0+$0x6720] =	vst v4;
	(erf) = vrcp.f32 v5;
	v0 =	vadd.f32 $1.000000000e+00, v0  }
0x3a1: {  	v3 =	vld [tilespmem:s11+$0x4750]  }
0x3a2: {  	v5 =	vld [tilespmem:s11+$0x4730];
	(erf) = vrcp.f32 v0  }
0x3a3: {  	s22 =	sadd.s32 $0x10, s15;
	v6 =	vld [tilespmem:s11+$0x4740];
	v4 =	vpop (erf)  }
0x3a4: {  	v8 =	vld [tilespmem:s22+$0x0];
	v0 =	vpop (erf)  }
0x3a5: {  	v7 =	vpop (erf)  }
0x3a6: {  	v10 =	vld [tilespmem:s11+$0x4760];
	v9 =	vpop (erf)  }
0x3a7: {  	v12 =	vld [tilespmem:s11+$0x4720];
	v0 =	vmul.f32 v0, v5;
	v11 =	vpop (erf)  }
0x3a8: {  	v3 =	vmul.f32 v9, v3;
	v13 =	vpop (erf)  }
0x3a9: {  	v0 =	vmul.f32 v0, v8;
	v5 =	vmul.f32 v13, v6;
	v6 =	vld [tilespmem:s11+$0x4770];
	v9 =	vpop (erf)  }
0x3aa: {  	v3 =	vmul.f32 v3, v8;
	v2 =	vmul.f32 v9, v2  }
0x3ab: {  	[tilespmem:s11+$0x6730] =	vst v0;
	v9 =	vmul.f32 v11, v10;
	v5 =	vmul.f32 v5, v8;
	v10 =	vpop (erf)  }
0x3ac: {  	[tilespmem:s11+$0x6750] =	vst v3;
	v0 =	vmul.f32 v2, v8;
	v2 =	vmul.f32 v10, v12  }
0x3ad: {  	v1 =	vmul.f32 v4, v1;
	v4 =	vmul.f32 v9, v8;
	[tilespmem:s11+$0x6740] =	vst v5  }
0x3ae: {  	v3 =	vmul.f32 v7, v6;
	v2 =	vmul.f32 v2, v8;
	[tilespmem:s11+$0x6700] =	vst v0  }
0x3af: {  	v0 =	vmul.f32 v1, v8;
	[tilespmem:s11+$0x6760] =	vst v4  }
0x3b0: {  	v1 =	vmul.f32 v3, v8;
	[tilespmem:s11+$0x6720] =	vst v2  }
0x3b1: {  	[tilespmem:s11+$0x6710] =	vst v0  }
0x3b2: {  	s23 =	simm.s32 $0x200;
	[tilespmem:s11+$0x6770] =	vst v1  }
0x3b3: {  	[spmem:s3] =	stream.indirect.scatter.add.f32 [tilespmem:s26], [sflag:$0x5], $0x80, s23, s14, $0xb8;
	[tilespmem:$0x1C500] =	vst v63  }
0x3b4: {  	_ =	swait.ge [sflag:s28], $0x1000  }
0x3b5: {  	[sflag:s28] =	ssyncset.done $0x0  }
0x3b6: {  	[sflag:s28] =	ssyncadd.s32 $0xFFFFF000  }
0x3b7: {  	_ =	swait.ge [sflag:s28], $0x1000  }
0x3b8: {  	[sflag:s28] =	ssyncset.done $0x0  }
0x3b9: {  	[sflag:s28] =	ssyncadd.s32 $0xFFFFF000  }
0x3ba: {  	_ =	swait.ge [sflag:s28], $0x1000  }
0x3bb: {  	[sflag:s28] =	ssyncset.done $0x0  }
0x3bc: {  	[sflag:s28] =	ssyncadd.s32 $0xFFFFF000  }
0x3bd: {  	_ =	swait.ge [sflag:s4], $0x1000  }
0x3be: {  	[sflag:s4] =	ssyncset.done $0x0  }
0x3bf: {  	[sflag:s4] =	ssyncadd.s32 $0xFFFFF000  }
0x3c0: {  	v0 =	vld [tilespmem:$0x180]  }
0x3c1: {  	v1 =	vld [tilespmem:$0x190]  }
0x3c2: {  	v2 =	vld [tilespmem:$0x500]  }
0x3c3: {  	v3 =	vld [tilespmem:$0x510]  }
0x3c4: {  	v4 =	vld [tilespmem:$0x520]  }
0x3c5: {  	[tilespmem:$0x280] =	vst v0;
	v0 =	vld [tilespmem:$0x530]  }
0x3c6: {  	[tilespmem:$0x290] =	vst v1;
	v1 =	vld [tilespmem:$0x540]  }
0x3c7: {  	[tilespmem:$0x8700] =	vst v2;
	v2 =	vld [tilespmem:$0x550]  }
0x3c8: {  	[tilespmem:$0x8710] =	vst v3;
	v3 =	vld [tilespmem:$0x560]  }
0x3c9: {  	[tilespmem:$0x8720] =	vst v4;
	v4 =	vld [tilespmem:$0x570]  }
0x3ca: {  	[tilespmem:$0x8730] =	vst v0;
	v0 =	vld [tilespmem:$0x580]  }
0x3cb: {  	[tilespmem:$0x8740] =	vst v1;
	v1 =	vld [tilespmem:$0x590]  }
0x3cc: {  	[tilespmem:$0x8750] =	vst v2;
	v2 =	vld [tilespmem:$0x5A0]  }
0x3cd: {  	[tilespmem:$0x8760] =	vst v3;
	v3 =	vld [tilespmem:$0x5B0]  }
0x3ce: {  	[tilespmem:$0x8770] =	vst v4;
	v4 =	vld [tilespmem:$0x5C0]  }
0x3cf: {  	[tilespmem:$0x8780] =	vst v0;
	v0 =	vld [tilespmem:$0x5D0]  }
0x3d0: {  	[tilespmem:$0x8790] =	vst v1;
	v1 =	vld [tilespmem:$0x5E0]  }
0x3d1: {  	[tilespmem:$0x87A0] =	vst v2;
	v2 =	vld [tilespmem:$0x5F0]  }
0x3d2: {  	[tilespmem:$0x87B0] =	vst v3;
	v3 =	vld [tilespmem:$0x600]  }
0x3d3: {  	[tilespmem:$0x87C0] =	vst v4;
	v4 =	vld [tilespmem:$0x610]  }
0x3d4: {  	[tilespmem:$0x87D0] =	vst v0;
	v0 =	vld [tilespmem:$0x620]  }
0x3d5: {  	[tilespmem:$0x87E0] =	vst v1;
	v1 =	vld [tilespmem:$0x630]  }
0x3d6: {  	[tilespmem:$0x87F0] =	vst v2;
	v2 =	vld [tilespmem:$0x640]  }
0x3d7: {  	[tilespmem:$0x8800] =	vst v3;
	v3 =	vld [tilespmem:$0x650]  }
0x3d8: {  	[tilespmem:$0x8810] =	vst v4;
	v4 =	vld [tilespmem:$0x660]  }
0x3d9: {  	[tilespmem:$0x8820] =	vst v0;
	v0 =	vld [tilespmem:$0x670]  }
0x3da: {  	[tilespmem:$0x8830] =	vst v1;
	v1 =	vld [tilespmem:$0x680]  }
0x3db: {  	[tilespmem:$0x8840] =	vst v2;
	v2 =	vld [tilespmem:$0x690]  }
0x3dc: {  	[tilespmem:$0x8850] =	vst v3;
	v3 =	vld [tilespmem:$0x6A0]  }
0x3dd: {  	[tilespmem:$0x8860] =	vst v4;
	v4 =	vld [tilespmem:$0x6B0]  }
0x3de: {  	[tilespmem:$0x8870] =	vst v0;
	v0 =	vld [tilespmem:$0x6C0]  }
0x3df: {  	[tilespmem:$0x8880] =	vst v1;
	v1 =	vld [tilespmem:$0x6D0]  }
0x3e0: {  	[tilespmem:$0x8890] =	vst v2;
	v2 =	vld [tilespmem:$0x6E0]  }
0x3e1: {  	[tilespmem:$0x88A0] =	vst v3;
	v3 =	vld [tilespmem:$0x6F0]  }
0x3e2: {  	[tilespmem:$0x88B0] =	vst v4  }
0x3e3: {  	[tilespmem:$0x88C0] =	vst v0  }
0x3e4: {  	[tilespmem:$0x88D0] =	vst v1  }
0x3e5: {  	[tilespmem:$0x88E0] =	vst v2  }
0x3e6: {  	s0 =	simm.s32 $0x0;
	[tilespmem:$0x88F0] =	vst v3  }
0x3e7: {  	v0 =	vld [tilespmem:s0+$0x1740]  }
0x3e8: {  	v1 =	vld [tilespmem:s0+$0x3730]  }
0x3e9: {  	v2 =	vld [tilespmem:s0+$0x1730]  }
0x3ea: {  	v3 =	vld [tilespmem:s0+$0x3710]  }
0x3eb: {  	v4 =	vld [tilespmem:s0+$0x1710]  }
0x3ec: {  	v5 =	vld [tilespmem:s0+$0x1770]  }
0x3ed: {  	v6 =	vld [tilespmem:s0+$0x3770]  }
0x3ee: {  	v7 =	vld [tilespmem:s0+$0x3760]  }
0x3ef: {  	v9 =	vld [tilespmem:s0+$0x1750]  }
0x3f0: {  	v10 =	vld [tilespmem:s0+$0x3750]  }
0x3f1: {  	v8 =	vld [tilespmem:s0+$0x3740]  }
0x3f2: {  	v11 =	vld [tilespmem:s0+$0x1760]  }
0x3f3: {  	v3 =	vadd.f32 v3, v4;
	v1 =	vadd.f32 v1, v2;
	v2 =	vld [tilespmem:s0+$0x1700]  }
0x3f4: {  	v4 =	vadd.f32 v6, v5;
	v5 =	vld [tilespmem:s0+$0x3700]  }
0x3f5: {  	v6 =	vadd.f32 v10, v9;
	v3 =	vsub.f32 $0.0e+00, v3  }
0x3f6: {  	v1 =	vsub.f32 $0.0e+00, v1;
	v4 =	vsub.f32 $0.0e+00, v4  }
0x3f7: {  	v0 =	vadd.f32 v8, v0;
	v7 =	vadd.f32 v7, v11;
	v3 =	vmul.f32 $1.442695020e+00, v3  }
0x3f8: {  	v8 =	vld [tilespmem:s0+$0x1720];
	v6 =	vsub.f32 $0.0e+00, v6;
	v1 =	vmul.f32 $1.442695020e+00, v1;
	v4 =	vmul.f32 $1.442695020e+00, v4  }
0x3f9: {  	v9 =	vld [tilespmem:s0+$0x3720];
	v2 =	vadd.f32 v5, v2;
	(erf) = vpow2.f32 v3;
	v3 =	vsub.f32 $0.0e+00, v7  }
0x3fa: {  	s11 =	simm.s32 $0x80;
	v6 =	vmul.f32 $1.442695020e+00, v6;
	v5 =	vsub.f32 $0.0e+00, v0;
	(erf) = vpow2.f32 v1  }
0x3fb: {  	v15 =	vld [tilespmem:s11+$0x1750];
	v1 =	vsub.f32 $0.0e+00, v2;
	v2 =	vmul.f32 $1.442695020e+00, v3;
	(erf) = vpow2.f32 v4  }
0x3fc: {  	v19 =	vld [tilespmem:s0+$0x5750];
	v3 =	vmul.f32 $1.442695020e+00, v5;
	(erf) = vpow2.f32 v6  }
0x3fd: {  	v11 =	vld [tilespmem:s11+$0x1770];
	v1 =	vmul.f32 $1.442695020e+00, v1;
	(erf) = vpow2.f32 v2  }
0x3fe: {  	v7 =	vld [tilespmem:s11+$0x1720];
	v2 =	vadd.f32 v9, v8;
	(erf) = vpow2.f32 v3  }
0x3ff: {  	v9 =	vld [tilespmem:s11+$0x1710];
	(erf) = vpow2.f32 v1  }
0x400: {  	v1 =	vsub.f32 $0.0e+00, v2;
	v2 =	vld [tilespmem:s11+$0x3710]  }
0x401: {  	v6 =	vld [tilespmem:s11+$0x3730]  }
0x402: {  	v3 =	vld [tilespmem:s11+$0x1730];
	v1 =	vmul.f32 $1.442695020e+00, v1;
	v8 =	vpop (erf)  }
0x403: {  	v5 =	vld [tilespmem:s11+$0x1740];
	v8 =	vadd.f32 $1.000000000e+00, v8;
	v10 =	vpop (erf)  }
0x404: {  	(erf) = vpow2.f32 v1;
	v1 =	vadd.f32 $1.000000000e+00, v10;
	v10 =	vld [tilespmem:s11+$0x3770];
	v12 =	vpop (erf)  }
0x405: {  	v2 =	vadd.f32 v2, v9;
	v9 =	vld [tilespmem:s11+$0x1760];
	(erf) = vrcp.f32 v8;
	v12 =	vadd.f32 $1.000000000e+00, v12;
	v13 =	vpop (erf)  }
0x406: {  	(erf) = vrcp.f32 v1;
	v1 =	vld [tilespmem:s11+$0x3740];
	v13 =	vadd.f32 $1.000000000e+00, v13;
	v14 =	vpop (erf)  }
0x407: {  	v3 =	vadd.f32 v6, v3;
	v8 =	vld [tilespmem:s11+$0x3760];
	v14 =	vadd.f32 $1.000000000e+00, v14;
	v16 =	vpop (erf);
	(erf) = vrcp.f32 v12  }
0x408: {  	v12 =	vld [tilespmem:s11+$0x3750];
	v16 =	vadd.f32 $1.000000000e+00, v16;
	v17 =	vpop (erf);
	(erf) = vrcp.f32 v13  }
0x409: {  	v3 =	vsub.f32 $0.0e+00, v3;
	v13 =	vadd.f32 $1.000000000e+00, v17;
	(erf) = vrcp.f32 v14;
	v14 =	vld [tilespmem:s11+$0x1700]  }
0x40a: {  	v2 =	vsub.f32 $0.0e+00, v2;
	v6 =	vadd.f32 v10, v11;
	v11 =	vld [tilespmem:s11+$0x3700];
	(erf) = vrcp.f32 v16  }
0x40b: {  	(erf) = vrcp.f32 v13;
	v1 =	vadd.f32 v1, v5;
	v13 =	vld [tilespmem:s11+$0x3720]  }
0x40c: {  	v4 =	vld [tilespmem:s0+$0x5710];
	v10 =	vmul.f32 $1.442695020e+00, v2;
	v6 =	vsub.f32 $0.0e+00, v6  }
0x40d: {  	v21 =	vld [tilespmem:s0+$0x5740];
	v16 =	vmul.f32 $1.442695020e+00, v3;
	v5 =	vpop (erf);
	v1 =	vsub.f32 $0.0e+00, v1  }
0x40e: {  	v0 =	vld [tilespmem:s0+$0x5700];
	v8 =	vadd.f32 v8, v9;
	v12 =	vadd.f32 v12, v15;
	(erf) = vpow2.f32 v10;
	v3 =	vpop (erf)  }
0x40f: {  	v2 =	vld [tilespmem:s11+$0x5700];
	v18 =	vadd.f32 $1.000000000e+00, v5;
	v20 =	vmul.f32 $1.442695020e+00, v6;
	v11 =	vadd.f32 v11, v14;
	v5 =	vpop (erf)  }
0x410: {  	v10 =	vld [tilespmem:s0+$0x5760];
	v9 =	vsub.f32 $0.0e+00, v12;
	(erf) = vpow2.f32 v16;
	v6 =	vpop (erf);
	v13 =	vadd.f32 v13, v7  }
0x411: {  	v12 =	vsub.f32 $0.0e+00, v8;
	v3 =	vmul.f32 v3, v4;
	v8 =	vmul.f32 $1.442695020e+00, v1;
	v4 =	vld [tilespmem:s0+$0x5720];
	v1 =	vpop (erf)  }
0x412: {  	(erf) = vrcp.f32 v18;
	v15 =	vmul.f32 $1.442695020e+00, v9;
	v9 =	vld [tilespmem:s0+$0x5730];
	v17 =	vpop (erf)  }
0x413: {  	v14 =	vmul.f32 $1.442695020e+00, v12;
	v16 =	vsub.f32 $0.0e+00, v11;
	v12 =	vld [tilespmem:s0+$0x5770];
	(erf) = vpow2.f32 v20;
	v11 =	vpop (erf)  }
0x414: {  	s20 =	simm.s32 $0x400;
	s15 =	simm.s32 $0x8700;
	v7 =	vmul.f32 v1, v19;
	v18 =	vsub.f32 $0.0e+00, v13;
	v1 =	vld [tilespmem:s11+$0x5710];
	v11 =	vmul.f32 v11, v21;
	v13 =	vpop (erf)  }
.LBB2_14:
0x415: {  	s16 =	smov.u32 s20  }
0x416: {  	s18 =	sshra.s32 s20, $0x2;
	(erf) = vpow2.f32 v15;
	v15 =	vld [tilespmem:s15+$0x0];
	v10 =	vmul.f32 v17, v10;
	s15 =	sadd.s32 $0x10, s15;
	s16 =	sadd.s32 $0x200, s20  }
0x417: {  	p0 =	sne.s32 s20, $0x3E00;
	v19 =	vmul.f32 $1.442695020e+00, v16;
	v17 =	vld [tilespmem:s18+$0x1740];
	(erf) = vpow2.f32 v14  }
0x418: {  	v18 =	vmul.f32 $1.442695020e+00, v18;
	v14 =	vld [tilespmem:s18+$0x3730];
	(erf) = vpow2.f32 v8  }
0x419: {  	v6 =	vmul.f32 v6, v12;
	v8 =	vld [tilespmem:s18+$0x1730];
	(erf) = vpow2.f32 v19;
	v16 =	vpop (erf)  }
0x41a: {  	v5 =	vmul.f32 v5, v9;
	v12 =	vld [tilespmem:s18+$0x1720];
	v16 =	vadd.f32 $1.000000000e+00, v16;
	(erf) = vpow2.f32 v18  }
0x41b: {  	v13 =	vmul.f32 v13, v0;
	v0 =	vmov v2;
	v7 =	vmul.f32 v7, v15;
	v9 =	vld [tilespmem:s18+$0x3710]  }
0x41c: {  	v5 =	vmul.f32 v5, v15;
	v11 =	vmul.f32 v11, v15;
	v2 =	vld [tilespmem:s18+$0x1710];
	v18 =	vpop (erf)  }
0x41d: {  	v13 =	vmul.f32 v13, v15;
	v6 =	vmul.f32 v6, v15;
	v19 =	vld [tilespmem:s18+$0x1770];
	v22 =	vadd.f32 $1.000000000e+00, v18;
	v20 =	vpop (erf)  }
0x41e: {  	v21 =	vld [tilespmem:s18+$0x3770];
	(erf) = vrcp.f32 v16;
	v16 =	vpop (erf);
	v4 =	vmul.f32 v20, v4;
	[tilespmem:s0+$0x7730] =	vst v5  }
0x41f: {  	v10 =	vmul.f32 v10, v15;
	v5 =	vld [tilespmem:s18+$0x3760];
	v23 =	vadd.f32 $1.000000000e+00, v16;
	(erf) = vrcp.f32 v22;
	v18 =	vpop (erf);
	[tilespmem:s0+$0x7740] =	vst v11  }
0x420: {  	v3 =	vmul.f32 v3, v15;
	v11 =	vld [tilespmem:s18+$0x3740];
	v18 =	vadd.f32 $1.000000000e+00, v18;
	v20 =	vpop (erf);
	v4 =	vmul.f32 v4, v15;
	[tilespmem:s0+$0x7750] =	vst v7  }
0x421: {  	v2 =	vadd.f32 v9, v2;
	v7 =	vld [tilespmem:s18+$0x1750];
	v9 =	vadd.f32 $1.000000000e+00, v20;
	v15 =	vpop (erf);
	(erf) = vrcp.f32 v23;
	[tilespmem:s0+$0x7700] =	vst v13  }
0x422: {  	v13 =	vld [tilespmem:s18+$0x3750];
	v15 =	vadd.f32 $1.000000000e+00, v15;
	v16 =	vpop (erf);
	(erf) = vrcp.f32 v18;
	[tilespmem:s0+$0x7760] =	vst v10  }
0x423: {  	v8 =	vadd.f32 v14, v8;
	v10 =	vld [tilespmem:s18+$0x1760];
	v14 =	vadd.f32 $1.000000000e+00, v16;
	v16 =	vpop (erf);
	(erf) = vrcp.f32 v9;
	[tilespmem:s0+$0x7720] =	vst v4  }
0x424: {  	v2 =	vsub.f32 $0.0e+00, v2;
	v9 =	vadd.f32 v21, v19;
	v4 =	vld [tilespmem:s18+$0x1700];
	(erf) = vrcp.f32 v15;
	[tilespmem:s0+$0x7710] =	vst v3  }
0x425: {  	v3 =	vsub.f32 $0.0e+00, v8;
	v15 =	vld [tilespmem:s18+$0x3700];
	v8 =	vadd.f32 v11, v17;
	(erf) = vrcp.f32 v14;
	[tilespmem:s0+$0x7770] =	vst v6;
	s0 =	smov.u32 s11;
	s11 =	smov.u32 s18  }
0x426: {  	v6 =	vmul.f32 $1.442695020e+00, v2;
	v9 =	vsub.f32 $0.0e+00, v9;
	v11 =	vld [tilespmem:s11+$0x3720]  }
0x427: {  	v17 =	vmul.f32 $1.442695020e+00, v3;
	v2 =	vld [tilespmem:s11+$0x5700];
	v3 =	vadd.f32 v13, v7;
	v13 =	vadd.f32 $1.000000000e+00, v16;
	v7 =	vpop (erf)  }
0x428: {  	v8 =	vsub.f32 $0.0e+00, v8;
	v19 =	vmul.f32 $1.442695020e+00, v9;
	v10 =	vadd.f32 v5, v10;
	v20 =	vld [tilespmem:s0+$0x5750];
	v5 =	vpop (erf)  }
0x429: {  	v9 =	vsub.f32 $0.0e+00, v3;
	(erf) = vpow2.f32 v6;
	v3 =	vmul.f32 v7, v1;
	v21 =	vld [tilespmem:s0+$0x5740]  }
.Ltmp6:
0x42a: {  	v1 =	vadd.f32 v15, v4;
	v7 =	vsub.f32 $0.0e+00, v10;
	v10 =	vld [tilespmem:s0+$0x5760];
	v6 =	vpop (erf);
	(pc) =	sbr.rel @p0 .LBB2_14-.Ltmp6, $4  }
0x42b: {  	v8 =	vmul.f32 $1.442695020e+00, v8;
	v22 =	vadd.f32 v11, v12;
	v15 =	vmul.f32 $1.442695020e+00, v9;
	v4 =	vld [tilespmem:s0+$0x5720];
	v12 =	vpop (erf)  }
0x42c: {  	v16 =	vsub.f32 $0.0e+00, v1;
	v14 =	vmul.f32 $1.442695020e+00, v7;
	(erf) = vpow2.f32 v17;
	v9 =	vld [tilespmem:s0+$0x5730];
	v17 =	vpop (erf)  }
0x42d: {  	v18 =	vsub.f32 $0.0e+00, v22;
	v7 =	vmul.f32 v12, v20;
	v12 =	vld [tilespmem:s0+$0x5770];
	(erf) = vrcp.f32 v13;
	v11 =	vpop (erf)  }
0x42e: {  	s20 =	smov.u32 s16;
	v1 =	vld [tilespmem:s11+$0x5710];
	(erf) = vpow2.f32 v19;
	v11 =	vmul.f32 v11, v21;
	v13 =	vpop (erf)  }
0x42f: {  	v27 =	vld [tilespmem:s15+$0x0]  }
0x430: {  	(erf) = vpow2.f32 v15;
	v28 =	vmul.f32 $1.442695020e+00, v16  }
0x431: {  	v29 =	vmul.f32 $1.442695020e+00, v18;
	(erf) = vpow2.f32 v14  }
0x432: {  	(erf) = vpow2.f32 v8;
	v5 =	vmul.f32 v5, v9  }
0x433: {  	(erf) = vpow2.f32 v28  }
0x434: {  	v30 =	vpop (erf);
	(erf) = vpow2.f32 v29;
	v5 =	vmul.f32 v5, v27  }
0x435: {  	v0 =	vmul.f32 v13, v0;
	v32 =	vadd.f32 $1.000000000e+00, v30;
	v11 =	vmul.f32 v11, v27  }
0x436: {  	v10 =	vmul.f32 v17, v10;
	v7 =	vmul.f32 v7, v27;
	v31 =	vpop (erf);
	[tilespmem:s0+$0x7730] =	vst v5  }
0x437: {  	v0 =	vmul.f32 v0, v27;
	(erf) = vrcp.f32 v32;
	v33 =	vpop (erf);
	[tilespmem:s0+$0x7740] =	vst v11  }
0x438: {  	v6 =	vmul.f32 v6, v12;
	v10 =	vmul.f32 v10, v27;
	v8 =	vadd.f32 $1.000000000e+00, v31;
	[tilespmem:s0+$0x7750] =	vst v7;
	v34 =	vpop (erf)  }
0x439: {  	v3 =	vmul.f32 v3, v27;
	[tilespmem:s0+$0x7700] =	vst v0;
	v4 =	vmul.f32 v33, v4;
	v35 =	vadd.f32 $1.000000000e+00, v34;
	v36 =	vpop (erf)  }
0x43a: {  	v6 =	vmul.f32 v6, v27;
	[tilespmem:s0+$0x7760] =	vst v10;
	(erf) = vrcp.f32 v8;
	v37 =	vadd.f32 $1.000000000e+00, v36;
	v38 =	vpop (erf)  }
0x43b: {  	[tilespmem:s0+$0x7710] =	vst v3;
	v4 =	vmul.f32 v4, v27;
	v39 =	vadd.f32 $1.000000000e+00, v38;
	v40 =	vpop (erf);
	(erf) = vrcp.f32 v35  }
0x43c: {  	[tilespmem:s0+$0x7770] =	vst v6;
	v41 =	vadd.f32 $1.000000000e+00, v40;
	(erf) = vrcp.f32 v37;
	v42 =	vpop (erf)  }
0x43d: {  	[tilespmem:s0+$0x7720] =	vst v4;
	(erf) = vrcp.f32 v39;
	v5 =	vadd.f32 $1.000000000e+00, v42;
	v43 =	vpop (erf)  }
0x43e: {  	s18 =	sadd.s32 $0x10, s15;
	v45 =	vld [tilespmem:s11+$0x5730];
	(erf) = vrcp.f32 v41;
	v0 =	vadd.f32 $1.000000000e+00, v43  }
0x43f: {  	v48 =	vld [tilespmem:s18+$0x0];
	(erf) = vrcp.f32 v5  }
0x440: {  	v54 =	vld [tilespmem:s11+$0x5770];
	v44 =	vpop (erf);
	(erf) = vrcp.f32 v0  }
0x441: {  	v3 =	vld [tilespmem:s11+$0x5750]  }
0x442: {  	v10 =	vld [tilespmem:s11+$0x5760]  }
0x443: {  	v6 =	vld [tilespmem:s11+$0x5740];
	v1 =	vmul.f32 v44, v1;
	v46 =	vpop (erf)  }
0x444: {  	v0 =	vmul.f32 v46, v45;
	v47 =	vpop (erf)  }
0x445: {  	v51 =	vld [tilespmem:s11+$0x5720];
	v62 =	vmul.f32 v1, v48;
	v49 =	vpop (erf);
	v61 =	vmul.f32 v47, v54  }
0x446: {  	v0 =	vmul.f32 v0, v48;
	v50 =	vpop (erf);
	v3 =	vmul.f32 v49, v3  }
0x447: {  	[tilespmem:s11+$0x7710] =	vst v62;
	v52 =	vpop (erf);
	v56 =	vmul.f32 v50, v10;
	v63 =	vmul.f32 v61, v48  }
0x448: {  	[tilespmem:s11+$0x7730] =	vst v0;
	v53 =	vmul.f32 v52, v6;
	v55 =	vpop (erf);
	v3 =	vmul.f32 v3, v48  }
0x449: {  	v2 =	vmul.f32 v55, v2;
	v57 =	vpop (erf);
	v60 =	vmul.f32 v56, v48;
	[tilespmem:s11+$0x7770] =	vst v63  }
0x44a: {  	v5 =	vmul.f32 v53, v48;
	v59 =	vmul.f32 v57, v51;
	[tilespmem:s11+$0x7750] =	vst v3  }
0x44b: {  	v58 =	vmul.f32 v2, v48;
	[tilespmem:s11+$0x7760] =	vst v60  }
0x44c: {  	[tilespmem:s11+$0x7740] =	vst v5;
	v2 =	vmul.f32 v59, v48  }
0x44d: {  	[tilespmem:s11+$0x7700] =	vst v58  }
0x44e: {  	[tilespmem:s11+$0x7720] =	vst v2  }
0x44f: {  	[spmem:s3] =	stream.indirect.scatter.add.f32 [tilespmem:s12], [sflag:$0x6], $0x80, s29, s14, $0xb8;
	[tilespmem:$0x1C500] =	vst v63  }
0x450: {  	_ =	swait.ge [sflag:s30], $0x1000  }
0x451: {  	[sflag:s30] =	ssyncset.done $0x0  }
0x452: {  	[sflag:s30] =	ssyncadd.s32 $0xFFFFF000  }
0x453: {  	_ =	swait.ge [sflag:s4], $0x1000  }
0x454: {  	[sflag:s4] =	ssyncset.done $0x0  }
0x455: {  	[sflag:s4] =	ssyncadd.s32 $0xFFFFF000  }
0x456: {  	[bflag:$0x0] =	sbarrier.arrive $0xFFFF  }
0x457: {  	s15 =	rddreg [dreg:$0x6]  }
0x458: {  	s20 =	rddreg [dreg:$0x13]  }
0x459: {  	s11 =	simm.s32 $0x7;
	s22 =	rddreg [dreg:$0x16]  }
0x45a: {  	[hbm:s20], [sflag:s15] =	dma.local [spmem:s22], $0x2780  }
0x45b: {  	_ =	swait.ge [sflag:s11], $0x2780  }
0x45c: {  	s16 =	rddreg [dreg:$0x15]  }
0x45d: {  	s23 =	rddreg [dreg:$0x14];
	s16 =	sadd.s32 $0x1, s16  }
0x45e: {  	p0 =	sne.s32 s16, s23  }
.Ltmp7:
0x45f: {  	_ = 	snop;
	(pc) =	sbr.rel @p0 .LBB2_1-.Ltmp7, $3  }
0x460: {  	_ =	sdelay $0x1  }
0x461: {  	[sflag:s11] =	ssyncset.done $0x0  }
0x462: {  	[sflag:s11] =	ssyncadd.s32 $0xFFFFD880  }
0x463: {  	_ =	sfence.sel $0x180000  }
0x464: {  	[bflag:$0x0] =	sbarrier.arrive $0xFFFF  }
0x465: {  	_ =	strace $0x90000047  }
0x466: {  	s0 =	stileid.u32;
	[bflag:$0x2] =	sbarrier.arrive $0xFFFF  }
0x467: {  	p0 =	sne.s32 s0, $0x0;
	s0 =	rddreg [dreg:$0x3]  }
0x468: {  	s0 =	sadd.s32 @!p0 $0x100000, s0  }
0x469: {  	[sflag:s0] =	ssyncadd.tile.s32 @!p0 $0x1;
	_ =	shalt  }
.Lfunc_end2:
_tile_overlayer_lowered:
.L_overlay_start_2:
0x46a: {  	(tag) =	ssettag $0x2  }
0x46b: {  	s0 =	rddreg [dreg:$0x0];
	s2 =	stileid.u32  }
0x46c: {  	s1 =	rddreg [dreg:$0x1];
	p0 =	sne.s32 s2, $0x0  }
0x46d: {  	s3 =	rddreg [dreg:$0x2];
	[bflag:$0x3] =	sbarrier.arrive $0xFFFF;
	s2 =	simm.s32 @!p0 $0x1C07  }
0x46e: {  	[timem:s3], [sflag:s2] =	dma.local @!p0 [hbm:s0], s1  }
0x46f: {  	s0 =	simm.s32 @!p0 $0x7  }
0x470: {  	_ =	swait.ge @!p0 [sflag:s0], s1  }
0x471: {  	s1 =	ssub.s32 @!p0 $0x0, s1;
	[sflag:s0] =	ssyncset.done @!p0 $0x0  }
0x472: {  	[sflag:s0] =	ssyncadd.s32 @!p0 s1  }
0x473: {  	[bflag:$0x3] =	sbarrier.arrive $0xFFFF  }
0x474: {  	_ =	shalt  }

</sc_bundles>
